<compile_context>
chip_gen: v7x
topology: tpu7x:2x2x1
jax: 0.10.2.dev20260603
libtpu: 0.0.44.dev20260713+nightly
codegen_flags: <defaults>
</compile_context>

<pallas_src>
import functools

import jax
import jax.numpy as jnp
from jax import lax
from jax.experimental import pallas as pl
from jax.experimental.pallas import tpu as pltpu
from jax.experimental.pallas import tpu_sc as plsc

K = 16
GROUPS = 4
EPS = 1e-5
SC_CORES = 2
SC_SUBCORES = 16
SC_WORKERS = SC_CORES * SC_SUBCORES
TILESPMEM_BUDGET = 262144


def _proj_body(x_ref, w_ref, b_ref, o_ref):
    x = x_ref[0]
    o_ref[0] = jnp.dot(x, w_ref[...], preferred_element_type=jnp.float32) + b_ref[...]


def proj(x, W_in, b_in):
    B, N, _ = x.shape
    O = W_in.shape[0]
    return pl.pallas_call(
        _proj_body,
        grid=(B,),
        in_specs=[
            pl.BlockSpec((1, N, 3), lambda b: (b, 0, 0)),
            pl.BlockSpec((3, O), lambda b: (0, 0)),
            pl.BlockSpec((1, O), lambda b: (0, 0)),
        ],
        out_specs=pl.BlockSpec((1, N, O), lambda b: (b, 0, 0)),
        out_shape=jax.ShapeDtypeStruct((B, N, O), jnp.float32),
    )(x, W_in.T, b_in.reshape(1, O))


def _knn_distance(cq, ckt):
    qsq = jnp.sum(cq * cq, axis=1, keepdims=True)
    ksq = jnp.sum(ckt * ckt, axis=0, keepdims=True)
    return qsq - 2.0 * jnp.dot(cq, ckt, preferred_element_type=jnp.float32) + ksq


def _edge_body(cq_ref, ckt_ref, xq_ref, xkh_ref, xkm_ref, xkl_ref, wt_ref,
               ymax_ref, ymin_ref, st_ref, *, O):
    i = pl.program_id(1)
    cq = cq_ref[0]
    ckt = ckt_ref[0]
    xq = xq_ref[0]
    D = _knn_distance(cq, ckt)
    lane = lax.broadcasted_iota(jnp.int32, D.shape, 1)
    BIGI = jnp.int32(2 ** 30)
    INF = jnp.float32(jnp.inf)
    acc_max = jnp.full((cq.shape[0], O), -INF, jnp.float32)
    acc_min = jnp.full((cq.shape[0], O), INF, jnp.float32)
    s1 = jnp.zeros((1, O), jnp.float32)
    s2 = jnp.zeros((1, O), jnp.float32)
    wt = wt_ref[...]

    def step(_, carry):
        D, acc_max, acc_min, s1, s2 = carry
        m = jnp.min(D, axis=1, keepdims=True)
        j = jnp.min(jnp.where(D <= m, lane, BIGI), axis=1, keepdims=True)
        oh = lane == j
        ohb = oh.astype(jnp.bfloat16)
        dims = (((1,), (0,)), ((), ()))
        Fh = lax.dot_general(ohb, xkh_ref[0], dims, preferred_element_type=jnp.float32)
        Fm = lax.dot_general(ohb, xkm_ref[0], dims, preferred_element_type=jnp.float32)
        Fl = lax.dot_general(ohb, xkl_ref[0], dims, preferred_element_type=jnp.float32)
        F = (Fh + Fm) + Fl
        e = jnp.concatenate([F - xq, xq], axis=1)
        y = jnp.dot(e, wt, preferred_element_type=jnp.float32)
        acc_max = jnp.maximum(acc_max, y)
        acc_min = jnp.minimum(acc_min, y)
        s1 = s1 + jnp.sum(y, axis=0, keepdims=True)
        s2 = s2 + jnp.sum(y * y, axis=0, keepdims=True)
        D = jnp.where(oh, INF, D)
        return D, acc_max, acc_min, s1, s2

    D, acc_max, acc_min, s1, s2 = lax.fori_loop(
        0, K, step, (D, acc_max, acc_min, s1, s2))
    ymax_ref[0] = acc_max
    ymin_ref[0] = acc_min

    @pl.when(i == 0)
    def _():
        st_ref[...] = jnp.zeros_like(st_ref)

    st_ref[0, 0:1, :] += s1
    st_ref[0, 1:2, :] += s2


def edge_stage(cq, ckt, xq, xk, W, Tq=256):
    B, Nq, C = xq.shape
    Nk = xk.shape[1]
    O = W.shape[0]
    Tq = min(Tq, Nq)
    NB = Nq // Tq
    WT = W.T
    xkh = xk.astype(jnp.bfloat16)
    r = xk - xkh.astype(jnp.float32)
    xkm = r.astype(jnp.bfloat16)
    xkl = (r - xkm.astype(jnp.float32)).astype(jnp.bfloat16)
    grid = (B, NB)
    ymax, ymin, st = pl.pallas_call(
        functools.partial(_edge_body, O=O),
        grid=grid,
        in_specs=[
            pl.BlockSpec((1, Tq, 3), lambda b, i: (b, i, 0)),
            pl.BlockSpec((1, 3, Nk), lambda b, i: (b, 0, 0)),
            pl.BlockSpec((1, Tq, C), lambda b, i: (b, i, 0)),
            pl.BlockSpec((1, Nk, C), lambda b, i: (b, 0, 0)),
            pl.BlockSpec((1, Nk, C), lambda b, i: (b, 0, 0)),
            pl.BlockSpec((1, Nk, C), lambda b, i: (b, 0, 0)),
            pl.BlockSpec((2 * C, O), lambda b, i: (0, 0)),
        ],
        out_specs=[
            pl.BlockSpec((1, Tq, O), lambda b, i: (b, i, 0)),
            pl.BlockSpec((1, Tq, O), lambda b, i: (b, i, 0)),
            pl.BlockSpec((1, 8, O), lambda b, i: (b, 0, 0)),
        ],
        out_shape=[
            jax.ShapeDtypeStruct((B, Nq, O), jnp.float32),
            jax.ShapeDtypeStruct((B, Nq, O), jnp.float32),
            jax.ShapeDtypeStruct((B, 8, O), jnp.float32),
        ],
    )(cq, ckt, xq, xkh, xkm, xkl, WT)
    return ymax, ymin, st


def _idx_body(cq_ref, ckt_ref, idx_ref, *, Nk):
    b = pl.program_id(0)
    cq = cq_ref[0]
    ckt = ckt_ref[0]
    D = _knn_distance(cq, ckt)
    lane = lax.broadcasted_iota(jnp.int32, D.shape, 1)
    lane_k = lax.broadcasted_iota(jnp.int32, (cq.shape[0], K), 1)
    BIGI = jnp.int32(2 ** 30)
    INF = jnp.float32(jnp.inf)
    idxs0 = jnp.zeros((cq.shape[0], K), jnp.int32)

    def step(t, carry):
        D, idxs = carry
        m = jnp.min(D, axis=1, keepdims=True)
        j = jnp.min(jnp.where(D <= m, lane, BIGI), axis=1, keepdims=True)
        idxs = jnp.where(lane_k == t, j, idxs)
        D = jnp.where(lane == j, INF, D)
        return D, idxs

    _, idxs = lax.fori_loop(0, K, step, (D, idxs0))
    idx_ref[0] = idxs + b * Nk


def edge_idx(cq, ck, Tq=256):
    B, Nq, _ = cq.shape
    Nk = ck.shape[1]
    Tq = min(Tq, Nq)
    ckt = jnp.transpose(ck, (0, 2, 1))
    return pl.pallas_call(
        functools.partial(_idx_body, Nk=Nk),
        grid=(B, Nq // Tq),
        in_specs=[
            pl.BlockSpec((1, Tq, 3), lambda b, i: (b, i, 0)),
            pl.BlockSpec((1, 3, Nk), lambda b, i: (b, 0, 0)),
        ],
        out_specs=pl.BlockSpec((1, Tq, K), lambda b, i: (b, i, 0)),
        out_shape=jax.ShapeDtypeStruct((B, Nq, K), jnp.int32),
    )(cq, ckt)


@functools.lru_cache(maxsize=None)
def _make_sc_gather(R, Cp):
    rpw = R // SC_WORKERS
    phase_rows = rpw
    while phase_rows * Cp * 4 > TILESPMEM_BUDGET:
        phase_rows //= 2
    n_phase = rpw // phase_rows
    chunk = 128 if phase_rows % 128 == 0 else phase_rows
    n_chunk = phase_rows // chunk
    mesh = plsc.VectorSubcoreMesh(core_axis_name="c", subcore_axis_name="s")

    @functools.partial(
        pl.kernel, mesh=mesh,
        out_type=jax.ShapeDtypeStruct((R, Cp), jnp.float32),
        compiler_params=pltpu.CompilerParams(use_tc_tiling_on_sc=False),
        scratch_types=[
            pltpu.VMEM((rpw,), jnp.int32),
            pltpu.VMEM((phase_rows, Cp), jnp.float32),
            pltpu.SemaphoreType.DMA,
        ],
    )
    def k(table_hbm, idx_hbm, out_hbm, idx_v, rows_v, sem):
        wid = lax.axis_index("s") * SC_CORES + lax.axis_index("c")
        base = wid * rpw
        pltpu.sync_copy(idx_hbm.at[pl.ds(base, rpw)], idx_v)
        for p in range(n_phase):
            def fire(c, _):
                off = p * phase_rows + c * chunk
                pltpu.async_copy(
                    table_hbm.at[idx_v.at[pl.ds(off, chunk)]],
                    rows_v.at[pl.ds(c * chunk, chunk)], sem)
                return 0

            lax.fori_loop(0, n_chunk, fire, 0)
            pltpu.make_async_copy(
                table_hbm.at[pl.ds(0, phase_rows)], rows_v, sem).wait()
            pltpu.sync_copy(rows_v, out_hbm.at[pl.ds(base + p * phase_rows, phase_rows)])

    return k


def sc_gather(table, idx_flat):
    return _make_sc_gather(idx_flat.shape[0], table.shape[1])(table, idx_flat)


def _conv_body(g_ref, xq_ref, wt_ref, ymax_ref, ymin_ref, st_ref, *, O, C, Cp):
    i = pl.program_id(1)
    xq = xq_ref[0]
    wt = wt_ref[...]
    Tq = xq.shape[0]
    INF = jnp.float32(jnp.inf)
    acc_max = jnp.full((Tq, O), -INF, jnp.float32)
    acc_min = jnp.full((Tq, O), INF, jnp.float32)
    s1 = jnp.zeros((1, O), jnp.float32)
    s2 = jnp.zeros((1, O), jnp.float32)
    for k in range(K):
        gk = g_ref[0][:, k * Cp:k * Cp + C]
        e = jnp.concatenate([gk - xq, xq], axis=1)
        y = jnp.dot(e, wt, preferred_element_type=jnp.float32)
        acc_max = jnp.maximum(acc_max, y)
        acc_min = jnp.minimum(acc_min, y)
        s1 = s1 + jnp.sum(y, axis=0, keepdims=True)
        s2 = s2 + jnp.sum(y * y, axis=0, keepdims=True)
    ymax_ref[0] = acc_max
    ymin_ref[0] = acc_min

    @pl.when(i == 0)
    def _():
        st_ref[...] = jnp.zeros_like(st_ref)

    st_ref[0, 0:1, :] += s1
    st_ref[0, 1:2, :] += s2


def conv_stage(G, xq, W, Cp, Tq=256):
    B, Nq, C = xq.shape
    O = W.shape[0]
    Tq = min(Tq, Nq)
    return pl.pallas_call(
        functools.partial(_conv_body, O=O, C=C, Cp=Cp),
        grid=(B, Nq // Tq),
        in_specs=[
            pl.BlockSpec((1, Tq, K * Cp), lambda b, i: (b, i, 0)),
            pl.BlockSpec((1, Tq, C), lambda b, i: (b, i, 0)),
            pl.BlockSpec((2 * C, O), lambda b, i: (0, 0)),
        ],
        out_specs=[
            pl.BlockSpec((1, Tq, O), lambda b, i: (b, i, 0)),
            pl.BlockSpec((1, Tq, O), lambda b, i: (b, i, 0)),
            pl.BlockSpec((1, 8, O), lambda b, i: (b, 0, 0)),
        ],
        out_shape=[
            jax.ShapeDtypeStruct((B, Nq, O), jnp.float32),
            jax.ShapeDtypeStruct((B, Nq, O), jnp.float32),
            jax.ShapeDtypeStruct((B, 8, O), jnp.float32),
        ],
    )(G, xq, W.T)


def _fin_body(ymax_ref, ymin_ref, st_ref, g_ref, be_ref, o_ref, *, O, cnt):
    s1 = st_ref[0, 0:1, :]
    s2 = st_ref[0, 1:2, :]
    gs = O // GROUPS
    co = lax.broadcasted_iota(jnp.int32, (O, O), 0) // gs
    co2 = lax.broadcasted_iota(jnp.int32, (O, O), 1) // gs
    Gm = (co == co2).astype(jnp.float32)
    mu = jnp.dot(s1, Gm, preferred_element_type=jnp.float32) / cnt
    e2 = jnp.dot(s2, Gm, preferred_element_type=jnp.float32) / cnt
    var = e2 - mu * mu
    g = g_ref[...]
    be = be_ref[...]
    a = g * lax.rsqrt(var + EPS)
    b = be - mu * a
    v = jnp.where(a >= 0, ymax_ref[0], ymin_ref[0])
    z = v * a + b
    o_ref[0] = jnp.where(z >= 0, z, 0.2 * z)


def finalize(ymax, ymin, st, gamma, beta):
    B, Nq, O = ymax.shape
    cnt = float(Nq * K * (O // GROUPS))
    return pl.pallas_call(
        functools.partial(_fin_body, O=O, cnt=cnt),
        grid=(B,),
        in_specs=[
            pl.BlockSpec((1, Nq, O), lambda b: (b, 0, 0)),
            pl.BlockSpec((1, Nq, O), lambda b: (b, 0, 0)),
            pl.BlockSpec((1, 8, O), lambda b: (b, 0, 0)),
            pl.BlockSpec((1, O), lambda b: (0, 0)),
            pl.BlockSpec((1, O), lambda b: (0, 0)),
        ],
        out_specs=pl.BlockSpec((1, Nq, O), lambda b: (b, 0, 0)),
        out_shape=jax.ShapeDtypeStruct((B, Nq, O), jnp.float32),
    )(ymax, ymin, st, gamma.reshape(1, O), beta.reshape(1, O))


def _fps_body(x3_ref, idx_ref, *, B, N, npoint):
    X = x3_ref[...]
    lane = lax.broadcasted_iota(jnp.int32, (1, N), 1)
    lane_np = lax.broadcasted_iota(jnp.int32, (1, npoint), 1)
    BIGI = jnp.int32(2 ** 30)

    def body(i, carry):
        dists, last, idxs = carry
        oh = (lane == last)[:, None, :]
        cur = jnp.sum(jnp.where(oh, X, 0.0), axis=2, keepdims=True)
        d = jnp.sum((X - cur) ** 2, axis=1)
        dists = jnp.minimum(dists, d)
        mx = jnp.max(dists, axis=1, keepdims=True)
        nxt = jnp.min(jnp.where(dists >= mx, lane, BIGI), axis=1, keepdims=True)
        idxs = idxs + jnp.where(lane_np == i, nxt, 0)
        return dists, nxt, idxs

    dists0 = jnp.full((B, N), 1e10, jnp.float32)
    last0 = jnp.zeros((B, 1), jnp.int32)
    idxs0 = jnp.zeros((B, npoint), jnp.int32)
    _, _, idxs = lax.fori_loop(1, npoint, body, (dists0, last0, idxs0))
    idx_ref[...] = idxs


def fps(coor, npoint):
    B, N, _ = coor.shape
    x3 = jnp.transpose(coor, (0, 2, 1))
    return pl.pallas_call(
        functools.partial(_fps_body, B=B, N=N, npoint=npoint),
        in_specs=[pl.BlockSpec((B, 3, N), lambda: (0, 0, 0))],
        out_specs=pl.BlockSpec((B, npoint), lambda: (0, 0)),
        out_shape=jax.ShapeDtypeStruct((B, npoint), jnp.int32),
    )(x3)


def _dsg_body(idx_ref, comb_ref, o_ref, *, N):
    idxrow = idx_ref[0]
    comb = comb_ref[0]
    sub = lax.broadcasted_iota(jnp.int32, (N, idxrow.shape[1]), 0)
    oh = (sub == idxrow).astype(jnp.float32)
    o_ref[0] = lax.dot_general(
        oh, comb, (((0,), (0,)), ((), ())),
        precision=lax.Precision.HIGHEST,
        preferred_element_type=jnp.float32)


def dsgather(comb, idx, Tp=256):
    B, N, F = comb.shape
    npoint = idx.shape[1]
    Tp = min(Tp, npoint)
    NB = npoint // Tp
    idx3 = idx.reshape(B, 1, npoint)
    return pl.pallas_call(
        functools.partial(_dsg_body, N=N),
        grid=(B, NB),
        in_specs=[
            pl.BlockSpec((1, 1, Tp), lambda b, i: (b, 0, i)),
            pl.BlockSpec((1, N, F), lambda b, i: (b, 0, 0)),
        ],
        out_specs=pl.BlockSpec((1, Tp, F), lambda b, i: (b, i, 0)),
        out_shape=jax.ShapeDtypeStruct((B, npoint, F), jnp.float32),
    )(idx3, comb)


def _stage(cq, ck, xq, xk, W, g, be, Tq=256):
    ckt = jnp.transpose(ck, (0, 2, 1))
    ymax, ymin, st = edge_stage(cq, ckt, xq, xk, W, Tq=Tq)
    return finalize(ymax, ymin, st, g, be)


def _stage_sc(cq, ck, xq, xk, W, g, be):
    B, Nq, C = xq.shape
    Nk = xk.shape[1]
    Cp = max(16, C)
    idx = edge_idx(cq, ck)
    xkp = xk if C == Cp else jnp.pad(xk, ((0, 0), (0, 0), (0, Cp - C)))
    rows = sc_gather(xkp.reshape(B * Nk, Cp), idx.reshape(-1))
    G = rows.reshape(B, Nq, K * Cp)
    ymax, ymin, st = conv_stage(G, xq, W, Cp)
    return finalize(ymax, ymin, st, g, be)


def kernel(x, W_in, b_in, W1, g1, be1, W2, g2, be2, W4, g4, be4,
           W5, g5, be5, W6, g6, be6, W7, g7, be7):
    coor0 = x
    f0 = proj(x, W_in, b_in)
    f1 = _stage_sc(coor0, coor0, f0, f0, W1, g1, be1)

    idx1 = fps(coor0, 1024)
    nc = dsgather(jnp.concatenate([coor0, f1], axis=2), idx1)
    coor1, fq1 = nc[:, :, :3], nc[:, :, 3:]
    s1f = _stage_sc(coor1, coor0, fq1, f1, W2, g2, be2)

    idx2 = fps(coor1, 512)
    nc = dsgather(jnp.concatenate([coor1, s1f], axis=2), idx2)
    coor2, fq2 = nc[:, :, :3], nc[:, :, 3:]
    f4 = _stage(coor2, coor1, fq2, s1f, W4, g4, be4)
    s2f = _stage(coor2, coor2, f4, f4, W5, g5, be5)

    idx3 = fps(coor2, 256)
    nc = dsgather(jnp.concatenate([coor2, s2f], axis=2), idx3)
    coor3, fq3 = nc[:, :, :3], nc[:, :, 3:]
    f6 = _stage(coor3, coor2, fq3, s2f, W6, g6, be6)
    s3f = _stage(coor3, coor3, f6, f6, W7, g7, be7)

    return coor3, s3f

# --- scband reference (transcript-rebuilt; emitter-appended) ---
"""Pipeline reference for scband-hggnet-33079838114112 (READ-ONLY COPY).

The authoritative reference and input builder live on the scoring server;
editing this copy changes nothing except your own understanding.
"""

import jax, jax.numpy as jnp
import numpy as np

K = 16
NUM = (1024, 512, 256)

def knn_idx(k, coor_k, coor_q):
    ck = jax.lax.stop_gradient(coor_k)
    cq = jax.lax.stop_gradient(coor_q)
    d = jnp.sum(cq * cq, -1)[:, :, None] - 2.0 * jnp.einsum('bqd,bkd->bqk', cq, ck) + jnp.sum(ck * ck, -1)[:, None, :]
    _, idx = jax.lax.top_k(-d, k)
    return idx

def fps(xyz, npoint):
    xyz = jax.lax.stop_gradient(xyz)
    B, N, _ = xyz.shape
    idxs0 = jnp.zeros((B, npoint), dtype=jnp.int32)
    dists0 = jnp.full((B, N), 1e10, dtype=xyz.dtype)
    last0 = jnp.zeros((B,), dtype=jnp.int32)
    bidx = jnp.arange(B)
    def body(i, st):
        idxs, dists, last = st
        cur = xyz[bidx, last]
        d = jnp.sum((xyz - cur[:, None, :]) ** 2, -1)
        dists = jnp.minimum(dists, d)
        nxt = jnp.argmax(dists, -1).astype(jnp.int32)
        idxs = idxs.at[:, i].set(nxt)
        return (idxs, dists, nxt)
    idxs, _, _ = jax.lax.fori_loop(1, npoint, body, (idxs0, dists0, last0))
    return idxs

def gather_op(x, idx):
    return jnp.take_along_axis(x, idx[:, None, :].astype(jnp.int32), axis=2)

def fps_downsample(coor, x, num):
    xyz_t = jnp.transpose(coor, (0, 2, 1))
    idx = fps(coor, num)
    comb = jnp.concatenate([xyz_t, x], axis=1)
    newc = gather_op(comb, idx)
    return newc[:, :3], newc[:, 3:]

def group_norm(x, gamma, beta, groups=4, eps=1e-5):
    B, C, H, W = x.shape
    xg = x.reshape(B, groups, C // groups, H, W)
    m = jnp.mean(xg, axis=(2, 3, 4), keepdims=True)
    v = jnp.mean((xg - m) ** 2, axis=(2, 3, 4), keepdims=True)
    xg = (xg - m) / jnp.sqrt(v + eps)
    x = xg.reshape(B, C, H, W)
    return x * gamma[None, :, None, None] + beta[None, :, None, None]

def conv_block(x, W, g, b):
    y = jnp.einsum('oi,bihw->bohw', W, x)
    y = group_norm(y, g, b)
    return jnp.where(y >= 0, y, 0.2 * y)

def get_graph_feature(coor_q, x_q, coor_k, x_k):
    idx = knn_idx(K, coor_k, coor_q)
    B, C, Nq = x_q.shape
    xk_t = jnp.transpose(x_k, (0, 2, 1))
    feat = jax.vmap(lambda xt, ix: xt[ix])(xk_t, idx)
    feat = jnp.transpose(feat, (0, 3, 1, 2))
    xq = jnp.broadcast_to(x_q[:, :, :, None], (B, C, Nq, K))
    return jnp.concatenate([feat - xq, xq], axis=1)

def _forward(x, W_in, b_in, W1, g1, be1, W2, g2, be2, W4, g4, be4, W5, g5, be5, W6, g6, be6, W7, g7, be7):
    xyz = jnp.transpose(x, (0, 2, 1))
    coor = x
    f = jnp.einsum('oi,bin->bon', W_in, xyz) + b_in[None, :, None]
    f = get_graph_feature(coor, f, coor, f)
    f = conv_block(f, W1, g1, be1)
    f = jnp.max(f, axis=-1)
    s1p, f_q = fps_downsample(coor, f, NUM[0])
    coor_d = jnp.transpose(s1p, (0, 2, 1))
    f = get_graph_feature(coor_d, f_q, coor, f)
    f = conv_block(f, W2, g2, be2)
    stage1 = jnp.max(f, axis=-1)
    coor = coor_d
    s2p, f_q = fps_downsample(coor, stage1, NUM[1])
    coor_d = jnp.transpose(s2p, (0, 2, 1))
    f = get_graph_feature(coor_d, f_q, coor, stage1)
    f = conv_block(f, W4, g4, be4)
    f = jnp.max(f, axis=-1)
    f = get_graph_feature(coor_d, f, coor_d, f)
    f = conv_block(f, W5, g5, be5)
    stage2 = jnp.max(f, axis=-1)
    coor = coor_d
    s3p, f_q = fps_downsample(coor, stage2, NUM[2])
    coor_d = jnp.transpose(s3p, (0, 2, 1))
    f = get_graph_feature(coor_d, f_q, coor, stage2)
    f = conv_block(f, W6, g6, be6)
    f = jnp.max(f, axis=-1)
    f = get_graph_feature(coor_d, f, coor_d, f)
    f = conv_block(f, W7, g7, be7)
    stage3 = jnp.max(f, axis=-1)
    out_coor = jnp.transpose(s3p, (0, 2, 1))
    out_f = jnp.transpose(stage3, (0, 2, 1))
    return out_coor, out_f

def setup_inputs(seed: int = 0):
    key = jax.random.key(seed)
    ks = jax.random.split(key, 10)
    B, N = 4, 4096
    def w(k, o, i):
        return (jax.random.normal(k, (o, i), jnp.float32) / np.sqrt(i)).astype(jnp.float32)
    return {
        'x': jax.random.normal(ks[0], (B, N, 3), jnp.float32),
        'W_in': w(ks[1], 8, 3), 'b_in': jnp.zeros((8,), jnp.float32),
        'W1': w(ks[2], 32, 16), 'g1': jnp.ones((32,), jnp.float32), 'be1': jnp.zeros((32,), jnp.float32),
        'W2': w(ks[3], 64, 64), 'g2': jnp.ones((64,), jnp.float32), 'be2': jnp.zeros((64,), jnp.float32),
        'W4': w(ks[4], 128, 128), 'g4': jnp.ones((128,), jnp.float32), 'be4': jnp.zeros((128,), jnp.float32),
        'W5': w(ks[5], 128, 256), 'g5': jnp.ones((128,), jnp.float32), 'be5': jnp.zeros((128,), jnp.float32),
        'W6': w(ks[6], 256, 256), 'g6': jnp.ones((256,), jnp.float32), 'be6': jnp.zeros((256,), jnp.float32),
        'W7': w(ks[7], 256, 512), 'g7': jnp.ones((256,), jnp.float32), 'be7': jnp.zeros((256,), jnp.float32),
    }

def reference(x, W_in, b_in, W1, g1, be1, W2, g2, be2, W4, g4, be4, W5, g5, be5, W6, g6, be6, W7, g7, be7):
    return _forward(x, W_in, b_in, W1, g1, be1, W2, g2, be2, W4, g4, be4, W5, g5, be5, W6, g6, be6, W7, g7, be7)

if __name__ == "__main__":
    import jax
    _d = setup_inputs()
    print(jax.jit(kernel)(*tuple(_d.values())))

</pallas_src>

<mosaic_0001>
#map = affine_map<(d0, d1) -> (0, 0)>
#map1 = affine_map<(d0, d1) -> (0)>
module attributes {stable_mosaic.version = 14 : i64} {
  func.func @k(%arg0: i32, %arg1: i32, %arg2: memref<16384x16xf32, #tpu.memory_space<hbm>>, %arg3: memref<262144xi32, #tpu.memory_space<hbm>>, %arg4: memref<262144x16xf32, #tpu.memory_space<hbm>>, %arg5: memref<8192xi32, #tpu.memory_space<vmem>>, %arg6: memref<4096x16xf32, #tpu.memory_space<vmem>>, %arg7: memref<!tpu.dma_semaphore, #tpu.memory_space<semaphore_mem>>) attributes {dimension_semantics = [#tpu.dimension_semantics<core_parallel>, #tpu.dimension_semantics<subcore_parallel>], iteration_bounds = array<i64: 2, 16>, scalar_prefetch = 0 : i64, scratch_operands = 3 : i64, tpu.core_type = #tpu.core_type<sc_vector_subcore>, window_params = [{transform_indices = #map}, {transform_indices = #map1}, {transform_indices = #map}]} {
    %mul3A = arith.constant 2 : i32
    %mul3A_0 = arith.muli %arg1, %mul3A : i32
    %add3A = arith.addi %mul3A_0, %arg0 : i32
    %mul3A_1 = arith.constant 8192 : i32
    %mul3A_2 = arith.muli %add3A, %mul3A_1 : i32
    "tpu.region"() ({
      %run_scoped3A = tpu.sem_alloc : memref<!tpu.dma_semaphore, #tpu.memory_space<semaphore_mem>>
      %dma_start3A = tpu.memref_slice %arg3[%mul3A_2] : memref<262144xi32, #tpu.memory_space<hbm>> -> memref<8192xi32, #tpu.memory_space<hbm>>
      %dma_start3A_31 = tpu.memref_slice %arg3[%mul3A_2] : memref<262144xi32, #tpu.memory_space<hbm>> -> memref<8192xi32, #tpu.memory_space<hbm>>
      tpu.enqueue_dma source(%dma_start3A_31 : memref<8192xi32, #tpu.memory_space<hbm>>) target(%arg5 : memref<8192xi32, #tpu.memory_space<vmem>>) target_semaphore(%run_scoped3A : memref<!tpu.dma_semaphore, #tpu.memory_space<semaphore_mem>>)
      %dma_wait3A_32 = tpu.memref_slice %arg3[%mul3A_2] : memref<262144xi32, #tpu.memory_space<hbm>> -> memref<8192xi32, #tpu.memory_space<hbm>>
      %dma_wait3A_33 = tpu.memref_slice %arg3[%mul3A_2] : memref<262144xi32, #tpu.memory_space<hbm>> -> memref<8192xi32, #tpu.memory_space<hbm>>
      tpu.wait_dma2 semaphore(%run_scoped3A : memref<!tpu.dma_semaphore, #tpu.memory_space<semaphore_mem>>) src(%dma_wait3A_33 : memref<8192xi32, #tpu.memory_space<hbm>>) dst(%arg5 : memref<8192xi32, #tpu.memory_space<vmem>>)
      tpu.yield
    }) : () -> ()
    %scan3A = arith.constant 0 : i32
    %scan3A_3 = arith.constant 0 : i32
    %scan3A_4 = arith.constant 32 : i32
    %scan3A_5 = arith.addi %scan3A_3, %scan3A_4 : i32
    %scan3A_6 = arith.constant 1 : i32
    %scan3A_7 = scf.for %scan3A_31 = %scan3A_3 to %scan3A_5 step %scan3A_6 iter_args(%scan3A_32 = %scan3A) -> (i32)  : i32 {
      %mul3A_33 = arith.constant 128 : i32
      %mul3A_34 = arith.muli %scan3A_31, %mul3A_33 : i32
      %add3A_35 = arith.constant 0 : i32
      %add3A_36 = arith.addi %add3A_35, %mul3A_34 : i32
      %mul3A_37 = arith.constant 128 : i32
      %mul3A_38 = arith.muli %scan3A_31, %mul3A_37 : i32
      %dma_start3A = arith.constant 0 : i32
      %dma_start3A_39 = tpu.memref_slice %arg6[%mul3A_38, %dma_start3A] : memref<4096x16xf32, #tpu.memory_space<vmem>> -> memref<128x16xf32, #tpu.memory_space<vmem>>
      %dma_start3A_40 = tpu.memref_slice %arg5[%add3A_36] : memref<8192xi32, #tpu.memory_space<vmem>> -> memref<128xi32, #tpu.memory_space<vmem>>
      %dma_start3A_41 = arith.constant 0 : i32
      %dma_start3A_42 = arith.constant 0 : i32
      %dma_start3A_43 = tpu.memref_slice %arg2[%dma_start3A_41, %dma_start3A_42] : memref<16384x16xf32, #tpu.memory_space<hbm>> -> memref<16384x16xf32, #tpu.memory_space<hbm>>
      tpu.enqueue_indirect_dma source(%dma_start3A_43 : memref<16384x16xf32, #tpu.memory_space<hbm>>) target(%dma_start3A_39 : memref<128x16xf32, #tpu.memory_space<vmem>>) offsets(%dma_start3A_40 : memref<128xi32, #tpu.memory_space<vmem>>) semaphore(%arg7 : memref<!tpu.dma_semaphore, #tpu.memory_space<semaphore_mem>>)
      %scan3A_44 = arith.constant 0 : i32
      scf.yield %scan3A_44 : i32
    }
    %scan3A_8 = arith.constant 32 : i32
    %dma_wait3A = arith.constant 0 : i32
    %dma_wait3A_9 = arith.constant 0 : i32
    %dma_wait3A_10 = tpu.memref_slice %arg2[%dma_wait3A, %dma_wait3A_9] : memref<16384x16xf32, #tpu.memory_space<hbm>> -> memref<4096x16xf32, #tpu.memory_space<hbm>>
    %dma_wait3A_11 = arith.constant 0 : i32
    %dma_wait3A_12 = arith.constant 0 : i32
    %dma_wait3A_13 = tpu.memref_slice %arg2[%dma_wait3A_11, %dma_wait3A_12] : memref<16384x16xf32, #tpu.memory_space<hbm>> -> memref<4096x16xf32, #tpu.memory_space<hbm>>
    tpu.wait_dma2 semaphore(%arg7 : memref<!tpu.dma_semaphore, #tpu.memory_space<semaphore_mem>>) src(%dma_wait3A_13 : memref<4096x16xf32, #tpu.memory_space<hbm>>) dst(%arg6 : memref<4096x16xf32, #tpu.memory_space<vmem>>)
    %add3A_14 = arith.constant 0 : i32
    %add3A_15 = arith.addi %mul3A_2, %add3A_14 : i32
    "tpu.region"() ({
      %run_scoped3A = tpu.sem_alloc : memref<!tpu.dma_semaphore, #tpu.memory_space<semaphore_mem>>
      %dma_start3A = arith.constant 0 : i32
      %dma_start3A_31 = tpu.memref_slice %arg4[%add3A_15, %dma_start3A] : memref<262144x16xf32, #tpu.memory_space<hbm>> -> memref<4096x16xf32, #tpu.memory_space<hbm>>
      %dma_start3A_32 = arith.constant 0 : i32
      %dma_start3A_33 = tpu.memref_slice %arg4[%add3A_15, %dma_start3A_32] : memref<262144x16xf32, #tpu.memory_space<hbm>> -> memref<4096x16xf32, #tpu.memory_space<hbm>>
      tpu.enqueue_dma source(%arg6 : memref<4096x16xf32, #tpu.memory_space<vmem>>) target(%dma_start3A_33 : memref<4096x16xf32, #tpu.memory_space<hbm>>) target_semaphore(%run_scoped3A : memref<!tpu.dma_semaphore, #tpu.memory_space<semaphore_mem>>)
      %dma_wait3A_34 = arith.constant 0 : i32
      %dma_wait3A_35 = tpu.memref_slice %arg4[%add3A_15, %dma_wait3A_34] : memref<262144x16xf32, #tpu.memory_space<hbm>> -> memref<4096x16xf32, #tpu.memory_space<hbm>>
      %dma_wait3A_36 = arith.constant 0 : i32
      %dma_wait3A_37 = tpu.memref_slice %arg4[%add3A_15, %dma_wait3A_36] : memref<262144x16xf32, #tpu.memory_space<hbm>> -> memref<4096x16xf32, #tpu.memory_space<hbm>>
      tpu.wait_dma2 semaphore(%run_scoped3A : memref<!tpu.dma_semaphore, #tpu.memory_space<semaphore_mem>>) src(%arg6 : memref<4096x16xf32, #tpu.memory_space<vmem>>) dst(%dma_wait3A_37 : memref<4096x16xf32, #tpu.memory_space<hbm>>)
      tpu.yield
    }) : () -> ()
    %scan3A_16 = arith.constant 0 : i32
    %scan3A_17 = arith.constant 0 : i32
    %scan3A_18 = arith.constant 32 : i32
    %scan3A_19 = arith.addi %scan3A_17, %scan3A_18 : i32
    %scan3A_20 = arith.constant 1 : i32
    %scan3A_21 = scf.for %scan3A_31 = %scan3A_17 to %scan3A_19 step %scan3A_20 iter_args(%scan3A_32 = %scan3A_16) -> (i32)  : i32 {
      %mul3A_33 = arith.constant 128 : i32
      %mul3A_34 = arith.muli %scan3A_31, %mul3A_33 : i32
      %add3A_35 = arith.constant 4096 : i32
      %add3A_36 = arith.addi %add3A_35, %mul3A_34 : i32
      %mul3A_37 = arith.constant 128 : i32
      %mul3A_38 = arith.muli %scan3A_31, %mul3A_37 : i32
      %dma_start3A = arith.constant 0 : i32
      %dma_start3A_39 = tpu.memref_slice %arg6[%mul3A_38, %dma_start3A] : memref<4096x16xf32, #tpu.memory_space<vmem>> -> memref<128x16xf32, #tpu.memory_space<vmem>>
      %dma_start3A_40 = tpu.memref_slice %arg5[%add3A_36] : memref<8192xi32, #tpu.memory_space<vmem>> -> memref<128xi32, #tpu.memory_space<vmem>>
      %dma_start3A_41 = arith.constant 0 : i32
      %dma_start3A_42 = arith.constant 0 : i32
      %dma_start3A_43 = tpu.memref_slice %arg2[%dma_start3A_41, %dma_start3A_42] : memref<16384x16xf32, #tpu.memory_space<hbm>> -> memref<16384x16xf32, #tpu.memory_space<hbm>>
      tpu.enqueue_indirect_dma source(%dma_start3A_43 : memref<16384x16xf32, #tpu.memory_space<hbm>>) target(%dma_start3A_39 : memref<128x16xf32, #tpu.memory_space<vmem>>) offsets(%dma_start3A_40 : memref<128xi32, #tpu.memory_space<vmem>>) semaphore(%arg7 : memref<!tpu.dma_semaphore, #tpu.memory_space<semaphore_mem>>)
      %scan3A_44 = arith.constant 0 : i32
      scf.yield %scan3A_44 : i32
    }
    %scan3A_22 = arith.constant 32 : i32
    %dma_wait3A_23 = arith.constant 0 : i32
    %dma_wait3A_24 = arith.constant 0 : i32
    %dma_wait3A_25 = tpu.memref_slice %arg2[%dma_wait3A_23, %dma_wait3A_24] : memref<16384x16xf32, #tpu.memory_space<hbm>> -> memref<4096x16xf32, #tpu.memory_space<hbm>>
    %dma_wait3A_26 = arith.constant 0 : i32
    %dma_wait3A_27 = arith.constant 0 : i32
    %dma_wait3A_28 = tpu.memref_slice %arg2[%dma_wait3A_26, %dma_wait3A_27] : memref<16384x16xf32, #tpu.memory_space<hbm>> -> memref<4096x16xf32, #tpu.memory_space<hbm>>
    tpu.wait_dma2 semaphore(%arg7 : memref<!tpu.dma_semaphore, #tpu.memory_space<semaphore_mem>>) src(%dma_wait3A_28 : memref<4096x16xf32, #tpu.memory_space<hbm>>) dst(%arg6 : memref<4096x16xf32, #tpu.memory_space<vmem>>)
    %add3A_29 = arith.constant 4096 : i32
    %add3A_30 = arith.addi %mul3A_2, %add3A_29 : i32
    "tpu.region"() ({
      %run_scoped3A = tpu.sem_alloc : memref<!tpu.dma_semaphore, #tpu.memory_space<semaphore_mem>>
      %dma_start3A = arith.constant 0 : i32
      %dma_start3A_31 = tpu.memref_slice %arg4[%add3A_30, %dma_start3A] : memref<262144x16xf32, #tpu.memory_space<hbm>> -> memref<4096x16xf32, #tpu.memory_space<hbm>>
      %dma_start3A_32 = arith.constant 0 : i32
      %dma_start3A_33 = tpu.memref_slice %arg4[%add3A_30, %dma_start3A_32] : memref<262144x16xf32, #tpu.memory_space<hbm>> -> memref<4096x16xf32, #tpu.memory_space<hbm>>
      tpu.enqueue_dma source(%arg6 : memref<4096x16xf32, #tpu.memory_space<vmem>>) target(%dma_start3A_33 : memref<4096x16xf32, #tpu.memory_space<hbm>>) target_semaphore(%run_scoped3A : memref<!tpu.dma_semaphore, #tpu.memory_space<semaphore_mem>>)
      %dma_wait3A_34 = arith.constant 0 : i32
      %dma_wait3A_35 = tpu.memref_slice %arg4[%add3A_30, %dma_wait3A_34] : memref<262144x16xf32, #tpu.memory_space<hbm>> -> memref<4096x16xf32, #tpu.memory_space<hbm>>
      %dma_wait3A_36 = arith.constant 0 : i32
      %dma_wait3A_37 = tpu.memref_slice %arg4[%add3A_30, %dma_wait3A_36] : memref<262144x16xf32, #tpu.memory_space<hbm>> -> memref<4096x16xf32, #tpu.memory_space<hbm>>
      tpu.wait_dma2 semaphore(%run_scoped3A : memref<!tpu.dma_semaphore, #tpu.memory_space<semaphore_mem>>) src(%arg6 : memref<4096x16xf32, #tpu.memory_space<vmem>>) dst(%dma_wait3A_37 : memref<4096x16xf32, #tpu.memory_space<hbm>>)
      tpu.yield
    }) : () -> ()
    return
  }
}

#map = affine_map<(d0, d1) -> (0, 0)>
#map1 = affine_map<(d0, d1) -> (0)>
module attributes {stable_mosaic.version = 14 : i64} {
  func.func @k(%arg0: i32, %arg1: i32, %arg2: memref<16384x32xf32, #tpu.memory_space<hbm>>, %arg3: memref<65536xi32, #tpu.memory_space<hbm>>, %arg4: memref<65536x32xf32, #tpu.memory_space<hbm>>, %arg5: memref<2048xi32, #tpu.memory_space<vmem>>, %arg6: memref<2048x32xf32, #tpu.memory_space<vmem>>, %arg7: memref<!tpu.dma_semaphore, #tpu.memory_space<semaphore_mem>>) attributes {dimension_semantics = [#tpu.dimension_semantics<core_parallel>, #tpu.dimension_semantics<subcore_parallel>], iteration_bounds = array<i64: 2, 16>, scalar_prefetch = 0 : i64, scratch_operands = 3 : i64, tpu.core_type = #tpu.core_type<sc_vector_subcore>, window_params = [{transform_indices = #map}, {transform_indices = #map1}, {transform_indices = #map}]} {
    %mul3A = arith.constant 2 : i32
    %mul3A_0 = arith.muli %arg1, %mul3A : i32
    %add3A = arith.addi %mul3A_0, %arg0 : i32
    %mul3A_1 = arith.constant 2048 : i32
    %mul3A_2 = arith.muli %add3A, %mul3A_1 : i32
    "tpu.region"() ({
      %run_scoped3A = tpu.sem_alloc : memref<!tpu.dma_semaphore, #tpu.memory_space<semaphore_mem>>
      %dma_start3A = tpu.memref_slice %arg3[%mul3A_2] : memref<65536xi32, #tpu.memory_space<hbm>> -> memref<2048xi32, #tpu.memory_space<hbm>>
      %dma_start3A_16 = tpu.memref_slice %arg3[%mul3A_2] : memref<65536xi32, #tpu.memory_space<hbm>> -> memref<2048xi32, #tpu.memory_space<hbm>>
      tpu.enqueue_dma source(%dma_start3A_16 : memref<2048xi32, #tpu.memory_space<hbm>>) target(%arg5 : memref<2048xi32, #tpu.memory_space<vmem>>) target_semaphore(%run_scoped3A : memref<!tpu.dma_semaphore, #tpu.memory_space<semaphore_mem>>)
      %dma_wait3A_17 = tpu.memref_slice %arg3[%mul3A_2] : memref<65536xi32, #tpu.memory_space<hbm>> -> memref<2048xi32, #tpu.memory_space<hbm>>
      %dma_wait3A_18 = tpu.memref_slice %arg3[%mul3A_2] : memref<65536xi32, #tpu.memory_space<hbm>> -> memref<2048xi32, #tpu.memory_space<hbm>>
      tpu.wait_dma2 semaphore(%run_scoped3A : memref<!tpu.dma_semaphore, #tpu.memory_space<semaphore_mem>>) src(%dma_wait3A_18 : memref<2048xi32, #tpu.memory_space<hbm>>) dst(%arg5 : memref<2048xi32, #tpu.memory_space<vmem>>)
      tpu.yield
    }) : () -> ()
    %scan3A = arith.constant 0 : i32
    %scan3A_3 = arith.constant 0 : i32
    %scan3A_4 = arith.constant 16 : i32
    %scan3A_5 = arith.addi %scan3A_3, %scan3A_4 : i32
    %scan3A_6 = arith.constant 1 : i32
    %scan3A_7 = scf.for %scan3A_16 = %scan3A_3 to %scan3A_5 step %scan3A_6 iter_args(%scan3A_17 = %scan3A) -> (i32)  : i32 {
      %mul3A_18 = arith.constant 128 : i32
      %mul3A_19 = arith.muli %scan3A_16, %mul3A_18 : i32
      %add3A_20 = arith.constant 0 : i32
      %add3A_21 = arith.addi %add3A_20, %mul3A_19 : i32
      %mul3A_22 = arith.constant 128 : i32
      %mul3A_23 = arith.muli %scan3A_16, %mul3A_22 : i32
      %dma_start3A = arith.constant 0 : i32
      %dma_start3A_24 = tpu.memref_slice %arg6[%mul3A_23, %dma_start3A] : memref<2048x32xf32, #tpu.memory_space<vmem>> -> memref<128x32xf32, #tpu.memory_space<vmem>>
      %dma_start3A_25 = tpu.memref_slice %arg5[%add3A_21] : memref<2048xi32, #tpu.memory_space<vmem>> -> memref<128xi32, #tpu.memory_space<vmem>>
      %dma_start3A_26 = arith.constant 0 : i32
      %dma_start3A_27 = arith.constant 0 : i32
      %dma_start3A_28 = tpu.memref_slice %arg2[%dma_start3A_26, %dma_start3A_27] : memref<16384x32xf32, #tpu.memory_space<hbm>> -> memref<16384x32xf32, #tpu.memory_space<hbm>>
      tpu.enqueue_indirect_dma source(%dma_start3A_28 : memref<16384x32xf32, #tpu.memory_space<hbm>>) target(%dma_start3A_24 : memref<128x32xf32, #tpu.memory_space<vmem>>) offsets(%dma_start3A_25 : memref<128xi32, #tpu.memory_space<vmem>>) semaphore(%arg7 : memref<!tpu.dma_semaphore, #tpu.memory_space<semaphore_mem>>)
      %scan3A_29 = arith.constant 0 : i32
      scf.yield %scan3A_29 : i32
    }
    %scan3A_8 = arith.constant 16 : i32
    %dma_wait3A = arith.constant 0 : i32
    %dma_wait3A_9 = arith.constant 0 : i32
    %dma_wait3A_10 = tpu.memref_slice %arg2[%dma_wait3A, %dma_wait3A_9] : memref<16384x32xf32, #tpu.memory_space<hbm>> -> memref<2048x32xf32, #tpu.memory_space<hbm>>
    %dma_wait3A_11 = arith.constant 0 : i32
    %dma_wait3A_12 = arith.constant 0 : i32
    %dma_wait3A_13 = tpu.memref_slice %arg2[%dma_wait3A_11, %dma_wait3A_12] : memref<16384x32xf32, #tpu.memory_space<hbm>> -> memref<2048x32xf32, #tpu.memory_space<hbm>>
    tpu.wait_dma2 semaphore(%arg7 : memref<!tpu.dma_semaphore, #tpu.memory_space<semaphore_mem>>) src(%dma_wait3A_13 : memref<2048x32xf32, #tpu.memory_space<hbm>>) dst(%arg6 : memref<2048x32xf32, #tpu.memory_space<vmem>>)
    %add3A_14 = arith.constant 0 : i32
    %add3A_15 = arith.addi %mul3A_2, %add3A_14 : i32
    "tpu.region"() ({
      %run_scoped3A = tpu.sem_alloc : memref<!tpu.dma_semaphore, #tpu.memory_space<semaphore_mem>>
      %dma_start3A = arith.constant 0 : i32
      %dma_start3A_16 = tpu.memref_slice %arg4[%add3A_15, %dma_start3A] : memref<65536x32xf32, #tpu.memory_space<hbm>> -> memref<2048x32xf32, #tpu.memory_space<hbm>>
      %dma_start3A_17 = arith.constant 0 : i32
      %dma_start3A_18 = tpu.memref_slice %arg4[%add3A_15, %dma_start3A_17] : memref<65536x32xf32, #tpu.memory_space<hbm>> -> memref<2048x32xf32, #tpu.memory_space<hbm>>
      tpu.enqueue_dma source(%arg6 : memref<2048x32xf32, #tpu.memory_space<vmem>>) target(%dma_start3A_18 : memref<2048x32xf32, #tpu.memory_space<hbm>>) target_semaphore(%run_scoped3A : memref<!tpu.dma_semaphore, #tpu.memory_space<semaphore_mem>>)
      %dma_wait3A_19 = arith.constant 0 : i32
      %dma_wait3A_20 = tpu.memref_slice %arg4[%add3A_15, %dma_wait3A_19] : memref<65536x32xf32, #tpu.memory_space<hbm>> -> memref<2048x32xf32, #tpu.memory_space<hbm>>
      %dma_wait3A_21 = arith.constant 0 : i32
      %dma_wait3A_22 = tpu.memref_slice %arg4[%add3A_15, %dma_wait3A_21] : memref<65536x32xf32, #tpu.memory_space<hbm>> -> memref<2048x32xf32, #tpu.memory_space<hbm>>
      tpu.wait_dma2 semaphore(%run_scoped3A : memref<!tpu.dma_semaphore, #tpu.memory_space<semaphore_mem>>) src(%arg6 : memref<2048x32xf32, #tpu.memory_space<vmem>>) dst(%dma_wait3A_22 : memref<2048x32xf32, #tpu.memory_space<hbm>>)
      tpu.yield
    }) : () -> ()
    return
  }
}

module attributes {stable_mosaic.version = 14 : i64} {
  func.func @_proj_body(%arg0: i32, %arg1: memref<1x4096x3xf32, #tpu.memory_space<vmem>>, %arg2: memref<3x8xf32, #tpu.memory_space<vmem>>, %arg3: memref<1x8xf32, #tpu.memory_space<vmem>>, %arg4: memref<1x4096x8xf32, #tpu.memory_space<vmem>>) attributes {dimension_semantics = [#tpu.dimension_semantics<arbitrary>], iteration_bounds = array<i64: 4>, scalar_prefetch = 0 : i64, scratch_operands = 0 : i64, tpu.core_type = #tpu.core_type<tc>, window_params = [{transform_indices = @transform_0, window_bounds = array<i64: 1, 4096, 3>}, {pipeline_mode = #tpu.pipeline_mode<synchronous>, transform_indices = @transform_1, window_bounds = array<i64: 3, 8>}, {pipeline_mode = #tpu.pipeline_mode<synchronous>, transform_indices = @transform_2, window_bounds = array<i64: 1, 8>}, {transform_indices = @transform_3, window_bounds = array<i64: 1, 4096, 8>}]} {
    %get3A = arith.constant 0 : index
    %get3A_0 = arith.constant 0 : index
    %get3A_1 = arith.constant 0 : index
    %get3A_2 = vector.load %arg1[%get3A, %get3A_0, %get3A_1] : memref<1x4096x3xf32, #tpu.memory_space<vmem>>, vector<1x4096x3xf32>
    %get3A_3 = vector.shape_cast %get3A_2 : vector<1x4096x3xf32> to vector<4096x3xf32>
    %get3A_4 = arith.constant 0 : index
    %get3A_5 = arith.constant 0 : index
    %get3A_6 = vector.load %arg2[%get3A_4, %get3A_5] : memref<3x8xf32, #tpu.memory_space<vmem>>, vector<3x8xf32>
    %dot_general3A = arith.constant dense<0.000000e+00> : vector<4096x8xf32>
    %dot_general3A_7 = tpu.matmul %get3A_3, %get3A_6, %dot_general3A {dimension_numbers = #tpu.dot_dimension_numbers<[1], [0], [0], [1], [0, 0, 1, 1], [], []>, transpose_lhs_hint = false} : vector<4096x3xf32>, vector<3x8xf32>, vector<4096x8xf32> -> vector<4096x8xf32>
    %get3A_8 = arith.constant 0 : index
    %get3A_9 = arith.constant 0 : index
    %get3A_10 = vector.load %arg3[%get3A_8, %get3A_9] : memref<1x8xf32, #tpu.memory_space<vmem>>, vector<1x8xf32>
    %add3A = vector.broadcast %get3A_10 : vector<1x8xf32> to vector<4096x8xf32>
    %add3A_11 = arith.addf %dot_general3A_7, %add3A : vector<4096x8xf32>
    %swap3A = arith.constant 0 : index
    %swap3A_12 = arith.constant 0 : index
    %swap3A_13 = arith.constant 0 : index
    %swap3A_14 = vector.load %arg4[%swap3A, %swap3A_12, %swap3A_13] : memref<1x4096x8xf32, #tpu.memory_space<vmem>>, vector<1x4096x8xf32>
    %swap3A_15 = vector.shape_cast %swap3A_14 : vector<1x4096x8xf32> to vector<4096x8xf32>
    %swap3A_16 = vector.shape_cast %add3A_11 : vector<4096x8xf32> to vector<1x4096x8xf32>
    tpu.vector_store %arg4[%swap3A, %swap3A_12, %swap3A_13], %swap3A_16 {strides = array<i32>} : memref<1x4096x8xf32, #tpu.memory_space<vmem>>, vector<1x4096x8xf32>,
    return
  }
  func.func @transform_0(%arg0: i32) -> (i32, i32, i32) {
    %c0_i32 = arith.constant 0 : i32
    %c0_i32_0 = arith.constant 0 : i32
    %c0_i32_1 = arith.constant 0 : i32
    return %arg0, %c0_i32, %c0_i32_0 : i32, i32, i32
  }
  func.func @transform_1(%arg0: i32) -> (i32, i32) {
    %c0_i32 = arith.constant 0 : i32
    %c0_i32_0 = arith.constant 0 : i32
    %c0_i32_1 = arith.constant 0 : i32
    return %c0_i32, %c0_i32_0 : i32, i32
  }
  func.func @transform_2(%arg0: i32) -> (i32, i32) {
    %c0_i32 = arith.constant 0 : i32
    %c0_i32_0 = arith.constant 0 : i32
    %c0_i32_1 = arith.constant 0 : i32
    return %c0_i32, %c0_i32_0 : i32, i32
  }
  func.func @transform_3(%arg0: i32) -> (i32, i32, i32) {
    %c0_i32 = arith.constant 0 : i32
    %c0_i32_0 = arith.constant 0 : i32
    %c0_i32_1 = arith.constant 0 : i32
    return %arg0, %c0_i32, %c0_i32_0 : i32, i32, i32
  }
}

module attributes {stable_mosaic.version = 14 : i64} {
  func.func @_idx_body(%arg0: i32, %arg1: i32, %arg2: memref<1x256x3xf32, #tpu.memory_space<vmem>>, %arg3: memref<1x3x4096xf32, #tpu.memory_space<vmem>>, %arg4: memref<1x256x16xi32, #tpu.memory_space<vmem>>) attributes {dimension_semantics = [#tpu.dimension_semantics<arbitrary>, #tpu.dimension_semantics<arbitrary>], iteration_bounds = array<i64: 4, 16>, scalar_prefetch = 0 : i64, scratch_operands = 0 : i64, tpu.core_type = #tpu.core_type<tc>, window_params = [{transform_indices = @transform_0, window_bounds = array<i64: 1, 256, 3>}, {transform_indices = @transform_1, window_bounds = array<i64: 1, 3, 4096>}, {transform_indices = @transform_2, window_bounds = array<i64: 1, 256, 16>}]} {
    %get3A = arith.constant 0 : index
    %get3A_0 = arith.constant 0 : index
    %get3A_1 = arith.constant 0 : index
    %get3A_2 = vector.load %arg2[%get3A, %get3A_0, %get3A_1] : memref<1x256x3xf32, #tpu.memory_space<vmem>>, vector<1x256x3xf32>
    %get3A_3 = vector.shape_cast %get3A_2 : vector<1x256x3xf32> to vector<256x3xf32>
    %get3A_4 = arith.constant 0 : index
    %get3A_5 = arith.constant 0 : index
    %get3A_6 = arith.constant 0 : index
    %get3A_7 = vector.load %arg3[%get3A_4, %get3A_5, %get3A_6] : memref<1x3x4096xf32, #tpu.memory_space<vmem>>, vector<1x3x4096xf32>
    %get3A_8 = vector.shape_cast %get3A_7 : vector<1x3x4096xf32> to vector<3x4096xf32>
    %mul3A = arith.mulf %get3A_3, %get3A_3 : vector<256x3xf32>
    %reduce_sum3A = arith.constant dense<0.000000e+00> : vector<256xf32>
    %reduce_sum3A_9 = vector.multi_reduction <add>, %mul3A, %reduce_sum3A [1] : vector<256x3xf32> to vector<256xf32>
    %broadcast_in_dim3A = vector.shape_cast %reduce_sum3A_9 : vector<256xf32> to vector<256x1xf32>
    %mul3A_10 = arith.mulf %get3A_8, %get3A_8 : vector<3x4096xf32>
    %reduce_sum3A_11 = arith.constant dense<0.000000e+00> : vector<4096xf32>
    %reduce_sum3A_12 = vector.multi_reduction <add>, %mul3A_10, %reduce_sum3A_11 [0] : vector<3x4096xf32> to vector<4096xf32>
    %broadcast_in_dim3A_13 = vector.shape_cast %reduce_sum3A_12 : vector<4096xf32> to vector<1x4096xf32>
    %dot_general3A = arith.constant dense<0.000000e+00> : vector<256x4096xf32>
    %dot_general3A_14 = tpu.matmul %get3A_3, %get3A_8, %dot_general3A {dimension_numbers = #tpu.dot_dimension_numbers<[1], [0], [0], [1], [0, 0, 1, 1], [], []>, transpose_lhs_hint = false} : vector<256x3xf32>, vector<3x4096xf32>, vector<256x4096xf32> -> vector<256x4096xf32>
    %mul3A_15 = arith.constant 2.000000e+00 : f32
    %mul3A_16 = vector.broadcast %mul3A_15 : f32 to vector<256x4096xf32>
    %mul3A_17 = arith.mulf %mul3A_16, %dot_general3A_14 : vector<256x4096xf32>
    %sub3A = vector.broadcast %broadcast_in_dim3A : vector<256x1xf32> to vector<256x4096xf32>
    %sub3A_18 = arith.subf %sub3A, %mul3A_17 : vector<256x4096xf32>
    %add3A = vector.broadcast %broadcast_in_dim3A_13 : vector<1x4096xf32> to vector<256x4096xf32>
    %add3A_19 = arith.addf %sub3A_18, %add3A : vector<256x4096xf32>
    %iota3A = tpu.iota {dimensions = array<i32: 1>} : vector<256x4096xi32>
    %iota3A_20 = tpu.iota {dimensions = array<i32: 1>} : vector<256x16xi32>
    %broadcast_in_dim3A_21 = arith.constant 0 : i32
    %broadcast_in_dim3A_22 = vector.broadcast %broadcast_in_dim3A_21 : i32 to vector<256x16xi32>
    %scan3A = arith.constant 1073741824 : i32
    %scan3A_23 = arith.constant 0x7F800000 : f32
    %scan3A_24 = arith.constant 0 : i32
    %scan3A_25 = arith.constant 16 : i32
    %scan3A_26 = arith.addi %scan3A_24, %scan3A_25 : i32
    %scan3A_27 = arith.constant 1 : i32
    %scan3A_28:2 = scf.for %scan3A_39 = %scan3A_24 to %scan3A_26 step %scan3A_27 iter_args(%scan3A_40 = %add3A_19, %scan3A_41 = %broadcast_in_dim3A_22) -> (vector<256x4096xf32>, vector<256x16xi32>)  : i32 {
      %reduce_min3A = arith.constant dense<0x7F800000> : vector<256xf32>
      %reduce_min3A_42 = vector.multi_reduction <minimumf>, %scan3A_40, %reduce_min3A [1] : vector<256x4096xf32> to vector<256xf32>
      %broadcast_in_dim3A_43 = vector.shape_cast %reduce_min3A_42 : vector<256xf32> to vector<256x1xf32>
      %le3A = vector.broadcast %broadcast_in_dim3A_43 : vector<256x1xf32> to vector<256x4096xf32>
      %le3A_44 = arith.cmpf ole, %scan3A_40, %le3A : vector<256x4096xf32>
      %broadcast_in_dim3A_45 = vector.broadcast %scan3A : i32 to vector<256x4096xi32>
      %select_n3A = arith.select %le3A_44, %iota3A, %broadcast_in_dim3A_45 : vector<256x4096xi1>, vector<256x4096xi32>
      %reduce_min3A_46 = arith.constant dense<2147483647> : vector<256xi32>
      %reduce_min3A_47 = vector.multi_reduction <minsi>, %select_n3A, %reduce_min3A_46 [1] : vector<256x4096xi32> to vector<256xi32>
      %broadcast_in_dim3A_48 = vector.shape_cast %reduce_min3A_47 : vector<256xi32> to vector<256x1xi32>
      %eq3A = vector.broadcast %scan3A_39 : i32 to vector<256x16xi32>
      %eq3A_49 = arith.cmpi eq, %iota3A_20, %eq3A : vector<256x16xi32>
      %broadcast_in_dim3A_50 = vector.shape_cast %broadcast_in_dim3A_48 : vector<256x1xi32> to vector<256x1xi32>
      %broadcast_in_dim3A_51 = vector.broadcast %broadcast_in_dim3A_50 : vector<256x1xi32> to vector<256x16xi32>
      %select_n3A_52 = arith.select %eq3A_49, %broadcast_in_dim3A_51, %scan3A_41 : vector<256x16xi1>, vector<256x16xi32>
      %eq3A_53 = vector.broadcast %broadcast_in_dim3A_48 : vector<256x1xi32> to vector<256x4096xi32>
      %eq3A_54 = arith.cmpi eq, %iota3A, %eq3A_53 : vector<256x4096xi32>
      %broadcast_in_dim3A_55 = vector.broadcast %scan3A_23 : f32 to vector<256x4096xf32>
      %select_n3A_56 = arith.select %eq3A_54, %broadcast_in_dim3A_55, %scan3A_40 : vector<256x4096xi1>, vector<256x4096xf32>
      scf.yield %select_n3A_56, %select_n3A_52 : vector<256x4096xf32>, vector<256x16xi32>
    }
    %scan3A_29 = arith.constant 16 : i32
    %mul3A_30 = arith.constant 4096 : i32
    %mul3A_31 = arith.muli %arg0, %mul3A_30 : i32
    %add3A_32 = vector.broadcast %mul3A_31 : i32 to vector<256x16xi32>
    %add3A_33 = arith.addi %scan3A_28#1, %add3A_32 : vector<256x16xi32>
    %swap3A = arith.constant 0 : index
    %swap3A_34 = arith.constant 0 : index
    %swap3A_35 = arith.constant 0 : index
    %swap3A_36 = vector.load %arg4[%swap3A, %swap3A_34, %swap3A_35] : memref<1x256x16xi32, #tpu.memory_space<vmem>>, vector<1x256x16xi32>
    %swap3A_37 = vector.shape_cast %swap3A_36 : vector<1x256x16xi32> to vector<256x16xi32>
    %swap3A_38 = vector.shape_cast %add3A_33 : vector<256x16xi32> to vector<1x256x16xi32>
    tpu.vector_store %arg4[%swap3A, %swap3A_34, %swap3A_35], %swap3A_38 {strides = array<i32>} : memref<1x256x16xi32, #tpu.memory_space<vmem>>, vector<1x256x16xi32>,
    return
  }
  func.func @transform_0(%arg0: i32, %arg1: i32) -> (i32, i32, i32) {
    %c0_i32 = arith.constant 0 : i32
    %c0_i32_0 = arith.constant 0 : i32
    return %arg0, %arg1, %c0_i32 : i32, i32, i32
  }
  func.func @transform_1(%arg0: i32, %arg1: i32) -> (i32, i32, i32) {
    %c0_i32 = arith.constant 0 : i32
    %c0_i32_0 = arith.constant 0 : i32
    %c0_i32_1 = arith.constant 0 : i32
    return %arg0, %c0_i32, %c0_i32_0 : i32, i32, i32
  }
  func.func @transform_2(%arg0: i32, %arg1: i32) -> (i32, i32, i32) {
    %c0_i32 = arith.constant 0 : i32
    %c0_i32_0 = arith.constant 0 : i32
    return %arg0, %arg1, %c0_i32 : i32, i32, i32
  }
}

module attributes {stable_mosaic.version = 14 : i64} {
  func.func @_conv_body(%arg0: i32, %arg1: i32, %arg2: memref<1x256x256xf32, #tpu.memory_space<vmem>>, %arg3: memref<1x256x8xf32, #tpu.memory_space<vmem>>, %arg4: memref<16x32xf32, #tpu.memory_space<vmem>>, %arg5: memref<1x256x32xf32, #tpu.memory_space<vmem>>, %arg6: memref<1x256x32xf32, #tpu.memory_space<vmem>>, %arg7: memref<1x8x32xf32, #tpu.memory_space<vmem>>) attributes {dimension_semantics = [#tpu.dimension_semantics<arbitrary>, #tpu.dimension_semantics<arbitrary>], iteration_bounds = array<i64: 4, 16>, scalar_prefetch = 0 : i64, scratch_operands = 0 : i64, tpu.core_type = #tpu.core_type<tc>, window_params = [{transform_indices = @transform_0, window_bounds = array<i64: 1, 256, 256>}, {transform_indices = @transform_1, window_bounds = array<i64: 1, 256, 8>}, {pipeline_mode = #tpu.pipeline_mode<synchronous>, transform_indices = @transform_2, window_bounds = array<i64: 16, 32>}, {transform_indices = @transform_3, window_bounds = array<i64: 1, 256, 32>}, {transform_indices = @transform_4, window_bounds = array<i64: 1, 256, 32>}, {transform_indices = @transform_5, window_bounds = array<i64: 1, 8, 32>}]} {
    %get3A = arith.constant 0 : index
    %get3A_0 = arith.constant 0 : index
    %get3A_1 = arith.constant 0 : index
    %get3A_2 = vector.load %arg3[%get3A, %get3A_0, %get3A_1] : memref<1x256x8xf32, #tpu.memory_space<vmem>>, vector<1x256x8xf32>
    %get3A_3 = vector.shape_cast %get3A_2 : vector<1x256x8xf32> to vector<256x8xf32>
    %get3A_4 = arith.constant 0 : index
    %get3A_5 = arith.constant 0 : index
    %get3A_6 = vector.load %arg4[%get3A_4, %get3A_5] : memref<16x32xf32, #tpu.memory_space<vmem>>, vector<16x32xf32>
    %neg3A = arith.constant 0.000000e+00 : f32
    %neg3A_7 = arith.constant 0x7F800000 : f32
    %neg3A_8 = arith.subf %neg3A, %neg3A_7 : f32
    %broadcast_in_dim3A = vector.broadcast %neg3A_8 : f32 to vector<256x32xf32>
    %broadcast_in_dim3A_9 = arith.constant 0x7F800000 : f32
    %broadcast_in_dim3A_10 = vector.broadcast %broadcast_in_dim3A_9 : f32 to vector<256x32xf32>
    %broadcast_in_dim3A_11 = arith.constant 0.000000e+00 : f32
    %broadcast_in_dim3A_12 = vector.broadcast %broadcast_in_dim3A_11 : f32 to vector<1x32xf32>
    %broadcast_in_dim3A_13 = arith.constant 0.000000e+00 : f32
    %broadcast_in_dim3A_14 = vector.broadcast %broadcast_in_dim3A_13 : f32 to vector<1x32xf32>
    %get3A_15 = arith.constant 0 : index
    %get3A_16 = arith.constant 0 : index
    %get3A_17 = arith.constant 0 : index
    %get3A_18 = vector.load %arg2[%get3A_15, %get3A_16, %get3A_17] : memref<1x256x256xf32, #tpu.memory_space<vmem>>, vector<1x256x256xf32>
    %get3A_19 = vector.shape_cast %get3A_18 : vector<1x256x256xf32> to vector<256x256xf32>
    %slice3A = vector.extract_strided_slice %get3A_19 {offsets = [0, 0], sizes = [256, 8], strides = [1, 1]} : vector<256x256xf32> to vector<256x8xf32>
    %sub3A = arith.subf %slice3A, %get3A_3 : vector<256x8xf32>
    %concatenate3A = tpu.concatenate %sub3A, %get3A_3 in 1 : vector<256x8xf32>, vector<256x8xf32> -> vector<256x16xf32>
    %dot_general3A = arith.constant dense<0.000000e+00> : vector<256x32xf32>
    %dot_general3A_20 = tpu.matmul %concatenate3A, %get3A_6, %dot_general3A {dimension_numbers = #tpu.dot_dimension_numbers<[1], [0], [0], [1], [0, 0, 1, 1], [], []>, transpose_lhs_hint = false} : vector<256x16xf32>, vector<16x32xf32>, vector<256x32xf32> -> vector<256x32xf32>
    %max3A = arith.maximumf %broadcast_in_dim3A, %dot_general3A_20 : vector<256x32xf32>
    %min3A = arith.minimumf %broadcast_in_dim3A_10, %dot_general3A_20 : vector<256x32xf32>
    %reduce_sum3A = arith.constant dense<0.000000e+00> : vector<32xf32>
    %reduce_sum3A_21 = vector.multi_reduction <add>, %dot_general3A_20, %reduce_sum3A [0] : vector<256x32xf32> to vector<32xf32>
    %broadcast_in_dim3A_22 = vector.shape_cast %reduce_sum3A_21 : vector<32xf32> to vector<1x32xf32>
    %add3A = arith.addf %broadcast_in_dim3A_12, %broadcast_in_dim3A_22 : vector<1x32xf32>
    %mul3A = arith.mulf %dot_general3A_20, %dot_general3A_20 : vector<256x32xf32>
    %reduce_sum3A_23 = arith.constant dense<0.000000e+00> : vector<32xf32>
    %reduce_sum3A_24 = vector.multi_reduction <add>, %mul3A, %reduce_sum3A_23 [0] : vector<256x32xf32> to vector<32xf32>
    %broadcast_in_dim3A_25 = vector.shape_cast %reduce_sum3A_24 : vector<32xf32> to vector<1x32xf32>
    %add3A_26 = arith.addf %broadcast_in_dim3A_14, %broadcast_in_dim3A_25 : vector<1x32xf32>
    %get3A_27 = arith.constant 0 : index
    %get3A_28 = arith.constant 0 : index
    %get3A_29 = arith.constant 0 : index
    %get3A_30 = vector.load %arg2[%get3A_27, %get3A_28, %get3A_29] : memref<1x256x256xf32, #tpu.memory_space<vmem>>, vector<1x256x256xf32>
    %get3A_31 = vector.shape_cast %get3A_30 : vector<1x256x256xf32> to vector<256x256xf32>
    %slice3A_32 = vector.extract_strided_slice %get3A_31 {offsets = [0, 16], sizes = [256, 8], strides = [1, 1]} : vector<256x256xf32> to vector<256x8xf32>
    %sub3A_33 = arith.subf %slice3A_32, %get3A_3 : vector<256x8xf32>
    %concatenate3A_34 = tpu.concatenate %sub3A_33, %get3A_3 in 1 : vector<256x8xf32>, vector<256x8xf32> -> vector<256x16xf32>
    %dot_general3A_35 = arith.constant dense<0.000000e+00> : vector<256x32xf32>
    %dot_general3A_36 = tpu.matmul %concatenate3A_34, %get3A_6, %dot_general3A_35 {dimension_numbers = #tpu.dot_dimension_numbers<[1], [0], [0], [1], [0, 0, 1, 1], [], []>, transpose_lhs_hint = false} : vector<256x16xf32>, vector<16x32xf32>, vector<256x32xf32> -> vector<256x32xf32>
    %max3A_37 = arith.maximumf %max3A, %dot_general3A_36 : vector<256x32xf32>
    %min3A_38 = arith.minimumf %min3A, %dot_general3A_36 : vector<256x32xf32>
    %reduce_sum3A_39 = arith.constant dense<0.000000e+00> : vector<32xf32>
    %reduce_sum3A_40 = vector.multi_reduction <add>, %dot_general3A_36, %reduce_sum3A_39 [0] : vector<256x32xf32> to vector<32xf32>
    %broadcast_in_dim3A_41 = vector.shape_cast %reduce_sum3A_40 : vector<32xf32> to vector<1x32xf32>
    %add3A_42 = arith.addf %add3A, %broadcast_in_dim3A_41 : vector<1x32xf32>
    %mul3A_43 = arith.mulf %dot_general3A_36, %dot_general3A_36 : vector<256x32xf32>
    %reduce_sum3A_44 = arith.constant dense<0.000000e+00> : vector<32xf32>
    %reduce_sum3A_45 = vector.multi_reduction <add>, %mul3A_43, %reduce_sum3A_44 [0] : vector<256x32xf32> to vector<32xf32>
    %broadcast_in_dim3A_46 = vector.shape_cast %reduce_sum3A_45 : vector<32xf32> to vector<1x32xf32>
    %add3A_47 = arith.addf %add3A_26, %broadcast_in_dim3A_46 : vector<1x32xf32>
    %get3A_48 = arith.constant 0 : index
    %get3A_49 = arith.constant 0 : index
    %get3A_50 = arith.constant 0 : index
    %get3A_51 = vector.load %arg2[%get3A_48, %get3A_49, %get3A_50] : memref<1x256x256xf32, #tpu.memory_space<vmem>>, vector<1x256x256xf32>
    %get3A_52 = vector.shape_cast %get3A_51 : vector<1x256x256xf32> to vector<256x256xf32>
    %slice3A_53 = vector.extract_strided_slice %get3A_52 {offsets = [0, 32], sizes = [256, 8], strides = [1, 1]} : vector<256x256xf32> to vector<256x8xf32>
    %sub3A_54 = arith.subf %slice3A_53, %get3A_3 : vector<256x8xf32>
    %concatenate3A_55 = tpu.concatenate %sub3A_54, %get3A_3 in 1 : vector<256x8xf32>, vector<256x8xf32> -> vector<256x16xf32>
    %dot_general3A_56 = arith.constant dense<0.000000e+00> : vector<256x32xf32>
    %dot_general3A_57 = tpu.matmul %concatenate3A_55, %get3A_6, %dot_general3A_56 {dimension_numbers = #tpu.dot_dimension_numbers<[1], [0], [0], [1], [0, 0, 1, 1], [], []>, transpose_lhs_hint = false} : vector<256x16xf32>, vector<16x32xf32>, vector<256x32xf32> -> vector<256x32xf32>
    %max3A_58 = arith.maximumf %max3A_37, %dot_general3A_57 : vector<256x32xf32>
    %min3A_59 = arith.minimumf %min3A_38, %dot_general3A_57 : vector<256x32xf32>
    %reduce_sum3A_60 = arith.constant dense<0.000000e+00> : vector<32xf32>
    %reduce_sum3A_61 = vector.multi_reduction <add>, %dot_general3A_57, %reduce_sum3A_60 [0] : vector<256x32xf32> to vector<32xf32>
    %broadcast_in_dim3A_62 = vector.shape_cast %reduce_sum3A_61 : vector<32xf32> to vector<1x32xf32>
    %add3A_63 = arith.addf %add3A_42, %broadcast_in_dim3A_62 : vector<1x32xf32>
    %mul3A_64 = arith.mulf %dot_general3A_57, %dot_general3A_57 : vector<256x32xf32>
    %reduce_sum3A_65 = arith.constant dense<0.000000e+00> : vector<32xf32>
    %reduce_sum3A_66 = vector.multi_reduction <add>, %mul3A_64, %reduce_sum3A_65 [0] : vector<256x32xf32> to vector<32xf32>
    %broadcast_in_dim3A_67 = vector.shape_cast %reduce_sum3A_66 : vector<32xf32> to vector<1x32xf32>
    %add3A_68 = arith.addf %add3A_47, %broadcast_in_dim3A_67 : vector<1x32xf32>
    %get3A_69 = arith.constant 0 : index
    %get3A_70 = arith.constant 0 : index
    %get3A_71 = arith.constant 0 : index
    %get3A_72 = vector.load %arg2[%get3A_69, %get3A_70, %get3A_71] : memref<1x256x256xf32, #tpu.memory_space<vmem>>, vector<1x256x256xf32>
    %get3A_73 = vector.shape_cast %get3A_72 : vector<1x256x256xf32> to vector<256x256xf32>
    %slice3A_74 = vector.extract_strided_slice %get3A_73 {offsets = [0, 48], sizes = [256, 8], strides = [1, 1]} : vector<256x256xf32> to vector<256x8xf32>
    %sub3A_75 = arith.subf %slice3A_74, %get3A_3 : vector<256x8xf32>
    %concatenate3A_76 = tpu.concatenate %sub3A_75, %get3A_3 in 1 : vector<256x8xf32>, vector<256x8xf32> -> vector<256x16xf32>
    %dot_general3A_77 = arith.constant dense<0.000000e+00> : vector<256x32xf32>
    %dot_general3A_78 = tpu.matmul %concatenate3A_76, %get3A_6, %dot_general3A_77 {dimension_numbers = #tpu.dot_dimension_numbers<[1], [0], [0], [1], [0, 0, 1, 1], [], []>, transpose_lhs_hint = false} : vector<256x16xf32>, vector<16x32xf32>, vector<256x32xf32> -> vector<256x32xf32>
    %max3A_79 = arith.maximumf %max3A_58, %dot_general3A_78 : vector<256x32xf32>
    %min3A_80 = arith.minimumf %min3A_59, %dot_general3A_78 : vector<256x32xf32>
    %reduce_sum3A_81 = arith.constant dense<0.000000e+00> : vector<32xf32>
    %reduce_sum3A_82 = vector.multi_reduction <add>, %dot_general3A_78, %reduce_sum3A_81 [0] : vector<256x32xf32> to vector<32xf32>
    %broadcast_in_dim3A_83 = vector.shape_cast %reduce_sum3A_82 : vector<32xf32> to vector<1x32xf32>
    %add3A_84 = arith.addf %add3A_63, %broadcast_in_dim3A_83 : vector<1x32xf32>
    %mul3A_85 = arith.mulf %dot_general3A_78, %dot_general3A_78 : vector<256x32xf32>
    %reduce_sum3A_86 = arith.constant dense<0.000000e+00> : vector<32xf32>
    %reduce_sum3A_87 = vector.multi_reduction <add>, %mul3A_85, %reduce_sum3A_86 [0] : vector<256x32xf32> to vector<32xf32>
    %broadcast_in_dim3A_88 = vector.shape_cast %reduce_sum3A_87 : vector<32xf32> to vector<1x32xf32>
    %add3A_89 = arith.addf %add3A_68, %broadcast_in_dim3A_88 : vector<1x32xf32>
    %get3A_90 = arith.constant 0 : index
    %get3A_91 = arith.constant 0 : index
    %get3A_92 = arith.constant 0 : index
    %get3A_93 = vector.load %arg2[%get3A_90, %get3A_91, %get3A_92] : memref<1x256x256xf32, #tpu.memory_space<vmem>>, vector<1x256x256xf32>
    %get3A_94 = vector.shape_cast %get3A_93 : vector<1x256x256xf32> to vector<256x256xf32>
    %slice3A_95 = vector.extract_strided_slice %get3A_94 {offsets = [0, 64], sizes = [256, 8], strides = [1, 1]} : vector<256x256xf32> to vector<256x8xf32>
    %sub3A_96 = arith.subf %slice3A_95, %get3A_3 : vector<256x8xf32>
    %concatenate3A_97 = tpu.concatenate %sub3A_96, %get3A_3 in 1 : vector<256x8xf32>, vector<256x8xf32> -> vector<256x16xf32>
    %dot_general3A_98 = arith.constant dense<0.000000e+00> : vector<256x32xf32>
    %dot_general3A_99 = tpu.matmul %concatenate3A_97, %get3A_6, %dot_general3A_98 {dimension_numbers = #tpu.dot_dimension_numbers<[1], [0], [0], [1], [0, 0, 1, 1], [], []>, transpose_lhs_hint = false} : vector<256x16xf32>, vector<16x32xf32>, vector<256x32xf32> -> vector<256x32xf32>
    %max3A_100 = arith.maximumf %max3A_79, %dot_general3A_99 : vector<256x32xf32>
    %min3A_101 = arith.minimumf %min3A_80, %dot_general3A_99 : vector<256x32xf32>
    %reduce_sum3A_102 = arith.constant dense<0.000000e+00> : vector<32xf32>
    %reduce_sum3A_103 = vector.multi_reduction <add>, %dot_general3A_99, %reduce_sum3A_102 [0] : vector<256x32xf32> to vector<32xf32>
    %broadcast_in_dim3A_104 = vector.shape_cast %reduce_sum3A_103 : vector<32xf32> to vector<1x32xf32>
    %add3A_105 = arith.addf %add3A_84, %broadcast_in_dim3A_104 : vector<1x32xf32>
    %mul3A_106 = arith.mulf %dot_general3A_99, %dot_general3A_99 : vector<256x32xf32>
    %reduce_sum3A_107 = arith.constant dense<0.000000e+00> : vector<32xf32>
    %reduce_sum3A_108 = vector.multi_reduction <add>, %mul3A_106, %reduce_sum3A_107 [0] : vector<256x32xf32> to vector<32xf32>
    %broadcast_in_dim3A_109 = vector.shape_cast %reduce_sum3A_108 : vector<32xf32> to vector<1x32xf32>
    %add3A_110 = arith.addf %add3A_89, %broadcast_in_dim3A_109 : vector<1x32xf32>
    %get3A_111 = arith.constant 0 : index
    %get3A_112 = arith.constant 0 : index
    %get3A_113 = arith.constant 0 : index
    %get3A_114 = vector.load %arg2[%get3A_111, %get3A_112, %get3A_113] : memref<1x256x256xf32, #tpu.memory_space<vmem>>, vector<1x256x256xf32>
    %get3A_115 = vector.shape_cast %get3A_114 : vector<1x256x256xf32> to vector<256x256xf32>
    %slice3A_116 = vector.extract_strided_slice %get3A_115 {offsets = [0, 80], sizes = [256, 8], strides = [1, 1]} : vector<256x256xf32> to vector<256x8xf32>
    %sub3A_117 = arith.subf %slice3A_116, %get3A_3 : vector<256x8xf32>
    %concatenate3A_118 = tpu.concatenate %sub3A_117, %get3A_3 in 1 : vector<256x8xf32>, vector<256x8xf32> -> vector<256x16xf32>
    %dot_general3A_119 = arith.constant dense<0.000000e+00> : vector<256x32xf32>
    %dot_general3A_120 = tpu.matmul %concatenate3A_118, %get3A_6, %dot_general3A_119 {dimension_numbers = #tpu.dot_dimension_numbers<[1], [0], [0], [1], [0, 0, 1, 1], [], []>, transpose_lhs_hint = false} : vector<256x16xf32>, vector<16x32xf32>, vector<256x32xf32> -> vector<256x32xf32>
    %max3A_121 = arith.maximumf %max3A_100, %dot_general3A_120 : vector<256x32xf32>
    %min3A_122 = arith.minimumf %min3A_101, %dot_general3A_120 : vector<256x32xf32>
    %reduce_sum3A_123 = arith.constant dense<0.000000e+00> : vector<32xf32>
    %reduce_sum3A_124 = vector.multi_reduction <add>, %dot_general3A_120, %reduce_sum3A_123 [0] : vector<256x32xf32> to vector<32xf32>
    %broadcast_in_dim3A_125 = vector.shape_cast %reduce_sum3A_124 : vector<32xf32> to vector<1x32xf32>
    %add3A_126 = arith.addf %add3A_105, %broadcast_in_dim3A_125 : vector<1x32xf32>
    %mul3A_127 = arith.mulf %dot_general3A_120, %dot_general3A_120 : vector<256x32xf32>
    %reduce_sum3A_128 = arith.constant dense<0.000000e+00> : vector<32xf32>
    %reduce_sum3A_129 = vector.multi_reduction <add>, %mul3A_127, %reduce_sum3A_128 [0] : vector<256x32xf32> to vector<32xf32>
    %broadcast_in_dim3A_130 = vector.shape_cast %reduce_sum3A_129 : vector<32xf32> to vector<1x32xf32>
    %add3A_131 = arith.addf %add3A_110, %broadcast_in_dim3A_130 : vector<1x32xf32>
    %get3A_132 = arith.constant 0 : index
    %get3A_133 = arith.constant 0 : index
    %get3A_134 = arith.constant 0 : index
    %get3A_135 = vector.load %arg2[%get3A_132, %get3A_133, %get3A_134] : memref<1x256x256xf32, #tpu.memory_space<vmem>>, vector<1x256x256xf32>
    %get3A_136 = vector.shape_cast %get3A_135 : vector<1x256x256xf32> to vector<256x256xf32>
    %slice3A_137 = vector.extract_strided_slice %get3A_136 {offsets = [0, 96], sizes = [256, 8], strides = [1, 1]} : vector<256x256xf32> to vector<256x8xf32>
    %sub3A_138 = arith.subf %slice3A_137, %get3A_3 : vector<256x8xf32>
    %concatenate3A_139 = tpu.concatenate %sub3A_138, %get3A_3 in 1 : vector<256x8xf32>, vector<256x8xf32> -> vector<256x16xf32>
    %dot_general3A_140 = arith.constant dense<0.000000e+00> : vector<256x32xf32>
    %dot_general3A_141 = tpu.matmul %concatenate3A_139, %get3A_6, %dot_general3A_140 {dimension_numbers = #tpu.dot_dimension_numbers<[1], [0], [0], [1], [0, 0, 1, 1], [], []>, transpose_lhs_hint = false} : vector<256x16xf32>, vector<16x32xf32>, vector<256x32xf32> -> vector<256x32xf32>
    %max3A_142 = arith.maximumf %max3A_121, %dot_general3A_141 : vector<256x32xf32>
    %min3A_143 = arith.minimumf %min3A_122, %dot_general3A_141 : vector<256x32xf32>
    %reduce_sum3A_144 = arith.constant dense<0.000000e+00> : vector<32xf32>
    %reduce_sum3A_145 = vector.multi_reduction <add>, %dot_general3A_141, %reduce_sum3A_144 [0] : vector<256x32xf32> to vector<32xf32>
    %broadcast_in_dim3A_146 = vector.shape_cast %reduce_sum3A_145 : vector<32xf32> to vector<1x32xf32>
    %add3A_147 = arith.addf %add3A_126, %broadcast_in_dim3A_146 : vector<1x32xf32>
    %mul3A_148 = arith.mulf %dot_general3A_141, %dot_general3A_141 : vector<256x32xf32>
    %reduce_sum3A_149 = arith.constant dense<0.000000e+00> : vector<32xf32>
    %reduce_sum3A_150 = vector.multi_reduction <add>, %mul3A_148, %reduce_sum3A_149 [0] : vector<256x32xf32> to vector<32xf32>
    %broadcast_in_dim3A_151 = vector.shape_cast %reduce_sum3A_150 : vector<32xf32> to vector<1x32xf32>
    %add3A_152 = arith.addf %add3A_131, %broadcast_in_dim3A_151 : vector<1x32xf32>
    %get3A_153 = arith.constant 0 : index
    %get3A_154 = arith.constant 0 : index
    %get3A_155 = arith.constant 0 : index
    %get3A_156 = vector.load %arg2[%get3A_153, %get3A_154, %get3A_155] : memref<1x256x256xf32, #tpu.memory_space<vmem>>, vector<1x256x256xf32>
    %get3A_157 = vector.shape_cast %get3A_156 : vector<1x256x256xf32> to vector<256x256xf32>
    %slice3A_158 = vector.extract_strided_slice %get3A_157 {offsets = [0, 112], sizes = [256, 8], strides = [1, 1]} : vector<256x256xf32> to vector<256x8xf32>
    %sub3A_159 = arith.subf %slice3A_158, %get3A_3 : vector<256x8xf32>
    %concatenate3A_160 = tpu.concatenate %sub3A_159, %get3A_3 in 1 : vector<256x8xf32>, vector<256x8xf32> -> vector<256x16xf32>
    %dot_general3A_161 = arith.constant dense<0.000000e+00> : vector<256x32xf32>
    %dot_general3A_162 = tpu.matmul %concatenate3A_160, %get3A_6, %dot_general3A_161 {dimension_numbers = #tpu.dot_dimension_numbers<[1], [0], [0], [1], [0, 0, 1, 1], [], []>, transpose_lhs_hint = false} : vector<256x16xf32>, vector<16x32xf32>, vector<256x32xf32> -> vector<256x32xf32>
    %max3A_163 = arith.maximumf %max3A_142, %dot_general3A_162 : vector<256x32xf32>
    %min3A_164 = arith.minimumf %min3A_143, %dot_general3A_162 : vector<256x32xf32>
    %reduce_sum3A_165 = arith.constant dense<0.000000e+00> : vector<32xf32>
    %reduce_sum3A_166 = vector.multi_reduction <add>, %dot_general3A_162, %reduce_sum3A_165 [0] : vector<256x32xf32> to vector<32xf32>
    %broadcast_in_dim3A_167 = vector.shape_cast %reduce_sum3A_166 : vector<32xf32> to vector<1x32xf32>
    %add3A_168 = arith.addf %add3A_147, %broadcast_in_dim3A_167 : vector<1x32xf32>
    %mul3A_169 = arith.mulf %dot_general3A_162, %dot_general3A_162 : vector<256x32xf32>
    %reduce_sum3A_170 = arith.constant dense<0.000000e+00> : vector<32xf32>
    %reduce_sum3A_171 = vector.multi_reduction <add>, %mul3A_169, %reduce_sum3A_170 [0] : vector<256x32xf32> to vector<32xf32>
    %broadcast_in_dim3A_172 = vector.shape_cast %reduce_sum3A_171 : vector<32xf32> to vector<1x32xf32>
    %add3A_173 = arith.addf %add3A_152, %broadcast_in_dim3A_172 : vector<1x32xf32>
    %get3A_174 = arith.constant 0 : index
    %get3A_175 = arith.constant 0 : index
    %get3A_176 = arith.constant 0 : index
    %get3A_177 = vector.load %arg2[%get3A_174, %get3A_175, %get3A_176] : memref<1x256x256xf32, #tpu.memory_space<vmem>>, vector<1x256x256xf32>
    %get3A_178 = vector.shape_cast %get3A_177 : vector<1x256x256xf32> to vector<256x256xf32>
    %slice3A_179 = vector.extract_strided_slice %get3A_178 {offsets = [0, 128], sizes = [256, 8], strides = [1, 1]} : vector<256x256xf32> to vector<256x8xf32>
    %sub3A_180 = arith.subf %slice3A_179, %get3A_3 : vector<256x8xf32>
    %concatenate3A_181 = tpu.concatenate %sub3A_180, %get3A_3 in 1 : vector<256x8xf32>, vector<256x8xf32> -> vector<256x16xf32>
    %dot_general3A_182 = arith.constant dense<0.000000e+00> : vector<256x32xf32>
    %dot_general3A_183 = tpu.matmul %concatenate3A_181, %get3A_6, %dot_general3A_182 {dimension_numbers = #tpu.dot_dimension_numbers<[1], [0], [0], [1], [0, 0, 1, 1], [], []>, transpose_lhs_hint = false} : vector<256x16xf32>, vector<16x32xf32>, vector<256x32xf32> -> vector<256x32xf32>
    %max3A_184 = arith.maximumf %max3A_163, %dot_general3A_183 : vector<256x32xf32>
    %min3A_185 = arith.minimumf %min3A_164, %dot_general3A_183 : vector<256x32xf32>
    %reduce_sum3A_186 = arith.constant dense<0.000000e+00> : vector<32xf32>
    %reduce_sum3A_187 = vector.multi_reduction <add>, %dot_general3A_183, %reduce_sum3A_186 [0] : vector<256x32xf32> to vector<32xf32>
    %broadcast_in_dim3A_188 = vector.shape_cast %reduce_sum3A_187 : vector<32xf32> to vector<1x32xf32>
    %add3A_189 = arith.addf %add3A_168, %broadcast_in_dim3A_188 : vector<1x32xf32>
    %mul3A_190 = arith.mulf %dot_general3A_183, %dot_general3A_183 : vector<256x32xf32>
    %reduce_sum3A_191 = arith.constant dense<0.000000e+00> : vector<32xf32>
    %reduce_sum3A_192 = vector.multi_reduction <add>, %mul3A_190, %reduce_sum3A_191 [0] : vector<256x32xf32> to vector<32xf32>
    %broadcast_in_dim3A_193 = vector.shape_cast %reduce_sum3A_192 : vector<32xf32> to vector<1x32xf32>
    %add3A_194 = arith.addf %add3A_173, %broadcast_in_dim3A_193 : vector<1x32xf32>
    %get3A_195 = arith.constant 0 : index
    %get3A_196 = arith.constant 0 : index
    %get3A_197 = arith.constant 0 : index
    %get3A_198 = vector.load %arg2[%get3A_195, %get3A_196, %get3A_197] : memref<1x256x256xf32, #tpu.memory_space<vmem>>, vector<1x256x256xf32>
    %get3A_199 = vector.shape_cast %get3A_198 : vector<1x256x256xf32> to vector<256x256xf32>
    %slice3A_200 = vector.extract_strided_slice %get3A_199 {offsets = [0, 144], sizes = [256, 8], strides = [1, 1]} : vector<256x256xf32> to vector<256x8xf32>
    %sub3A_201 = arith.subf %slice3A_200, %get3A_3 : vector<256x8xf32>
    %concatenate3A_202 = tpu.concatenate %sub3A_201, %get3A_3 in 1 : vector<256x8xf32>, vector<256x8xf32> -> vector<256x16xf32>
    %dot_general3A_203 = arith.constant dense<0.000000e+00> : vector<256x32xf32>
    %dot_general3A_204 = tpu.matmul %concatenate3A_202, %get3A_6, %dot_general3A_203 {dimension_numbers = #tpu.dot_dimension_numbers<[1], [0], [0], [1], [0, 0, 1, 1], [], []>, transpose_lhs_hint = false} : vector<256x16xf32>, vector<16x32xf32>, vector<256x32xf32> -> vector<256x32xf32>
    %max3A_205 = arith.maximumf %max3A_184, %dot_general3A_204 : vector<256x32xf32>
    %min3A_206 = arith.minimumf %min3A_185, %dot_general3A_204 : vector<256x32xf32>
    %reduce_sum3A_207 = arith.constant dense<0.000000e+00> : vector<32xf32>
    %reduce_sum3A_208 = vector.multi_reduction <add>, %dot_general3A_204, %reduce_sum3A_207 [0] : vector<256x32xf32> to vector<32xf32>
    %broadcast_in_dim3A_209 = vector.shape_cast %reduce_sum3A_208 : vector<32xf32> to vector<1x32xf32>
    %add3A_210 = arith.addf %add3A_189, %broadcast_in_dim3A_209 : vector<1x32xf32>
    %mul3A_211 = arith.mulf %dot_general3A_204, %dot_general3A_204 : vector<256x32xf32>
    %reduce_sum3A_212 = arith.constant dense<0.000000e+00> : vector<32xf32>
    %reduce_sum3A_213 = vector.multi_reduction <add>, %mul3A_211, %reduce_sum3A_212 [0] : vector<256x32xf32> to vector<32xf32>
    %broadcast_in_dim3A_214 = vector.shape_cast %reduce_sum3A_213 : vector<32xf32> to vector<1x32xf32>
    %add3A_215 = arith.addf %add3A_194, %broadcast_in_dim3A_214 : vector<1x32xf32>
    %get3A_216 = arith.constant 0 : index
    %get3A_217 = arith.constant 0 : index
    %get3A_218 = arith.constant 0 : index
    %get3A_219 = vector.load %arg2[%get3A_216, %get3A_217, %get3A_218] : memref<1x256x256xf32, #tpu.memory_space<vmem>>, vector<1x256x256xf32>
    %get3A_220 = vector.shape_cast %get3A_219 : vector<1x256x256xf32> to vector<256x256xf32>
    %slice3A_221 = vector.extract_strided_slice %get3A_220 {offsets = [0, 160], sizes = [256, 8], strides = [1, 1]} : vector<256x256xf32> to vector<256x8xf32>
    %sub3A_222 = arith.subf %slice3A_221, %get3A_3 : vector<256x8xf32>
    %concatenate3A_223 = tpu.concatenate %sub3A_222, %get3A_3 in 1 : vector<256x8xf32>, vector<256x8xf32> -> vector<256x16xf32>
    %dot_general3A_224 = arith.constant dense<0.000000e+00> : vector<256x32xf32>
    %dot_general3A_225 = tpu.matmul %concatenate3A_223, %get3A_6, %dot_general3A_224 {dimension_numbers = #tpu.dot_dimension_numbers<[1], [0], [0], [1], [0, 0, 1, 1], [], []>, transpose_lhs_hint = false} : vector<256x16xf32>, vector<16x32xf32>, vector<256x32xf32> -> vector<256x32xf32>
    %max3A_226 = arith.maximumf %max3A_205, %dot_general3A_225 : vector<256x32xf32>
    %min3A_227 = arith.minimumf %min3A_206, %dot_general3A_225 : vector<256x32xf32>
    %reduce_sum3A_228 = arith.constant dense<0.000000e+00> : vector<32xf32>
    %reduce_sum3A_229 = vector.multi_reduction <add>, %dot_general3A_225, %reduce_sum3A_228 [0] : vector<256x32xf32> to vector<32xf32>
    %broadcast_in_dim3A_230 = vector.shape_cast %reduce_sum3A_229 : vector<32xf32> to vector<1x32xf32>
    %add3A_231 = arith.addf %add3A_210, %broadcast_in_dim3A_230 : vector<1x32xf32>
    %mul3A_232 = arith.mulf %dot_general3A_225, %dot_general3A_225 : vector<256x32xf32>
    %reduce_sum3A_233 = arith.constant dense<0.000000e+00> : vector<32xf32>
    %reduce_sum3A_234 = vector.multi_reduction <add>, %mul3A_232, %reduce_sum3A_233 [0] : vector<256x32xf32> to vector<32xf32>
    %broadcast_in_dim3A_235 = vector.shape_cast %reduce_sum3A_234 : vector<32xf32> to vector<1x32xf32>
    %add3A_236 = arith.addf %add3A_215, %broadcast_in_dim3A_235 : vector<1x32xf32>
    %get3A_237 = arith.constant 0 : index
    %get3A_238 = arith.constant 0 : index
    %get3A_239 = arith.constant 0 : index
    %get3A_240 = vector.load %arg2[%get3A_237, %get3A_238, %get3A_239] : memref<1x256x256xf32, #tpu.memory_space<vmem>>, vector<1x256x256xf32>
    %get3A_241 = vector.shape_cast %get3A_240 : vector<1x256x256xf32> to vector<256x256xf32>
    %slice3A_242 = vector.extract_strided_slice %get3A_241 {offsets = [0, 176], sizes = [256, 8], strides = [1, 1]} : vector<256x256xf32> to vector<256x8xf32>
    %sub3A_243 = arith.subf %slice3A_242, %get3A_3 : vector<256x8xf32>
    %concatenate3A_244 = tpu.concatenate %sub3A_243, %get3A_3 in 1 : vector<256x8xf32>, vector<256x8xf32> -> vector<256x16xf32>
    %dot_general3A_245 = arith.constant dense<0.000000e+00> : vector<256x32xf32>
    %dot_general3A_246 = tpu.matmul %concatenate3A_244, %get3A_6, %dot_general3A_245 {dimension_numbers = #tpu.dot_dimension_numbers<[1], [0], [0], [1], [0, 0, 1, 1], [], []>, transpose_lhs_hint = false} : vector<256x16xf32>, vector<16x32xf32>, vector<256x32xf32> -> vector<256x32xf32>
    %max3A_247 = arith.maximumf %max3A_226, %dot_general3A_246 : vector<256x32xf32>
    %min3A_248 = arith.minimumf %min3A_227, %dot_general3A_246 : vector<256x32xf32>
    %reduce_sum3A_249 = arith.constant dense<0.000000e+00> : vector<32xf32>
    %reduce_sum3A_250 = vector.multi_reduction <add>, %dot_general3A_246, %reduce_sum3A_249 [0] : vector<256x32xf32> to vector<32xf32>
    %broadcast_in_dim3A_251 = vector.shape_cast %reduce_sum3A_250 : vector<32xf32> to vector<1x32xf32>
    %add3A_252 = arith.addf %add3A_231, %broadcast_in_dim3A_251 : vector<1x32xf32>
    %mul3A_253 = arith.mulf %dot_general3A_246, %dot_general3A_246 : vector<256x32xf32>
    %reduce_sum3A_254 = arith.constant dense<0.000000e+00> : vector<32xf32>
    %reduce_sum3A_255 = vector.multi_reduction <add>, %mul3A_253, %reduce_sum3A_254 [0] : vector<256x32xf32> to vector<32xf32>
    %broadcast_in_dim3A_256 = vector.shape_cast %reduce_sum3A_255 : vector<32xf32> to vector<1x32xf32>
    %add3A_257 = arith.addf %add3A_236, %broadcast_in_dim3A_256 : vector<1x32xf32>
    %get3A_258 = arith.constant 0 : index
    %get3A_259 = arith.constant 0 : index
    %get3A_260 = arith.constant 0 : index
    %get3A_261 = vector.load %arg2[%get3A_258, %get3A_259, %get3A_260] : memref<1x256x256xf32, #tpu.memory_space<vmem>>, vector<1x256x256xf32>
    %get3A_262 = vector.shape_cast %get3A_261 : vector<1x256x256xf32> to vector<256x256xf32>
    %slice3A_263 = vector.extract_strided_slice %get3A_262 {offsets = [0, 192], sizes = [256, 8], strides = [1, 1]} : vector<256x256xf32> to vector<256x8xf32>
    %sub3A_264 = arith.subf %slice3A_263, %get3A_3 : vector<256x8xf32>
    %concatenate3A_265 = tpu.concatenate %sub3A_264, %get3A_3 in 1 : vector<256x8xf32>, vector<256x8xf32> -> vector<256x16xf32>
    %dot_general3A_266 = arith.constant dense<0.000000e+00> : vector<256x32xf32>
    %dot_general3A_267 = tpu.matmul %concatenate3A_265, %get3A_6, %dot_general3A_266 {dimension_numbers = #tpu.dot_dimension_numbers<[1], [0], [0], [1], [0, 0, 1, 1], [], []>, transpose_lhs_hint = false} : vector<256x16xf32>, vector<16x32xf32>, vector<256x32xf32> -> vector<256x32xf32>
    %max3A_268 = arith.maximumf %max3A_247, %dot_general3A_267 : vector<256x32xf32>
    %min3A_269 = arith.minimumf %min3A_248, %dot_general3A_267 : vector<256x32xf32>
    %reduce_sum3A_270 = arith.constant dense<0.000000e+00> : vector<32xf32>
    %reduce_sum3A_271 = vector.multi_reduction <add>, %dot_general3A_267, %reduce_sum3A_270 [0] : vector<256x32xf32> to vector<32xf32>
    %broadcast_in_dim3A_272 = vector.shape_cast %reduce_sum3A_271 : vector<32xf32> to vector<1x32xf32>
    %add3A_273 = arith.addf %add3A_252, %broadcast_in_dim3A_272 : vector<1x32xf32>
    %mul3A_274 = arith.mulf %dot_general3A_267, %dot_general3A_267 : vector<256x32xf32>
    %reduce_sum3A_275 = arith.constant dense<0.000000e+00> : vector<32xf32>
    %reduce_sum3A_276 = vector.multi_reduction <add>, %mul3A_274, %reduce_sum3A_275 [0] : vector<256x32xf32> to vector<32xf32>
    %broadcast_in_dim3A_277 = vector.shape_cast %reduce_sum3A_276 : vector<32xf32> to vector<1x32xf32>
    %add3A_278 = arith.addf %add3A_257, %broadcast_in_dim3A_277 : vector<1x32xf32>
    %get3A_279 = arith.constant 0 : index
    %get3A_280 = arith.constant 0 : index
    %get3A_281 = arith.constant 0 : index
    %get3A_282 = vector.load %arg2[%get3A_279, %get3A_280, %get3A_281] : memref<1x256x256xf32, #tpu.memory_space<vmem>>, vector<1x256x256xf32>
    %get3A_283 = vector.shape_cast %get3A_282 : vector<1x256x256xf32> to vector<256x256xf32>
    %slice3A_284 = vector.extract_strided_slice %get3A_283 {offsets = [0, 208], sizes = [256, 8], strides = [1, 1]} : vector<256x256xf32> to vector<256x8xf32>
    %sub3A_285 = arith.subf %slice3A_284, %get3A_3 : vector<256x8xf32>
    %concatenate3A_286 = tpu.concatenate %sub3A_285, %get3A_3 in 1 : vector<256x8xf32>, vector<256x8xf32> -> vector<256x16xf32>
    %dot_general3A_287 = arith.constant dense<0.000000e+00> : vector<256x32xf32>
    %dot_general3A_288 = tpu.matmul %concatenate3A_286, %get3A_6, %dot_general3A_287 {dimension_numbers = #tpu.dot_dimension_numbers<[1], [0], [0], [1], [0, 0, 1, 1], [], []>, transpose_lhs_hint = false} : vector<256x16xf32>, vector<16x32xf32>, vector<256x32xf32> -> vector<256x32xf32>
    %max3A_289 = arith.maximumf %max3A_268, %dot_general3A_288 : vector<256x32xf32>
    %min3A_290 = arith.minimumf %min3A_269, %dot_general3A_288 : vector<256x32xf32>
    %reduce_sum3A_291 = arith.constant dense<0.000000e+00> : vector<32xf32>
    %reduce_sum3A_292 = vector.multi_reduction <add>, %dot_general3A_288, %reduce_sum3A_291 [0] : vector<256x32xf32> to vector<32xf32>
    %broadcast_in_dim3A_293 = vector.shape_cast %reduce_sum3A_292 : vector<32xf32> to vector<1x32xf32>
    %add3A_294 = arith.addf %add3A_273, %broadcast_in_dim3A_293 : vector<1x32xf32>
    %mul3A_295 = arith.mulf %dot_general3A_288, %dot_general3A_288 : vector<256x32xf32>
    %reduce_sum3A_296 = arith.constant dense<0.000000e+00> : vector<32xf32>
    %reduce_sum3A_297 = vector.multi_reduction <add>, %mul3A_295, %reduce_sum3A_296 [0] : vector<256x32xf32> to vector<32xf32>
    %broadcast_in_dim3A_298 = vector.shape_cast %reduce_sum3A_297 : vector<32xf32> to vector<1x32xf32>
    %add3A_299 = arith.addf %add3A_278, %broadcast_in_dim3A_298 : vector<1x32xf32>
    %get3A_300 = arith.constant 0 : index
    %get3A_301 = arith.constant 0 : index
    %get3A_302 = arith.constant 0 : index
    %get3A_303 = vector.load %arg2[%get3A_300, %get3A_301, %get3A_302] : memref<1x256x256xf32, #tpu.memory_space<vmem>>, vector<1x256x256xf32>
    %get3A_304 = vector.shape_cast %get3A_303 : vector<1x256x256xf32> to vector<256x256xf32>
    %slice3A_305 = vector.extract_strided_slice %get3A_304 {offsets = [0, 224], sizes = [256, 8], strides = [1, 1]} : vector<256x256xf32> to vector<256x8xf32>
    %sub3A_306 = arith.subf %slice3A_305, %get3A_3 : vector<256x8xf32>
    %concatenate3A_307 = tpu.concatenate %sub3A_306, %get3A_3 in 1 : vector<256x8xf32>, vector<256x8xf32> -> vector<256x16xf32>
    %dot_general3A_308 = arith.constant dense<0.000000e+00> : vector<256x32xf32>
    %dot_general3A_309 = tpu.matmul %concatenate3A_307, %get3A_6, %dot_general3A_308 {dimension_numbers = #tpu.dot_dimension_numbers<[1], [0], [0], [1], [0, 0, 1, 1], [], []>, transpose_lhs_hint = false} : vector<256x16xf32>, vector<16x32xf32>, vector<256x32xf32> -> vector<256x32xf32>
    %max3A_310 = arith.maximumf %max3A_289, %dot_general3A_309 : vector<256x32xf32>
    %min3A_311 = arith.minimumf %min3A_290, %dot_general3A_309 : vector<256x32xf32>
    %reduce_sum3A_312 = arith.constant dense<0.000000e+00> : vector<32xf32>
    %reduce_sum3A_313 = vector.multi_reduction <add>, %dot_general3A_309, %reduce_sum3A_312 [0] : vector<256x32xf32> to vector<32xf32>
    %broadcast_in_dim3A_314 = vector.shape_cast %reduce_sum3A_313 : vector<32xf32> to vector<1x32xf32>
    %add3A_315 = arith.addf %add3A_294, %broadcast_in_dim3A_314 : vector<1x32xf32>
    %mul3A_316 = arith.mulf %dot_general3A_309, %dot_general3A_309 : vector<256x32xf32>
    %reduce_sum3A_317 = arith.constant dense<0.000000e+00> : vector<32xf32>
    %reduce_sum3A_318 = vector.multi_reduction <add>, %mul3A_316, %reduce_sum3A_317 [0] : vector<256x32xf32> to vector<32xf32>
    %broadcast_in_dim3A_319 = vector.shape_cast %reduce_sum3A_318 : vector<32xf32> to vector<1x32xf32>
    %add3A_320 = arith.addf %add3A_299, %broadcast_in_dim3A_319 : vector<1x32xf32>
    %get3A_321 = arith.constant 0 : index
    %get3A_322 = arith.constant 0 : index
    %get3A_323 = arith.constant 0 : index
    %get3A_324 = vector.load %arg2[%get3A_321, %get3A_322, %get3A_323] : memref<1x256x256xf32, #tpu.memory_space<vmem>>, vector<1x256x256xf32>
    %get3A_325 = vector.shape_cast %get3A_324 : vector<1x256x256xf32> to vector<256x256xf32>
    %slice3A_326 = vector.extract_strided_slice %get3A_325 {offsets = [0, 240], sizes = [256, 8], strides = [1, 1]} : vector<256x256xf32> to vector<256x8xf32>
    %sub3A_327 = arith.subf %slice3A_326, %get3A_3 : vector<256x8xf32>
    %concatenate3A_328 = tpu.concatenate %sub3A_327, %get3A_3 in 1 : vector<256x8xf32>, vector<256x8xf32> -> vector<256x16xf32>
    %dot_general3A_329 = arith.constant dense<0.000000e+00> : vector<256x32xf32>
    %dot_general3A_330 = tpu.matmul %concatenate3A_328, %get3A_6, %dot_general3A_329 {dimension_numbers = #tpu.dot_dimension_numbers<[1], [0], [0], [1], [0, 0, 1, 1], [], []>, transpose_lhs_hint = false} : vector<256x16xf32>, vector<16x32xf32>, vector<256x32xf32> -> vector<256x32xf32>
    %max3A_331 = arith.maximumf %max3A_310, %dot_general3A_330 : vector<256x32xf32>
    %min3A_332 = arith.minimumf %min3A_311, %dot_general3A_330 : vector<256x32xf32>
    %reduce_sum3A_333 = arith.constant dense<0.000000e+00> : vector<32xf32>
    %reduce_sum3A_334 = vector.multi_reduction <add>, %dot_general3A_330, %reduce_sum3A_333 [0] : vector<256x32xf32> to vector<32xf32>
    %broadcast_in_dim3A_335 = vector.shape_cast %reduce_sum3A_334 : vector<32xf32> to vector<1x32xf32>
    %add3A_336 = arith.addf %add3A_315, %broadcast_in_dim3A_335 : vector<1x32xf32>
    %mul3A_337 = arith.mulf %dot_general3A_330, %dot_general3A_330 : vector<256x32xf32>
    %reduce_sum3A_338 = arith.constant dense<0.000000e+00> : vector<32xf32>
    %reduce_sum3A_339 = vector.multi_reduction <add>, %mul3A_337, %reduce_sum3A_338 [0] : vector<256x32xf32> to vector<32xf32>
    %broadcast_in_dim3A_340 = vector.shape_cast %reduce_sum3A_339 : vector<32xf32> to vector<1x32xf32>
    %add3A_341 = arith.addf %add3A_320, %broadcast_in_dim3A_340 : vector<1x32xf32>
    %swap3A = arith.constant 0 : index
    %swap3A_342 = arith.constant 0 : index
    %swap3A_343 = arith.constant 0 : index
    %swap3A_344 = vector.load %arg5[%swap3A, %swap3A_342, %swap3A_343] : memref<1x256x32xf32, #tpu.memory_space<vmem>>, vector<1x256x32xf32>
    %swap3A_345 = vector.shape_cast %swap3A_344 : vector<1x256x32xf32> to vector<256x32xf32>
    %swap3A_346 = vector.shape_cast %max3A_331 : vector<256x32xf32> to vector<1x256x32xf32>
    tpu.vector_store %arg5[%swap3A, %swap3A_342, %swap3A_343], %swap3A_346 {strides = array<i32>} : memref<1x256x32xf32, #tpu.memory_space<vmem>>, vector<1x256x32xf32>,
    %swap3A_347 = arith.constant 0 : index
    %swap3A_348 = arith.constant 0 : index
    %swap3A_349 = arith.constant 0 : index
    %swap3A_350 = vector.load %arg6[%swap3A_347, %swap3A_348, %swap3A_349] : memref<1x256x32xf32, #tpu.memory_space<vmem>>, vector<1x256x32xf32>
    %swap3A_351 = vector.shape_cast %swap3A_350 : vector<1x256x32xf32> to vector<256x32xf32>
    %swap3A_352 = vector.shape_cast %min3A_332 : vector<256x32xf32> to vector<1x256x32xf32>
    tpu.vector_store %arg6[%swap3A_347, %swap3A_348, %swap3A_349], %swap3A_352 {strides = array<i32>} : memref<1x256x32xf32, #tpu.memory_space<vmem>>, vector<1x256x32xf32>,
    %eq3A = arith.constant 0 : i32
    %eq3A_353 = arith.cmpi eq, %arg1, %eq3A : i32
    %convert_element_type3A = arith.extui %eq3A_353 : i1 to i32
    %cond3A = arith.constant 0 : i32
    %cond3A_354 = arith.cmpi ne, %convert_element_type3A, %cond3A : i32
    scf.if %cond3A_354 {
      %broadcast_in_dim3A_379 = arith.constant 0.000000e+00 : f32
      %broadcast_in_dim3A_380 = vector.broadcast %broadcast_in_dim3A_379 : f32 to vector<1x8x32xf32>
      %swap3A_381 = arith.constant 0 : index
      %swap3A_382 = arith.constant 0 : index
      %swap3A_383 = arith.constant 0 : index
      %swap3A_384 = vector.load %arg7[%swap3A_381, %swap3A_382, %swap3A_383] : memref<1x8x32xf32, #tpu.memory_space<vmem>>, vector<1x8x32xf32>
      tpu.vector_store %arg7[%swap3A_381, %swap3A_382, %swap3A_383], %broadcast_in_dim3A_380 {strides = array<i32>} : memref<1x8x32xf32, #tpu.memory_space<vmem>>, vector<1x8x32xf32>,
    } else {
    }
    %get3A_355 = arith.constant 0 : index
    %get3A_356 = arith.constant 0 : index
    %get3A_357 = arith.constant 0 : index
    %get3A_358 = vector.load %arg7[%get3A_355, %get3A_356, %get3A_357] : memref<1x8x32xf32, #tpu.memory_space<vmem>>, vector<1x1x32xf32>
    %get3A_359 = vector.shape_cast %get3A_358 : vector<1x1x32xf32> to vector<1x32xf32>
    %add3A_360 = arith.addf %get3A_359, %add3A_336 : vector<1x32xf32>
    %swap3A_361 = arith.constant 0 : index
    %swap3A_362 = arith.constant 0 : index
    %swap3A_363 = arith.constant 0 : index
    %swap3A_364 = vector.load %arg7[%swap3A_361, %swap3A_362, %swap3A_363] : memref<1x8x32xf32, #tpu.memory_space<vmem>>, vector<1x1x32xf32>
    %swap3A_365 = vector.shape_cast %swap3A_364 : vector<1x1x32xf32> to vector<1x32xf32>
    %swap3A_366 = vector.shape_cast %add3A_360 : vector<1x32xf32> to vector<1x1x32xf32>
    tpu.vector_store %arg7[%swap3A_361, %swap3A_362, %swap3A_363], %swap3A_366 {strides = array<i32>} : memref<1x8x32xf32, #tpu.memory_space<vmem>>, vector<1x1x32xf32>,
    %get3A_367 = arith.constant 0 : index
    %get3A_368 = arith.constant 1 : index
    %get3A_369 = arith.constant 0 : index
    %get3A_370 = vector.load %arg7[%get3A_367, %get3A_368, %get3A_369] : memref<1x8x32xf32, #tpu.memory_space<vmem>>, vector<1x1x32xf32>
    %get3A_371 = vector.shape_cast %get3A_370 : vector<1x1x32xf32> to vector<1x32xf32>
    %add3A_372 = arith.addf %get3A_371, %add3A_341 : vector<1x32xf32>
    %swap3A_373 = arith.constant 0 : index
    %swap3A_374 = arith.constant 1 : index
    %swap3A_375 = arith.constant 0 : index
    %swap3A_376 = vector.load %arg7[%swap3A_373, %swap3A_374, %swap3A_375] : memref<1x8x32xf32, #tpu.memory_space<vmem>>, vector<1x1x32xf32>
    %swap3A_377 = vector.shape_cast %swap3A_376 : vector<1x1x32xf32> to vector<1x32xf32>
    %swap3A_378 = vector.shape_cast %add3A_372 : vector<1x32xf32> to vector<1x1x32xf32>
    tpu.vector_store %arg7[%swap3A_373, %swap3A_374, %swap3A_375], %swap3A_378 {strides = array<i32>} : memref<1x8x32xf32, #tpu.memory_space<vmem>>, vector<1x1x32xf32>,
    return
  }
  func.func @transform_0(%arg0: i32, %arg1: i32) -> (i32, i32, i32) {
    %c0_i32 = arith.constant 0 : i32
    %c0_i32_0 = arith.constant 0 : i32
    return %arg0, %arg1, %c0_i32 : i32, i32, i32
  }
  func.func @transform_1(%arg0: i32, %arg1: i32) -> (i32, i32, i32) {
    %c0_i32 = arith.constant 0 : i32
    %c0_i32_0 = arith.constant 0 : i32
    return %arg0, %arg1, %c0_i32 : i32, i32, i32
  }
  func.func @transform_2(%arg0: i32, %arg1: i32) -> (i32, i32) {
    %c0_i32 = arith.constant 0 : i32
    %c0_i32_0 = arith.constant 0 : i32
    %c0_i32_1 = arith.constant 0 : i32
    return %c0_i32, %c0_i32_0 : i32, i32
  }
  func.func @transform_3(%arg0: i32, %arg1: i32) -> (i32, i32, i32) {
    %c0_i32 = arith.constant 0 : i32
    %c0_i32_0 = arith.constant 0 : i32
    return %arg0, %arg1, %c0_i32 : i32, i32, i32
  }
  func.func @transform_4(%arg0: i32, %arg1: i32) -> (i32, i32, i32) {
    %c0_i32 = arith.constant 0 : i32
    %c0_i32_0 = arith.constant 0 : i32
    return %arg0, %arg1, %c0_i32 : i32, i32, i32
  }
  func.func @transform_5(%arg0: i32, %arg1: i32) -> (i32, i32, i32) {
    %c0_i32 = arith.constant 0 : i32
    %c0_i32_0 = arith.constant 0 : i32
    %c0_i32_1 = arith.constant 0 : i32
    return %arg0, %c0_i32, %c0_i32_0 : i32, i32, i32
  }
}

module attributes {stable_mosaic.version = 14 : i64} {
  func.func @_fin_body(%arg0: i32, %arg1: memref<1x4096x32xf32, #tpu.memory_space<vmem>>, %arg2: memref<1x4096x32xf32, #tpu.memory_space<vmem>>, %arg3: memref<1x8x32xf32, #tpu.memory_space<vmem>>, %arg4: memref<1x32xf32, #tpu.memory_space<vmem>>, %arg5: memref<1x32xf32, #tpu.memory_space<vmem>>, %arg6: memref<1x4096x32xf32, #tpu.memory_space<vmem>>) attributes {dimension_semantics = [#tpu.dimension_semantics<arbitrary>], iteration_bounds = array<i64: 4>, scalar_prefetch = 0 : i64, scratch_operands = 0 : i64, tpu.core_type = #tpu.core_type<tc>, window_params = [{transform_indices = @transform_0, window_bounds = array<i64: 1, 4096, 32>}, {transform_indices = @transform_1, window_bounds = array<i64: 1, 4096, 32>}, {transform_indices = @transform_2, window_bounds = array<i64: 1, 8, 32>}, {pipeline_mode = #tpu.pipeline_mode<synchronous>, transform_indices = @transform_3, window_bounds = array<i64: 1, 32>}, {pipeline_mode = #tpu.pipeline_mode<synchronous>, transform_indices = @transform_4, window_bounds = array<i64: 1, 32>}, {transform_indices = @transform_5, window_bounds = array<i64: 1, 4096, 32>}]} {
    %get3A = arith.constant 0 : index
    %get3A_0 = arith.constant 0 : index
    %get3A_1 = arith.constant 0 : index
    %get3A_2 = vector.load %arg3[%get3A, %get3A_0, %get3A_1] : memref<1x8x32xf32, #tpu.memory_space<vmem>>, vector<1x1x32xf32>
    %get3A_3 = vector.shape_cast %get3A_2 : vector<1x1x32xf32> to vector<1x32xf32>
    %get3A_4 = arith.constant 0 : index
    %get3A_5 = arith.constant 1 : index
    %get3A_6 = arith.constant 0 : index
    %get3A_7 = vector.load %arg3[%get3A_4, %get3A_5, %get3A_6] : memref<1x8x32xf32, #tpu.memory_space<vmem>>, vector<1x1x32xf32>
    %get3A_8 = vector.shape_cast %get3A_7 : vector<1x1x32xf32> to vector<1x32xf32>
    %iota3A = tpu.iota {dimensions = array<i32: 0>} : vector<32x32xi32>
    %jit3A = arith.constant 8 : i32
    %div3A = vector.broadcast %jit3A : i32 to vector<32x32xi32>
    %div3A_9 = arith.divsi %iota3A, %div3A : vector<32x32xi32>
    %sign3A = arith.constant 0 : i32
    %sign3A_10 = vector.broadcast %sign3A : i32 to vector<32x32xi32>
    %sign3A_11 = arith.cmpi sgt, %iota3A, %sign3A_10 : vector<32x32xi32>
    %sign3A_12 = arith.extui %sign3A_11 : vector<32x32xi1> to vector<32x32xi32>
    %sign3A_13 = arith.constant 0 : i32
    %sign3A_14 = vector.broadcast %sign3A_13 : i32 to vector<32x32xi32>
    %sign3A_15 = arith.cmpi slt, %iota3A, %sign3A_14 : vector<32x32xi32>
    %sign3A_16 = arith.extui %sign3A_15 : vector<32x32xi1> to vector<32x32xi32>
    %sign3A_17 = arith.subi %sign3A_12, %sign3A_16 : vector<32x32xi32>
    %sign3A_18 = arith.constant 0 : i32
    %sign3A_19 = arith.cmpi sgt, %jit3A, %sign3A_18 : i32
    %sign3A_20 = arith.extui %sign3A_19 : i1 to i32
    %sign3A_21 = arith.constant 0 : i32
    %sign3A_22 = arith.cmpi slt, %jit3A, %sign3A_21 : i32
    %sign3A_23 = arith.extui %sign3A_22 : i1 to i32
    %sign3A_24 = arith.subi %sign3A_20, %sign3A_23 : i32
    %ne3A = vector.broadcast %sign3A_24 : i32 to vector<32x32xi32>
    %ne3A_25 = arith.cmpi ne, %sign3A_17, %ne3A : vector<32x32xi32>
    %rem3A = vector.broadcast %jit3A : i32 to vector<32x32xi32>
    %rem3A_26 = arith.remsi %iota3A, %rem3A : vector<32x32xi32>
    %ne3A_27 = arith.constant 0 : i32
    %ne3A_28 = vector.broadcast %ne3A_27 : i32 to vector<32x32xi32>
    %ne3A_29 = arith.cmpi ne, %rem3A_26, %ne3A_28 : vector<32x32xi32>
    %and3A = arith.andi %ne3A_25, %ne3A_29 : vector<32x32xi1>
    %sub3A = arith.constant 1 : i32
    %sub3A_30 = vector.broadcast %sub3A : i32 to vector<32x32xi32>
    %sub3A_31 = arith.subi %div3A_9, %sub3A_30 : vector<32x32xi32>
    %select_n3A = arith.select %and3A, %sub3A_31, %div3A_9 : vector<32x32xi1>, vector<32x32xi32>
    %iota3A_32 = tpu.iota {dimensions = array<i32: 1>} : vector<32x32xi32>
    %jit3A_33 = arith.constant 8 : i32
    %div3A_34 = vector.broadcast %jit3A_33 : i32 to vector<32x32xi32>
    %div3A_35 = arith.divsi %iota3A_32, %div3A_34 : vector<32x32xi32>
    %sign3A_36 = arith.constant 0 : i32
    %sign3A_37 = vector.broadcast %sign3A_36 : i32 to vector<32x32xi32>
    %sign3A_38 = arith.cmpi sgt, %iota3A_32, %sign3A_37 : vector<32x32xi32>
    %sign3A_39 = arith.extui %sign3A_38 : vector<32x32xi1> to vector<32x32xi32>
    %sign3A_40 = arith.constant 0 : i32
    %sign3A_41 = vector.broadcast %sign3A_40 : i32 to vector<32x32xi32>
    %sign3A_42 = arith.cmpi slt, %iota3A_32, %sign3A_41 : vector<32x32xi32>
    %sign3A_43 = arith.extui %sign3A_42 : vector<32x32xi1> to vector<32x32xi32>
    %sign3A_44 = arith.subi %sign3A_39, %sign3A_43 : vector<32x32xi32>
    %sign3A_45 = arith.constant 0 : i32
    %sign3A_46 = arith.cmpi sgt, %jit3A_33, %sign3A_45 : i32
    %sign3A_47 = arith.extui %sign3A_46 : i1 to i32
    %sign3A_48 = arith.constant 0 : i32
    %sign3A_49 = arith.cmpi slt, %jit3A_33, %sign3A_48 : i32
    %sign3A_50 = arith.extui %sign3A_49 : i1 to i32
    %sign3A_51 = arith.subi %sign3A_47, %sign3A_50 : i32
    %ne3A_52 = vector.broadcast %sign3A_51 : i32 to vector<32x32xi32>
    %ne3A_53 = arith.cmpi ne, %sign3A_44, %ne3A_52 : vector<32x32xi32>
    %rem3A_54 = vector.broadcast %jit3A_33 : i32 to vector<32x32xi32>
    %rem3A_55 = arith.remsi %iota3A_32, %rem3A_54 : vector<32x32xi32>
    %ne3A_56 = arith.constant 0 : i32
    %ne3A_57 = vector.broadcast %ne3A_56 : i32 to vector<32x32xi32>
    %ne3A_58 = arith.cmpi ne, %rem3A_55, %ne3A_57 : vector<32x32xi32>
    %and3A_59 = arith.andi %ne3A_53, %ne3A_58 : vector<32x32xi1>
    %sub3A_60 = arith.constant 1 : i32
    %sub3A_61 = vector.broadcast %sub3A_60 : i32 to vector<32x32xi32>
    %sub3A_62 = arith.subi %div3A_35, %sub3A_61 : vector<32x32xi32>
    %select_n3A_63 = arith.select %and3A_59, %sub3A_62, %div3A_35 : vector<32x32xi1>, vector<32x32xi32>
    %eq3A = arith.cmpi eq, %select_n3A, %select_n3A_63 : vector<32x32xi32>
    %convert_element_type3A = arith.extui %eq3A : vector<32x32xi1> to vector<32x32xi32>
    %convert_element_type3A_64 = arith.sitofp %convert_element_type3A : vector<32x32xi32> to vector<32x32xf32>
    %dot_general3A = arith.constant dense<0.000000e+00> : vector<1x32xf32>
    %dot_general3A_65 = tpu.matmul %get3A_3, %convert_element_type3A_64, %dot_general3A {dimension_numbers = #tpu.dot_dimension_numbers<[1], [0], [0], [1], [0, 0, 1, 1], [], []>, transpose_lhs_hint = false} : vector<1x32xf32>, vector<32x32xf32>, vector<1x32xf32> -> vector<1x32xf32>
    %div3A_66 = arith.constant 5.242880e+05 : f32
    %div3A_67 = vector.broadcast %div3A_66 : f32 to vector<1x32xf32>
    %div3A_68 = arith.divf %dot_general3A_65, %div3A_67 : vector<1x32xf32>
    %dot_general3A_69 = arith.constant dense<0.000000e+00> : vector<1x32xf32>
    %dot_general3A_70 = tpu.matmul %get3A_8, %convert_element_type3A_64, %dot_general3A_69 {dimension_numbers = #tpu.dot_dimension_numbers<[1], [0], [0], [1], [0, 0, 1, 1], [], []>, transpose_lhs_hint = false} : vector<1x32xf32>, vector<32x32xf32>, vector<1x32xf32> -> vector<1x32xf32>
    %div3A_71 = arith.constant 5.242880e+05 : f32
    %div3A_72 = vector.broadcast %div3A_71 : f32 to vector<1x32xf32>
    %div3A_73 = arith.divf %dot_general3A_70, %div3A_72 : vector<1x32xf32>
    %mul3A = arith.mulf %div3A_68, %div3A_68 : vector<1x32xf32>
    %sub3A_74 = arith.subf %div3A_73, %mul3A : vector<1x32xf32>
    %get3A_75 = arith.constant 0 : index
    %get3A_76 = arith.constant 0 : index
    %get3A_77 = vector.load %arg4[%get3A_75, %get3A_76] : memref<1x32xf32, #tpu.memory_space<vmem>>, vector<1x32xf32>
    %get3A_78 = arith.constant 0 : index
    %get3A_79 = arith.constant 0 : index
    %get3A_80 = vector.load %arg5[%get3A_78, %get3A_79] : memref<1x32xf32, #tpu.memory_space<vmem>>, vector<1x32xf32>
    %add3A = arith.constant 9.99999974E-6 : f32
    %add3A_81 = vector.broadcast %add3A : f32 to vector<1x32xf32>
    %add3A_82 = arith.addf %sub3A_74, %add3A_81 : vector<1x32xf32>
    %rsqrt3A = math.rsqrt %add3A_82 : vector<1x32xf32>
    %mul3A_83 = arith.mulf %get3A_77, %rsqrt3A : vector<1x32xf32>
    %mul3A_84 = arith.mulf %div3A_68, %mul3A_83 : vector<1x32xf32>
    %sub3A_85 = arith.subf %get3A_80, %mul3A_84 : vector<1x32xf32>
    %ge3A = arith.constant 0.000000e+00 : f32
    %ge3A_86 = vector.broadcast %ge3A : f32 to vector<1x32xf32>
    %ge3A_87 = arith.cmpf oge, %mul3A_83, %ge3A_86 : vector<1x32xf32>
    %get3A_88 = arith.constant 0 : index
    %get3A_89 = arith.constant 0 : index
    %get3A_90 = arith.constant 0 : index
    %get3A_91 = vector.load %arg1[%get3A_88, %get3A_89, %get3A_90] : memref<1x4096x32xf32, #tpu.memory_space<vmem>>, vector<1x4096x32xf32>
    %get3A_92 = vector.shape_cast %get3A_91 : vector<1x4096x32xf32> to vector<4096x32xf32>
    %get3A_93 = arith.constant 0 : index
    %get3A_94 = arith.constant 0 : index
    %get3A_95 = arith.constant 0 : index
    %get3A_96 = vector.load %arg2[%get3A_93, %get3A_94, %get3A_95] : memref<1x4096x32xf32, #tpu.memory_space<vmem>>, vector<1x4096x32xf32>
    %get3A_97 = vector.shape_cast %get3A_96 : vector<1x4096x32xf32> to vector<4096x32xf32>
    %broadcast_in_dim3A = vector.shape_cast %ge3A_87 : vector<1x32xi1> to vector<1x32xi1>
    %broadcast_in_dim3A_98 = vector.broadcast %broadcast_in_dim3A : vector<1x32xi1> to vector<4096x32xi1>
    %select_n3A_99 = arith.select %broadcast_in_dim3A_98, %get3A_92, %get3A_97 : vector<4096x32xi1>, vector<4096x32xf32>
    %mul3A_100 = vector.broadcast %mul3A_83 : vector<1x32xf32> to vector<4096x32xf32>
    %mul3A_101 = arith.mulf %select_n3A_99, %mul3A_100 : vector<4096x32xf32>
    %add3A_102 = vector.broadcast %sub3A_85 : vector<1x32xf32> to vector<4096x32xf32>
    %add3A_103 = arith.addf %mul3A_101, %add3A_102 : vector<4096x32xf32>
    %ge3A_104 = arith.constant 0.000000e+00 : f32
    %ge3A_105 = vector.broadcast %ge3A_104 : f32 to vector<4096x32xf32>
    %ge3A_106 = arith.cmpf oge, %add3A_103, %ge3A_105 : vector<4096x32xf32>
    %mul3A_107 = arith.constant 2.000000e-01 : f32
    %mul3A_108 = vector.broadcast %mul3A_107 : f32 to vector<4096x32xf32>
    %mul3A_109 = arith.mulf %mul3A_108, %add3A_103 : vector<4096x32xf32>
    %select_n3A_110 = arith.select %ge3A_106, %add3A_103, %mul3A_109 : vector<4096x32xi1>, vector<4096x32xf32>
    %swap3A = arith.constant 0 : index
    %swap3A_111 = arith.constant 0 : index
    %swap3A_112 = arith.constant 0 : index
    %swap3A_113 = vector.load %arg6[%swap3A, %swap3A_111, %swap3A_112] : memref<1x4096x32xf32, #tpu.memory_space<vmem>>, vector<1x4096x32xf32>
    %swap3A_114 = vector.shape_cast %swap3A_113 : vector<1x4096x32xf32> to vector<4096x32xf32>
    %swap3A_115 = vector.shape_cast %select_n3A_110 : vector<4096x32xf32> to vector<1x4096x32xf32>
    tpu.vector_store %arg6[%swap3A, %swap3A_111, %swap3A_112], %swap3A_115 {strides = array<i32>} : memref<1x4096x32xf32, #tpu.memory_space<vmem>>, vector<1x4096x32xf32>,
    return
  }
  func.func @transform_0(%arg0: i32) -> (i32, i32, i32) {
    %c0_i32 = arith.constant 0 : i32
    %c0_i32_0 = arith.constant 0 : i32
    %c0_i32_1 = arith.constant 0 : i32
    return %arg0, %c0_i32, %c0_i32_0 : i32, i32, i32
  }
  func.func @transform_1(%arg0: i32) -> (i32, i32, i32) {
    %c0_i32 = arith.constant 0 : i32
    %c0_i32_0 = arith.constant 0 : i32
    %c0_i32_1 = arith.constant 0 : i32
    return %arg0, %c0_i32, %c0_i32_0 : i32, i32, i32
  }
  func.func @transform_2(%arg0: i32) -> (i32, i32, i32) {
    %c0_i32 = arith.constant 0 : i32
    %c0_i32_0 = arith.constant 0 : i32
    %c0_i32_1 = arith.constant 0 : i32
    return %arg0, %c0_i32, %c0_i32_0 : i32, i32, i32
  }
  func.func @transform_3(%arg0: i32) -> (i32, i32) {
    %c0_i32 = arith.constant 0 : i32
    %c0_i32_0 = arith.constant 0 : i32
    %c0_i32_1 = arith.constant 0 : i32
    return %c0_i32, %c0_i32_0 : i32, i32
  }
  func.func @transform_4(%arg0: i32) -> (i32, i32) {
    %c0_i32 = arith.constant 0 : i32
    %c0_i32_0 = arith.constant 0 : i32
    %c0_i32_1 = arith.constant 0 : i32
    return %c0_i32, %c0_i32_0 : i32, i32
  }
  func.func @transform_5(%arg0: i32) -> (i32, i32, i32) {
    %c0_i32 = arith.constant 0 : i32
    %c0_i32_0 = arith.constant 0 : i32
    %c0_i32_1 = arith.constant 0 : i32
    return %arg0, %c0_i32, %c0_i32_0 : i32, i32, i32
  }
}

module attributes {stable_mosaic.version = 14 : i64} {
  func.func @_dsg_body(%arg0: i32, %arg1: i32, %arg2: memref<1x1x256xi32, #tpu.memory_space<vmem>>, %arg3: memref<1x4096x35xf32, #tpu.memory_space<vmem>>, %arg4: memref<1x256x35xf32, #tpu.memory_space<vmem>>) attributes {dimension_semantics = [#tpu.dimension_semantics<arbitrary>, #tpu.dimension_semantics<arbitrary>], iteration_bounds = array<i64: 4, 4>, scalar_prefetch = 0 : i64, scratch_operands = 0 : i64, tpu.core_type = #tpu.core_type<tc>, window_params = [{transform_indices = @transform_0, window_bounds = array<i64: 1, 1, 256>}, {transform_indices = @transform_1, window_bounds = array<i64: 1, 4096, 35>}, {transform_indices = @transform_2, window_bounds = array<i64: 1, 256, 35>}]} {
    %get3A = arith.constant 0 : index
    %get3A_0 = arith.constant 0 : index
    %get3A_1 = arith.constant 0 : index
    %get3A_2 = vector.load %arg2[%get3A, %get3A_0, %get3A_1] : memref<1x1x256xi32, #tpu.memory_space<vmem>>, vector<1x1x256xi32>
    %get3A_3 = vector.shape_cast %get3A_2 : vector<1x1x256xi32> to vector<1x256xi32>
    %get3A_4 = arith.constant 0 : index
    %get3A_5 = arith.constant 0 : index
    %get3A_6 = arith.constant 0 : index
    %get3A_7 = vector.load %arg3[%get3A_4, %get3A_5, %get3A_6] : memref<1x4096x35xf32, #tpu.memory_space<vmem>>, vector<1x4096x35xf32>
    %get3A_8 = vector.shape_cast %get3A_7 : vector<1x4096x35xf32> to vector<4096x35xf32>
    %iota3A = tpu.iota {dimensions = array<i32: 0>} : vector<4096x256xi32>
    %eq3A = vector.broadcast %get3A_3 : vector<1x256xi32> to vector<4096x256xi32>
    %eq3A_9 = arith.cmpi eq, %iota3A, %eq3A : vector<4096x256xi32>
    %convert_element_type3A = arith.extui %eq3A_9 : vector<4096x256xi1> to vector<4096x256xi32>
    %convert_element_type3A_10 = arith.sitofp %convert_element_type3A : vector<4096x256xi32> to vector<4096x256xf32>
    %dot_general3A = arith.constant dense<0.000000e+00> : vector<256x35xf32>
    %dot_general3A_11 = tpu.matmul %convert_element_type3A_10, %get3A_8, %dot_general3A {dimension_numbers = #tpu.dot_dimension_numbers<[0], [0], [1], [1], [0, 1, 1, 1], [], []>, precision = #tpu.contract_precision<fp32>, transpose_lhs_hint = false} : vector<4096x256xf32>, vector<4096x35xf32>, vector<256x35xf32> -> vector<256x35xf32>
    %swap3A = arith.constant 0 : index
    %swap3A_12 = arith.constant 0 : index
    %swap3A_13 = arith.constant 0 : index
    %swap3A_14 = vector.load %arg4[%swap3A, %swap3A_12, %swap3A_13] : memref<1x256x35xf32, #tpu.memory_space<vmem>>, vector<1x256x35xf32>
    %swap3A_15 = vector.shape_cast %swap3A_14 : vector<1x256x35xf32> to vector<256x35xf32>
    %swap3A_16 = vector.shape_cast %dot_general3A_11 : vector<256x35xf32> to vector<1x256x35xf32>
    tpu.vector_store %arg4[%swap3A, %swap3A_12, %swap3A_13], %swap3A_16 {strides = array<i32>} : memref<1x256x35xf32, #tpu.memory_space<vmem>>, vector<1x256x35xf32>,
    return
  }
  func.func @transform_0(%arg0: i32, %arg1: i32) -> (i32, i32, i32) {
    %c0_i32 = arith.constant 0 : i32
    %c0_i32_0 = arith.constant 0 : i32
    return %arg0, %c0_i32, %arg1 : i32, i32, i32
  }
  func.func @transform_1(%arg0: i32, %arg1: i32) -> (i32, i32, i32) {
    %c0_i32 = arith.constant 0 : i32
    %c0_i32_0 = arith.constant 0 : i32
    %c0_i32_1 = arith.constant 0 : i32
    return %arg0, %c0_i32, %c0_i32_0 : i32, i32, i32
  }
  func.func @transform_2(%arg0: i32, %arg1: i32) -> (i32, i32, i32) {
    %c0_i32 = arith.constant 0 : i32
    %c0_i32_0 = arith.constant 0 : i32
    return %arg0, %arg1, %c0_i32 : i32, i32, i32
  }
}

module attributes {stable_mosaic.version = 14 : i64} {
  func.func @_idx_body(%arg0: i32, %arg1: i32, %arg2: memref<1x256x3xf32, #tpu.memory_space<vmem>>, %arg3: memref<1x3x4096xf32, #tpu.memory_space<vmem>>, %arg4: memref<1x256x16xi32, #tpu.memory_space<vmem>>) attributes {dimension_semantics = [#tpu.dimension_semantics<arbitrary>, #tpu.dimension_semantics<arbitrary>], iteration_bounds = array<i64: 4, 4>, scalar_prefetch = 0 : i64, scratch_operands = 0 : i64, tpu.core_type = #tpu.core_type<tc>, window_params = [{transform_indices = @transform_0, window_bounds = array<i64: 1, 256, 3>}, {transform_indices = @transform_1, window_bounds = array<i64: 1, 3, 4096>}, {transform_indices = @transform_2, window_bounds = array<i64: 1, 256, 16>}]} {
    %get3A = arith.constant 0 : index
    %get3A_0 = arith.constant 0 : index
    %get3A_1 = arith.constant 0 : index
    %get3A_2 = vector.load %arg2[%get3A, %get3A_0, %get3A_1] : memref<1x256x3xf32, #tpu.memory_space<vmem>>, vector<1x256x3xf32>
    %get3A_3 = vector.shape_cast %get3A_2 : vector<1x256x3xf32> to vector<256x3xf32>
    %get3A_4 = arith.constant 0 : index
    %get3A_5 = arith.constant 0 : index
    %get3A_6 = arith.constant 0 : index
    %get3A_7 = vector.load %arg3[%get3A_4, %get3A_5, %get3A_6] : memref<1x3x4096xf32, #tpu.memory_space<vmem>>, vector<1x3x4096xf32>
    %get3A_8 = vector.shape_cast %get3A_7 : vector<1x3x4096xf32> to vector<3x4096xf32>
    %mul3A = arith.mulf %get3A_3, %get3A_3 : vector<256x3xf32>
    %reduce_sum3A = arith.constant dense<0.000000e+00> : vector<256xf32>
    %reduce_sum3A_9 = vector.multi_reduction <add>, %mul3A, %reduce_sum3A [1] : vector<256x3xf32> to vector<256xf32>
    %broadcast_in_dim3A = vector.shape_cast %reduce_sum3A_9 : vector<256xf32> to vector<256x1xf32>
    %mul3A_10 = arith.mulf %get3A_8, %get3A_8 : vector<3x4096xf32>
    %reduce_sum3A_11 = arith.constant dense<0.000000e+00> : vector<4096xf32>
    %reduce_sum3A_12 = vector.multi_reduction <add>, %mul3A_10, %reduce_sum3A_11 [0] : vector<3x4096xf32> to vector<4096xf32>
    %broadcast_in_dim3A_13 = vector.shape_cast %reduce_sum3A_12 : vector<4096xf32> to vector<1x4096xf32>
    %dot_general3A = arith.constant dense<0.000000e+00> : vector<256x4096xf32>
    %dot_general3A_14 = tpu.matmul %get3A_3, %get3A_8, %dot_general3A {dimension_numbers = #tpu.dot_dimension_numbers<[1], [0], [0], [1], [0, 0, 1, 1], [], []>, transpose_lhs_hint = false} : vector<256x3xf32>, vector<3x4096xf32>, vector<256x4096xf32> -> vector<256x4096xf32>
    %mul3A_15 = arith.constant 2.000000e+00 : f32
    %mul3A_16 = vector.broadcast %mul3A_15 : f32 to vector<256x4096xf32>
    %mul3A_17 = arith.mulf %mul3A_16, %dot_general3A_14 : vector<256x4096xf32>
    %sub3A = vector.broadcast %broadcast_in_dim3A : vector<256x1xf32> to vector<256x4096xf32>
    %sub3A_18 = arith.subf %sub3A, %mul3A_17 : vector<256x4096xf32>
    %add3A = vector.broadcast %broadcast_in_dim3A_13 : vector<1x4096xf32> to vector<256x4096xf32>
    %add3A_19 = arith.addf %sub3A_18, %add3A : vector<256x4096xf32>
    %iota3A = tpu.iota {dimensions = array<i32: 1>} : vector<256x4096xi32>
    %iota3A_20 = tpu.iota {dimensions = array<i32: 1>} : vector<256x16xi32>
    %broadcast_in_dim3A_21 = arith.constant 0 : i32
    %broadcast_in_dim3A_22 = vector.broadcast %broadcast_in_dim3A_21 : i32 to vector<256x16xi32>
    %scan3A = arith.constant 1073741824 : i32
    %scan3A_23 = arith.constant 0x7F800000 : f32
    %scan3A_24 = arith.constant 0 : i32
    %scan3A_25 = arith.constant 16 : i32
    %scan3A_26 = arith.addi %scan3A_24, %scan3A_25 : i32
    %scan3A_27 = arith.constant 1 : i32
    %scan3A_28:2 = scf.for %scan3A_39 = %scan3A_24 to %scan3A_26 step %scan3A_27 iter_args(%scan3A_40 = %add3A_19, %scan3A_41 = %broadcast_in_dim3A_22) -> (vector<256x4096xf32>, vector<256x16xi32>)  : i32 {
      %reduce_min3A = arith.constant dense<0x7F800000> : vector<256xf32>
      %reduce_min3A_42 = vector.multi_reduction <minimumf>, %scan3A_40, %reduce_min3A [1] : vector<256x4096xf32> to vector<256xf32>
      %broadcast_in_dim3A_43 = vector.shape_cast %reduce_min3A_42 : vector<256xf32> to vector<256x1xf32>
      %le3A = vector.broadcast %broadcast_in_dim3A_43 : vector<256x1xf32> to vector<256x4096xf32>
      %le3A_44 = arith.cmpf ole, %scan3A_40, %le3A : vector<256x4096xf32>
      %broadcast_in_dim3A_45 = vector.broadcast %scan3A : i32 to vector<256x4096xi32>
      %select_n3A = arith.select %le3A_44, %iota3A, %broadcast_in_dim3A_45 : vector<256x4096xi1>, vector<256x4096xi32>
      %reduce_min3A_46 = arith.constant dense<2147483647> : vector<256xi32>
      %reduce_min3A_47 = vector.multi_reduction <minsi>, %select_n3A, %reduce_min3A_46 [1] : vector<256x4096xi32> to vector<256xi32>
      %broadcast_in_dim3A_48 = vector.shape_cast %reduce_min3A_47 : vector<256xi32> to vector<256x1xi32>
      %eq3A = vector.broadcast %scan3A_39 : i32 to vector<256x16xi32>
      %eq3A_49 = arith.cmpi eq, %iota3A_20, %eq3A : vector<256x16xi32>
      %broadcast_in_dim3A_50 = vector.shape_cast %broadcast_in_dim3A_48 : vector<256x1xi32> to vector<256x1xi32>
      %broadcast_in_dim3A_51 = vector.broadcast %broadcast_in_dim3A_50 : vector<256x1xi32> to vector<256x16xi32>
      %select_n3A_52 = arith.select %eq3A_49, %broadcast_in_dim3A_51, %scan3A_41 : vector<256x16xi1>, vector<256x16xi32>
      %eq3A_53 = vector.broadcast %broadcast_in_dim3A_48 : vector<256x1xi32> to vector<256x4096xi32>
      %eq3A_54 = arith.cmpi eq, %iota3A, %eq3A_53 : vector<256x4096xi32>
      %broadcast_in_dim3A_55 = vector.broadcast %scan3A_23 : f32 to vector<256x4096xf32>
      %select_n3A_56 = arith.select %eq3A_54, %broadcast_in_dim3A_55, %scan3A_40 : vector<256x4096xi1>, vector<256x4096xf32>
      scf.yield %select_n3A_56, %select_n3A_52 : vector<256x4096xf32>, vector<256x16xi32>
    }
    %scan3A_29 = arith.constant 16 : i32
    %mul3A_30 = arith.constant 4096 : i32
    %mul3A_31 = arith.muli %arg0, %mul3A_30 : i32
    %add3A_32 = vector.broadcast %mul3A_31 : i32 to vector<256x16xi32>
    %add3A_33 = arith.addi %scan3A_28#1, %add3A_32 : vector<256x16xi32>
    %swap3A = arith.constant 0 : index
    %swap3A_34 = arith.constant 0 : index
    %swap3A_35 = arith.constant 0 : index
    %swap3A_36 = vector.load %arg4[%swap3A, %swap3A_34, %swap3A_35] : memref<1x256x16xi32, #tpu.memory_space<vmem>>, vector<1x256x16xi32>
    %swap3A_37 = vector.shape_cast %swap3A_36 : vector<1x256x16xi32> to vector<256x16xi32>
    %swap3A_38 = vector.shape_cast %add3A_33 : vector<256x16xi32> to vector<1x256x16xi32>
    tpu.vector_store %arg4[%swap3A, %swap3A_34, %swap3A_35], %swap3A_38 {strides = array<i32>} : memref<1x256x16xi32, #tpu.memory_space<vmem>>, vector<1x256x16xi32>,
    return
  }
  func.func @transform_0(%arg0: i32, %arg1: i32) -> (i32, i32, i32) {
    %c0_i32 = arith.constant 0 : i32
    %c0_i32_0 = arith.constant 0 : i32
    return %arg0, %arg1, %c0_i32 : i32, i32, i32
  }
  func.func @transform_1(%arg0: i32, %arg1: i32) -> (i32, i32, i32) {
    %c0_i32 = arith.constant 0 : i32
    %c0_i32_0 = arith.constant 0 : i32
    %c0_i32_1 = arith.constant 0 : i32
    return %arg0, %c0_i32, %c0_i32_0 : i32, i32, i32
  }
  func.func @transform_2(%arg0: i32, %arg1: i32) -> (i32, i32, i32) {
    %c0_i32 = arith.constant 0 : i32
    %c0_i32_0 = arith.constant 0 : i32
    return %arg0, %arg1, %c0_i32 : i32, i32, i32
  }
}

module attributes {stable_mosaic.version = 14 : i64} {
  func.func @_conv_body(%arg0: i32, %arg1: i32, %arg2: memref<1x256x512xf32, #tpu.memory_space<vmem>>, %arg3: memref<1x256x32xf32, #tpu.memory_space<vmem>>, %arg4: memref<64x64xf32, #tpu.memory_space<vmem>>, %arg5: memref<1x256x64xf32, #tpu.memory_space<vmem>>, %arg6: memref<1x256x64xf32, #tpu.memory_space<vmem>>, %arg7: memref<1x8x64xf32, #tpu.memory_space<vmem>>) attributes {dimension_semantics = [#tpu.dimension_semantics<arbitrary>, #tpu.dimension_semantics<arbitrary>], iteration_bounds = array<i64: 4, 4>, scalar_prefetch = 0 : i64, scratch_operands = 0 : i64, tpu.core_type = #tpu.core_type<tc>, window_params = [{transform_indices = @transform_0, window_bounds = array<i64: 1, 256, 512>}, {transform_indices = @transform_1, window_bounds = array<i64: 1, 256, 32>}, {pipeline_mode = #tpu.pipeline_mode<synchronous>, transform_indices = @transform_2, window_bounds = array<i64: 64, 64>}, {transform_indices = @transform_3, window_bounds = array<i64: 1, 256, 64>}, {transform_indices = @transform_4, window_bounds = array<i64: 1, 256, 64>}, {transform_indices = @transform_5, window_bounds = array<i64: 1, 8, 64>}]} {
    %get3A = arith.constant 0 : index
    %get3A_0 = arith.constant 0 : index
    %get3A_1 = arith.constant 0 : index
    %get3A_2 = vector.load %arg3[%get3A, %get3A_0, %get3A_1] : memref<1x256x32xf32, #tpu.memory_space<vmem>>, vector<1x256x32xf32>
    %get3A_3 = vector.shape_cast %get3A_2 : vector<1x256x32xf32> to vector<256x32xf32>
    %get3A_4 = arith.constant 0 : index
    %get3A_5 = arith.constant 0 : index
    %get3A_6 = vector.load %arg4[%get3A_4, %get3A_5] : memref<64x64xf32, #tpu.memory_space<vmem>>, vector<64x64xf32>
    %neg3A = arith.constant 0.000000e+00 : f32
    %neg3A_7 = arith.constant 0x7F800000 : f32
    %neg3A_8 = arith.subf %neg3A, %neg3A_7 : f32
    %broadcast_in_dim3A = vector.broadcast %neg3A_8 : f32 to vector<256x64xf32>
    %broadcast_in_dim3A_9 = arith.constant 0x7F800000 : f32
    %broadcast_in_dim3A_10 = vector.broadcast %broadcast_in_dim3A_9 : f32 to vector<256x64xf32>
    %broadcast_in_dim3A_11 = arith.constant 0.000000e+00 : f32
    %broadcast_in_dim3A_12 = vector.broadcast %broadcast_in_dim3A_11 : f32 to vector<1x64xf32>
    %broadcast_in_dim3A_13 = arith.constant 0.000000e+00 : f32
    %broadcast_in_dim3A_14 = vector.broadcast %broadcast_in_dim3A_13 : f32 to vector<1x64xf32>
    %get3A_15 = arith.constant 0 : index
    %get3A_16 = arith.constant 0 : index
    %get3A_17 = arith.constant 0 : index
    %get3A_18 = vector.load %arg2[%get3A_15, %get3A_16, %get3A_17] : memref<1x256x512xf32, #tpu.memory_space<vmem>>, vector<1x256x512xf32>
    %get3A_19 = vector.shape_cast %get3A_18 : vector<1x256x512xf32> to vector<256x512xf32>
    %slice3A = vector.extract_strided_slice %get3A_19 {offsets = [0, 0], sizes = [256, 32], strides = [1, 1]} : vector<256x512xf32> to vector<256x32xf32>
    %sub3A = arith.subf %slice3A, %get3A_3 : vector<256x32xf32>
    %concatenate3A = tpu.concatenate %sub3A, %get3A_3 in 1 : vector<256x32xf32>, vector<256x32xf32> -> vector<256x64xf32>
    %dot_general3A = arith.constant dense<0.000000e+00> : vector<256x64xf32>
    %dot_general3A_20 = tpu.matmul %concatenate3A, %get3A_6, %dot_general3A {dimension_numbers = #tpu.dot_dimension_numbers<[1], [0], [0], [1], [0, 0, 1, 1], [], []>, transpose_lhs_hint = false} : vector<256x64xf32>, vector<64x64xf32>, vector<256x64xf32> -> vector<256x64xf32>
    %max3A = arith.maximumf %broadcast_in_dim3A, %dot_general3A_20 : vector<256x64xf32>
    %min3A = arith.minimumf %broadcast_in_dim3A_10, %dot_general3A_20 : vector<256x64xf32>
    %reduce_sum3A = arith.constant dense<0.000000e+00> : vector<64xf32>
    %reduce_sum3A_21 = vector.multi_reduction <add>, %dot_general3A_20, %reduce_sum3A [0] : vector<256x64xf32> to vector<64xf32>
    %broadcast_in_dim3A_22 = vector.shape_cast %reduce_sum3A_21 : vector<64xf32> to vector<1x64xf32>
    %add3A = arith.addf %broadcast_in_dim3A_12, %broadcast_in_dim3A_22 : vector<1x64xf32>
    %mul3A = arith.mulf %dot_general3A_20, %dot_general3A_20 : vector<256x64xf32>
    %reduce_sum3A_23 = arith.constant dense<0.000000e+00> : vector<64xf32>
    %reduce_sum3A_24 = vector.multi_reduction <add>, %mul3A, %reduce_sum3A_23 [0] : vector<256x64xf32> to vector<64xf32>
    %broadcast_in_dim3A_25 = vector.shape_cast %reduce_sum3A_24 : vector<64xf32> to vector<1x64xf32>
    %add3A_26 = arith.addf %broadcast_in_dim3A_14, %broadcast_in_dim3A_25 : vector<1x64xf32>
    %get3A_27 = arith.constant 0 : index
    %get3A_28 = arith.constant 0 : index
    %get3A_29 = arith.constant 0 : index
    %get3A_30 = vector.load %arg2[%get3A_27, %get3A_28, %get3A_29] : memref<1x256x512xf32, #tpu.memory_space<vmem>>, vector<1x256x512xf32>
    %get3A_31 = vector.shape_cast %get3A_30 : vector<1x256x512xf32> to vector<256x512xf32>
    %slice3A_32 = vector.extract_strided_slice %get3A_31 {offsets = [0, 32], sizes = [256, 32], strides = [1, 1]} : vector<256x512xf32> to vector<256x32xf32>
    %sub3A_33 = arith.subf %slice3A_32, %get3A_3 : vector<256x32xf32>
    %concatenate3A_34 = tpu.concatenate %sub3A_33, %get3A_3 in 1 : vector<256x32xf32>, vector<256x32xf32> -> vector<256x64xf32>
    %dot_general3A_35 = arith.constant dense<0.000000e+00> : vector<256x64xf32>
    %dot_general3A_36 = tpu.matmul %concatenate3A_34, %get3A_6, %dot_general3A_35 {dimension_numbers = #tpu.dot_dimension_numbers<[1], [0], [0], [1], [0, 0, 1, 1], [], []>, transpose_lhs_hint = false} : vector<256x64xf32>, vector<64x64xf32>, vector<256x64xf32> -> vector<256x64xf32>
    %max3A_37 = arith.maximumf %max3A, %dot_general3A_36 : vector<256x64xf32>
    %min3A_38 = arith.minimumf %min3A, %dot_general3A_36 : vector<256x64xf32>
    %reduce_sum3A_39 = arith.constant dense<0.000000e+00> : vector<64xf32>
    %reduce_sum3A_40 = vector.multi_reduction <add>, %dot_general3A_36, %reduce_sum3A_39 [0] : vector<256x64xf32> to vector<64xf32>
    %broadcast_in_dim3A_41 = vector.shape_cast %reduce_sum3A_40 : vector<64xf32> to vector<1x64xf32>
    %add3A_42 = arith.addf %add3A, %broadcast_in_dim3A_41 : vector<1x64xf32>
    %mul3A_43 = arith.mulf %dot_general3A_36, %dot_general3A_36 : vector<256x64xf32>
    %reduce_sum3A_44 = arith.constant dense<0.000000e+00> : vector<64xf32>
    %reduce_sum3A_45 = vector.multi_reduction <add>, %mul3A_43, %reduce_sum3A_44 [0] : vector<256x64xf32> to vector<64xf32>
    %broadcast_in_dim3A_46 = vector.shape_cast %reduce_sum3A_45 : vector<64xf32> to vector<1x64xf32>
    %add3A_47 = arith.addf %add3A_26, %broadcast_in_dim3A_46 : vector<1x64xf32>
    %get3A_48 = arith.constant 0 : index
    %get3A_49 = arith.constant 0 : index
    %get3A_50 = arith.constant 0 : index
    %get3A_51 = vector.load %arg2[%get3A_48, %get3A_49, %get3A_50] : memref<1x256x512xf32, #tpu.memory_space<vmem>>, vector<1x256x512xf32>
    %get3A_52 = vector.shape_cast %get3A_51 : vector<1x256x512xf32> to vector<256x512xf32>
    %slice3A_53 = vector.extract_strided_slice %get3A_52 {offsets = [0, 64], sizes = [256, 32], strides = [1, 1]} : vector<256x512xf32> to vector<256x32xf32>
    %sub3A_54 = arith.subf %slice3A_53, %get3A_3 : vector<256x32xf32>
    %concatenate3A_55 = tpu.concatenate %sub3A_54, %get3A_3 in 1 : vector<256x32xf32>, vector<256x32xf32> -> vector<256x64xf32>
    %dot_general3A_56 = arith.constant dense<0.000000e+00> : vector<256x64xf32>
    %dot_general3A_57 = tpu.matmul %concatenate3A_55, %get3A_6, %dot_general3A_56 {dimension_numbers = #tpu.dot_dimension_numbers<[1], [0], [0], [1], [0, 0, 1, 1], [], []>, transpose_lhs_hint = false} : vector<256x64xf32>, vector<64x64xf32>, vector<256x64xf32> -> vector<256x64xf32>
    %max3A_58 = arith.maximumf %max3A_37, %dot_general3A_57 : vector<256x64xf32>
    %min3A_59 = arith.minimumf %min3A_38, %dot_general3A_57 : vector<256x64xf32>
    %reduce_sum3A_60 = arith.constant dense<0.000000e+00> : vector<64xf32>
    %reduce_sum3A_61 = vector.multi_reduction <add>, %dot_general3A_57, %reduce_sum3A_60 [0] : vector<256x64xf32> to vector<64xf32>
    %broadcast_in_dim3A_62 = vector.shape_cast %reduce_sum3A_61 : vector<64xf32> to vector<1x64xf32>
    %add3A_63 = arith.addf %add3A_42, %broadcast_in_dim3A_62 : vector<1x64xf32>
    %mul3A_64 = arith.mulf %dot_general3A_57, %dot_general3A_57 : vector<256x64xf32>
    %reduce_sum3A_65 = arith.constant dense<0.000000e+00> : vector<64xf32>
    %reduce_sum3A_66 = vector.multi_reduction <add>, %mul3A_64, %reduce_sum3A_65 [0] : vector<256x64xf32> to vector<64xf32>
    %broadcast_in_dim3A_67 = vector.shape_cast %reduce_sum3A_66 : vector<64xf32> to vector<1x64xf32>
    %add3A_68 = arith.addf %add3A_47, %broadcast_in_dim3A_67 : vector<1x64xf32>
    %get3A_69 = arith.constant 0 : index
    %get3A_70 = arith.constant 0 : index
    %get3A_71 = arith.constant 0 : index
    %get3A_72 = vector.load %arg2[%get3A_69, %get3A_70, %get3A_71] : memref<1x256x512xf32, #tpu.memory_space<vmem>>, vector<1x256x512xf32>
    %get3A_73 = vector.shape_cast %get3A_72 : vector<1x256x512xf32> to vector<256x512xf32>
    %slice3A_74 = vector.extract_strided_slice %get3A_73 {offsets = [0, 96], sizes = [256, 32], strides = [1, 1]} : vector<256x512xf32> to vector<256x32xf32>
    %sub3A_75 = arith.subf %slice3A_74, %get3A_3 : vector<256x32xf32>
    %concatenate3A_76 = tpu.concatenate %sub3A_75, %get3A_3 in 1 : vector<256x32xf32>, vector<256x32xf32> -> vector<256x64xf32>
    %dot_general3A_77 = arith.constant dense<0.000000e+00> : vector<256x64xf32>
    %dot_general3A_78 = tpu.matmul %concatenate3A_76, %get3A_6, %dot_general3A_77 {dimension_numbers = #tpu.dot_dimension_numbers<[1], [0], [0], [1], [0, 0, 1, 1], [], []>, transpose_lhs_hint = false} : vector<256x64xf32>, vector<64x64xf32>, vector<256x64xf32> -> vector<256x64xf32>
    %max3A_79 = arith.maximumf %max3A_58, %dot_general3A_78 : vector<256x64xf32>
    %min3A_80 = arith.minimumf %min3A_59, %dot_general3A_78 : vector<256x64xf32>
    %reduce_sum3A_81 = arith.constant dense<0.000000e+00> : vector<64xf32>
    %reduce_sum3A_82 = vector.multi_reduction <add>, %dot_general3A_78, %reduce_sum3A_81 [0] : vector<256x64xf32> to vector<64xf32>
    %broadcast_in_dim3A_83 = vector.shape_cast %reduce_sum3A_82 : vector<64xf32> to vector<1x64xf32>
    %add3A_84 = arith.addf %add3A_63, %broadcast_in_dim3A_83 : vector<1x64xf32>
    %mul3A_85 = arith.mulf %dot_general3A_78, %dot_general3A_78 : vector<256x64xf32>
    %reduce_sum3A_86 = arith.constant dense<0.000000e+00> : vector<64xf32>
    %reduce_sum3A_87 = vector.multi_reduction <add>, %mul3A_85, %reduce_sum3A_86 [0] : vector<256x64xf32> to vector<64xf32>
    %broadcast_in_dim3A_88 = vector.shape_cast %reduce_sum3A_87 : vector<64xf32> to vector<1x64xf32>
    %add3A_89 = arith.addf %add3A_68, %broadcast_in_dim3A_88 : vector<1x64xf32>
    %get3A_90 = arith.constant 0 : index
    %get3A_91 = arith.constant 0 : index
    %get3A_92 = arith.constant 0 : index
    %get3A_93 = vector.load %arg2[%get3A_90, %get3A_91, %get3A_92] : memref<1x256x512xf32, #tpu.memory_space<vmem>>, vector<1x256x512xf32>
    %get3A_94 = vector.shape_cast %get3A_93 : vector<1x256x512xf32> to vector<256x512xf32>
    %slice3A_95 = vector.extract_strided_slice %get3A_94 {offsets = [0, 128], sizes = [256, 32], strides = [1, 1]} : vector<256x512xf32> to vector<256x32xf32>
    %sub3A_96 = arith.subf %slice3A_95, %get3A_3 : vector<256x32xf32>
    %concatenate3A_97 = tpu.concatenate %sub3A_96, %get3A_3 in 1 : vector<256x32xf32>, vector<256x32xf32> -> vector<256x64xf32>
    %dot_general3A_98 = arith.constant dense<0.000000e+00> : vector<256x64xf32>
    %dot_general3A_99 = tpu.matmul %concatenate3A_97, %get3A_6, %dot_general3A_98 {dimension_numbers = #tpu.dot_dimension_numbers<[1], [0], [0], [1], [0, 0, 1, 1], [], []>, transpose_lhs_hint = false} : vector<256x64xf32>, vector<64x64xf32>, vector<256x64xf32> -> vector<256x64xf32>
    %max3A_100 = arith.maximumf %max3A_79, %dot_general3A_99 : vector<256x64xf32>
    %min3A_101 = arith.minimumf %min3A_80, %dot_general3A_99 : vector<256x64xf32>
    %reduce_sum3A_102 = arith.constant dense<0.000000e+00> : vector<64xf32>
    %reduce_sum3A_103 = vector.multi_reduction <add>, %dot_general3A_99, %reduce_sum3A_102 [0] : vector<256x64xf32> to vector<64xf32>
    %broadcast_in_dim3A_104 = vector.shape_cast %reduce_sum3A_103 : vector<64xf32> to vector<1x64xf32>
    %add3A_105 = arith.addf %add3A_84, %broadcast_in_dim3A_104 : vector<1x64xf32>
    %mul3A_106 = arith.mulf %dot_general3A_99, %dot_general3A_99 : vector<256x64xf32>
    %reduce_sum3A_107 = arith.constant dense<0.000000e+00> : vector<64xf32>
    %reduce_sum3A_108 = vector.multi_reduction <add>, %mul3A_106, %reduce_sum3A_107 [0] : vector<256x64xf32> to vector<64xf32>
    %broadcast_in_dim3A_109 = vector.shape_cast %reduce_sum3A_108 : vector<64xf32> to vector<1x64xf32>
    %add3A_110 = arith.addf %add3A_89, %broadcast_in_dim3A_109 : vector<1x64xf32>
    %get3A_111 = arith.constant 0 : index
    %get3A_112 = arith.constant 0 : index
    %get3A_113 = arith.constant 0 : index
    %get3A_114 = vector.load %arg2[%get3A_111, %get3A_112, %get3A_113] : memref<1x256x512xf32, #tpu.memory_space<vmem>>, vector<1x256x512xf32>
    %get3A_115 = vector.shape_cast %get3A_114 : vector<1x256x512xf32> to vector<256x512xf32>
    %slice3A_116 = vector.extract_strided_slice %get3A_115 {offsets = [0, 160], sizes = [256, 32], strides = [1, 1]} : vector<256x512xf32> to vector<256x32xf32>
    %sub3A_117 = arith.subf %slice3A_116, %get3A_3 : vector<256x32xf32>
    %concatenate3A_118 = tpu.concatenate %sub3A_117, %get3A_3 in 1 : vector<256x32xf32>, vector<256x32xf32> -> vector<256x64xf32>
    %dot_general3A_119 = arith.constant dense<0.000000e+00> : vector<256x64xf32>
    %dot_general3A_120 = tpu.matmul %concatenate3A_118, %get3A_6, %dot_general3A_119 {dimension_numbers = #tpu.dot_dimension_numbers<[1], [0], [0], [1], [0, 0, 1, 1], [], []>, transpose_lhs_hint = false} : vector<256x64xf32>, vector<64x64xf32>, vector<256x64xf32> -> vector<256x64xf32>
    %max3A_121 = arith.maximumf %max3A_100, %dot_general3A_120 : vector<256x64xf32>
    %min3A_122 = arith.minimumf %min3A_101, %dot_general3A_120 : vector<256x64xf32>
    %reduce_sum3A_123 = arith.constant dense<0.000000e+00> : vector<64xf32>
    %reduce_sum3A_124 = vector.multi_reduction <add>, %dot_general3A_120, %reduce_sum3A_123 [0] : vector<256x64xf32> to vector<64xf32>
    %broadcast_in_dim3A_125 = vector.shape_cast %reduce_sum3A_124 : vector<64xf32> to vector<1x64xf32>
    %add3A_126 = arith.addf %add3A_105, %broadcast_in_dim3A_125 : vector<1x64xf32>
    %mul3A_127 = arith.mulf %dot_general3A_120, %dot_general3A_120 : vector<256x64xf32>
    %reduce_sum3A_128 = arith.constant dense<0.000000e+00> : vector<64xf32>
    %reduce_sum3A_129 = vector.multi_reduction <add>, %mul3A_127, %reduce_sum3A_128 [0] : vector<256x64xf32> to vector<64xf32>
    %broadcast_in_dim3A_130 = vector.shape_cast %reduce_sum3A_129 : vector<64xf32> to vector<1x64xf32>
    %add3A_131 = arith.addf %add3A_110, %broadcast_in_dim3A_130 : vector<1x64xf32>
    %get3A_132 = arith.constant 0 : index
    %get3A_133 = arith.constant 0 : index
    %get3A_134 = arith.constant 0 : index
    %get3A_135 = vector.load %arg2[%get3A_132, %get3A_133, %get3A_134] : memref<1x256x512xf32, #tpu.memory_space<vmem>>, vector<1x256x512xf32>
    %get3A_136 = vector.shape_cast %get3A_135 : vector<1x256x512xf32> to vector<256x512xf32>
    %slice3A_137 = vector.extract_strided_slice %get3A_136 {offsets = [0, 192], sizes = [256, 32], strides = [1, 1]} : vector<256x512xf32> to vector<256x32xf32>
    %sub3A_138 = arith.subf %slice3A_137, %get3A_3 : vector<256x32xf32>
    %concatenate3A_139 = tpu.concatenate %sub3A_138, %get3A_3 in 1 : vector<256x32xf32>, vector<256x32xf32> -> vector<256x64xf32>
    %dot_general3A_140 = arith.constant dense<0.000000e+00> : vector<256x64xf32>
    %dot_general3A_141 = tpu.matmul %concatenate3A_139, %get3A_6, %dot_general3A_140 {dimension_numbers = #tpu.dot_dimension_numbers<[1], [0], [0], [1], [0, 0, 1, 1], [], []>, transpose_lhs_hint = false} : vector<256x64xf32>, vector<64x64xf32>, vector<256x64xf32> -> vector<256x64xf32>
    %max3A_142 = arith.maximumf %max3A_121, %dot_general3A_141 : vector<256x64xf32>
    %min3A_143 = arith.minimumf %min3A_122, %dot_general3A_141 : vector<256x64xf32>
    %reduce_sum3A_144 = arith.constant dense<0.000000e+00> : vector<64xf32>
    %reduce_sum3A_145 = vector.multi_reduction <add>, %dot_general3A_141, %reduce_sum3A_144 [0] : vector<256x64xf32> to vector<64xf32>
    %broadcast_in_dim3A_146 = vector.shape_cast %reduce_sum3A_145 : vector<64xf32> to vector<1x64xf32>
    %add3A_147 = arith.addf %add3A_126, %broadcast_in_dim3A_146 : vector<1x64xf32>
    %mul3A_148 = arith.mulf %dot_general3A_141, %dot_general3A_141 : vector<256x64xf32>
    %reduce_sum3A_149 = arith.constant dense<0.000000e+00> : vector<64xf32>
    %reduce_sum3A_150 = vector.multi_reduction <add>, %mul3A_148, %reduce_sum3A_149 [0] : vector<256x64xf32> to vector<64xf32>
    %broadcast_in_dim3A_151 = vector.shape_cast %reduce_sum3A_150 : vector<64xf32> to vector<1x64xf32>
    %add3A_152 = arith.addf %add3A_131, %broadcast_in_dim3A_151 : vector<1x64xf32>
    %get3A_153 = arith.constant 0 : index
    %get3A_154 = arith.constant 0 : index
    %get3A_155 = arith.constant 0 : index
    %get3A_156 = vector.load %arg2[%get3A_153, %get3A_154, %get3A_155] : memref<1x256x512xf32, #tpu.memory_space<vmem>>, vector<1x256x512xf32>
    %get3A_157 = vector.shape_cast %get3A_156 : vector<1x256x512xf32> to vector<256x512xf32>
    %slice3A_158 = vector.extract_strided_slice %get3A_157 {offsets = [0, 224], sizes = [256, 32], strides = [1, 1]} : vector<256x512xf32> to vector<256x32xf32>
    %sub3A_159 = arith.subf %slice3A_158, %get3A_3 : vector<256x32xf32>
    %concatenate3A_160 = tpu.concatenate %sub3A_159, %get3A_3 in 1 : vector<256x32xf32>, vector<256x32xf32> -> vector<256x64xf32>
    %dot_general3A_161 = arith.constant dense<0.000000e+00> : vector<256x64xf32>
    %dot_general3A_162 = tpu.matmul %concatenate3A_160, %get3A_6, %dot_general3A_161 {dimension_numbers = #tpu.dot_dimension_numbers<[1], [0], [0], [1], [0, 0, 1, 1], [], []>, transpose_lhs_hint = false} : vector<256x64xf32>, vector<64x64xf32>, vector<256x64xf32> -> vector<256x64xf32>
    %max3A_163 = arith.maximumf %max3A_142, %dot_general3A_162 : vector<256x64xf32>
    %min3A_164 = arith.minimumf %min3A_143, %dot_general3A_162 : vector<256x64xf32>
    %reduce_sum3A_165 = arith.constant dense<0.000000e+00> : vector<64xf32>
    %reduce_sum3A_166 = vector.multi_reduction <add>, %dot_general3A_162, %reduce_sum3A_165 [0] : vector<256x64xf32> to vector<64xf32>
    %broadcast_in_dim3A_167 = vector.shape_cast %reduce_sum3A_166 : vector<64xf32> to vector<1x64xf32>
    %add3A_168 = arith.addf %add3A_147, %broadcast_in_dim3A_167 : vector<1x64xf32>
    %mul3A_169 = arith.mulf %dot_general3A_162, %dot_general3A_162 : vector<256x64xf32>
    %reduce_sum3A_170 = arith.constant dense<0.000000e+00> : vector<64xf32>
    %reduce_sum3A_171 = vector.multi_reduction <add>, %mul3A_169, %reduce_sum3A_170 [0] : vector<256x64xf32> to vector<64xf32>
    %broadcast_in_dim3A_172 = vector.shape_cast %reduce_sum3A_171 : vector<64xf32> to vector<1x64xf32>
    %add3A_173 = arith.addf %add3A_152, %broadcast_in_dim3A_172 : vector<1x64xf32>
    %get3A_174 = arith.constant 0 : index
    %get3A_175 = arith.constant 0 : index
    %get3A_176 = arith.constant 0 : index
    %get3A_177 = vector.load %arg2[%get3A_174, %get3A_175, %get3A_176] : memref<1x256x512xf32, #tpu.memory_space<vmem>>, vector<1x256x512xf32>
    %get3A_178 = vector.shape_cast %get3A_177 : vector<1x256x512xf32> to vector<256x512xf32>
    %slice3A_179 = vector.extract_strided_slice %get3A_178 {offsets = [0, 256], sizes = [256, 32], strides = [1, 1]} : vector<256x512xf32> to vector<256x32xf32>
    %sub3A_180 = arith.subf %slice3A_179, %get3A_3 : vector<256x32xf32>
    %concatenate3A_181 = tpu.concatenate %sub3A_180, %get3A_3 in 1 : vector<256x32xf32>, vector<256x32xf32> -> vector<256x64xf32>
    %dot_general3A_182 = arith.constant dense<0.000000e+00> : vector<256x64xf32>
    %dot_general3A_183 = tpu.matmul %concatenate3A_181, %get3A_6, %dot_general3A_182 {dimension_numbers = #tpu.dot_dimension_numbers<[1], [0], [0], [1], [0, 0, 1, 1], [], []>, transpose_lhs_hint = false} : vector<256x64xf32>, vector<64x64xf32>, vector<256x64xf32> -> vector<256x64xf32>
    %max3A_184 = arith.maximumf %max3A_163, %dot_general3A_183 : vector<256x64xf32>
    %min3A_185 = arith.minimumf %min3A_164, %dot_general3A_183 : vector<256x64xf32>
    %reduce_sum3A_186 = arith.constant dense<0.000000e+00> : vector<64xf32>
    %reduce_sum3A_187 = vector.multi_reduction <add>, %dot_general3A_183, %reduce_sum3A_186 [0] : vector<256x64xf32> to vector<64xf32>
    %broadcast_in_dim3A_188 = vector.shape_cast %reduce_sum3A_187 : vector<64xf32> to vector<1x64xf32>
    %add3A_189 = arith.addf %add3A_168, %broadcast_in_dim3A_188 : vector<1x64xf32>
    %mul3A_190 = arith.mulf %dot_general3A_183, %dot_general3A_183 : vector<256x64xf32>
    %reduce_sum3A_191 = arith.constant dense<0.000000e+00> : vector<64xf32>
    %reduce_sum3A_192 = vector.multi_reduction <add>, %mul3A_190, %reduce_sum3A_191 [0] : vector<256x64xf32> to vector<64xf32>
    %broadcast_in_dim3A_193 = vector.shape_cast %reduce_sum3A_192 : vector<64xf32> to vector<1x64xf32>
    %add3A_194 = arith.addf %add3A_173, %broadcast_in_dim3A_193 : vector<1x64xf32>
    %get3A_195 = arith.constant 0 : index
    %get3A_196 = arith.constant 0 : index
    %get3A_197 = arith.constant 0 : index
    %get3A_198 = vector.load %arg2[%get3A_195, %get3A_196, %get3A_197] : memref<1x256x512xf32, #tpu.memory_space<vmem>>, vector<1x256x512xf32>
    %get3A_199 = vector.shape_cast %get3A_198 : vector<1x256x512xf32> to vector<256x512xf32>
    %slice3A_200 = vector.extract_strided_slice %get3A_199 {offsets = [0, 288], sizes = [256, 32], strides = [1, 1]} : vector<256x512xf32> to vector<256x32xf32>
    %sub3A_201 = arith.subf %slice3A_200, %get3A_3 : vector<256x32xf32>
    %concatenate3A_202 = tpu.concatenate %sub3A_201, %get3A_3 in 1 : vector<256x32xf32>, vector<256x32xf32> -> vector<256x64xf32>
    %dot_general3A_203 = arith.constant dense<0.000000e+00> : vector<256x64xf32>
    %dot_general3A_204 = tpu.matmul %concatenate3A_202, %get3A_6, %dot_general3A_203 {dimension_numbers = #tpu.dot_dimension_numbers<[1], [0], [0], [1], [0, 0, 1, 1], [], []>, transpose_lhs_hint = false} : vector<256x64xf32>, vector<64x64xf32>, vector<256x64xf32> -> vector<256x64xf32>
    %max3A_205 = arith.maximumf %max3A_184, %dot_general3A_204 : vector<256x64xf32>
    %min3A_206 = arith.minimumf %min3A_185, %dot_general3A_204 : vector<256x64xf32>
    %reduce_sum3A_207 = arith.constant dense<0.000000e+00> : vector<64xf32>
    %reduce_sum3A_208 = vector.multi_reduction <add>, %dot_general3A_204, %reduce_sum3A_207 [0] : vector<256x64xf32> to vector<64xf32>
    %broadcast_in_dim3A_209 = vector.shape_cast %reduce_sum3A_208 : vector<64xf32> to vector<1x64xf32>
    %add3A_210 = arith.addf %add3A_189, %broadcast_in_dim3A_209 : vector<1x64xf32>
    %mul3A_211 = arith.mulf %dot_general3A_204, %dot_general3A_204 : vector<256x64xf32>
    %reduce_sum3A_212 = arith.constant dense<0.000000e+00> : vector<64xf32>
    %reduce_sum3A_213 = vector.multi_reduction <add>, %mul3A_211, %reduce_sum3A_212 [0] : vector<256x64xf32> to vector<64xf32>
    %broadcast_in_dim3A_214 = vector.shape_cast %reduce_sum3A_213 : vector<64xf32> to vector<1x64xf32>
    %add3A_215 = arith.addf %add3A_194, %broadcast_in_dim3A_214 : vector<1x64xf32>
    %get3A_216 = arith.constant 0 : index
    %get3A_217 = arith.constant 0 : index
    %get3A_218 = arith.constant 0 : index
    %get3A_219 = vector.load %arg2[%get3A_216, %get3A_217, %get3A_218] : memref<1x256x512xf32, #tpu.memory_space<vmem>>, vector<1x256x512xf32>
    %get3A_220 = vector.shape_cast %get3A_219 : vector<1x256x512xf32> to vector<256x512xf32>
    %slice3A_221 = vector.extract_strided_slice %get3A_220 {offsets = [0, 320], sizes = [256, 32], strides = [1, 1]} : vector<256x512xf32> to vector<256x32xf32>
    %sub3A_222 = arith.subf %slice3A_221, %get3A_3 : vector<256x32xf32>
    %concatenate3A_223 = tpu.concatenate %sub3A_222, %get3A_3 in 1 : vector<256x32xf32>, vector<256x32xf32> -> vector<256x64xf32>
    %dot_general3A_224 = arith.constant dense<0.000000e+00> : vector<256x64xf32>
    %dot_general3A_225 = tpu.matmul %concatenate3A_223, %get3A_6, %dot_general3A_224 {dimension_numbers = #tpu.dot_dimension_numbers<[1], [0], [0], [1], [0, 0, 1, 1], [], []>, transpose_lhs_hint = false} : vector<256x64xf32>, vector<64x64xf32>, vector<256x64xf32> -> vector<256x64xf32>
    %max3A_226 = arith.maximumf %max3A_205, %dot_general3A_225 : vector<256x64xf32>
    %min3A_227 = arith.minimumf %min3A_206, %dot_general3A_225 : vector<256x64xf32>
    %reduce_sum3A_228 = arith.constant dense<0.000000e+00> : vector<64xf32>
    %reduce_sum3A_229 = vector.multi_reduction <add>, %dot_general3A_225, %reduce_sum3A_228 [0] : vector<256x64xf32> to vector<64xf32>
    %broadcast_in_dim3A_230 = vector.shape_cast %reduce_sum3A_229 : vector<64xf32> to vector<1x64xf32>
    %add3A_231 = arith.addf %add3A_210, %broadcast_in_dim3A_230 : vector<1x64xf32>
    %mul3A_232 = arith.mulf %dot_general3A_225, %dot_general3A_225 : vector<256x64xf32>
    %reduce_sum3A_233 = arith.constant dense<0.000000e+00> : vector<64xf32>
    %reduce_sum3A_234 = vector.multi_reduction <add>, %mul3A_232, %reduce_sum3A_233 [0] : vector<256x64xf32> to vector<64xf32>
    %broadcast_in_dim3A_235 = vector.shape_cast %reduce_sum3A_234 : vector<64xf32> to vector<1x64xf32>
    %add3A_236 = arith.addf %add3A_215, %broadcast_in_dim3A_235 : vector<1x64xf32>
    %get3A_237 = arith.constant 0 : index
    %get3A_238 = arith.constant 0 : index
    %get3A_239 = arith.constant 0 : index
    %get3A_240 = vector.load %arg2[%get3A_237, %get3A_238, %get3A_239] : memref<1x256x512xf32, #tpu.memory_space<vmem>>, vector<1x256x512xf32>
    %get3A_241 = vector.shape_cast %get3A_240 : vector<1x256x512xf32> to vector<256x512xf32>
    %slice3A_242 = vector.extract_strided_slice %get3A_241 {offsets = [0, 352], sizes = [256, 32], strides = [1, 1]} : vector<256x512xf32> to vector<256x32xf32>
    %sub3A_243 = arith.subf %slice3A_242, %get3A_3 : vector<256x32xf32>
    %concatenate3A_244 = tpu.concatenate %sub3A_243, %get3A_3 in 1 : vector<256x32xf32>, vector<256x32xf32> -> vector<256x64xf32>
    %dot_general3A_245 = arith.constant dense<0.000000e+00> : vector<256x64xf32>
    %dot_general3A_246 = tpu.matmul %concatenate3A_244, %get3A_6, %dot_general3A_245 {dimension_numbers = #tpu.dot_dimension_numbers<[1], [0], [0], [1], [0, 0, 1, 1], [], []>, transpose_lhs_hint = false} : vector<256x64xf32>, vector<64x64xf32>, vector<256x64xf32> -> vector<256x64xf32>
    %max3A_247 = arith.maximumf %max3A_226, %dot_general3A_246 : vector<256x64xf32>
    %min3A_248 = arith.minimumf %min3A_227, %dot_general3A_246 : vector<256x64xf32>
    %reduce_sum3A_249 = arith.constant dense<0.000000e+00> : vector<64xf32>
    %reduce_sum3A_250 = vector.multi_reduction <add>, %dot_general3A_246, %reduce_sum3A_249 [0] : vector<256x64xf32> to vector<64xf32>
    %broadcast_in_dim3A_251 = vector.shape_cast %reduce_sum3A_250 : vector<64xf32> to vector<1x64xf32>
    %add3A_252 = arith.addf %add3A_231, %broadcast_in_dim3A_251 : vector<1x64xf32>
    %mul3A_253 = arith.mulf %dot_general3A_246, %dot_general3A_246 : vector<256x64xf32>
    %reduce_sum3A_254 = arith.constant dense<0.000000e+00> : vector<64xf32>
    %reduce_sum3A_255 = vector.multi_reduction <add>, %mul3A_253, %reduce_sum3A_254 [0] : vector<256x64xf32> to vector<64xf32>
    %broadcast_in_dim3A_256 = vector.shape_cast %reduce_sum3A_255 : vector<64xf32> to vector<1x64xf32>
    %add3A_257 = arith.addf %add3A_236, %broadcast_in_dim3A_256 : vector<1x64xf32>
    %get3A_258 = arith.constant 0 : index
    %get3A_259 = arith.constant 0 : index
    %get3A_260 = arith.constant 0 : index
    %get3A_261 = vector.load %arg2[%get3A_258, %get3A_259, %get3A_260] : memref<1x256x512xf32, #tpu.memory_space<vmem>>, vector<1x256x512xf32>
    %get3A_262 = vector.shape_cast %get3A_261 : vector<1x256x512xf32> to vector<256x512xf32>
    %slice3A_263 = vector.extract_strided_slice %get3A_262 {offsets = [0, 384], sizes = [256, 32], strides = [1, 1]} : vector<256x512xf32> to vector<256x32xf32>
    %sub3A_264 = arith.subf %slice3A_263, %get3A_3 : vector<256x32xf32>
    %concatenate3A_265 = tpu.concatenate %sub3A_264, %get3A_3 in 1 : vector<256x32xf32>, vector<256x32xf32> -> vector<256x64xf32>
    %dot_general3A_266 = arith.constant dense<0.000000e+00> : vector<256x64xf32>
    %dot_general3A_267 = tpu.matmul %concatenate3A_265, %get3A_6, %dot_general3A_266 {dimension_numbers = #tpu.dot_dimension_numbers<[1], [0], [0], [1], [0, 0, 1, 1], [], []>, transpose_lhs_hint = false} : vector<256x64xf32>, vector<64x64xf32>, vector<256x64xf32> -> vector<256x64xf32>
    %max3A_268 = arith.maximumf %max3A_247, %dot_general3A_267 : vector<256x64xf32>
    %min3A_269 = arith.minimumf %min3A_248, %dot_general3A_267 : vector<256x64xf32>
    %reduce_sum3A_270 = arith.constant dense<0.000000e+00> : vector<64xf32>
    %reduce_sum3A_271 = vector.multi_reduction <add>, %dot_general3A_267, %reduce_sum3A_270 [0] : vector<256x64xf32> to vector<64xf32>
    %broadcast_in_dim3A_272 = vector.shape_cast %reduce_sum3A_271 : vector<64xf32> to vector<1x64xf32>
    %add3A_273 = arith.addf %add3A_252, %broadcast_in_dim3A_272 : vector<1x64xf32>
    %mul3A_274 = arith.mulf %dot_general3A_267, %dot_general3A_267 : vector<256x64xf32>
    %reduce_sum3A_275 = arith.constant dense<0.000000e+00> : vector<64xf32>
    %reduce_sum3A_276 = vector.multi_reduction <add>, %mul3A_274, %reduce_sum3A_275 [0] : vector<256x64xf32> to vector<64xf32>
    %broadcast_in_dim3A_277 = vector.shape_cast %reduce_sum3A_276 : vector<64xf32> to vector<1x64xf32>
    %add3A_278 = arith.addf %add3A_257, %broadcast_in_dim3A_277 : vector<1x64xf32>
    %get3A_279 = arith.constant 0 : index
    %get3A_280 = arith.constant 0 : index
    %get3A_281 = arith.constant 0 : index
    %get3A_282 = vector.load %arg2[%get3A_279, %get3A_280, %get3A_281] : memref<1x256x512xf32, #tpu.memory_space<vmem>>, vector<1x256x512xf32>
    %get3A_283 = vector.shape_cast %get3A_282 : vector<1x256x512xf32> to vector<256x512xf32>
    %slice3A_284 = vector.extract_strided_slice %get3A_283 {offsets = [0, 416], sizes = [256, 32], strides = [1, 1]} : vector<256x512xf32> to vector<256x32xf32>
    %sub3A_285 = arith.subf %slice3A_284, %get3A_3 : vector<256x32xf32>
    %concatenate3A_286 = tpu.concatenate %sub3A_285, %get3A_3 in 1 : vector<256x32xf32>, vector<256x32xf32> -> vector<256x64xf32>
    %dot_general3A_287 = arith.constant dense<0.000000e+00> : vector<256x64xf32>
    %dot_general3A_288 = tpu.matmul %concatenate3A_286, %get3A_6, %dot_general3A_287 {dimension_numbers = #tpu.dot_dimension_numbers<[1], [0], [0], [1], [0, 0, 1, 1], [], []>, transpose_lhs_hint = false} : vector<256x64xf32>, vector<64x64xf32>, vector<256x64xf32> -> vector<256x64xf32>
    %max3A_289 = arith.maximumf %max3A_268, %dot_general3A_288 : vector<256x64xf32>
    %min3A_290 = arith.minimumf %min3A_269, %dot_general3A_288 : vector<256x64xf32>
    %reduce_sum3A_291 = arith.constant dense<0.000000e+00> : vector<64xf32>
    %reduce_sum3A_292 = vector.multi_reduction <add>, %dot_general3A_288, %reduce_sum3A_291 [0] : vector<256x64xf32> to vector<64xf32>
    %broadcast_in_dim3A_293 = vector.shape_cast %reduce_sum3A_292 : vector<64xf32> to vector<1x64xf32>
    %add3A_294 = arith.addf %add3A_273, %broadcast_in_dim3A_293 : vector<1x64xf32>
    %mul3A_295 = arith.mulf %dot_general3A_288, %dot_general3A_288 : vector<256x64xf32>
    %reduce_sum3A_296 = arith.constant dense<0.000000e+00> : vector<64xf32>
    %reduce_sum3A_297 = vector.multi_reduction <add>, %mul3A_295, %reduce_sum3A_296 [0] : vector<256x64xf32> to vector<64xf32>
    %broadcast_in_dim3A_298 = vector.shape_cast %reduce_sum3A_297 : vector<64xf32> to vector<1x64xf32>
    %add3A_299 = arith.addf %add3A_278, %broadcast_in_dim3A_298 : vector<1x64xf32>
    %get3A_300 = arith.constant 0 : index
    %get3A_301 = arith.constant 0 : index
    %get3A_302 = arith.constant 0 : index
    %get3A_303 = vector.load %arg2[%get3A_300, %get3A_301, %get3A_302] : memref<1x256x512xf32, #tpu.memory_space<vmem>>, vector<1x256x512xf32>
    %get3A_304 = vector.shape_cast %get3A_303 : vector<1x256x512xf32> to vector<256x512xf32>
    %slice3A_305 = vector.extract_strided_slice %get3A_304 {offsets = [0, 448], sizes = [256, 32], strides = [1, 1]} : vector<256x512xf32> to vector<256x32xf32>
    %sub3A_306 = arith.subf %slice3A_305, %get3A_3 : vector<256x32xf32>
    %concatenate3A_307 = tpu.concatenate %sub3A_306, %get3A_3 in 1 : vector<256x32xf32>, vector<256x32xf32> -> vector<256x64xf32>
    %dot_general3A_308 = arith.constant dense<0.000000e+00> : vector<256x64xf32>
    %dot_general3A_309 = tpu.matmul %concatenate3A_307, %get3A_6, %dot_general3A_308 {dimension_numbers = #tpu.dot_dimension_numbers<[1], [0], [0], [1], [0, 0, 1, 1], [], []>, transpose_lhs_hint = false} : vector<256x64xf32>, vector<64x64xf32>, vector<256x64xf32> -> vector<256x64xf32>
    %max3A_310 = arith.maximumf %max3A_289, %dot_general3A_309 : vector<256x64xf32>
    %min3A_311 = arith.minimumf %min3A_290, %dot_general3A_309 : vector<256x64xf32>
    %reduce_sum3A_312 = arith.constant dense<0.000000e+00> : vector<64xf32>
    %reduce_sum3A_313 = vector.multi_reduction <add>, %dot_general3A_309, %reduce_sum3A_312 [0] : vector<256x64xf32> to vector<64xf32>
    %broadcast_in_dim3A_314 = vector.shape_cast %reduce_sum3A_313 : vector<64xf32> to vector<1x64xf32>
    %add3A_315 = arith.addf %add3A_294, %broadcast_in_dim3A_314 : vector<1x64xf32>
    %mul3A_316 = arith.mulf %dot_general3A_309, %dot_general3A_309 : vector<256x64xf32>
    %reduce_sum3A_317 = arith.constant dense<0.000000e+00> : vector<64xf32>
    %reduce_sum3A_318 = vector.multi_reduction <add>, %mul3A_316, %reduce_sum3A_317 [0] : vector<256x64xf32> to vector<64xf32>
    %broadcast_in_dim3A_319 = vector.shape_cast %reduce_sum3A_318 : vector<64xf32> to vector<1x64xf32>
    %add3A_320 = arith.addf %add3A_299, %broadcast_in_dim3A_319 : vector<1x64xf32>
    %get3A_321 = arith.constant 0 : index
    %get3A_322 = arith.constant 0 : index
    %get3A_323 = arith.constant 0 : index
    %get3A_324 = vector.load %arg2[%get3A_321, %get3A_322, %get3A_323] : memref<1x256x512xf32, #tpu.memory_space<vmem>>, vector<1x256x512xf32>
    %get3A_325 = vector.shape_cast %get3A_324 : vector<1x256x512xf32> to vector<256x512xf32>
    %slice3A_326 = vector.extract_strided_slice %get3A_325 {offsets = [0, 480], sizes = [256, 32], strides = [1, 1]} : vector<256x512xf32> to vector<256x32xf32>
    %sub3A_327 = arith.subf %slice3A_326, %get3A_3 : vector<256x32xf32>
    %concatenate3A_328 = tpu.concatenate %sub3A_327, %get3A_3 in 1 : vector<256x32xf32>, vector<256x32xf32> -> vector<256x64xf32>
    %dot_general3A_329 = arith.constant dense<0.000000e+00> : vector<256x64xf32>
    %dot_general3A_330 = tpu.matmul %concatenate3A_328, %get3A_6, %dot_general3A_329 {dimension_numbers = #tpu.dot_dimension_numbers<[1], [0], [0], [1], [0, 0, 1, 1], [], []>, transpose_lhs_hint = false} : vector<256x64xf32>, vector<64x64xf32>, vector<256x64xf32> -> vector<256x64xf32>
    %max3A_331 = arith.maximumf %max3A_310, %dot_general3A_330 : vector<256x64xf32>
    %min3A_332 = arith.minimumf %min3A_311, %dot_general3A_330 : vector<256x64xf32>
    %reduce_sum3A_333 = arith.constant dense<0.000000e+00> : vector<64xf32>
    %reduce_sum3A_334 = vector.multi_reduction <add>, %dot_general3A_330, %reduce_sum3A_333 [0] : vector<256x64xf32> to vector<64xf32>
    %broadcast_in_dim3A_335 = vector.shape_cast %reduce_sum3A_334 : vector<64xf32> to vector<1x64xf32>
    %add3A_336 = arith.addf %add3A_315, %broadcast_in_dim3A_335 : vector<1x64xf32>
    %mul3A_337 = arith.mulf %dot_general3A_330, %dot_general3A_330 : vector<256x64xf32>
    %reduce_sum3A_338 = arith.constant dense<0.000000e+00> : vector<64xf32>
    %reduce_sum3A_339 = vector.multi_reduction <add>, %mul3A_337, %reduce_sum3A_338 [0] : vector<256x64xf32> to vector<64xf32>
    %broadcast_in_dim3A_340 = vector.shape_cast %reduce_sum3A_339 : vector<64xf32> to vector<1x64xf32>
    %add3A_341 = arith.addf %add3A_320, %broadcast_in_dim3A_340 : vector<1x64xf32>
    %swap3A = arith.constant 0 : index
    %swap3A_342 = arith.constant 0 : index
    %swap3A_343 = arith.constant 0 : index
    %swap3A_344 = vector.load %arg5[%swap3A, %swap3A_342, %swap3A_343] : memref<1x256x64xf32, #tpu.memory_space<vmem>>, vector<1x256x64xf32>
    %swap3A_345 = vector.shape_cast %swap3A_344 : vector<1x256x64xf32> to vector<256x64xf32>
    %swap3A_346 = vector.shape_cast %max3A_331 : vector<256x64xf32> to vector<1x256x64xf32>
    tpu.vector_store %arg5[%swap3A, %swap3A_342, %swap3A_343], %swap3A_346 {strides = array<i32>} : memref<1x256x64xf32, #tpu.memory_space<vmem>>, vector<1x256x64xf32>,
    %swap3A_347 = arith.constant 0 : index
    %swap3A_348 = arith.constant 0 : index
    %swap3A_349 = arith.constant 0 : index
    %swap3A_350 = vector.load %arg6[%swap3A_347, %swap3A_348, %swap3A_349] : memref<1x256x64xf32, #tpu.memory_space<vmem>>, vector<1x256x64xf32>
    %swap3A_351 = vector.shape_cast %swap3A_350 : vector<1x256x64xf32> to vector<256x64xf32>
    %swap3A_352 = vector.shape_cast %min3A_332 : vector<256x64xf32> to vector<1x256x64xf32>
    tpu.vector_store %arg6[%swap3A_347, %swap3A_348, %swap3A_349], %swap3A_352 {strides = array<i32>} : memref<1x256x64xf32, #tpu.memory_space<vmem>>, vector<1x256x64xf32>,
    %eq3A = arith.constant 0 : i32
    %eq3A_353 = arith.cmpi eq, %arg1, %eq3A : i32
    %convert_element_type3A = arith.extui %eq3A_353 : i1 to i32
    %cond3A = arith.constant 0 : i32
    %cond3A_354 = arith.cmpi ne, %convert_element_type3A, %cond3A : i32
    scf.if %cond3A_354 {
      %broadcast_in_dim3A_379 = arith.constant 0.000000e+00 : f32
      %broadcast_in_dim3A_380 = vector.broadcast %broadcast_in_dim3A_379 : f32 to vector<1x8x64xf32>
      %swap3A_381 = arith.constant 0 : index
      %swap3A_382 = arith.constant 0 : index
      %swap3A_383 = arith.constant 0 : index
      %swap3A_384 = vector.load %arg7[%swap3A_381, %swap3A_382, %swap3A_383] : memref<1x8x64xf32, #tpu.memory_space<vmem>>, vector<1x8x64xf32>
      tpu.vector_store %arg7[%swap3A_381, %swap3A_382, %swap3A_383], %broadcast_in_dim3A_380 {strides = array<i32>} : memref<1x8x64xf32, #tpu.memory_space<vmem>>, vector<1x8x64xf32>,
    } else {
    }
    %get3A_355 = arith.constant 0 : index
    %get3A_356 = arith.constant 0 : index
    %get3A_357 = arith.constant 0 : index
    %get3A_358 = vector.load %arg7[%get3A_355, %get3A_356, %get3A_357] : memref<1x8x64xf32, #tpu.memory_space<vmem>>, vector<1x1x64xf32>
    %get3A_359 = vector.shape_cast %get3A_358 : vector<1x1x64xf32> to vector<1x64xf32>
    %add3A_360 = arith.addf %get3A_359, %add3A_336 : vector<1x64xf32>
    %swap3A_361 = arith.constant 0 : index
    %swap3A_362 = arith.constant 0 : index
    %swap3A_363 = arith.constant 0 : index
    %swap3A_364 = vector.load %arg7[%swap3A_361, %swap3A_362, %swap3A_363] : memref<1x8x64xf32, #tpu.memory_space<vmem>>, vector<1x1x64xf32>
    %swap3A_365 = vector.shape_cast %swap3A_364 : vector<1x1x64xf32> to vector<1x64xf32>
    %swap3A_366 = vector.shape_cast %add3A_360 : vector<1x64xf32> to vector<1x1x64xf32>
    tpu.vector_store %arg7[%swap3A_361, %swap3A_362, %swap3A_363], %swap3A_366 {strides = array<i32>} : memref<1x8x64xf32, #tpu.memory_space<vmem>>, vector<1x1x64xf32>,
    %get3A_367 = arith.constant 0 : index
    %get3A_368 = arith.constant 1 : index
    %get3A_369 = arith.constant 0 : index
    %get3A_370 = vector.load %arg7[%get3A_367, %get3A_368, %get3A_369] : memref<1x8x64xf32, #tpu.memory_space<vmem>>, vector<1x1x64xf32>
    %get3A_371 = vector.shape_cast %get3A_370 : vector<1x1x64xf32> to vector<1x64xf32>
    %add3A_372 = arith.addf %get3A_371, %add3A_341 : vector<1x64xf32>
    %swap3A_373 = arith.constant 0 : index
    %swap3A_374 = arith.constant 1 : index
    %swap3A_375 = arith.constant 0 : index
    %swap3A_376 = vector.load %arg7[%swap3A_373, %swap3A_374, %swap3A_375] : memref<1x8x64xf32, #tpu.memory_space<vmem>>, vector<1x1x64xf32>
    %swap3A_377 = vector.shape_cast %swap3A_376 : vector<1x1x64xf32> to vector<1x64xf32>
    %swap3A_378 = vector.shape_cast %add3A_372 : vector<1x64xf32> to vector<1x1x64xf32>
    tpu.vector_store %arg7[%swap3A_373, %swap3A_374, %swap3A_375], %swap3A_378 {strides = array<i32>} : memref<1x8x64xf32, #tpu.memory_space<vmem>>, vector<1x1x64xf32>,
    return
  }
  func.func @transform_0(%arg0: i32, %arg1: i32) -> (i32, i32, i32) {
    %c0_i32 = arith.constant 0 : i32
    %c0_i32_0 = arith.constant 0 : i32
    return %arg0, %arg1, %c0_i32 : i32, i32, i32
  }
  func.func @transform_1(%arg0: i32, %arg1: i32) -> (i32, i32, i32) {
    %c0_i32 = arith.constant 0 : i32
    %c0_i32_0 = arith.constant 0 : i32
    return %arg0, %arg1, %c0_i32 : i32, i32, i32
  }
  func.func @transform_2(%arg0: i32, %arg1: i32) -> (i32, i32) {
    %c0_i32 = arith.constant 0 : i32
    %c0_i32_0 = arith.constant 0 : i32
    %c0_i32_1 = arith.constant 0 : i32
    return %c0_i32, %c0_i32_0 : i32, i32
  }
  func.func @transform_3(%arg0: i32, %arg1: i32) -> (i32, i32, i32) {
    %c0_i32 = arith.constant 0 : i32
    %c0_i32_0 = arith.constant 0 : i32
    return %arg0, %arg1, %c0_i32 : i32, i32, i32
  }
  func.func @transform_4(%arg0: i32, %arg1: i32) -> (i32, i32, i32) {
    %c0_i32 = arith.constant 0 : i32
    %c0_i32_0 = arith.constant 0 : i32
    return %arg0, %arg1, %c0_i32 : i32, i32, i32
  }
  func.func @transform_5(%arg0: i32, %arg1: i32) -> (i32, i32, i32) {
    %c0_i32 = arith.constant 0 : i32
    %c0_i32_0 = arith.constant 0 : i32
    %c0_i32_1 = arith.constant 0 : i32
    return %arg0, %c0_i32, %c0_i32_0 : i32, i32, i32
  }
}

module attributes {stable_mosaic.version = 14 : i64} {
  func.func @_fin_body(%arg0: i32, %arg1: memref<1x1024x64xf32, #tpu.memory_space<vmem>>, %arg2: memref<1x1024x64xf32, #tpu.memory_space<vmem>>, %arg3: memref<1x8x64xf32, #tpu.memory_space<vmem>>, %arg4: memref<1x64xf32, #tpu.memory_space<vmem>>, %arg5: memref<1x64xf32, #tpu.memory_space<vmem>>, %arg6: memref<1x1024x64xf32, #tpu.memory_space<vmem>>) attributes {dimension_semantics = [#tpu.dimension_semantics<arbitrary>], iteration_bounds = array<i64: 4>, scalar_prefetch = 0 : i64, scratch_operands = 0 : i64, tpu.core_type = #tpu.core_type<tc>, window_params = [{transform_indices = @transform_0, window_bounds = array<i64: 1, 1024, 64>}, {transform_indices = @transform_1, window_bounds = array<i64: 1, 1024, 64>}, {transform_indices = @transform_2, window_bounds = array<i64: 1, 8, 64>}, {pipeline_mode = #tpu.pipeline_mode<synchronous>, transform_indices = @transform_3, window_bounds = array<i64: 1, 64>}, {pipeline_mode = #tpu.pipeline_mode<synchronous>, transform_indices = @transform_4, window_bounds = array<i64: 1, 64>}, {transform_indices = @transform_5, window_bounds = array<i64: 1, 1024, 64>}]} {
    %get3A = arith.constant 0 : index
    %get3A_0 = arith.constant 0 : index
    %get3A_1 = arith.constant 0 : index
    %get3A_2 = vector.load %arg3[%get3A, %get3A_0, %get3A_1] : memref<1x8x64xf32, #tpu.memory_space<vmem>>, vector<1x1x64xf32>
    %get3A_3 = vector.shape_cast %get3A_2 : vector<1x1x64xf32> to vector<1x64xf32>
    %get3A_4 = arith.constant 0 : index
    %get3A_5 = arith.constant 1 : index
    %get3A_6 = arith.constant 0 : index
    %get3A_7 = vector.load %arg3[%get3A_4, %get3A_5, %get3A_6] : memref<1x8x64xf32, #tpu.memory_space<vmem>>, vector<1x1x64xf32>
    %get3A_8 = vector.shape_cast %get3A_7 : vector<1x1x64xf32> to vector<1x64xf32>
    %iota3A = tpu.iota {dimensions = array<i32: 0>} : vector<64x64xi32>
    %jit3A = arith.constant 16 : i32
    %div3A = vector.broadcast %jit3A : i32 to vector<64x64xi32>
    %div3A_9 = arith.divsi %iota3A, %div3A : vector<64x64xi32>
    %sign3A = arith.constant 0 : i32
    %sign3A_10 = vector.broadcast %sign3A : i32 to vector<64x64xi32>
    %sign3A_11 = arith.cmpi sgt, %iota3A, %sign3A_10 : vector<64x64xi32>
    %sign3A_12 = arith.extui %sign3A_11 : vector<64x64xi1> to vector<64x64xi32>
    %sign3A_13 = arith.constant 0 : i32
    %sign3A_14 = vector.broadcast %sign3A_13 : i32 to vector<64x64xi32>
    %sign3A_15 = arith.cmpi slt, %iota3A, %sign3A_14 : vector<64x64xi32>
    %sign3A_16 = arith.extui %sign3A_15 : vector<64x64xi1> to vector<64x64xi32>
    %sign3A_17 = arith.subi %sign3A_12, %sign3A_16 : vector<64x64xi32>
    %sign3A_18 = arith.constant 0 : i32
    %sign3A_19 = arith.cmpi sgt, %jit3A, %sign3A_18 : i32
    %sign3A_20 = arith.extui %sign3A_19 : i1 to i32
    %sign3A_21 = arith.constant 0 : i32
    %sign3A_22 = arith.cmpi slt, %jit3A, %sign3A_21 : i32
    %sign3A_23 = arith.extui %sign3A_22 : i1 to i32
    %sign3A_24 = arith.subi %sign3A_20, %sign3A_23 : i32
    %ne3A = vector.broadcast %sign3A_24 : i32 to vector<64x64xi32>
    %ne3A_25 = arith.cmpi ne, %sign3A_17, %ne3A : vector<64x64xi32>
    %rem3A = vector.broadcast %jit3A : i32 to vector<64x64xi32>
    %rem3A_26 = arith.remsi %iota3A, %rem3A : vector<64x64xi32>
    %ne3A_27 = arith.constant 0 : i32
    %ne3A_28 = vector.broadcast %ne3A_27 : i32 to vector<64x64xi32>
    %ne3A_29 = arith.cmpi ne, %rem3A_26, %ne3A_28 : vector<64x64xi32>
    %and3A = arith.andi %ne3A_25, %ne3A_29 : vector<64x64xi1>
    %sub3A = arith.constant 1 : i32
    %sub3A_30 = vector.broadcast %sub3A : i32 to vector<64x64xi32>
    %sub3A_31 = arith.subi %div3A_9, %sub3A_30 : vector<64x64xi32>
    %select_n3A = arith.select %and3A, %sub3A_31, %div3A_9 : vector<64x64xi1>, vector<64x64xi32>
    %iota3A_32 = tpu.iota {dimensions = array<i32: 1>} : vector<64x64xi32>
    %jit3A_33 = arith.constant 16 : i32
    %div3A_34 = vector.broadcast %jit3A_33 : i32 to vector<64x64xi32>
    %div3A_35 = arith.divsi %iota3A_32, %div3A_34 : vector<64x64xi32>
    %sign3A_36 = arith.constant 0 : i32
    %sign3A_37 = vector.broadcast %sign3A_36 : i32 to vector<64x64xi32>
    %sign3A_38 = arith.cmpi sgt, %iota3A_32, %sign3A_37 : vector<64x64xi32>
    %sign3A_39 = arith.extui %sign3A_38 : vector<64x64xi1> to vector<64x64xi32>
    %sign3A_40 = arith.constant 0 : i32
    %sign3A_41 = vector.broadcast %sign3A_40 : i32 to vector<64x64xi32>
    %sign3A_42 = arith.cmpi slt, %iota3A_32, %sign3A_41 : vector<64x64xi32>
    %sign3A_43 = arith.extui %sign3A_42 : vector<64x64xi1> to vector<64x64xi32>
    %sign3A_44 = arith.subi %sign3A_39, %sign3A_43 : vector<64x64xi32>
    %sign3A_45 = arith.constant 0 : i32
    %sign3A_46 = arith.cmpi sgt, %jit3A_33, %sign3A_45 : i32
    %sign3A_47 = arith.extui %sign3A_46 : i1 to i32
    %sign3A_48 = arith.constant 0 : i32
    %sign3A_49 = arith.cmpi slt, %jit3A_33, %sign3A_48 : i32
    %sign3A_50 = arith.extui %sign3A_49 : i1 to i32
    %sign3A_51 = arith.subi %sign3A_47, %sign3A_50 : i32
    %ne3A_52 = vector.broadcast %sign3A_51 : i32 to vector<64x64xi32>
    %ne3A_53 = arith.cmpi ne, %sign3A_44, %ne3A_52 : vector<64x64xi32>
    %rem3A_54 = vector.broadcast %jit3A_33 : i32 to vector<64x64xi32>
    %rem3A_55 = arith.remsi %iota3A_32, %rem3A_54 : vector<64x64xi32>
    %ne3A_56 = arith.constant 0 : i32
    %ne3A_57 = vector.broadcast %ne3A_56 : i32 to vector<64x64xi32>
    %ne3A_58 = arith.cmpi ne, %rem3A_55, %ne3A_57 : vector<64x64xi32>
    %and3A_59 = arith.andi %ne3A_53, %ne3A_58 : vector<64x64xi1>
    %sub3A_60 = arith.constant 1 : i32
    %sub3A_61 = vector.broadcast %sub3A_60 : i32 to vector<64x64xi32>
    %sub3A_62 = arith.subi %div3A_35, %sub3A_61 : vector<64x64xi32>
    %select_n3A_63 = arith.select %and3A_59, %sub3A_62, %div3A_35 : vector<64x64xi1>, vector<64x64xi32>
    %eq3A = arith.cmpi eq, %select_n3A, %select_n3A_63 : vector<64x64xi32>
    %convert_element_type3A = arith.extui %eq3A : vector<64x64xi1> to vector<64x64xi32>
    %convert_element_type3A_64 = arith.sitofp %convert_element_type3A : vector<64x64xi32> to vector<64x64xf32>
    %dot_general3A = arith.constant dense<0.000000e+00> : vector<1x64xf32>
    %dot_general3A_65 = tpu.matmul %get3A_3, %convert_element_type3A_64, %dot_general3A {dimension_numbers = #tpu.dot_dimension_numbers<[1], [0], [0], [1], [0, 0, 1, 1], [], []>, transpose_lhs_hint = false} : vector<1x64xf32>, vector<64x64xf32>, vector<1x64xf32> -> vector<1x64xf32>
    %div3A_66 = arith.constant 2.621440e+05 : f32
    %div3A_67 = vector.broadcast %div3A_66 : f32 to vector<1x64xf32>
    %div3A_68 = arith.divf %dot_general3A_65, %div3A_67 : vector<1x64xf32>
    %dot_general3A_69 = arith.constant dense<0.000000e+00> : vector<1x64xf32>
    %dot_general3A_70 = tpu.matmul %get3A_8, %convert_element_type3A_64, %dot_general3A_69 {dimension_numbers = #tpu.dot_dimension_numbers<[1], [0], [0], [1], [0, 0, 1, 1], [], []>, transpose_lhs_hint = false} : vector<1x64xf32>, vector<64x64xf32>, vector<1x64xf32> -> vector<1x64xf32>
    %div3A_71 = arith.constant 2.621440e+05 : f32
    %div3A_72 = vector.broadcast %div3A_71 : f32 to vector<1x64xf32>
    %div3A_73 = arith.divf %dot_general3A_70, %div3A_72 : vector<1x64xf32>
    %mul3A = arith.mulf %div3A_68, %div3A_68 : vector<1x64xf32>
    %sub3A_74 = arith.subf %div3A_73, %mul3A : vector<1x64xf32>
    %get3A_75 = arith.constant 0 : index
    %get3A_76 = arith.constant 0 : index
    %get3A_77 = vector.load %arg4[%get3A_75, %get3A_76] : memref<1x64xf32, #tpu.memory_space<vmem>>, vector<1x64xf32>
    %get3A_78 = arith.constant 0 : index
    %get3A_79 = arith.constant 0 : index
    %get3A_80 = vector.load %arg5[%get3A_78, %get3A_79] : memref<1x64xf32, #tpu.memory_space<vmem>>, vector<1x64xf32>
    %add3A = arith.constant 9.99999974E-6 : f32
    %add3A_81 = vector.broadcast %add3A : f32 to vector<1x64xf32>
    %add3A_82 = arith.addf %sub3A_74, %add3A_81 : vector<1x64xf32>
    %rsqrt3A = math.rsqrt %add3A_82 : vector<1x64xf32>
    %mul3A_83 = arith.mulf %get3A_77, %rsqrt3A : vector<1x64xf32>
    %mul3A_84 = arith.mulf %div3A_68, %mul3A_83 : vector<1x64xf32>
    %sub3A_85 = arith.subf %get3A_80, %mul3A_84 : vector<1x64xf32>
    %ge3A = arith.constant 0.000000e+00 : f32
    %ge3A_86 = vector.broadcast %ge3A : f32 to vector<1x64xf32>
    %ge3A_87 = arith.cmpf oge, %mul3A_83, %ge3A_86 : vector<1x64xf32>
    %get3A_88 = arith.constant 0 : index
    %get3A_89 = arith.constant 0 : index
    %get3A_90 = arith.constant 0 : index
    %get3A_91 = vector.load %arg1[%get3A_88, %get3A_89, %get3A_90] : memref<1x1024x64xf32, #tpu.memory_space<vmem>>, vector<1x1024x64xf32>
    %get3A_92 = vector.shape_cast %get3A_91 : vector<1x1024x64xf32> to vector<1024x64xf32>
    %get3A_93 = arith.constant 0 : index
    %get3A_94 = arith.constant 0 : index
    %get3A_95 = arith.constant 0 : index
    %get3A_96 = vector.load %arg2[%get3A_93, %get3A_94, %get3A_95] : memref<1x1024x64xf32, #tpu.memory_space<vmem>>, vector<1x1024x64xf32>
    %get3A_97 = vector.shape_cast %get3A_96 : vector<1x1024x64xf32> to vector<1024x64xf32>
    %broadcast_in_dim3A = vector.shape_cast %ge3A_87 : vector<1x64xi1> to vector<1x64xi1>
    %broadcast_in_dim3A_98 = vector.broadcast %broadcast_in_dim3A : vector<1x64xi1> to vector<1024x64xi1>
    %select_n3A_99 = arith.select %broadcast_in_dim3A_98, %get3A_92, %get3A_97 : vector<1024x64xi1>, vector<1024x64xf32>
    %mul3A_100 = vector.broadcast %mul3A_83 : vector<1x64xf32> to vector<1024x64xf32>
    %mul3A_101 = arith.mulf %select_n3A_99, %mul3A_100 : vector<1024x64xf32>
    %add3A_102 = vector.broadcast %sub3A_85 : vector<1x64xf32> to vector<1024x64xf32>
    %add3A_103 = arith.addf %mul3A_101, %add3A_102 : vector<1024x64xf32>
    %ge3A_104 = arith.constant 0.000000e+00 : f32
    %ge3A_105 = vector.broadcast %ge3A_104 : f32 to vector<1024x64xf32>
    %ge3A_106 = arith.cmpf oge, %add3A_103, %ge3A_105 : vector<1024x64xf32>
    %mul3A_107 = arith.constant 2.000000e-01 : f32
    %mul3A_108 = vector.broadcast %mul3A_107 : f32 to vector<1024x64xf32>
    %mul3A_109 = arith.mulf %mul3A_108, %add3A_103 : vector<1024x64xf32>
    %select_n3A_110 = arith.select %ge3A_106, %add3A_103, %mul3A_109 : vector<1024x64xi1>, vector<1024x64xf32>
    %swap3A = arith.constant 0 : index
    %swap3A_111 = arith.constant 0 : index
    %swap3A_112 = arith.constant 0 : index
    %swap3A_113 = vector.load %arg6[%swap3A, %swap3A_111, %swap3A_112] : memref<1x1024x64xf32, #tpu.memory_space<vmem>>, vector<1x1024x64xf32>
    %swap3A_114 = vector.shape_cast %swap3A_113 : vector<1x1024x64xf32> to vector<1024x64xf32>
    %swap3A_115 = vector.shape_cast %select_n3A_110 : vector<1024x64xf32> to vector<1x1024x64xf32>
    tpu.vector_store %arg6[%swap3A, %swap3A_111, %swap3A_112], %swap3A_115 {strides = array<i32>} : memref<1x1024x64xf32, #tpu.memory_space<vmem>>, vector<1x1024x64xf32>,
    return
  }
  func.func @transform_0(%arg0: i32) -> (i32, i32, i32) {
    %c0_i32 = arith.constant 0 : i32
    %c0_i32_0 = arith.constant 0 : i32
    %c0_i32_1 = arith.constant 0 : i32
    return %arg0, %c0_i32, %c0_i32_0 : i32, i32, i32
  }
  func.func @transform_1(%arg0: i32) -> (i32, i32, i32) {
    %c0_i32 = arith.constant 0 : i32
    %c0_i32_0 = arith.constant 0 : i32
    %c0_i32_1 = arith.constant 0 : i32
    return %arg0, %c0_i32, %c0_i32_0 : i32, i32, i32
  }
  func.func @transform_2(%arg0: i32) -> (i32, i32, i32) {
    %c0_i32 = arith.constant 0 : i32
    %c0_i32_0 = arith.constant 0 : i32
    %c0_i32_1 = arith.constant 0 : i32
    return %arg0, %c0_i32, %c0_i32_0 : i32, i32, i32
  }
  func.func @transform_3(%arg0: i32) -> (i32, i32) {
    %c0_i32 = arith.constant 0 : i32
    %c0_i32_0 = arith.constant 0 : i32
    %c0_i32_1 = arith.constant 0 : i32
    return %c0_i32, %c0_i32_0 : i32, i32
  }
  func.func @transform_4(%arg0: i32) -> (i32, i32) {
    %c0_i32 = arith.constant 0 : i32
    %c0_i32_0 = arith.constant 0 : i32
    %c0_i32_1 = arith.constant 0 : i32
    return %c0_i32, %c0_i32_0 : i32, i32
  }
  func.func @transform_5(%arg0: i32) -> (i32, i32, i32) {
    %c0_i32 = arith.constant 0 : i32
    %c0_i32_0 = arith.constant 0 : i32
    %c0_i32_1 = arith.constant 0 : i32
    return %arg0, %c0_i32, %c0_i32_0 : i32, i32, i32
  }
}

module attributes {stable_mosaic.version = 14 : i64} {
  func.func @_dsg_body(%arg0: i32, %arg1: i32, %arg2: memref<1x1x256xi32, #tpu.memory_space<vmem>>, %arg3: memref<1x1024x67xf32, #tpu.memory_space<vmem>>, %arg4: memref<1x256x67xf32, #tpu.memory_space<vmem>>) attributes {dimension_semantics = [#tpu.dimension_semantics<arbitrary>, #tpu.dimension_semantics<arbitrary>], iteration_bounds = array<i64: 4, 2>, scalar_prefetch = 0 : i64, scratch_operands = 0 : i64, tpu.core_type = #tpu.core_type<tc>, window_params = [{transform_indices = @transform_0, window_bounds = array<i64: 1, 1, 256>}, {transform_indices = @transform_1, window_bounds = array<i64: 1, 1024, 67>}, {transform_indices = @transform_2, window_bounds = array<i64: 1, 256, 67>}]} {
    %get3A = arith.constant 0 : index
    %get3A_0 = arith.constant 0 : index
    %get3A_1 = arith.constant 0 : index
    %get3A_2 = vector.load %arg2[%get3A, %get3A_0, %get3A_1] : memref<1x1x256xi32, #tpu.memory_space<vmem>>, vector<1x1x256xi32>
    %get3A_3 = vector.shape_cast %get3A_2 : vector<1x1x256xi32> to vector<1x256xi32>
    %get3A_4 = arith.constant 0 : index
    %get3A_5 = arith.constant 0 : index
    %get3A_6 = arith.constant 0 : index
    %get3A_7 = vector.load %arg3[%get3A_4, %get3A_5, %get3A_6] : memref<1x1024x67xf32, #tpu.memory_space<vmem>>, vector<1x1024x67xf32>
    %get3A_8 = vector.shape_cast %get3A_7 : vector<1x1024x67xf32> to vector<1024x67xf32>
    %iota3A = tpu.iota {dimensions = array<i32: 0>} : vector<1024x256xi32>
    %eq3A = vector.broadcast %get3A_3 : vector<1x256xi32> to vector<1024x256xi32>
    %eq3A_9 = arith.cmpi eq, %iota3A, %eq3A : vector<1024x256xi32>
    %convert_element_type3A = arith.extui %eq3A_9 : vector<1024x256xi1> to vector<1024x256xi32>
    %convert_element_type3A_10 = arith.sitofp %convert_element_type3A : vector<1024x256xi32> to vector<1024x256xf32>
    %dot_general3A = arith.constant dense<0.000000e+00> : vector<256x67xf32>
    %dot_general3A_11 = tpu.matmul %convert_element_type3A_10, %get3A_8, %dot_general3A {dimension_numbers = #tpu.dot_dimension_numbers<[0], [0], [1], [1], [0, 1, 1, 1], [], []>, precision = #tpu.contract_precision<fp32>, transpose_lhs_hint = false} : vector<1024x256xf32>, vector<1024x67xf32>, vector<256x67xf32> -> vector<256x67xf32>
    %swap3A = arith.constant 0 : index
    %swap3A_12 = arith.constant 0 : index
    %swap3A_13 = arith.constant 0 : index
    %swap3A_14 = vector.load %arg4[%swap3A, %swap3A_12, %swap3A_13] : memref<1x256x67xf32, #tpu.memory_space<vmem>>, vector<1x256x67xf32>
    %swap3A_15 = vector.shape_cast %swap3A_14 : vector<1x256x67xf32> to vector<256x67xf32>
    %swap3A_16 = vector.shape_cast %dot_general3A_11 : vector<256x67xf32> to vector<1x256x67xf32>
    tpu.vector_store %arg4[%swap3A, %swap3A_12, %swap3A_13], %swap3A_16 {strides = array<i32>} : memref<1x256x67xf32, #tpu.memory_space<vmem>>, vector<1x256x67xf32>,
    return
  }
  func.func @transform_0(%arg0: i32, %arg1: i32) -> (i32, i32, i32) {
    %c0_i32 = arith.constant 0 : i32
    %c0_i32_0 = arith.constant 0 : i32
    return %arg0, %c0_i32, %arg1 : i32, i32, i32
  }
  func.func @transform_1(%arg0: i32, %arg1: i32) -> (i32, i32, i32) {
    %c0_i32 = arith.constant 0 : i32
    %c0_i32_0 = arith.constant 0 : i32
    %c0_i32_1 = arith.constant 0 : i32
    return %arg0, %c0_i32, %c0_i32_0 : i32, i32, i32
  }
  func.func @transform_2(%arg0: i32, %arg1: i32) -> (i32, i32, i32) {
    %c0_i32 = arith.constant 0 : i32
    %c0_i32_0 = arith.constant 0 : i32
    return %arg0, %arg1, %c0_i32 : i32, i32, i32
  }
}

module attributes {stable_mosaic.version = 14 : i64} {
  func.func @_edge_body(%arg0: i32, %arg1: i32, %arg2: memref<1x256x3xf32, #tpu.memory_space<vmem>>, %arg3: memref<1x3x1024xf32, #tpu.memory_space<vmem>>, %arg4: memref<1x256x64xf32, #tpu.memory_space<vmem>>, %arg5: memref<1x1024x64xbf16, #tpu.memory_space<vmem>>, %arg6: memref<1x1024x64xbf16, #tpu.memory_space<vmem>>, %arg7: memref<1x1024x64xbf16, #tpu.memory_space<vmem>>, %arg8: memref<128x128xf32, #tpu.memory_space<vmem>>, %arg9: memref<1x256x128xf32, #tpu.memory_space<vmem>>, %arg10: memref<1x256x128xf32, #tpu.memory_space<vmem>>, %arg11: memref<1x8x128xf32, #tpu.memory_space<vmem>>) attributes {dimension_semantics = [#tpu.dimension_semantics<arbitrary>, #tpu.dimension_semantics<arbitrary>], iteration_bounds = array<i64: 4, 2>, scalar_prefetch = 0 : i64, scratch_operands = 0 : i64, tpu.core_type = #tpu.core_type<tc>, window_params = [{transform_indices = @transform_0, window_bounds = array<i64: 1, 256, 3>}, {transform_indices = @transform_1, window_bounds = array<i64: 1, 3, 1024>}, {transform_indices = @transform_2, window_bounds = array<i64: 1, 256, 64>}, {transform_indices = @transform_3, window_bounds = array<i64: 1, 1024, 64>}, {transform_indices = @transform_4, window_bounds = array<i64: 1, 1024, 64>}, {transform_indices = @transform_5, window_bounds = array<i64: 1, 1024, 64>}, {pipeline_mode = #tpu.pipeline_mode<synchronous>, transform_indices = @transform_6, window_bounds = array<i64: 128, 128>}, {transform_indices = @transform_7, window_bounds = array<i64: 1, 256, 128>}, {transform_indices = @transform_8, window_bounds = array<i64: 1, 256, 128>}, {transform_indices = @transform_9, window_bounds = array<i64: 1, 8, 128>}]} {
    %get3A = arith.constant 0 : index
    %get3A_0 = arith.constant 0 : index
    %get3A_1 = arith.constant 0 : index
    %get3A_2 = vector.load %arg2[%get3A, %get3A_0, %get3A_1] : memref<1x256x3xf32, #tpu.memory_space<vmem>>, vector<1x256x3xf32>
    %get3A_3 = vector.shape_cast %get3A_2 : vector<1x256x3xf32> to vector<256x3xf32>
    %get3A_4 = arith.constant 0 : index
    %get3A_5 = arith.constant 0 : index
    %get3A_6 = arith.constant 0 : index
    %get3A_7 = vector.load %arg3[%get3A_4, %get3A_5, %get3A_6] : memref<1x3x1024xf32, #tpu.memory_space<vmem>>, vector<1x3x1024xf32>
    %get3A_8 = vector.shape_cast %get3A_7 : vector<1x3x1024xf32> to vector<3x1024xf32>
    %get3A_9 = arith.constant 0 : index
    %get3A_10 = arith.constant 0 : index
    %get3A_11 = arith.constant 0 : index
    %get3A_12 = vector.load %arg4[%get3A_9, %get3A_10, %get3A_11] : memref<1x256x64xf32, #tpu.memory_space<vmem>>, vector<1x256x64xf32>
    %get3A_13 = vector.shape_cast %get3A_12 : vector<1x256x64xf32> to vector<256x64xf32>
    %mul3A = arith.mulf %get3A_3, %get3A_3 : vector<256x3xf32>
    %reduce_sum3A = arith.constant dense<0.000000e+00> : vector<256xf32>
    %reduce_sum3A_14 = vector.multi_reduction <add>, %mul3A, %reduce_sum3A [1] : vector<256x3xf32> to vector<256xf32>
    %broadcast_in_dim3A = vector.shape_cast %reduce_sum3A_14 : vector<256xf32> to vector<256x1xf32>
    %mul3A_15 = arith.mulf %get3A_8, %get3A_8 : vector<3x1024xf32>
    %reduce_sum3A_16 = arith.constant dense<0.000000e+00> : vector<1024xf32>
    %reduce_sum3A_17 = vector.multi_reduction <add>, %mul3A_15, %reduce_sum3A_16 [0] : vector<3x1024xf32> to vector<1024xf32>
    %broadcast_in_dim3A_18 = vector.shape_cast %reduce_sum3A_17 : vector<1024xf32> to vector<1x1024xf32>
    %dot_general3A = arith.constant dense<0.000000e+00> : vector<256x1024xf32>
    %dot_general3A_19 = tpu.matmul %get3A_3, %get3A_8, %dot_general3A {dimension_numbers = #tpu.dot_dimension_numbers<[1], [0], [0], [1], [0, 0, 1, 1], [], []>, transpose_lhs_hint = false} : vector<256x3xf32>, vector<3x1024xf32>, vector<256x1024xf32> -> vector<256x1024xf32>
    %mul3A_20 = arith.constant 2.000000e+00 : f32
    %mul3A_21 = vector.broadcast %mul3A_20 : f32 to vector<256x1024xf32>
    %mul3A_22 = arith.mulf %mul3A_21, %dot_general3A_19 : vector<256x1024xf32>
    %sub3A = vector.broadcast %broadcast_in_dim3A : vector<256x1xf32> to vector<256x1024xf32>
    %sub3A_23 = arith.subf %sub3A, %mul3A_22 : vector<256x1024xf32>
    %add3A = vector.broadcast %broadcast_in_dim3A_18 : vector<1x1024xf32> to vector<256x1024xf32>
    %add3A_24 = arith.addf %sub3A_23, %add3A : vector<256x1024xf32>
    %iota3A = tpu.iota {dimensions = array<i32: 1>} : vector<256x1024xi32>
    %neg3A = arith.constant 0.000000e+00 : f32
    %neg3A_25 = arith.constant 0x7F800000 : f32
    %neg3A_26 = arith.subf %neg3A, %neg3A_25 : f32
    %broadcast_in_dim3A_27 = vector.broadcast %neg3A_26 : f32 to vector<256x128xf32>
    %broadcast_in_dim3A_28 = arith.constant 0x7F800000 : f32
    %broadcast_in_dim3A_29 = vector.broadcast %broadcast_in_dim3A_28 : f32 to vector<256x128xf32>
    %broadcast_in_dim3A_30 = arith.constant 0.000000e+00 : f32
    %broadcast_in_dim3A_31 = vector.broadcast %broadcast_in_dim3A_30 : f32 to vector<1x128xf32>
    %broadcast_in_dim3A_32 = arith.constant 0.000000e+00 : f32
    %broadcast_in_dim3A_33 = vector.broadcast %broadcast_in_dim3A_32 : f32 to vector<1x128xf32>
    %get3A_34 = arith.constant 0 : index
    %get3A_35 = arith.constant 0 : index
    %get3A_36 = vector.load %arg8[%get3A_34, %get3A_35] : memref<128x128xf32, #tpu.memory_space<vmem>>, vector<128x128xf32>
    %scan3A = arith.constant 1073741824 : i32
    %scan3A_37 = arith.constant 0x7F800000 : f32
    %scan3A_38 = arith.constant 0 : i32
    %scan3A_39 = arith.constant 16 : i32
    %scan3A_40 = arith.addi %scan3A_38, %scan3A_39 : i32
    %scan3A_41 = arith.constant 1 : i32
    %scan3A_42:5 = scf.for %scan3A_80 = %scan3A_38 to %scan3A_40 step %scan3A_41 iter_args(%scan3A_81 = %add3A_24, %scan3A_82 = %broadcast_in_dim3A_27, %scan3A_83 = %broadcast_in_dim3A_29, %scan3A_84 = %broadcast_in_dim3A_31, %scan3A_85 = %broadcast_in_dim3A_33) -> (vector<256x1024xf32>, vector<256x128xf32>, vector<256x128xf32>, vector<1x128xf32>, vector<1x128xf32>)  : i32 {
      %reduce_min3A = arith.constant dense<0x7F800000> : vector<256xf32>
      %reduce_min3A_86 = vector.multi_reduction <minimumf>, %scan3A_81, %reduce_min3A [1] : vector<256x1024xf32> to vector<256xf32>
      %broadcast_in_dim3A_87 = vector.shape_cast %reduce_min3A_86 : vector<256xf32> to vector<256x1xf32>
      %le3A = vector.broadcast %broadcast_in_dim3A_87 : vector<256x1xf32> to vector<256x1024xf32>
      %le3A_88 = arith.cmpf ole, %scan3A_81, %le3A : vector<256x1024xf32>
      %broadcast_in_dim3A_89 = vector.broadcast %scan3A : i32 to vector<256x1024xi32>
      %select_n3A = arith.select %le3A_88, %iota3A, %broadcast_in_dim3A_89 : vector<256x1024xi1>, vector<256x1024xi32>
      %reduce_min3A_90 = arith.constant dense<2147483647> : vector<256xi32>
      %reduce_min3A_91 = vector.multi_reduction <minsi>, %select_n3A, %reduce_min3A_90 [1] : vector<256x1024xi32> to vector<256xi32>
      %broadcast_in_dim3A_92 = vector.shape_cast %reduce_min3A_91 : vector<256xi32> to vector<256x1xi32>
      %eq3A_93 = vector.broadcast %broadcast_in_dim3A_92 : vector<256x1xi32> to vector<256x1024xi32>
      %eq3A_94 = arith.cmpi eq, %iota3A, %eq3A_93 : vector<256x1024xi32>
      %convert_element_type3A_95 = arith.extui %eq3A_94 : vector<256x1024xi1> to vector<256x1024xi32>
      %convert_element_type3A_96 = arith.sitofp %convert_element_type3A_95 : vector<256x1024xi32> to vector<256x1024xf32>
      %convert_element_type3A_97 = arith.truncf %convert_element_type3A_96 : vector<256x1024xf32> to vector<256x1024xbf16>
      %get3A_98 = arith.constant 0 : index
      %get3A_99 = arith.constant 0 : index
      %get3A_100 = arith.constant 0 : index
      %get3A_101 = vector.load %arg5[%get3A_98, %get3A_99, %get3A_100] : memref<1x1024x64xbf16, #tpu.memory_space<vmem>>, vector<1x1024x64xbf16>
      %get3A_102 = vector.shape_cast %get3A_101 : vector<1x1024x64xbf16> to vector<1024x64xbf16>
      %dot_general3A_103 = arith.constant dense<0.000000e+00> : vector<256x64xf32>
      %dot_general3A_104 = tpu.matmul %convert_element_type3A_97, %get3A_102, %dot_general3A_103 {dimension_numbers = #tpu.dot_dimension_numbers<[1], [0], [0], [1], [0, 0, 1, 1], [], []>, transpose_lhs_hint = false} : vector<256x1024xbf16>, vector<1024x64xbf16>, vector<256x64xf32> -> vector<256x64xf32>
      %get3A_105 = arith.constant 0 : index
      %get3A_106 = arith.constant 0 : index
      %get3A_107 = arith.constant 0 : index
      %get3A_108 = vector.load %arg6[%get3A_105, %get3A_106, %get3A_107] : memref<1x1024x64xbf16, #tpu.memory_space<vmem>>, vector<1x1024x64xbf16>
      %get3A_109 = vector.shape_cast %get3A_108 : vector<1x1024x64xbf16> to vector<1024x64xbf16>
      %dot_general3A_110 = arith.constant dense<0.000000e+00> : vector<256x64xf32>
      %dot_general3A_111 = tpu.matmul %convert_element_type3A_97, %get3A_109, %dot_general3A_110 {dimension_numbers = #tpu.dot_dimension_numbers<[1], [0], [0], [1], [0, 0, 1, 1], [], []>, transpose_lhs_hint = false} : vector<256x1024xbf16>, vector<1024x64xbf16>, vector<256x64xf32> -> vector<256x64xf32>
      %get3A_112 = arith.constant 0 : index
      %get3A_113 = arith.constant 0 : index
      %get3A_114 = arith.constant 0 : index
      %get3A_115 = vector.load %arg7[%get3A_112, %get3A_113, %get3A_114] : memref<1x1024x64xbf16, #tpu.memory_space<vmem>>, vector<1x1024x64xbf16>
      %get3A_116 = vector.shape_cast %get3A_115 : vector<1x1024x64xbf16> to vector<1024x64xbf16>
      %dot_general3A_117 = arith.constant dense<0.000000e+00> : vector<256x64xf32>
      %dot_general3A_118 = tpu.matmul %convert_element_type3A_97, %get3A_116, %dot_general3A_117 {dimension_numbers = #tpu.dot_dimension_numbers<[1], [0], [0], [1], [0, 0, 1, 1], [], []>, transpose_lhs_hint = false} : vector<256x1024xbf16>, vector<1024x64xbf16>, vector<256x64xf32> -> vector<256x64xf32>
      %add3A_119 = arith.addf %dot_general3A_104, %dot_general3A_111 : vector<256x64xf32>
      %add3A_120 = arith.addf %add3A_119, %dot_general3A_118 : vector<256x64xf32>
      %sub3A_121 = arith.subf %add3A_120, %get3A_13 : vector<256x64xf32>
      %concatenate3A = tpu.concatenate %sub3A_121, %get3A_13 in 1 : vector<256x64xf32>, vector<256x64xf32> -> vector<256x128xf32>
      %dot_general3A_122 = arith.constant dense<0.000000e+00> : vector<256x128xf32>
      %dot_general3A_123 = tpu.matmul %concatenate3A, %get3A_36, %dot_general3A_122 {dimension_numbers = #tpu.dot_dimension_numbers<[1], [0], [0], [1], [0, 0, 1, 1], [], []>, transpose_lhs_hint = false} : vector<256x128xf32>, vector<128x128xf32>, vector<256x128xf32> -> vector<256x128xf32>
      %max3A = arith.maximumf %scan3A_82, %dot_general3A_123 : vector<256x128xf32>
      %min3A = arith.minimumf %scan3A_83, %dot_general3A_123 : vector<256x128xf32>
      %reduce_sum3A_124 = arith.constant dense<0.000000e+00> : vector<128xf32>
      %reduce_sum3A_125 = vector.multi_reduction <add>, %dot_general3A_123, %reduce_sum3A_124 [0] : vector<256x128xf32> to vector<128xf32>
      %broadcast_in_dim3A_126 = vector.shape_cast %reduce_sum3A_125 : vector<128xf32> to vector<1x128xf32>
      %add3A_127 = arith.addf %scan3A_84, %broadcast_in_dim3A_126 : vector<1x128xf32>
      %mul3A_128 = arith.mulf %dot_general3A_123, %dot_general3A_123 : vector<256x128xf32>
      %reduce_sum3A_129 = arith.constant dense<0.000000e+00> : vector<128xf32>
      %reduce_sum3A_130 = vector.multi_reduction <add>, %mul3A_128, %reduce_sum3A_129 [0] : vector<256x128xf32> to vector<128xf32>
      %broadcast_in_dim3A_131 = vector.shape_cast %reduce_sum3A_130 : vector<128xf32> to vector<1x128xf32>
      %add3A_132 = arith.addf %scan3A_85, %broadcast_in_dim3A_131 : vector<1x128xf32>
      %broadcast_in_dim3A_133 = vector.broadcast %scan3A_37 : f32 to vector<256x1024xf32>
      %select_n3A_134 = arith.select %eq3A_94, %broadcast_in_dim3A_133, %scan3A_81 : vector<256x1024xi1>, vector<256x1024xf32>
      scf.yield %select_n3A_134, %max3A, %min3A, %add3A_127, %add3A_132 : vector<256x1024xf32>, vector<256x128xf32>, vector<256x128xf32>, vector<1x128xf32>, vector<1x128xf32>
    }
    %swap3A = arith.constant 0 : index
    %swap3A_43 = arith.constant 0 : index
    %swap3A_44 = arith.constant 0 : index
    %swap3A_45 = vector.load %arg9[%swap3A, %swap3A_43, %swap3A_44] : memref<1x256x128xf32, #tpu.memory_space<vmem>>, vector<1x256x128xf32>
    %swap3A_46 = vector.shape_cast %swap3A_45 : vector<1x256x128xf32> to vector<256x128xf32>
    %swap3A_47 = vector.shape_cast %scan3A_42#1 : vector<256x128xf32> to vector<1x256x128xf32>
    tpu.vector_store %arg9[%swap3A, %swap3A_43, %swap3A_44], %swap3A_47 {strides = array<i32>} : memref<1x256x128xf32, #tpu.memory_space<vmem>>, vector<1x256x128xf32>,
    %swap3A_48 = arith.constant 0 : index
    %swap3A_49 = arith.constant 0 : index
    %swap3A_50 = arith.constant 0 : index
    %swap3A_51 = vector.load %arg10[%swap3A_48, %swap3A_49, %swap3A_50] : memref<1x256x128xf32, #tpu.memory_space<vmem>>, vector<1x256x128xf32>
    %swap3A_52 = vector.shape_cast %swap3A_51 : vector<1x256x128xf32> to vector<256x128xf32>
    %swap3A_53 = vector.shape_cast %scan3A_42#2 : vector<256x128xf32> to vector<1x256x128xf32>
    tpu.vector_store %arg10[%swap3A_48, %swap3A_49, %swap3A_50], %swap3A_53 {strides = array<i32>} : memref<1x256x128xf32, #tpu.memory_space<vmem>>, vector<1x256x128xf32>,
    %eq3A = arith.constant 0 : i32
    %eq3A_54 = arith.cmpi eq, %arg1, %eq3A : i32
    %convert_element_type3A = arith.extui %eq3A_54 : i1 to i32
    %cond3A = arith.constant 0 : i32
    %cond3A_55 = arith.cmpi ne, %convert_element_type3A, %cond3A : i32
    scf.if %cond3A_55 {
      %broadcast_in_dim3A_80 = arith.constant 0.000000e+00 : f32
      %broadcast_in_dim3A_81 = vector.broadcast %broadcast_in_dim3A_80 : f32 to vector<1x8x128xf32>
      %swap3A_82 = arith.constant 0 : index
      %swap3A_83 = arith.constant 0 : index
      %swap3A_84 = arith.constant 0 : index
      %swap3A_85 = vector.load %arg11[%swap3A_82, %swap3A_83, %swap3A_84] : memref<1x8x128xf32, #tpu.memory_space<vmem>>, vector<1x8x128xf32>
      tpu.vector_store %arg11[%swap3A_82, %swap3A_83, %swap3A_84], %broadcast_in_dim3A_81 {strides = array<i32>} : memref<1x8x128xf32, #tpu.memory_space<vmem>>, vector<1x8x128xf32>,
    } else {
    }
    %get3A_56 = arith.constant 0 : index
    %get3A_57 = arith.constant 0 : index
    %get3A_58 = arith.constant 0 : index
    %get3A_59 = vector.load %arg11[%get3A_56, %get3A_57, %get3A_58] : memref<1x8x128xf32, #tpu.memory_space<vmem>>, vector<1x1x128xf32>
    %get3A_60 = vector.shape_cast %get3A_59 : vector<1x1x128xf32> to vector<1x128xf32>
    %add3A_61 = arith.addf %get3A_60, %scan3A_42#3 : vector<1x128xf32>
    %swap3A_62 = arith.constant 0 : index
    %swap3A_63 = arith.constant 0 : index
    %swap3A_64 = arith.constant 0 : index
    %swap3A_65 = vector.load %arg11[%swap3A_62, %swap3A_63, %swap3A_64] : memref<1x8x128xf32, #tpu.memory_space<vmem>>, vector<1x1x128xf32>
    %swap3A_66 = vector.shape_cast %swap3A_65 : vector<1x1x128xf32> to vector<1x128xf32>
    %swap3A_67 = vector.shape_cast %add3A_61 : vector<1x128xf32> to vector<1x1x128xf32>
    tpu.vector_store %arg11[%swap3A_62, %swap3A_63, %swap3A_64], %swap3A_67 {strides = array<i32>} : memref<1x8x128xf32, #tpu.memory_space<vmem>>, vector<1x1x128xf32>,
    %get3A_68 = arith.constant 0 : index
    %get3A_69 = arith.constant 1 : index
    %get3A_70 = arith.constant 0 : index
    %get3A_71 = vector.load %arg11[%get3A_68, %get3A_69, %get3A_70] : memref<1x8x128xf32, #tpu.memory_space<vmem>>, vector<1x1x128xf32>
    %get3A_72 = vector.shape_cast %get3A_71 : vector<1x1x128xf32> to vector<1x128xf32>
    %add3A_73 = arith.addf %get3A_72, %scan3A_42#4 : vector<1x128xf32>
    %swap3A_74 = arith.constant 0 : index
    %swap3A_75 = arith.constant 1 : index
    %swap3A_76 = arith.constant 0 : index
    %swap3A_77 = vector.load %arg11[%swap3A_74, %swap3A_75, %swap3A_76] : memref<1x8x128xf32, #tpu.memory_space<vmem>>, vector<1x1x128xf32>
    %swap3A_78 = vector.shape_cast %swap3A_77 : vector<1x1x128xf32> to vector<1x128xf32>
    %swap3A_79 = vector.shape_cast %add3A_73 : vector<1x128xf32> to vector<1x1x128xf32>
    tpu.vector_store %arg11[%swap3A_74, %swap3A_75, %swap3A_76], %swap3A_79 {strides = array<i32>} : memref<1x8x128xf32, #tpu.memory_space<vmem>>, vector<1x1x128xf32>,
    return
  }
  func.func @transform_0(%arg0: i32, %arg1: i32) -> (i32, i32, i32) {
    %c0_i32 = arith.constant 0 : i32
    %c0_i32_0 = arith.constant 0 : i32
    return %arg0, %arg1, %c0_i32 : i32, i32, i32
  }
  func.func @transform_1(%arg0: i32, %arg1: i32) -> (i32, i32, i32) {
    %c0_i32 = arith.constant 0 : i32
    %c0_i32_0 = arith.constant 0 : i32
    %c0_i32_1 = arith.constant 0 : i32
    return %arg0, %c0_i32, %c0_i32_0 : i32, i32, i32
  }
  func.func @transform_2(%arg0: i32, %arg1: i32) -> (i32, i32, i32) {
    %c0_i32 = arith.constant 0 : i32
    %c0_i32_0 = arith.constant 0 : i32
    return %arg0, %arg1, %c0_i32 : i32, i32, i32
  }
  func.func @transform_3(%arg0: i32, %arg1: i32) -> (i32, i32, i32) {
    %c0_i32 = arith.constant 0 : i32
    %c0_i32_0 = arith.constant 0 : i32
    %c0_i32_1 = arith.constant 0 : i32
    return %arg0, %c0_i32, %c0_i32_0 : i32, i32, i32
  }
  func.func @transform_4(%arg0: i32, %arg1: i32) -> (i32, i32, i32) {
    %c0_i32 = arith.constant 0 : i32
    %c0_i32_0 = arith.constant 0 : i32
    %c0_i32_1 = arith.constant 0 : i32
    return %arg0, %c0_i32, %c0_i32_0 : i32, i32, i32
  }
  func.func @transform_5(%arg0: i32, %arg1: i32) -> (i32, i32, i32) {
    %c0_i32 = arith.constant 0 : i32
    %c0_i32_0 = arith.constant 0 : i32
    %c0_i32_1 = arith.constant 0 : i32
    return %arg0, %c0_i32, %c0_i32_0 : i32, i32, i32
  }
  func.func @transform_6(%arg0: i32, %arg1: i32) -> (i32, i32) {
    %c0_i32 = arith.constant 0 : i32
    %c0_i32_0 = arith.constant 0 : i32
    %c0_i32_1 = arith.constant 0 : i32
    return %c0_i32, %c0_i32_0 : i32, i32
  }
  func.func @transform_7(%arg0: i32, %arg1: i32) -> (i32, i32, i32) {
    %c0_i32 = arith.constant 0 : i32
    %c0_i32_0 = arith.constant 0 : i32
    return %arg0, %arg1, %c0_i32 : i32, i32, i32
  }
  func.func @transform_8(%arg0: i32, %arg1: i32) -> (i32, i32, i32) {
    %c0_i32 = arith.constant 0 : i32
    %c0_i32_0 = arith.constant 0 : i32
    return %arg0, %arg1, %c0_i32 : i32, i32, i32
  }
  func.func @transform_9(%arg0: i32, %arg1: i32) -> (i32, i32, i32) {
    %c0_i32 = arith.constant 0 : i32
    %c0_i32_0 = arith.constant 0 : i32
    %c0_i32_1 = arith.constant 0 : i32
    return %arg0, %c0_i32, %c0_i32_0 : i32, i32, i32
  }
}

module attributes {stable_mosaic.version = 14 : i64} {
  func.func @_fin_body(%arg0: i32, %arg1: memref<1x512x128xf32, #tpu.memory_space<vmem>>, %arg2: memref<1x512x128xf32, #tpu.memory_space<vmem>>, %arg3: memref<1x8x128xf32, #tpu.memory_space<vmem>>, %arg4: memref<1x128xf32, #tpu.memory_space<vmem>>, %arg5: memref<1x128xf32, #tpu.memory_space<vmem>>, %arg6: memref<1x512x128xf32, #tpu.memory_space<vmem>>) attributes {dimension_semantics = [#tpu.dimension_semantics<arbitrary>], iteration_bounds = array<i64: 4>, scalar_prefetch = 0 : i64, scratch_operands = 0 : i64, tpu.core_type = #tpu.core_type<tc>, window_params = [{transform_indices = @transform_0, window_bounds = array<i64: 1, 512, 128>}, {transform_indices = @transform_1, window_bounds = array<i64: 1, 512, 128>}, {transform_indices = @transform_2, window_bounds = array<i64: 1, 8, 128>}, {pipeline_mode = #tpu.pipeline_mode<synchronous>, transform_indices = @transform_3, window_bounds = array<i64: 1, 128>}, {pipeline_mode = #tpu.pipeline_mode<synchronous>, transform_indices = @transform_4, window_bounds = array<i64: 1, 128>}, {transform_indices = @transform_5, window_bounds = array<i64: 1, 512, 128>}]} {
    %get3A = arith.constant 0 : index
    %get3A_0 = arith.constant 0 : index
    %get3A_1 = arith.constant 0 : index
    %get3A_2 = vector.load %arg3[%get3A, %get3A_0, %get3A_1] : memref<1x8x128xf32, #tpu.memory_space<vmem>>, vector<1x1x128xf32>
    %get3A_3 = vector.shape_cast %get3A_2 : vector<1x1x128xf32> to vector<1x128xf32>
    %get3A_4 = arith.constant 0 : index
    %get3A_5 = arith.constant 1 : index
    %get3A_6 = arith.constant 0 : index
    %get3A_7 = vector.load %arg3[%get3A_4, %get3A_5, %get3A_6] : memref<1x8x128xf32, #tpu.memory_space<vmem>>, vector<1x1x128xf32>
    %get3A_8 = vector.shape_cast %get3A_7 : vector<1x1x128xf32> to vector<1x128xf32>
    %iota3A = tpu.iota {dimensions = array<i32: 0>} : vector<128x128xi32>
    %jit3A = arith.constant 32 : i32
    %div3A = vector.broadcast %jit3A : i32 to vector<128x128xi32>
    %div3A_9 = arith.divsi %iota3A, %div3A : vector<128x128xi32>
    %sign3A = arith.constant 0 : i32
    %sign3A_10 = vector.broadcast %sign3A : i32 to vector<128x128xi32>
    %sign3A_11 = arith.cmpi sgt, %iota3A, %sign3A_10 : vector<128x128xi32>
    %sign3A_12 = arith.extui %sign3A_11 : vector<128x128xi1> to vector<128x128xi32>
    %sign3A_13 = arith.constant 0 : i32
    %sign3A_14 = vector.broadcast %sign3A_13 : i32 to vector<128x128xi32>
    %sign3A_15 = arith.cmpi slt, %iota3A, %sign3A_14 : vector<128x128xi32>
    %sign3A_16 = arith.extui %sign3A_15 : vector<128x128xi1> to vector<128x128xi32>
    %sign3A_17 = arith.subi %sign3A_12, %sign3A_16 : vector<128x128xi32>
    %sign3A_18 = arith.constant 0 : i32
    %sign3A_19 = arith.cmpi sgt, %jit3A, %sign3A_18 : i32
    %sign3A_20 = arith.extui %sign3A_19 : i1 to i32
    %sign3A_21 = arith.constant 0 : i32
    %sign3A_22 = arith.cmpi slt, %jit3A, %sign3A_21 : i32
    %sign3A_23 = arith.extui %sign3A_22 : i1 to i32
    %sign3A_24 = arith.subi %sign3A_20, %sign3A_23 : i32
    %ne3A = vector.broadcast %sign3A_24 : i32 to vector<128x128xi32>
    %ne3A_25 = arith.cmpi ne, %sign3A_17, %ne3A : vector<128x128xi32>
    %rem3A = vector.broadcast %jit3A : i32 to vector<128x128xi32>
    %rem3A_26 = arith.remsi %iota3A, %rem3A : vector<128x128xi32>
    %ne3A_27 = arith.constant 0 : i32
    %ne3A_28 = vector.broadcast %ne3A_27 : i32 to vector<128x128xi32>
    %ne3A_29 = arith.cmpi ne, %rem3A_26, %ne3A_28 : vector<128x128xi32>
    %and3A = arith.andi %ne3A_25, %ne3A_29 : vector<128x128xi1>
    %sub3A = arith.constant 1 : i32
    %sub3A_30 = vector.broadcast %sub3A : i32 to vector<128x128xi32>
    %sub3A_31 = arith.subi %div3A_9, %sub3A_30 : vector<128x128xi32>
    %select_n3A = arith.select %and3A, %sub3A_31, %div3A_9 : vector<128x128xi1>, vector<128x128xi32>
    %iota3A_32 = tpu.iota {dimensions = array<i32: 1>} : vector<128x128xi32>
    %jit3A_33 = arith.constant 32 : i32
    %div3A_34 = vector.broadcast %jit3A_33 : i32 to vector<128x128xi32>
    %div3A_35 = arith.divsi %iota3A_32, %div3A_34 : vector<128x128xi32>
    %sign3A_36 = arith.constant 0 : i32
    %sign3A_37 = vector.broadcast %sign3A_36 : i32 to vector<128x128xi32>
    %sign3A_38 = arith.cmpi sgt, %iota3A_32, %sign3A_37 : vector<128x128xi32>
    %sign3A_39 = arith.extui %sign3A_38 : vector<128x128xi1> to vector<128x128xi32>
    %sign3A_40 = arith.constant 0 : i32
    %sign3A_41 = vector.broadcast %sign3A_40 : i32 to vector<128x128xi32>
    %sign3A_42 = arith.cmpi slt, %iota3A_32, %sign3A_41 : vector<128x128xi32>
    %sign3A_43 = arith.extui %sign3A_42 : vector<128x128xi1> to vector<128x128xi32>
    %sign3A_44 = arith.subi %sign3A_39, %sign3A_43 : vector<128x128xi32>
    %sign3A_45 = arith.constant 0 : i32
    %sign3A_46 = arith.cmpi sgt, %jit3A_33, %sign3A_45 : i32
    %sign3A_47 = arith.extui %sign3A_46 : i1 to i32
    %sign3A_48 = arith.constant 0 : i32
    %sign3A_49 = arith.cmpi slt, %jit3A_33, %sign3A_48 : i32
    %sign3A_50 = arith.extui %sign3A_49 : i1 to i32
    %sign3A_51 = arith.subi %sign3A_47, %sign3A_50 : i32
    %ne3A_52 = vector.broadcast %sign3A_51 : i32 to vector<128x128xi32>
    %ne3A_53 = arith.cmpi ne, %sign3A_44, %ne3A_52 : vector<128x128xi32>
    %rem3A_54 = vector.broadcast %jit3A_33 : i32 to vector<128x128xi32>
    %rem3A_55 = arith.remsi %iota3A_32, %rem3A_54 : vector<128x128xi32>
    %ne3A_56 = arith.constant 0 : i32
    %ne3A_57 = vector.broadcast %ne3A_56 : i32 to vector<128x128xi32>
    %ne3A_58 = arith.cmpi ne, %rem3A_55, %ne3A_57 : vector<128x128xi32>
    %and3A_59 = arith.andi %ne3A_53, %ne3A_58 : vector<128x128xi1>
    %sub3A_60 = arith.constant 1 : i32
    %sub3A_61 = vector.broadcast %sub3A_60 : i32 to vector<128x128xi32>
    %sub3A_62 = arith.subi %div3A_35, %sub3A_61 : vector<128x128xi32>
    %select_n3A_63 = arith.select %and3A_59, %sub3A_62, %div3A_35 : vector<128x128xi1>, vector<128x128xi32>
    %eq3A = arith.cmpi eq, %select_n3A, %select_n3A_63 : vector<128x128xi32>
    %convert_element_type3A = arith.extui %eq3A : vector<128x128xi1> to vector<128x128xi32>
    %convert_element_type3A_64 = arith.sitofp %convert_element_type3A : vector<128x128xi32> to vector<128x128xf32>
    %dot_general3A = arith.constant dense<0.000000e+00> : vector<1x128xf32>
    %dot_general3A_65 = tpu.matmul %get3A_3, %convert_element_type3A_64, %dot_general3A {dimension_numbers = #tpu.dot_dimension_numbers<[1], [0], [0], [1], [0, 0, 1, 1], [], []>, transpose_lhs_hint = false} : vector<1x128xf32>, vector<128x128xf32>, vector<1x128xf32> -> vector<1x128xf32>
    %div3A_66 = arith.constant 2.621440e+05 : f32
    %div3A_67 = vector.broadcast %div3A_66 : f32 to vector<1x128xf32>
    %div3A_68 = arith.divf %dot_general3A_65, %div3A_67 : vector<1x128xf32>
    %dot_general3A_69 = arith.constant dense<0.000000e+00> : vector<1x128xf32>
    %dot_general3A_70 = tpu.matmul %get3A_8, %convert_element_type3A_64, %dot_general3A_69 {dimension_numbers = #tpu.dot_dimension_numbers<[1], [0], [0], [1], [0, 0, 1, 1], [], []>, transpose_lhs_hint = false} : vector<1x128xf32>, vector<128x128xf32>, vector<1x128xf32> -> vector<1x128xf32>
    %div3A_71 = arith.constant 2.621440e+05 : f32
    %div3A_72 = vector.broadcast %div3A_71 : f32 to vector<1x128xf32>
    %div3A_73 = arith.divf %dot_general3A_70, %div3A_72 : vector<1x128xf32>
    %mul3A = arith.mulf %div3A_68, %div3A_68 : vector<1x128xf32>
    %sub3A_74 = arith.subf %div3A_73, %mul3A : vector<1x128xf32>
    %get3A_75 = arith.constant 0 : index
    %get3A_76 = arith.constant 0 : index
    %get3A_77 = vector.load %arg4[%get3A_75, %get3A_76] : memref<1x128xf32, #tpu.memory_space<vmem>>, vector<1x128xf32>
    %get3A_78 = arith.constant 0 : index
    %get3A_79 = arith.constant 0 : index
    %get3A_80 = vector.load %arg5[%get3A_78, %get3A_79] : memref<1x128xf32, #tpu.memory_space<vmem>>, vector<1x128xf32>
    %add3A = arith.constant 9.99999974E-6 : f32
    %add3A_81 = vector.broadcast %add3A : f32 to vector<1x128xf32>
    %add3A_82 = arith.addf %sub3A_74, %add3A_81 : vector<1x128xf32>
    %rsqrt3A = math.rsqrt %add3A_82 : vector<1x128xf32>
    %mul3A_83 = arith.mulf %get3A_77, %rsqrt3A : vector<1x128xf32>
    %mul3A_84 = arith.mulf %div3A_68, %mul3A_83 : vector<1x128xf32>
    %sub3A_85 = arith.subf %get3A_80, %mul3A_84 : vector<1x128xf32>
    %ge3A = arith.constant 0.000000e+00 : f32
    %ge3A_86 = vector.broadcast %ge3A : f32 to vector<1x128xf32>
    %ge3A_87 = arith.cmpf oge, %mul3A_83, %ge3A_86 : vector<1x128xf32>
    %get3A_88 = arith.constant 0 : index
    %get3A_89 = arith.constant 0 : index
    %get3A_90 = arith.constant 0 : index
    %get3A_91 = vector.load %arg1[%get3A_88, %get3A_89, %get3A_90] : memref<1x512x128xf32, #tpu.memory_space<vmem>>, vector<1x512x128xf32>
    %get3A_92 = vector.shape_cast %get3A_91 : vector<1x512x128xf32> to vector<512x128xf32>
    %get3A_93 = arith.constant 0 : index
    %get3A_94 = arith.constant 0 : index
    %get3A_95 = arith.constant 0 : index
    %get3A_96 = vector.load %arg2[%get3A_93, %get3A_94, %get3A_95] : memref<1x512x128xf32, #tpu.memory_space<vmem>>, vector<1x512x128xf32>
    %get3A_97 = vector.shape_cast %get3A_96 : vector<1x512x128xf32> to vector<512x128xf32>
    %broadcast_in_dim3A = vector.shape_cast %ge3A_87 : vector<1x128xi1> to vector<1x128xi1>
    %broadcast_in_dim3A_98 = vector.broadcast %broadcast_in_dim3A : vector<1x128xi1> to vector<512x128xi1>
    %select_n3A_99 = arith.select %broadcast_in_dim3A_98, %get3A_92, %get3A_97 : vector<512x128xi1>, vector<512x128xf32>
    %mul3A_100 = vector.broadcast %mul3A_83 : vector<1x128xf32> to vector<512x128xf32>
    %mul3A_101 = arith.mulf %select_n3A_99, %mul3A_100 : vector<512x128xf32>
    %add3A_102 = vector.broadcast %sub3A_85 : vector<1x128xf32> to vector<512x128xf32>
    %add3A_103 = arith.addf %mul3A_101, %add3A_102 : vector<512x128xf32>
    %ge3A_104 = arith.constant 0.000000e+00 : f32
    %ge3A_105 = vector.broadcast %ge3A_104 : f32 to vector<512x128xf32>
    %ge3A_106 = arith.cmpf oge, %add3A_103, %ge3A_105 : vector<512x128xf32>
    %mul3A_107 = arith.constant 2.000000e-01 : f32
    %mul3A_108 = vector.broadcast %mul3A_107 : f32 to vector<512x128xf32>
    %mul3A_109 = arith.mulf %mul3A_108, %add3A_103 : vector<512x128xf32>
    %select_n3A_110 = arith.select %ge3A_106, %add3A_103, %mul3A_109 : vector<512x128xi1>, vector<512x128xf32>
    %swap3A = arith.constant 0 : index
    %swap3A_111 = arith.constant 0 : index
    %swap3A_112 = arith.constant 0 : index
    %swap3A_113 = vector.load %arg6[%swap3A, %swap3A_111, %swap3A_112] : memref<1x512x128xf32, #tpu.memory_space<vmem>>, vector<1x512x128xf32>
    %swap3A_114 = vector.shape_cast %swap3A_113 : vector<1x512x128xf32> to vector<512x128xf32>
    %swap3A_115 = vector.shape_cast %select_n3A_110 : vector<512x128xf32> to vector<1x512x128xf32>
    tpu.vector_store %arg6[%swap3A, %swap3A_111, %swap3A_112], %swap3A_115 {strides = array<i32>} : memref<1x512x128xf32, #tpu.memory_space<vmem>>, vector<1x512x128xf32>,
    return
  }
  func.func @transform_0(%arg0: i32) -> (i32, i32, i32) {
    %c0_i32 = arith.constant 0 : i32
    %c0_i32_0 = arith.constant 0 : i32
    %c0_i32_1 = arith.constant 0 : i32
    return %arg0, %c0_i32, %c0_i32_0 : i32, i32, i32
  }
  func.func @transform_1(%arg0: i32) -> (i32, i32, i32) {
    %c0_i32 = arith.constant 0 : i32
    %c0_i32_0 = arith.constant 0 : i32
    %c0_i32_1 = arith.constant 0 : i32
    return %arg0, %c0_i32, %c0_i32_0 : i32, i32, i32
  }
  func.func @transform_2(%arg0: i32) -> (i32, i32, i32) {
    %c0_i32 = arith.constant 0 : i32
    %c0_i32_0 = arith.constant 0 : i32
    %c0_i32_1 = arith.constant 0 : i32
    return %arg0, %c0_i32, %c0_i32_0 : i32, i32, i32
  }
  func.func @transform_3(%arg0: i32) -> (i32, i32) {
    %c0_i32 = arith.constant 0 : i32
    %c0_i32_0 = arith.constant 0 : i32
    %c0_i32_1 = arith.constant 0 : i32
    return %c0_i32, %c0_i32_0 : i32, i32
  }
  func.func @transform_4(%arg0: i32) -> (i32, i32) {
    %c0_i32 = arith.constant 0 : i32
    %c0_i32_0 = arith.constant 0 : i32
    %c0_i32_1 = arith.constant 0 : i32
    return %c0_i32, %c0_i32_0 : i32, i32
  }
  func.func @transform_5(%arg0: i32) -> (i32, i32, i32) {
    %c0_i32 = arith.constant 0 : i32
    %c0_i32_0 = arith.constant 0 : i32
    %c0_i32_1 = arith.constant 0 : i32
    return %arg0, %c0_i32, %c0_i32_0 : i32, i32, i32
  }
}

module attributes {stable_mosaic.version = 14 : i64} {
  func.func @_edge_body(%arg0: i32, %arg1: i32, %arg2: memref<1x256x3xf32, #tpu.memory_space<vmem>>, %arg3: memref<1x3x512xf32, #tpu.memory_space<vmem>>, %arg4: memref<1x256x128xf32, #tpu.memory_space<vmem>>, %arg5: memref<1x512x128xbf16, #tpu.memory_space<vmem>>, %arg6: memref<1x512x128xbf16, #tpu.memory_space<vmem>>, %arg7: memref<1x512x128xbf16, #tpu.memory_space<vmem>>, %arg8: memref<256x128xf32, #tpu.memory_space<vmem>>, %arg9: memref<1x256x128xf32, #tpu.memory_space<vmem>>, %arg10: memref<1x256x128xf32, #tpu.memory_space<vmem>>, %arg11: memref<1x8x128xf32, #tpu.memory_space<vmem>>) attributes {dimension_semantics = [#tpu.dimension_semantics<arbitrary>, #tpu.dimension_semantics<arbitrary>], iteration_bounds = array<i64: 4, 2>, scalar_prefetch = 0 : i64, scratch_operands = 0 : i64, tpu.core_type = #tpu.core_type<tc>, window_params = [{transform_indices = @transform_0, window_bounds = array<i64: 1, 256, 3>}, {transform_indices = @transform_1, window_bounds = array<i64: 1, 3, 512>}, {transform_indices = @transform_2, window_bounds = array<i64: 1, 256, 128>}, {transform_indices = @transform_3, window_bounds = array<i64: 1, 512, 128>}, {transform_indices = @transform_4, window_bounds = array<i64: 1, 512, 128>}, {transform_indices = @transform_5, window_bounds = array<i64: 1, 512, 128>}, {pipeline_mode = #tpu.pipeline_mode<synchronous>, transform_indices = @transform_6, window_bounds = array<i64: 256, 128>}, {transform_indices = @transform_7, window_bounds = array<i64: 1, 256, 128>}, {transform_indices = @transform_8, window_bounds = array<i64: 1, 256, 128>}, {transform_indices = @transform_9, window_bounds = array<i64: 1, 8, 128>}]} {
    %get3A = arith.constant 0 : index
    %get3A_0 = arith.constant 0 : index
    %get3A_1 = arith.constant 0 : index
    %get3A_2 = vector.load %arg2[%get3A, %get3A_0, %get3A_1] : memref<1x256x3xf32, #tpu.memory_space<vmem>>, vector<1x256x3xf32>
    %get3A_3 = vector.shape_cast %get3A_2 : vector<1x256x3xf32> to vector<256x3xf32>
    %get3A_4 = arith.constant 0 : index
    %get3A_5 = arith.constant 0 : index
    %get3A_6 = arith.constant 0 : index
    %get3A_7 = vector.load %arg3[%get3A_4, %get3A_5, %get3A_6] : memref<1x3x512xf32, #tpu.memory_space<vmem>>, vector<1x3x512xf32>
    %get3A_8 = vector.shape_cast %get3A_7 : vector<1x3x512xf32> to vector<3x512xf32>
    %get3A_9 = arith.constant 0 : index
    %get3A_10 = arith.constant 0 : index
    %get3A_11 = arith.constant 0 : index
    %get3A_12 = vector.load %arg4[%get3A_9, %get3A_10, %get3A_11] : memref<1x256x128xf32, #tpu.memory_space<vmem>>, vector<1x256x128xf32>
    %get3A_13 = vector.shape_cast %get3A_12 : vector<1x256x128xf32> to vector<256x128xf32>
    %mul3A = arith.mulf %get3A_3, %get3A_3 : vector<256x3xf32>
    %reduce_sum3A = arith.constant dense<0.000000e+00> : vector<256xf32>
    %reduce_sum3A_14 = vector.multi_reduction <add>, %mul3A, %reduce_sum3A [1] : vector<256x3xf32> to vector<256xf32>
    %broadcast_in_dim3A = vector.shape_cast %reduce_sum3A_14 : vector<256xf32> to vector<256x1xf32>
    %mul3A_15 = arith.mulf %get3A_8, %get3A_8 : vector<3x512xf32>
    %reduce_sum3A_16 = arith.constant dense<0.000000e+00> : vector<512xf32>
    %reduce_sum3A_17 = vector.multi_reduction <add>, %mul3A_15, %reduce_sum3A_16 [0] : vector<3x512xf32> to vector<512xf32>
    %broadcast_in_dim3A_18 = vector.shape_cast %reduce_sum3A_17 : vector<512xf32> to vector<1x512xf32>
    %dot_general3A = arith.constant dense<0.000000e+00> : vector<256x512xf32>
    %dot_general3A_19 = tpu.matmul %get3A_3, %get3A_8, %dot_general3A {dimension_numbers = #tpu.dot_dimension_numbers<[1], [0], [0], [1], [0, 0, 1, 1], [], []>, transpose_lhs_hint = false} : vector<256x3xf32>, vector<3x512xf32>, vector<256x512xf32> -> vector<256x512xf32>
    %mul3A_20 = arith.constant 2.000000e+00 : f32
    %mul3A_21 = vector.broadcast %mul3A_20 : f32 to vector<256x512xf32>
    %mul3A_22 = arith.mulf %mul3A_21, %dot_general3A_19 : vector<256x512xf32>
    %sub3A = vector.broadcast %broadcast_in_dim3A : vector<256x1xf32> to vector<256x512xf32>
    %sub3A_23 = arith.subf %sub3A, %mul3A_22 : vector<256x512xf32>
    %add3A = vector.broadcast %broadcast_in_dim3A_18 : vector<1x512xf32> to vector<256x512xf32>
    %add3A_24 = arith.addf %sub3A_23, %add3A : vector<256x512xf32>
    %iota3A = tpu.iota {dimensions = array<i32: 1>} : vector<256x512xi32>
    %neg3A = arith.constant 0.000000e+00 : f32
    %neg3A_25 = arith.constant 0x7F800000 : f32
    %neg3A_26 = arith.subf %neg3A, %neg3A_25 : f32
    %broadcast_in_dim3A_27 = vector.broadcast %neg3A_26 : f32 to vector<256x128xf32>
    %broadcast_in_dim3A_28 = arith.constant 0x7F800000 : f32
    %broadcast_in_dim3A_29 = vector.broadcast %broadcast_in_dim3A_28 : f32 to vector<256x128xf32>
    %broadcast_in_dim3A_30 = arith.constant 0.000000e+00 : f32
    %broadcast_in_dim3A_31 = vector.broadcast %broadcast_in_dim3A_30 : f32 to vector<1x128xf32>
    %broadcast_in_dim3A_32 = arith.constant 0.000000e+00 : f32
    %broadcast_in_dim3A_33 = vector.broadcast %broadcast_in_dim3A_32 : f32 to vector<1x128xf32>
    %get3A_34 = arith.constant 0 : index
    %get3A_35 = arith.constant 0 : index
    %get3A_36 = vector.load %arg8[%get3A_34, %get3A_35] : memref<256x128xf32, #tpu.memory_space<vmem>>, vector<256x128xf32>
    %scan3A = arith.constant 1073741824 : i32
    %scan3A_37 = arith.constant 0x7F800000 : f32
    %scan3A_38 = arith.constant 0 : i32
    %scan3A_39 = arith.constant 16 : i32
    %scan3A_40 = arith.addi %scan3A_38, %scan3A_39 : i32
    %scan3A_41 = arith.constant 1 : i32
    %scan3A_42:5 = scf.for %scan3A_80 = %scan3A_38 to %scan3A_40 step %scan3A_41 iter_args(%scan3A_81 = %add3A_24, %scan3A_82 = %broadcast_in_dim3A_27, %scan3A_83 = %broadcast_in_dim3A_29, %scan3A_84 = %broadcast_in_dim3A_31, %scan3A_85 = %broadcast_in_dim3A_33) -> (vector<256x512xf32>, vector<256x128xf32>, vector<256x128xf32>, vector<1x128xf32>, vector<1x128xf32>)  : i32 {
      %reduce_min3A = arith.constant dense<0x7F800000> : vector<256xf32>
      %reduce_min3A_86 = vector.multi_reduction <minimumf>, %scan3A_81, %reduce_min3A [1] : vector<256x512xf32> to vector<256xf32>
      %broadcast_in_dim3A_87 = vector.shape_cast %reduce_min3A_86 : vector<256xf32> to vector<256x1xf32>
      %le3A = vector.broadcast %broadcast_in_dim3A_87 : vector<256x1xf32> to vector<256x512xf32>
      %le3A_88 = arith.cmpf ole, %scan3A_81, %le3A : vector<256x512xf32>
      %broadcast_in_dim3A_89 = vector.broadcast %scan3A : i32 to vector<256x512xi32>
      %select_n3A = arith.select %le3A_88, %iota3A, %broadcast_in_dim3A_89 : vector<256x512xi1>, vector<256x512xi32>
      %reduce_min3A_90 = arith.constant dense<2147483647> : vector<256xi32>
      %reduce_min3A_91 = vector.multi_reduction <minsi>, %select_n3A, %reduce_min3A_90 [1] : vector<256x512xi32> to vector<256xi32>
      %broadcast_in_dim3A_92 = vector.shape_cast %reduce_min3A_91 : vector<256xi32> to vector<256x1xi32>
      %eq3A_93 = vector.broadcast %broadcast_in_dim3A_92 : vector<256x1xi32> to vector<256x512xi32>
      %eq3A_94 = arith.cmpi eq, %iota3A, %eq3A_93 : vector<256x512xi32>
      %convert_element_type3A_95 = arith.extui %eq3A_94 : vector<256x512xi1> to vector<256x512xi32>
      %convert_element_type3A_96 = arith.sitofp %convert_element_type3A_95 : vector<256x512xi32> to vector<256x512xf32>
      %convert_element_type3A_97 = arith.truncf %convert_element_type3A_96 : vector<256x512xf32> to vector<256x512xbf16>
      %get3A_98 = arith.constant 0 : index
      %get3A_99 = arith.constant 0 : index
      %get3A_100 = arith.constant 0 : index
      %get3A_101 = vector.load %arg5[%get3A_98, %get3A_99, %get3A_100] : memref<1x512x128xbf16, #tpu.memory_space<vmem>>, vector<1x512x128xbf16>
      %get3A_102 = vector.shape_cast %get3A_101 : vector<1x512x128xbf16> to vector<512x128xbf16>
      %dot_general3A_103 = arith.constant dense<0.000000e+00> : vector<256x128xf32>
      %dot_general3A_104 = tpu.matmul %convert_element_type3A_97, %get3A_102, %dot_general3A_103 {dimension_numbers = #tpu.dot_dimension_numbers<[1], [0], [0], [1], [0, 0, 1, 1], [], []>, transpose_lhs_hint = false} : vector<256x512xbf16>, vector<512x128xbf16>, vector<256x128xf32> -> vector<256x128xf32>
      %get3A_105 = arith.constant 0 : index
      %get3A_106 = arith.constant 0 : index
      %get3A_107 = arith.constant 0 : index
      %get3A_108 = vector.load %arg6[%get3A_105, %get3A_106, %get3A_107] : memref<1x512x128xbf16, #tpu.memory_space<vmem>>, vector<1x512x128xbf16>
      %get3A_109 = vector.shape_cast %get3A_108 : vector<1x512x128xbf16> to vector<512x128xbf16>
      %dot_general3A_110 = arith.constant dense<0.000000e+00> : vector<256x128xf32>
      %dot_general3A_111 = tpu.matmul %convert_element_type3A_97, %get3A_109, %dot_general3A_110 {dimension_numbers = #tpu.dot_dimension_numbers<[1], [0], [0], [1], [0, 0, 1, 1], [], []>, transpose_lhs_hint = false} : vector<256x512xbf16>, vector<512x128xbf16>, vector<256x128xf32> -> vector<256x128xf32>
      %get3A_112 = arith.constant 0 : index
      %get3A_113 = arith.constant 0 : index
      %get3A_114 = arith.constant 0 : index
      %get3A_115 = vector.load %arg7[%get3A_112, %get3A_113, %get3A_114] : memref<1x512x128xbf16, #tpu.memory_space<vmem>>, vector<1x512x128xbf16>
      %get3A_116 = vector.shape_cast %get3A_115 : vector<1x512x128xbf16> to vector<512x128xbf16>
      %dot_general3A_117 = arith.constant dense<0.000000e+00> : vector<256x128xf32>
      %dot_general3A_118 = tpu.matmul %convert_element_type3A_97, %get3A_116, %dot_general3A_117 {dimension_numbers = #tpu.dot_dimension_numbers<[1], [0], [0], [1], [0, 0, 1, 1], [], []>, transpose_lhs_hint = false} : vector<256x512xbf16>, vector<512x128xbf16>, vector<256x128xf32> -> vector<256x128xf32>
      %add3A_119 = arith.addf %dot_general3A_104, %dot_general3A_111 : vector<256x128xf32>
      %add3A_120 = arith.addf %add3A_119, %dot_general3A_118 : vector<256x128xf32>
      %sub3A_121 = arith.subf %add3A_120, %get3A_13 : vector<256x128xf32>
      %concatenate3A = tpu.concatenate %sub3A_121, %get3A_13 in 1 : vector<256x128xf32>, vector<256x128xf32> -> vector<256x256xf32>
      %dot_general3A_122 = arith.constant dense<0.000000e+00> : vector<256x128xf32>
      %dot_general3A_123 = tpu.matmul %concatenate3A, %get3A_36, %dot_general3A_122 {dimension_numbers = #tpu.dot_dimension_numbers<[1], [0], [0], [1], [0, 0, 1, 1], [], []>, transpose_lhs_hint = false} : vector<256x256xf32>, vector<256x128xf32>, vector<256x128xf32> -> vector<256x128xf32>
      %max3A = arith.maximumf %scan3A_82, %dot_general3A_123 : vector<256x128xf32>
      %min3A = arith.minimumf %scan3A_83, %dot_general3A_123 : vector<256x128xf32>
      %reduce_sum3A_124 = arith.constant dense<0.000000e+00> : vector<128xf32>
      %reduce_sum3A_125 = vector.multi_reduction <add>, %dot_general3A_123, %reduce_sum3A_124 [0] : vector<256x128xf32> to vector<128xf32>
      %broadcast_in_dim3A_126 = vector.shape_cast %reduce_sum3A_125 : vector<128xf32> to vector<1x128xf32>
      %add3A_127 = arith.addf %scan3A_84, %broadcast_in_dim3A_126 : vector<1x128xf32>
      %mul3A_128 = arith.mulf %dot_general3A_123, %dot_general3A_123 : vector<256x128xf32>
      %reduce_sum3A_129 = arith.constant dense<0.000000e+00> : vector<128xf32>
      %reduce_sum3A_130 = vector.multi_reduction <add>, %mul3A_128, %reduce_sum3A_129 [0] : vector<256x128xf32> to vector<128xf32>
      %broadcast_in_dim3A_131 = vector.shape_cast %reduce_sum3A_130 : vector<128xf32> to vector<1x128xf32>
      %add3A_132 = arith.addf %scan3A_85, %broadcast_in_dim3A_131 : vector<1x128xf32>
      %broadcast_in_dim3A_133 = vector.broadcast %scan3A_37 : f32 to vector<256x512xf32>
      %select_n3A_134 = arith.select %eq3A_94, %broadcast_in_dim3A_133, %scan3A_81 : vector<256x512xi1>, vector<256x512xf32>
      scf.yield %select_n3A_134, %max3A, %min3A, %add3A_127, %add3A_132 : vector<256x512xf32>, vector<256x128xf32>, vector<256x128xf32>, vector<1x128xf32>, vector<1x128xf32>
    }
    %swap3A = arith.constant 0 : index
    %swap3A_43 = arith.constant 0 : index
    %swap3A_44 = arith.constant 0 : index
    %swap3A_45 = vector.load %arg9[%swap3A, %swap3A_43, %swap3A_44] : memref<1x256x128xf32, #tpu.memory_space<vmem>>, vector<1x256x128xf32>
    %swap3A_46 = vector.shape_cast %swap3A_45 : vector<1x256x128xf32> to vector<256x128xf32>
    %swap3A_47 = vector.shape_cast %scan3A_42#1 : vector<256x128xf32> to vector<1x256x128xf32>
    tpu.vector_store %arg9[%swap3A, %swap3A_43, %swap3A_44], %swap3A_47 {strides = array<i32>} : memref<1x256x128xf32, #tpu.memory_space<vmem>>, vector<1x256x128xf32>,
    %swap3A_48 = arith.constant 0 : index
    %swap3A_49 = arith.constant 0 : index
    %swap3A_50 = arith.constant 0 : index
    %swap3A_51 = vector.load %arg10[%swap3A_48, %swap3A_49, %swap3A_50] : memref<1x256x128xf32, #tpu.memory_space<vmem>>, vector<1x256x128xf32>
    %swap3A_52 = vector.shape_cast %swap3A_51 : vector<1x256x128xf32> to vector<256x128xf32>
    %swap3A_53 = vector.shape_cast %scan3A_42#2 : vector<256x128xf32> to vector<1x256x128xf32>
    tpu.vector_store %arg10[%swap3A_48, %swap3A_49, %swap3A_50], %swap3A_53 {strides = array<i32>} : memref<1x256x128xf32, #tpu.memory_space<vmem>>, vector<1x256x128xf32>,
    %eq3A = arith.constant 0 : i32
    %eq3A_54 = arith.cmpi eq, %arg1, %eq3A : i32
    %convert_element_type3A = arith.extui %eq3A_54 : i1 to i32
    %cond3A = arith.constant 0 : i32
    %cond3A_55 = arith.cmpi ne, %convert_element_type3A, %cond3A : i32
    scf.if %cond3A_55 {
      %broadcast_in_dim3A_80 = arith.constant 0.000000e+00 : f32
      %broadcast_in_dim3A_81 = vector.broadcast %broadcast_in_dim3A_80 : f32 to vector<1x8x128xf32>
      %swap3A_82 = arith.constant 0 : index
      %swap3A_83 = arith.constant 0 : index
      %swap3A_84 = arith.constant 0 : index
      %swap3A_85 = vector.load %arg11[%swap3A_82, %swap3A_83, %swap3A_84] : memref<1x8x128xf32, #tpu.memory_space<vmem>>, vector<1x8x128xf32>
      tpu.vector_store %arg11[%swap3A_82, %swap3A_83, %swap3A_84], %broadcast_in_dim3A_81 {strides = array<i32>} : memref<1x8x128xf32, #tpu.memory_space<vmem>>, vector<1x8x128xf32>,
    } else {
    }
    %get3A_56 = arith.constant 0 : index
    %get3A_57 = arith.constant 0 : index
    %get3A_58 = arith.constant 0 : index
    %get3A_59 = vector.load %arg11[%get3A_56, %get3A_57, %get3A_58] : memref<1x8x128xf32, #tpu.memory_space<vmem>>, vector<1x1x128xf32>
    %get3A_60 = vector.shape_cast %get3A_59 : vector<1x1x128xf32> to vector<1x128xf32>
    %add3A_61 = arith.addf %get3A_60, %scan3A_42#3 : vector<1x128xf32>
    %swap3A_62 = arith.constant 0 : index
    %swap3A_63 = arith.constant 0 : index
    %swap3A_64 = arith.constant 0 : index
    %swap3A_65 = vector.load %arg11[%swap3A_62, %swap3A_63, %swap3A_64] : memref<1x8x128xf32, #tpu.memory_space<vmem>>, vector<1x1x128xf32>
    %swap3A_66 = vector.shape_cast %swap3A_65 : vector<1x1x128xf32> to vector<1x128xf32>
    %swap3A_67 = vector.shape_cast %add3A_61 : vector<1x128xf32> to vector<1x1x128xf32>
    tpu.vector_store %arg11[%swap3A_62, %swap3A_63, %swap3A_64], %swap3A_67 {strides = array<i32>} : memref<1x8x128xf32, #tpu.memory_space<vmem>>, vector<1x1x128xf32>,
    %get3A_68 = arith.constant 0 : index
    %get3A_69 = arith.constant 1 : index
    %get3A_70 = arith.constant 0 : index
    %get3A_71 = vector.load %arg11[%get3A_68, %get3A_69, %get3A_70] : memref<1x8x128xf32, #tpu.memory_space<vmem>>, vector<1x1x128xf32>
    %get3A_72 = vector.shape_cast %get3A_71 : vector<1x1x128xf32> to vector<1x128xf32>
    %add3A_73 = arith.addf %get3A_72, %scan3A_42#4 : vector<1x128xf32>
    %swap3A_74 = arith.constant 0 : index
    %swap3A_75 = arith.constant 1 : index
    %swap3A_76 = arith.constant 0 : index
    %swap3A_77 = vector.load %arg11[%swap3A_74, %swap3A_75, %swap3A_76] : memref<1x8x128xf32, #tpu.memory_space<vmem>>, vector<1x1x128xf32>
    %swap3A_78 = vector.shape_cast %swap3A_77 : vector<1x1x128xf32> to vector<1x128xf32>
    %swap3A_79 = vector.shape_cast %add3A_73 : vector<1x128xf32> to vector<1x1x128xf32>
    tpu.vector_store %arg11[%swap3A_74, %swap3A_75, %swap3A_76], %swap3A_79 {strides = array<i32>} : memref<1x8x128xf32, #tpu.memory_space<vmem>>, vector<1x1x128xf32>,
    return
  }
  func.func @transform_0(%arg0: i32, %arg1: i32) -> (i32, i32, i32) {
    %c0_i32 = arith.constant 0 : i32
    %c0_i32_0 = arith.constant 0 : i32
    return %arg0, %arg1, %c0_i32 : i32, i32, i32
  }
  func.func @transform_1(%arg0: i32, %arg1: i32) -> (i32, i32, i32) {
    %c0_i32 = arith.constant 0 : i32
    %c0_i32_0 = arith.constant 0 : i32
    %c0_i32_1 = arith.constant 0 : i32
    return %arg0, %c0_i32, %c0_i32_0 : i32, i32, i32
  }
  func.func @transform_2(%arg0: i32, %arg1: i32) -> (i32, i32, i32) {
    %c0_i32 = arith.constant 0 : i32
    %c0_i32_0 = arith.constant 0 : i32
    return %arg0, %arg1, %c0_i32 : i32, i32, i32
  }
  func.func @transform_3(%arg0: i32, %arg1: i32) -> (i32, i32, i32) {
    %c0_i32 = arith.constant 0 : i32
    %c0_i32_0 = arith.constant 0 : i32
    %c0_i32_1 = arith.constant 0 : i32
    return %arg0, %c0_i32, %c0_i32_0 : i32, i32, i32
  }
  func.func @transform_4(%arg0: i32, %arg1: i32) -> (i32, i32, i32) {
    %c0_i32 = arith.constant 0 : i32
    %c0_i32_0 = arith.constant 0 : i32
    %c0_i32_1 = arith.constant 0 : i32
    return %arg0, %c0_i32, %c0_i32_0 : i32, i32, i32
  }
  func.func @transform_5(%arg0: i32, %arg1: i32) -> (i32, i32, i32) {
    %c0_i32 = arith.constant 0 : i32
    %c0_i32_0 = arith.constant 0 : i32
    %c0_i32_1 = arith.constant 0 : i32
    return %arg0, %c0_i32, %c0_i32_0 : i32, i32, i32
  }
  func.func @transform_6(%arg0: i32, %arg1: i32) -> (i32, i32) {
    %c0_i32 = arith.constant 0 : i32
    %c0_i32_0 = arith.constant 0 : i32
    %c0_i32_1 = arith.constant 0 : i32
    return %c0_i32, %c0_i32_0 : i32, i32
  }
  func.func @transform_7(%arg0: i32, %arg1: i32) -> (i32, i32, i32) {
    %c0_i32 = arith.constant 0 : i32
    %c0_i32_0 = arith.constant 0 : i32
    return %arg0, %arg1, %c0_i32 : i32, i32, i32
  }
  func.func @transform_8(%arg0: i32, %arg1: i32) -> (i32, i32, i32) {
    %c0_i32 = arith.constant 0 : i32
    %c0_i32_0 = arith.constant 0 : i32
    return %arg0, %arg1, %c0_i32 : i32, i32, i32
  }
  func.func @transform_9(%arg0: i32, %arg1: i32) -> (i32, i32, i32) {
    %c0_i32 = arith.constant 0 : i32
    %c0_i32_0 = arith.constant 0 : i32
    %c0_i32_1 = arith.constant 0 : i32
    return %arg0, %c0_i32, %c0_i32_0 : i32, i32, i32
  }
}

module attributes {stable_mosaic.version = 14 : i64} {
  func.func @_dsg_body(%arg0: i32, %arg1: i32, %arg2: memref<1x1x256xi32, #tpu.memory_space<vmem>>, %arg3: memref<1x512x131xf32, #tpu.memory_space<vmem>>, %arg4: memref<1x256x131xf32, #tpu.memory_space<vmem>>) attributes {dimension_semantics = [#tpu.dimension_semantics<arbitrary>, #tpu.dimension_semantics<arbitrary>], iteration_bounds = array<i64: 4, 1>, scalar_prefetch = 0 : i64, scratch_operands = 0 : i64, tpu.core_type = #tpu.core_type<tc>, window_params = [{transform_indices = @transform_0, window_bounds = array<i64: 1, 1, 256>}, {transform_indices = @transform_1, window_bounds = array<i64: 1, 512, 131>}, {transform_indices = @transform_2, window_bounds = array<i64: 1, 256, 131>}]} {
    %get3A = arith.constant 0 : index
    %get3A_0 = arith.constant 0 : index
    %get3A_1 = arith.constant 0 : index
    %get3A_2 = vector.load %arg2[%get3A, %get3A_0, %get3A_1] : memref<1x1x256xi32, #tpu.memory_space<vmem>>, vector<1x1x256xi32>
    %get3A_3 = vector.shape_cast %get3A_2 : vector<1x1x256xi32> to vector<1x256xi32>
    %get3A_4 = arith.constant 0 : index
    %get3A_5 = arith.constant 0 : index
    %get3A_6 = arith.constant 0 : index
    %get3A_7 = vector.load %arg3[%get3A_4, %get3A_5, %get3A_6] : memref<1x512x131xf32, #tpu.memory_space<vmem>>, vector<1x512x131xf32>
    %get3A_8 = vector.shape_cast %get3A_7 : vector<1x512x131xf32> to vector<512x131xf32>
    %iota3A = tpu.iota {dimensions = array<i32: 0>} : vector<512x256xi32>
    %eq3A = vector.broadcast %get3A_3 : vector<1x256xi32> to vector<512x256xi32>
    %eq3A_9 = arith.cmpi eq, %iota3A, %eq3A : vector<512x256xi32>
    %convert_element_type3A = arith.extui %eq3A_9 : vector<512x256xi1> to vector<512x256xi32>
    %convert_element_type3A_10 = arith.sitofp %convert_element_type3A : vector<512x256xi32> to vector<512x256xf32>
    %dot_general3A = arith.constant dense<0.000000e+00> : vector<256x131xf32>
    %dot_general3A_11 = tpu.matmul %convert_element_type3A_10, %get3A_8, %dot_general3A {dimension_numbers = #tpu.dot_dimension_numbers<[0], [0], [1], [1], [0, 1, 1, 1], [], []>, precision = #tpu.contract_precision<fp32>, transpose_lhs_hint = false} : vector<512x256xf32>, vector<512x131xf32>, vector<256x131xf32> -> vector<256x131xf32>
    %swap3A = arith.constant 0 : index
    %swap3A_12 = arith.constant 0 : index
    %swap3A_13 = arith.constant 0 : index
    %swap3A_14 = vector.load %arg4[%swap3A, %swap3A_12, %swap3A_13] : memref<1x256x131xf32, #tpu.memory_space<vmem>>, vector<1x256x131xf32>
    %swap3A_15 = vector.shape_cast %swap3A_14 : vector<1x256x131xf32> to vector<256x131xf32>
    %swap3A_16 = vector.shape_cast %dot_general3A_11 : vector<256x131xf32> to vector<1x256x131xf32>
    tpu.vector_store %arg4[%swap3A, %swap3A_12, %swap3A_13], %swap3A_16 {strides = array<i32>} : memref<1x256x131xf32, #tpu.memory_space<vmem>>, vector<1x256x131xf32>,
    return
  }
  func.func @transform_0(%arg0: i32, %arg1: i32) -> (i32, i32, i32) {
    %c0_i32 = arith.constant 0 : i32
    %c0_i32_0 = arith.constant 0 : i32
    return %arg0, %c0_i32, %arg1 : i32, i32, i32
  }
  func.func @transform_1(%arg0: i32, %arg1: i32) -> (i32, i32, i32) {
    %c0_i32 = arith.constant 0 : i32
    %c0_i32_0 = arith.constant 0 : i32
    %c0_i32_1 = arith.constant 0 : i32
    return %arg0, %c0_i32, %c0_i32_0 : i32, i32, i32
  }
  func.func @transform_2(%arg0: i32, %arg1: i32) -> (i32, i32, i32) {
    %c0_i32 = arith.constant 0 : i32
    %c0_i32_0 = arith.constant 0 : i32
    return %arg0, %arg1, %c0_i32 : i32, i32, i32
  }
}

module attributes {stable_mosaic.version = 14 : i64} {
  func.func @_edge_body(%arg0: i32, %arg1: i32, %arg2: memref<1x256x3xf32, #tpu.memory_space<vmem>>, %arg3: memref<1x3x512xf32, #tpu.memory_space<vmem>>, %arg4: memref<1x256x128xf32, #tpu.memory_space<vmem>>, %arg5: memref<1x512x128xbf16, #tpu.memory_space<vmem>>, %arg6: memref<1x512x128xbf16, #tpu.memory_space<vmem>>, %arg7: memref<1x512x128xbf16, #tpu.memory_space<vmem>>, %arg8: memref<256x256xf32, #tpu.memory_space<vmem>>, %arg9: memref<1x256x256xf32, #tpu.memory_space<vmem>>, %arg10: memref<1x256x256xf32, #tpu.memory_space<vmem>>, %arg11: memref<1x8x256xf32, #tpu.memory_space<vmem>>) attributes {dimension_semantics = [#tpu.dimension_semantics<arbitrary>, #tpu.dimension_semantics<arbitrary>], iteration_bounds = array<i64: 4, 1>, scalar_prefetch = 0 : i64, scratch_operands = 0 : i64, tpu.core_type = #tpu.core_type<tc>, window_params = [{transform_indices = @transform_0, window_bounds = array<i64: 1, 256, 3>}, {transform_indices = @transform_1, window_bounds = array<i64: 1, 3, 512>}, {transform_indices = @transform_2, window_bounds = array<i64: 1, 256, 128>}, {transform_indices = @transform_3, window_bounds = array<i64: 1, 512, 128>}, {transform_indices = @transform_4, window_bounds = array<i64: 1, 512, 128>}, {transform_indices = @transform_5, window_bounds = array<i64: 1, 512, 128>}, {pipeline_mode = #tpu.pipeline_mode<synchronous>, transform_indices = @transform_6, window_bounds = array<i64: 256, 256>}, {transform_indices = @transform_7, window_bounds = array<i64: 1, 256, 256>}, {transform_indices = @transform_8, window_bounds = array<i64: 1, 256, 256>}, {transform_indices = @transform_9, window_bounds = array<i64: 1, 8, 256>}]} {
    %get3A = arith.constant 0 : index
    %get3A_0 = arith.constant 0 : index
    %get3A_1 = arith.constant 0 : index
    %get3A_2 = vector.load %arg2[%get3A, %get3A_0, %get3A_1] : memref<1x256x3xf32, #tpu.memory_space<vmem>>, vector<1x256x3xf32>
    %get3A_3 = vector.shape_cast %get3A_2 : vector<1x256x3xf32> to vector<256x3xf32>
    %get3A_4 = arith.constant 0 : index
    %get3A_5 = arith.constant 0 : index
    %get3A_6 = arith.constant 0 : index
    %get3A_7 = vector.load %arg3[%get3A_4, %get3A_5, %get3A_6] : memref<1x3x512xf32, #tpu.memory_space<vmem>>, vector<1x3x512xf32>
    %get3A_8 = vector.shape_cast %get3A_7 : vector<1x3x512xf32> to vector<3x512xf32>
    %get3A_9 = arith.constant 0 : index
    %get3A_10 = arith.constant 0 : index
    %get3A_11 = arith.constant 0 : index
    %get3A_12 = vector.load %arg4[%get3A_9, %get3A_10, %get3A_11] : memref<1x256x128xf32, #tpu.memory_space<vmem>>, vector<1x256x128xf32>
    %get3A_13 = vector.shape_cast %get3A_12 : vector<1x256x128xf32> to vector<256x128xf32>
    %mul3A = arith.mulf %get3A_3, %get3A_3 : vector<256x3xf32>
    %reduce_sum3A = arith.constant dense<0.000000e+00> : vector<256xf32>
    %reduce_sum3A_14 = vector.multi_reduction <add>, %mul3A, %reduce_sum3A [1] : vector<256x3xf32> to vector<256xf32>
    %broadcast_in_dim3A = vector.shape_cast %reduce_sum3A_14 : vector<256xf32> to vector<256x1xf32>
    %mul3A_15 = arith.mulf %get3A_8, %get3A_8 : vector<3x512xf32>
    %reduce_sum3A_16 = arith.constant dense<0.000000e+00> : vector<512xf32>
    %reduce_sum3A_17 = vector.multi_reduction <add>, %mul3A_15, %reduce_sum3A_16 [0] : vector<3x512xf32> to vector<512xf32>
    %broadcast_in_dim3A_18 = vector.shape_cast %reduce_sum3A_17 : vector<512xf32> to vector<1x512xf32>
    %dot_general3A = arith.constant dense<0.000000e+00> : vector<256x512xf32>
    %dot_general3A_19 = tpu.matmul %get3A_3, %get3A_8, %dot_general3A {dimension_numbers = #tpu.dot_dimension_numbers<[1], [0], [0], [1], [0, 0, 1, 1], [], []>, transpose_lhs_hint = false} : vector<256x3xf32>, vector<3x512xf32>, vector<256x512xf32> -> vector<256x512xf32>
    %mul3A_20 = arith.constant 2.000000e+00 : f32
    %mul3A_21 = vector.broadcast %mul3A_20 : f32 to vector<256x512xf32>
    %mul3A_22 = arith.mulf %mul3A_21, %dot_general3A_19 : vector<256x512xf32>
    %sub3A = vector.broadcast %broadcast_in_dim3A : vector<256x1xf32> to vector<256x512xf32>
    %sub3A_23 = arith.subf %sub3A, %mul3A_22 : vector<256x512xf32>
    %add3A = vector.broadcast %broadcast_in_dim3A_18 : vector<1x512xf32> to vector<256x512xf32>
    %add3A_24 = arith.addf %sub3A_23, %add3A : vector<256x512xf32>
    %iota3A = tpu.iota {dimensions = array<i32: 1>} : vector<256x512xi32>
    %neg3A = arith.constant 0.000000e+00 : f32
    %neg3A_25 = arith.constant 0x7F800000 : f32
    %neg3A_26 = arith.subf %neg3A, %neg3A_25 : f32
    %broadcast_in_dim3A_27 = vector.broadcast %neg3A_26 : f32 to vector<256x256xf32>
    %broadcast_in_dim3A_28 = arith.constant 0x7F800000 : f32
    %broadcast_in_dim3A_29 = vector.broadcast %broadcast_in_dim3A_28 : f32 to vector<256x256xf32>
    %broadcast_in_dim3A_30 = arith.constant 0.000000e+00 : f32
    %broadcast_in_dim3A_31 = vector.broadcast %broadcast_in_dim3A_30 : f32 to vector<1x256xf32>
    %broadcast_in_dim3A_32 = arith.constant 0.000000e+00 : f32
    %broadcast_in_dim3A_33 = vector.broadcast %broadcast_in_dim3A_32 : f32 to vector<1x256xf32>
    %get3A_34 = arith.constant 0 : index
    %get3A_35 = arith.constant 0 : index
    %get3A_36 = vector.load %arg8[%get3A_34, %get3A_35] : memref<256x256xf32, #tpu.memory_space<vmem>>, vector<256x256xf32>
    %scan3A = arith.constant 1073741824 : i32
    %scan3A_37 = arith.constant 0x7F800000 : f32
    %scan3A_38 = arith.constant 0 : i32
    %scan3A_39 = arith.constant 16 : i32
    %scan3A_40 = arith.addi %scan3A_38, %scan3A_39 : i32
    %scan3A_41 = arith.constant 1 : i32
    %scan3A_42:5 = scf.for %scan3A_80 = %scan3A_38 to %scan3A_40 step %scan3A_41 iter_args(%scan3A_81 = %add3A_24, %scan3A_82 = %broadcast_in_dim3A_27, %scan3A_83 = %broadcast_in_dim3A_29, %scan3A_84 = %broadcast_in_dim3A_31, %scan3A_85 = %broadcast_in_dim3A_33) -> (vector<256x512xf32>, vector<256x256xf32>, vector<256x256xf32>, vector<1x256xf32>, vector<1x256xf32>)  : i32 {
      %reduce_min3A = arith.constant dense<0x7F800000> : vector<256xf32>
      %reduce_min3A_86 = vector.multi_reduction <minimumf>, %scan3A_81, %reduce_min3A [1] : vector<256x512xf32> to vector<256xf32>
      %broadcast_in_dim3A_87 = vector.shape_cast %reduce_min3A_86 : vector<256xf32> to vector<256x1xf32>
      %le3A = vector.broadcast %broadcast_in_dim3A_87 : vector<256x1xf32> to vector<256x512xf32>
      %le3A_88 = arith.cmpf ole, %scan3A_81, %le3A : vector<256x512xf32>
      %broadcast_in_dim3A_89 = vector.broadcast %scan3A : i32 to vector<256x512xi32>
      %select_n3A = arith.select %le3A_88, %iota3A, %broadcast_in_dim3A_89 : vector<256x512xi1>, vector<256x512xi32>
      %reduce_min3A_90 = arith.constant dense<2147483647> : vector<256xi32>
      %reduce_min3A_91 = vector.multi_reduction <minsi>, %select_n3A, %reduce_min3A_90 [1] : vector<256x512xi32> to vector<256xi32>
      %broadcast_in_dim3A_92 = vector.shape_cast %reduce_min3A_91 : vector<256xi32> to vector<256x1xi32>
      %eq3A_93 = vector.broadcast %broadcast_in_dim3A_92 : vector<256x1xi32> to vector<256x512xi32>
      %eq3A_94 = arith.cmpi eq, %iota3A, %eq3A_93 : vector<256x512xi32>
      %convert_element_type3A_95 = arith.extui %eq3A_94 : vector<256x512xi1> to vector<256x512xi32>
      %convert_element_type3A_96 = arith.sitofp %convert_element_type3A_95 : vector<256x512xi32> to vector<256x512xf32>
      %convert_element_type3A_97 = arith.truncf %convert_element_type3A_96 : vector<256x512xf32> to vector<256x512xbf16>
      %get3A_98 = arith.constant 0 : index
      %get3A_99 = arith.constant 0 : index
      %get3A_100 = arith.constant 0 : index
      %get3A_101 = vector.load %arg5[%get3A_98, %get3A_99, %get3A_100] : memref<1x512x128xbf16, #tpu.memory_space<vmem>>, vector<1x512x128xbf16>
      %get3A_102 = vector.shape_cast %get3A_101 : vector<1x512x128xbf16> to vector<512x128xbf16>
      %dot_general3A_103 = arith.constant dense<0.000000e+00> : vector<256x128xf32>
      %dot_general3A_104 = tpu.matmul %convert_element_type3A_97, %get3A_102, %dot_general3A_103 {dimension_numbers = #tpu.dot_dimension_numbers<[1], [0], [0], [1], [0, 0, 1, 1], [], []>, transpose_lhs_hint = false} : vector<256x512xbf16>, vector<512x128xbf16>, vector<256x128xf32> -> vector<256x128xf32>
      %get3A_105 = arith.constant 0 : index
      %get3A_106 = arith.constant 0 : index
      %get3A_107 = arith.constant 0 : index
      %get3A_108 = vector.load %arg6[%get3A_105, %get3A_106, %get3A_107] : memref<1x512x128xbf16, #tpu.memory_space<vmem>>, vector<1x512x128xbf16>
      %get3A_109 = vector.shape_cast %get3A_108 : vector<1x512x128xbf16> to vector<512x128xbf16>
      %dot_general3A_110 = arith.constant dense<0.000000e+00> : vector<256x128xf32>
      %dot_general3A_111 = tpu.matmul %convert_element_type3A_97, %get3A_109, %dot_general3A_110 {dimension_numbers = #tpu.dot_dimension_numbers<[1], [0], [0], [1], [0, 0, 1, 1], [], []>, transpose_lhs_hint = false} : vector<256x512xbf16>, vector<512x128xbf16>, vector<256x128xf32> -> vector<256x128xf32>
      %get3A_112 = arith.constant 0 : index
      %get3A_113 = arith.constant 0 : index
      %get3A_114 = arith.constant 0 : index
      %get3A_115 = vector.load %arg7[%get3A_112, %get3A_113, %get3A_114] : memref<1x512x128xbf16, #tpu.memory_space<vmem>>, vector<1x512x128xbf16>
      %get3A_116 = vector.shape_cast %get3A_115 : vector<1x512x128xbf16> to vector<512x128xbf16>
      %dot_general3A_117 = arith.constant dense<0.000000e+00> : vector<256x128xf32>
      %dot_general3A_118 = tpu.matmul %convert_element_type3A_97, %get3A_116, %dot_general3A_117 {dimension_numbers = #tpu.dot_dimension_numbers<[1], [0], [0], [1], [0, 0, 1, 1], [], []>, transpose_lhs_hint = false} : vector<256x512xbf16>, vector<512x128xbf16>, vector<256x128xf32> -> vector<256x128xf32>
      %add3A_119 = arith.addf %dot_general3A_104, %dot_general3A_111 : vector<256x128xf32>
      %add3A_120 = arith.addf %add3A_119, %dot_general3A_118 : vector<256x128xf32>
      %sub3A_121 = arith.subf %add3A_120, %get3A_13 : vector<256x128xf32>
      %concatenate3A = tpu.concatenate %sub3A_121, %get3A_13 in 1 : vector<256x128xf32>, vector<256x128xf32> -> vector<256x256xf32>
      %dot_general3A_122 = arith.constant dense<0.000000e+00> : vector<256x256xf32>
      %dot_general3A_123 = tpu.matmul %concatenate3A, %get3A_36, %dot_general3A_122 {dimension_numbers = #tpu.dot_dimension_numbers<[1], [0], [0], [1], [0, 0, 1, 1], [], []>, transpose_lhs_hint = false} : vector<256x256xf32>, vector<256x256xf32>, vector<256x256xf32> -> vector<256x256xf32>
      %max3A = arith.maximumf %scan3A_82, %dot_general3A_123 : vector<256x256xf32>
      %min3A = arith.minimumf %scan3A_83, %dot_general3A_123 : vector<256x256xf32>
      %reduce_sum3A_124 = arith.constant dense<0.000000e+00> : vector<256xf32>
      %reduce_sum3A_125 = vector.multi_reduction <add>, %dot_general3A_123, %reduce_sum3A_124 [0] : vector<256x256xf32> to vector<256xf32>
      %broadcast_in_dim3A_126 = vector.shape_cast %reduce_sum3A_125 : vector<256xf32> to vector<1x256xf32>
      %add3A_127 = arith.addf %scan3A_84, %broadcast_in_dim3A_126 : vector<1x256xf32>
      %mul3A_128 = arith.mulf %dot_general3A_123, %dot_general3A_123 : vector<256x256xf32>
      %reduce_sum3A_129 = arith.constant dense<0.000000e+00> : vector<256xf32>
      %reduce_sum3A_130 = vector.multi_reduction <add>, %mul3A_128, %reduce_sum3A_129 [0] : vector<256x256xf32> to vector<256xf32>
      %broadcast_in_dim3A_131 = vector.shape_cast %reduce_sum3A_130 : vector<256xf32> to vector<1x256xf32>
      %add3A_132 = arith.addf %scan3A_85, %broadcast_in_dim3A_131 : vector<1x256xf32>
      %broadcast_in_dim3A_133 = vector.broadcast %scan3A_37 : f32 to vector<256x512xf32>
      %select_n3A_134 = arith.select %eq3A_94, %broadcast_in_dim3A_133, %scan3A_81 : vector<256x512xi1>, vector<256x512xf32>
      scf.yield %select_n3A_134, %max3A, %min3A, %add3A_127, %add3A_132 : vector<256x512xf32>, vector<256x256xf32>, vector<256x256xf32>, vector<1x256xf32>, vector<1x256xf32>
    }
    %swap3A = arith.constant 0 : index
    %swap3A_43 = arith.constant 0 : index
    %swap3A_44 = arith.constant 0 : index
    %swap3A_45 = vector.load %arg9[%swap3A, %swap3A_43, %swap3A_44] : memref<1x256x256xf32, #tpu.memory_space<vmem>>, vector<1x256x256xf32>
    %swap3A_46 = vector.shape_cast %swap3A_45 : vector<1x256x256xf32> to vector<256x256xf32>
    %swap3A_47 = vector.shape_cast %scan3A_42#1 : vector<256x256xf32> to vector<1x256x256xf32>
    tpu.vector_store %arg9[%swap3A, %swap3A_43, %swap3A_44], %swap3A_47 {strides = array<i32>} : memref<1x256x256xf32, #tpu.memory_space<vmem>>, vector<1x256x256xf32>,
    %swap3A_48 = arith.constant 0 : index
    %swap3A_49 = arith.constant 0 : index
    %swap3A_50 = arith.constant 0 : index
    %swap3A_51 = vector.load %arg10[%swap3A_48, %swap3A_49, %swap3A_50] : memref<1x256x256xf32, #tpu.memory_space<vmem>>, vector<1x256x256xf32>
    %swap3A_52 = vector.shape_cast %swap3A_51 : vector<1x256x256xf32> to vector<256x256xf32>
    %swap3A_53 = vector.shape_cast %scan3A_42#2 : vector<256x256xf32> to vector<1x256x256xf32>
    tpu.vector_store %arg10[%swap3A_48, %swap3A_49, %swap3A_50], %swap3A_53 {strides = array<i32>} : memref<1x256x256xf32, #tpu.memory_space<vmem>>, vector<1x256x256xf32>,
    %eq3A = arith.constant 0 : i32
    %eq3A_54 = arith.cmpi eq, %arg1, %eq3A : i32
    %convert_element_type3A = arith.extui %eq3A_54 : i1 to i32
    %cond3A = arith.constant 0 : i32
    %cond3A_55 = arith.cmpi ne, %convert_element_type3A, %cond3A : i32
    scf.if %cond3A_55 {
      %broadcast_in_dim3A_80 = arith.constant 0.000000e+00 : f32
      %broadcast_in_dim3A_81 = vector.broadcast %broadcast_in_dim3A_80 : f32 to vector<1x8x256xf32>
      %swap3A_82 = arith.constant 0 : index
      %swap3A_83 = arith.constant 0 : index
      %swap3A_84 = arith.constant 0 : index
      %swap3A_85 = vector.load %arg11[%swap3A_82, %swap3A_83, %swap3A_84] : memref<1x8x256xf32, #tpu.memory_space<vmem>>, vector<1x8x256xf32>
      tpu.vector_store %arg11[%swap3A_82, %swap3A_83, %swap3A_84], %broadcast_in_dim3A_81 {strides = array<i32>} : memref<1x8x256xf32, #tpu.memory_space<vmem>>, vector<1x8x256xf32>,
    } else {
    }
    %get3A_56 = arith.constant 0 : index
    %get3A_57 = arith.constant 0 : index
    %get3A_58 = arith.constant 0 : index
    %get3A_59 = vector.load %arg11[%get3A_56, %get3A_57, %get3A_58] : memref<1x8x256xf32, #tpu.memory_space<vmem>>, vector<1x1x256xf32>
    %get3A_60 = vector.shape_cast %get3A_59 : vector<1x1x256xf32> to vector<1x256xf32>
    %add3A_61 = arith.addf %get3A_60, %scan3A_42#3 : vector<1x256xf32>
    %swap3A_62 = arith.constant 0 : index
    %swap3A_63 = arith.constant 0 : index
    %swap3A_64 = arith.constant 0 : index
    %swap3A_65 = vector.load %arg11[%swap3A_62, %swap3A_63, %swap3A_64] : memref<1x8x256xf32, #tpu.memory_space<vmem>>, vector<1x1x256xf32>
    %swap3A_66 = vector.shape_cast %swap3A_65 : vector<1x1x256xf32> to vector<1x256xf32>
    %swap3A_67 = vector.shape_cast %add3A_61 : vector<1x256xf32> to vector<1x1x256xf32>
    tpu.vector_store %arg11[%swap3A_62, %swap3A_63, %swap3A_64], %swap3A_67 {strides = array<i32>} : memref<1x8x256xf32, #tpu.memory_space<vmem>>, vector<1x1x256xf32>,
    %get3A_68 = arith.constant 0 : index
    %get3A_69 = arith.constant 1 : index
    %get3A_70 = arith.constant 0 : index
    %get3A_71 = vector.load %arg11[%get3A_68, %get3A_69, %get3A_70] : memref<1x8x256xf32, #tpu.memory_space<vmem>>, vector<1x1x256xf32>
    %get3A_72 = vector.shape_cast %get3A_71 : vector<1x1x256xf32> to vector<1x256xf32>
    %add3A_73 = arith.addf %get3A_72, %scan3A_42#4 : vector<1x256xf32>
    %swap3A_74 = arith.constant 0 : index
    %swap3A_75 = arith.constant 1 : index
    %swap3A_76 = arith.constant 0 : index
    %swap3A_77 = vector.load %arg11[%swap3A_74, %swap3A_75, %swap3A_76] : memref<1x8x256xf32, #tpu.memory_space<vmem>>, vector<1x1x256xf32>
    %swap3A_78 = vector.shape_cast %swap3A_77 : vector<1x1x256xf32> to vector<1x256xf32>
    %swap3A_79 = vector.shape_cast %add3A_73 : vector<1x256xf32> to vector<1x1x256xf32>
    tpu.vector_store %arg11[%swap3A_74, %swap3A_75, %swap3A_76], %swap3A_79 {strides = array<i32>} : memref<1x8x256xf32, #tpu.memory_space<vmem>>, vector<1x1x256xf32>,
    return
  }
  func.func @transform_0(%arg0: i32, %arg1: i32) -> (i32, i32, i32) {
    %c0_i32 = arith.constant 0 : i32
    %c0_i32_0 = arith.constant 0 : i32
    return %arg0, %arg1, %c0_i32 : i32, i32, i32
  }
  func.func @transform_1(%arg0: i32, %arg1: i32) -> (i32, i32, i32) {
    %c0_i32 = arith.constant 0 : i32
    %c0_i32_0 = arith.constant 0 : i32
    %c0_i32_1 = arith.constant 0 : i32
    return %arg0, %c0_i32, %c0_i32_0 : i32, i32, i32
  }
  func.func @transform_2(%arg0: i32, %arg1: i32) -> (i32, i32, i32) {
    %c0_i32 = arith.constant 0 : i32
    %c0_i32_0 = arith.constant 0 : i32
    return %arg0, %arg1, %c0_i32 : i32, i32, i32
  }
  func.func @transform_3(%arg0: i32, %arg1: i32) -> (i32, i32, i32) {
    %c0_i32 = arith.constant 0 : i32
    %c0_i32_0 = arith.constant 0 : i32
    %c0_i32_1 = arith.constant 0 : i32
    return %arg0, %c0_i32, %c0_i32_0 : i32, i32, i32
  }
  func.func @transform_4(%arg0: i32, %arg1: i32) -> (i32, i32, i32) {
    %c0_i32 = arith.constant 0 : i32
    %c0_i32_0 = arith.constant 0 : i32
    %c0_i32_1 = arith.constant 0 : i32
    return %arg0, %c0_i32, %c0_i32_0 : i32, i32, i32
  }
  func.func @transform_5(%arg0: i32, %arg1: i32) -> (i32, i32, i32) {
    %c0_i32 = arith.constant 0 : i32
    %c0_i32_0 = arith.constant 0 : i32
    %c0_i32_1 = arith.constant 0 : i32
    return %arg0, %c0_i32, %c0_i32_0 : i32, i32, i32
  }
  func.func @transform_6(%arg0: i32, %arg1: i32) -> (i32, i32) {
    %c0_i32 = arith.constant 0 : i32
    %c0_i32_0 = arith.constant 0 : i32
    %c0_i32_1 = arith.constant 0 : i32
    return %c0_i32, %c0_i32_0 : i32, i32
  }
  func.func @transform_7(%arg0: i32, %arg1: i32) -> (i32, i32, i32) {
    %c0_i32 = arith.constant 0 : i32
    %c0_i32_0 = arith.constant 0 : i32
    return %arg0, %arg1, %c0_i32 : i32, i32, i32
  }
  func.func @transform_8(%arg0: i32, %arg1: i32) -> (i32, i32, i32) {
    %c0_i32 = arith.constant 0 : i32
    %c0_i32_0 = arith.constant 0 : i32
    return %arg0, %arg1, %c0_i32 : i32, i32, i32
  }
  func.func @transform_9(%arg0: i32, %arg1: i32) -> (i32, i32, i32) {
    %c0_i32 = arith.constant 0 : i32
    %c0_i32_0 = arith.constant 0 : i32
    %c0_i32_1 = arith.constant 0 : i32
    return %arg0, %c0_i32, %c0_i32_0 : i32, i32, i32
  }
}

module attributes {stable_mosaic.version = 14 : i64} {
  func.func @_fin_body(%arg0: i32, %arg1: memref<1x256x256xf32, #tpu.memory_space<vmem>>, %arg2: memref<1x256x256xf32, #tpu.memory_space<vmem>>, %arg3: memref<1x8x256xf32, #tpu.memory_space<vmem>>, %arg4: memref<1x256xf32, #tpu.memory_space<vmem>>, %arg5: memref<1x256xf32, #tpu.memory_space<vmem>>, %arg6: memref<1x256x256xf32, #tpu.memory_space<vmem>>) attributes {dimension_semantics = [#tpu.dimension_semantics<arbitrary>], iteration_bounds = array<i64: 4>, scalar_prefetch = 0 : i64, scratch_operands = 0 : i64, tpu.core_type = #tpu.core_type<tc>, window_params = [{transform_indices = @transform_0, window_bounds = array<i64: 1, 256, 256>}, {transform_indices = @transform_1, window_bounds = array<i64: 1, 256, 256>}, {transform_indices = @transform_2, window_bounds = array<i64: 1, 8, 256>}, {pipeline_mode = #tpu.pipeline_mode<synchronous>, transform_indices = @transform_3, window_bounds = array<i64: 1, 256>}, {pipeline_mode = #tpu.pipeline_mode<synchronous>, transform_indices = @transform_4, window_bounds = array<i64: 1, 256>}, {transform_indices = @transform_5, window_bounds = array<i64: 1, 256, 256>}]} {
    %get3A = arith.constant 0 : index
    %get3A_0 = arith.constant 0 : index
    %get3A_1 = arith.constant 0 : index
    %get3A_2 = vector.load %arg3[%get3A, %get3A_0, %get3A_1] : memref<1x8x256xf32, #tpu.memory_space<vmem>>, vector<1x1x256xf32>
    %get3A_3 = vector.shape_cast %get3A_2 : vector<1x1x256xf32> to vector<1x256xf32>
    %get3A_4 = arith.constant 0 : index
    %get3A_5 = arith.constant 1 : index
    %get3A_6 = arith.constant 0 : index
    %get3A_7 = vector.load %arg3[%get3A_4, %get3A_5, %get3A_6] : memref<1x8x256xf32, #tpu.memory_space<vmem>>, vector<1x1x256xf32>
    %get3A_8 = vector.shape_cast %get3A_7 : vector<1x1x256xf32> to vector<1x256xf32>
    %iota3A = tpu.iota {dimensions = array<i32: 0>} : vector<256x256xi32>
    %jit3A = arith.constant 64 : i32
    %div3A = vector.broadcast %jit3A : i32 to vector<256x256xi32>
    %div3A_9 = arith.divsi %iota3A, %div3A : vector<256x256xi32>
    %sign3A = arith.constant 0 : i32
    %sign3A_10 = vector.broadcast %sign3A : i32 to vector<256x256xi32>
    %sign3A_11 = arith.cmpi sgt, %iota3A, %sign3A_10 : vector<256x256xi32>
    %sign3A_12 = arith.extui %sign3A_11 : vector<256x256xi1> to vector<256x256xi32>
    %sign3A_13 = arith.constant 0 : i32
    %sign3A_14 = vector.broadcast %sign3A_13 : i32 to vector<256x256xi32>
    %sign3A_15 = arith.cmpi slt, %iota3A, %sign3A_14 : vector<256x256xi32>
    %sign3A_16 = arith.extui %sign3A_15 : vector<256x256xi1> to vector<256x256xi32>
    %sign3A_17 = arith.subi %sign3A_12, %sign3A_16 : vector<256x256xi32>
    %sign3A_18 = arith.constant 0 : i32
    %sign3A_19 = arith.cmpi sgt, %jit3A, %sign3A_18 : i32
    %sign3A_20 = arith.extui %sign3A_19 : i1 to i32
    %sign3A_21 = arith.constant 0 : i32
    %sign3A_22 = arith.cmpi slt, %jit3A, %sign3A_21 : i32
    %sign3A_23 = arith.extui %sign3A_22 : i1 to i32
    %sign3A_24 = arith.subi %sign3A_20, %sign3A_23 : i32
    %ne3A = vector.broadcast %sign3A_24 : i32 to vector<256x256xi32>
    %ne3A_25 = arith.cmpi ne, %sign3A_17, %ne3A : vector<256x256xi32>
    %rem3A = vector.broadcast %jit3A : i32 to vector<256x256xi32>
    %rem3A_26 = arith.remsi %iota3A, %rem3A : vector<256x256xi32>
    %ne3A_27 = arith.constant 0 : i32
    %ne3A_28 = vector.broadcast %ne3A_27 : i32 to vector<256x256xi32>
    %ne3A_29 = arith.cmpi ne, %rem3A_26, %ne3A_28 : vector<256x256xi32>
    %and3A = arith.andi %ne3A_25, %ne3A_29 : vector<256x256xi1>
    %sub3A = arith.constant 1 : i32
    %sub3A_30 = vector.broadcast %sub3A : i32 to vector<256x256xi32>
    %sub3A_31 = arith.subi %div3A_9, %sub3A_30 : vector<256x256xi32>
    %select_n3A = arith.select %and3A, %sub3A_31, %div3A_9 : vector<256x256xi1>, vector<256x256xi32>
    %iota3A_32 = tpu.iota {dimensions = array<i32: 1>} : vector<256x256xi32>
    %jit3A_33 = arith.constant 64 : i32
    %div3A_34 = vector.broadcast %jit3A_33 : i32 to vector<256x256xi32>
    %div3A_35 = arith.divsi %iota3A_32, %div3A_34 : vector<256x256xi32>
    %sign3A_36 = arith.constant 0 : i32
    %sign3A_37 = vector.broadcast %sign3A_36 : i32 to vector<256x256xi32>
    %sign3A_38 = arith.cmpi sgt, %iota3A_32, %sign3A_37 : vector<256x256xi32>
    %sign3A_39 = arith.extui %sign3A_38 : vector<256x256xi1> to vector<256x256xi32>
    %sign3A_40 = arith.constant 0 : i32
    %sign3A_41 = vector.broadcast %sign3A_40 : i32 to vector<256x256xi32>
    %sign3A_42 = arith.cmpi slt, %iota3A_32, %sign3A_41 : vector<256x256xi32>
    %sign3A_43 = arith.extui %sign3A_42 : vector<256x256xi1> to vector<256x256xi32>
    %sign3A_44 = arith.subi %sign3A_39, %sign3A_43 : vector<256x256xi32>
    %sign3A_45 = arith.constant 0 : i32
    %sign3A_46 = arith.cmpi sgt, %jit3A_33, %sign3A_45 : i32
    %sign3A_47 = arith.extui %sign3A_46 : i1 to i32
    %sign3A_48 = arith.constant 0 : i32
    %sign3A_49 = arith.cmpi slt, %jit3A_33, %sign3A_48 : i32
    %sign3A_50 = arith.extui %sign3A_49 : i1 to i32
    %sign3A_51 = arith.subi %sign3A_47, %sign3A_50 : i32
    %ne3A_52 = vector.broadcast %sign3A_51 : i32 to vector<256x256xi32>
    %ne3A_53 = arith.cmpi ne, %sign3A_44, %ne3A_52 : vector<256x256xi32>
    %rem3A_54 = vector.broadcast %jit3A_33 : i32 to vector<256x256xi32>
    %rem3A_55 = arith.remsi %iota3A_32, %rem3A_54 : vector<256x256xi32>
    %ne3A_56 = arith.constant 0 : i32
    %ne3A_57 = vector.broadcast %ne3A_56 : i32 to vector<256x256xi32>
    %ne3A_58 = arith.cmpi ne, %rem3A_55, %ne3A_57 : vector<256x256xi32>
    %and3A_59 = arith.andi %ne3A_53, %ne3A_58 : vector<256x256xi1>
    %sub3A_60 = arith.constant 1 : i32
    %sub3A_61 = vector.broadcast %sub3A_60 : i32 to vector<256x256xi32>
    %sub3A_62 = arith.subi %div3A_35, %sub3A_61 : vector<256x256xi32>
    %select_n3A_63 = arith.select %and3A_59, %sub3A_62, %div3A_35 : vector<256x256xi1>, vector<256x256xi32>
    %eq3A = arith.cmpi eq, %select_n3A, %select_n3A_63 : vector<256x256xi32>
    %convert_element_type3A = arith.extui %eq3A : vector<256x256xi1> to vector<256x256xi32>
    %convert_element_type3A_64 = arith.sitofp %convert_element_type3A : vector<256x256xi32> to vector<256x256xf32>
    %dot_general3A = arith.constant dense<0.000000e+00> : vector<1x256xf32>
    %dot_general3A_65 = tpu.matmul %get3A_3, %convert_element_type3A_64, %dot_general3A {dimension_numbers = #tpu.dot_dimension_numbers<[1], [0], [0], [1], [0, 0, 1, 1], [], []>, transpose_lhs_hint = false} : vector<1x256xf32>, vector<256x256xf32>, vector<1x256xf32> -> vector<1x256xf32>
    %div3A_66 = arith.constant 2.621440e+05 : f32
    %div3A_67 = vector.broadcast %div3A_66 : f32 to vector<1x256xf32>
    %div3A_68 = arith.divf %dot_general3A_65, %div3A_67 : vector<1x256xf32>
    %dot_general3A_69 = arith.constant dense<0.000000e+00> : vector<1x256xf32>
    %dot_general3A_70 = tpu.matmul %get3A_8, %convert_element_type3A_64, %dot_general3A_69 {dimension_numbers = #tpu.dot_dimension_numbers<[1], [0], [0], [1], [0, 0, 1, 1], [], []>, transpose_lhs_hint = false} : vector<1x256xf32>, vector<256x256xf32>, vector<1x256xf32> -> vector<1x256xf32>
    %div3A_71 = arith.constant 2.621440e+05 : f32
    %div3A_72 = vector.broadcast %div3A_71 : f32 to vector<1x256xf32>
    %div3A_73 = arith.divf %dot_general3A_70, %div3A_72 : vector<1x256xf32>
    %mul3A = arith.mulf %div3A_68, %div3A_68 : vector<1x256xf32>
    %sub3A_74 = arith.subf %div3A_73, %mul3A : vector<1x256xf32>
    %get3A_75 = arith.constant 0 : index
    %get3A_76 = arith.constant 0 : index
    %get3A_77 = vector.load %arg4[%get3A_75, %get3A_76] : memref<1x256xf32, #tpu.memory_space<vmem>>, vector<1x256xf32>
    %get3A_78 = arith.constant 0 : index
    %get3A_79 = arith.constant 0 : index
    %get3A_80 = vector.load %arg5[%get3A_78, %get3A_79] : memref<1x256xf32, #tpu.memory_space<vmem>>, vector<1x256xf32>
    %add3A = arith.constant 9.99999974E-6 : f32
    %add3A_81 = vector.broadcast %add3A : f32 to vector<1x256xf32>
    %add3A_82 = arith.addf %sub3A_74, %add3A_81 : vector<1x256xf32>
    %rsqrt3A = math.rsqrt %add3A_82 : vector<1x256xf32>
    %mul3A_83 = arith.mulf %get3A_77, %rsqrt3A : vector<1x256xf32>
    %mul3A_84 = arith.mulf %div3A_68, %mul3A_83 : vector<1x256xf32>
    %sub3A_85 = arith.subf %get3A_80, %mul3A_84 : vector<1x256xf32>
    %ge3A = arith.constant 0.000000e+00 : f32
    %ge3A_86 = vector.broadcast %ge3A : f32 to vector<1x256xf32>
    %ge3A_87 = arith.cmpf oge, %mul3A_83, %ge3A_86 : vector<1x256xf32>
    %get3A_88 = arith.constant 0 : index
    %get3A_89 = arith.constant 0 : index
    %get3A_90 = arith.constant 0 : index
    %get3A_91 = vector.load %arg1[%get3A_88, %get3A_89, %get3A_90] : memref<1x256x256xf32, #tpu.memory_space<vmem>>, vector<1x256x256xf32>
    %get3A_92 = vector.shape_cast %get3A_91 : vector<1x256x256xf32> to vector<256x256xf32>
    %get3A_93 = arith.constant 0 : index
    %get3A_94 = arith.constant 0 : index
    %get3A_95 = arith.constant 0 : index
    %get3A_96 = vector.load %arg2[%get3A_93, %get3A_94, %get3A_95] : memref<1x256x256xf32, #tpu.memory_space<vmem>>, vector<1x256x256xf32>
    %get3A_97 = vector.shape_cast %get3A_96 : vector<1x256x256xf32> to vector<256x256xf32>
    %broadcast_in_dim3A = vector.shape_cast %ge3A_87 : vector<1x256xi1> to vector<1x256xi1>
    %broadcast_in_dim3A_98 = vector.broadcast %broadcast_in_dim3A : vector<1x256xi1> to vector<256x256xi1>
    %select_n3A_99 = arith.select %broadcast_in_dim3A_98, %get3A_92, %get3A_97 : vector<256x256xi1>, vector<256x256xf32>
    %mul3A_100 = vector.broadcast %mul3A_83 : vector<1x256xf32> to vector<256x256xf32>
    %mul3A_101 = arith.mulf %select_n3A_99, %mul3A_100 : vector<256x256xf32>
    %add3A_102 = vector.broadcast %sub3A_85 : vector<1x256xf32> to vector<256x256xf32>
    %add3A_103 = arith.addf %mul3A_101, %add3A_102 : vector<256x256xf32>
    %ge3A_104 = arith.constant 0.000000e+00 : f32
    %ge3A_105 = vector.broadcast %ge3A_104 : f32 to vector<256x256xf32>
    %ge3A_106 = arith.cmpf oge, %add3A_103, %ge3A_105 : vector<256x256xf32>
    %mul3A_107 = arith.constant 2.000000e-01 : f32
    %mul3A_108 = vector.broadcast %mul3A_107 : f32 to vector<256x256xf32>
    %mul3A_109 = arith.mulf %mul3A_108, %add3A_103 : vector<256x256xf32>
    %select_n3A_110 = arith.select %ge3A_106, %add3A_103, %mul3A_109 : vector<256x256xi1>, vector<256x256xf32>
    %swap3A = arith.constant 0 : index
    %swap3A_111 = arith.constant 0 : index
    %swap3A_112 = arith.constant 0 : index
    %swap3A_113 = vector.load %arg6[%swap3A, %swap3A_111, %swap3A_112] : memref<1x256x256xf32, #tpu.memory_space<vmem>>, vector<1x256x256xf32>
    %swap3A_114 = vector.shape_cast %swap3A_113 : vector<1x256x256xf32> to vector<256x256xf32>
    %swap3A_115 = vector.shape_cast %select_n3A_110 : vector<256x256xf32> to vector<1x256x256xf32>
    tpu.vector_store %arg6[%swap3A, %swap3A_111, %swap3A_112], %swap3A_115 {strides = array<i32>} : memref<1x256x256xf32, #tpu.memory_space<vmem>>, vector<1x256x256xf32>,
    return
  }
  func.func @transform_0(%arg0: i32) -> (i32, i32, i32) {
    %c0_i32 = arith.constant 0 : i32
    %c0_i32_0 = arith.constant 0 : i32
    %c0_i32_1 = arith.constant 0 : i32
    return %arg0, %c0_i32, %c0_i32_0 : i32, i32, i32
  }
  func.func @transform_1(%arg0: i32) -> (i32, i32, i32) {
    %c0_i32 = arith.constant 0 : i32
    %c0_i32_0 = arith.constant 0 : i32
    %c0_i32_1 = arith.constant 0 : i32
    return %arg0, %c0_i32, %c0_i32_0 : i32, i32, i32
  }
  func.func @transform_2(%arg0: i32) -> (i32, i32, i32) {
    %c0_i32 = arith.constant 0 : i32
    %c0_i32_0 = arith.constant 0 : i32
    %c0_i32_1 = arith.constant 0 : i32
    return %arg0, %c0_i32, %c0_i32_0 : i32, i32, i32
  }
  func.func @transform_3(%arg0: i32) -> (i32, i32) {
    %c0_i32 = arith.constant 0 : i32
    %c0_i32_0 = arith.constant 0 : i32
    %c0_i32_1 = arith.constant 0 : i32
    return %c0_i32, %c0_i32_0 : i32, i32
  }
  func.func @transform_4(%arg0: i32) -> (i32, i32) {
    %c0_i32 = arith.constant 0 : i32
    %c0_i32_0 = arith.constant 0 : i32
    %c0_i32_1 = arith.constant 0 : i32
    return %c0_i32, %c0_i32_0 : i32, i32
  }
  func.func @transform_5(%arg0: i32) -> (i32, i32, i32) {
    %c0_i32 = arith.constant 0 : i32
    %c0_i32_0 = arith.constant 0 : i32
    %c0_i32_1 = arith.constant 0 : i32
    return %arg0, %c0_i32, %c0_i32_0 : i32, i32, i32
  }
}

module attributes {stable_mosaic.version = 14 : i64} {
  func.func @_edge_body(%arg0: i32, %arg1: i32, %arg2: memref<1x256x3xf32, #tpu.memory_space<vmem>>, %arg3: memref<1x3x256xf32, #tpu.memory_space<vmem>>, %arg4: memref<1x256x256xf32, #tpu.memory_space<vmem>>, %arg5: memref<1x256x256xbf16, #tpu.memory_space<vmem>>, %arg6: memref<1x256x256xbf16, #tpu.memory_space<vmem>>, %arg7: memref<1x256x256xbf16, #tpu.memory_space<vmem>>, %arg8: memref<512x256xf32, #tpu.memory_space<vmem>>, %arg9: memref<1x256x256xf32, #tpu.memory_space<vmem>>, %arg10: memref<1x256x256xf32, #tpu.memory_space<vmem>>, %arg11: memref<1x8x256xf32, #tpu.memory_space<vmem>>) attributes {dimension_semantics = [#tpu.dimension_semantics<arbitrary>, #tpu.dimension_semantics<arbitrary>], iteration_bounds = array<i64: 4, 1>, scalar_prefetch = 0 : i64, scratch_operands = 0 : i64, tpu.core_type = #tpu.core_type<tc>, window_params = [{transform_indices = @transform_0, window_bounds = array<i64: 1, 256, 3>}, {transform_indices = @transform_1, window_bounds = array<i64: 1, 3, 256>}, {transform_indices = @transform_2, window_bounds = array<i64: 1, 256, 256>}, {transform_indices = @transform_3, window_bounds = array<i64: 1, 256, 256>}, {transform_indices = @transform_4, window_bounds = array<i64: 1, 256, 256>}, {transform_indices = @transform_5, window_bounds = array<i64: 1, 256, 256>}, {pipeline_mode = #tpu.pipeline_mode<synchronous>, transform_indices = @transform_6, window_bounds = array<i64: 512, 256>}, {transform_indices = @transform_7, window_bounds = array<i64: 1, 256, 256>}, {transform_indices = @transform_8, window_bounds = array<i64: 1, 256, 256>}, {transform_indices = @transform_9, window_bounds = array<i64: 1, 8, 256>}]} {
    %get3A = arith.constant 0 : index
    %get3A_0 = arith.constant 0 : index
    %get3A_1 = arith.constant 0 : index
    %get3A_2 = vector.load %arg2[%get3A, %get3A_0, %get3A_1] : memref<1x256x3xf32, #tpu.memory_space<vmem>>, vector<1x256x3xf32>
    %get3A_3 = vector.shape_cast %get3A_2 : vector<1x256x3xf32> to vector<256x3xf32>
    %get3A_4 = arith.constant 0 : index
    %get3A_5 = arith.constant 0 : index
    %get3A_6 = arith.constant 0 : index
    %get3A_7 = vector.load %arg3[%get3A_4, %get3A_5, %get3A_6] : memref<1x3x256xf32, #tpu.memory_space<vmem>>, vector<1x3x256xf32>
    %get3A_8 = vector.shape_cast %get3A_7 : vector<1x3x256xf32> to vector<3x256xf32>
    %get3A_9 = arith.constant 0 : index
    %get3A_10 = arith.constant 0 : index
    %get3A_11 = arith.constant 0 : index
    %get3A_12 = vector.load %arg4[%get3A_9, %get3A_10, %get3A_11] : memref<1x256x256xf32, #tpu.memory_space<vmem>>, vector<1x256x256xf32>
    %get3A_13 = vector.shape_cast %get3A_12 : vector<1x256x256xf32> to vector<256x256xf32>
    %mul3A = arith.mulf %get3A_3, %get3A_3 : vector<256x3xf32>
    %reduce_sum3A = arith.constant dense<0.000000e+00> : vector<256xf32>
    %reduce_sum3A_14 = vector.multi_reduction <add>, %mul3A, %reduce_sum3A [1] : vector<256x3xf32> to vector<256xf32>
    %broadcast_in_dim3A = vector.shape_cast %reduce_sum3A_14 : vector<256xf32> to vector<256x1xf32>
    %mul3A_15 = arith.mulf %get3A_8, %get3A_8 : vector<3x256xf32>
    %reduce_sum3A_16 = arith.constant dense<0.000000e+00> : vector<256xf32>
    %reduce_sum3A_17 = vector.multi_reduction <add>, %mul3A_15, %reduce_sum3A_16 [0] : vector<3x256xf32> to vector<256xf32>
    %broadcast_in_dim3A_18 = vector.shape_cast %reduce_sum3A_17 : vector<256xf32> to vector<1x256xf32>
    %dot_general3A = arith.constant dense<0.000000e+00> : vector<256x256xf32>
    %dot_general3A_19 = tpu.matmul %get3A_3, %get3A_8, %dot_general3A {dimension_numbers = #tpu.dot_dimension_numbers<[1], [0], [0], [1], [0, 0, 1, 1], [], []>, transpose_lhs_hint = false} : vector<256x3xf32>, vector<3x256xf32>, vector<256x256xf32> -> vector<256x256xf32>
    %mul3A_20 = arith.constant 2.000000e+00 : f32
    %mul3A_21 = vector.broadcast %mul3A_20 : f32 to vector<256x256xf32>
    %mul3A_22 = arith.mulf %mul3A_21, %dot_general3A_19 : vector<256x256xf32>
    %sub3A = vector.broadcast %broadcast_in_dim3A : vector<256x1xf32> to vector<256x256xf32>
    %sub3A_23 = arith.subf %sub3A, %mul3A_22 : vector<256x256xf32>
    %add3A = vector.broadcast %broadcast_in_dim3A_18 : vector<1x256xf32> to vector<256x256xf32>
    %add3A_24 = arith.addf %sub3A_23, %add3A : vector<256x256xf32>
    %iota3A = tpu.iota {dimensions = array<i32: 1>} : vector<256x256xi32>
    %neg3A = arith.constant 0.000000e+00 : f32
    %neg3A_25 = arith.constant 0x7F800000 : f32
    %neg3A_26 = arith.subf %neg3A, %neg3A_25 : f32
    %broadcast_in_dim3A_27 = vector.broadcast %neg3A_26 : f32 to vector<256x256xf32>
    %broadcast_in_dim3A_28 = arith.constant 0x7F800000 : f32
    %broadcast_in_dim3A_29 = vector.broadcast %broadcast_in_dim3A_28 : f32 to vector<256x256xf32>
    %broadcast_in_dim3A_30 = arith.constant 0.000000e+00 : f32
    %broadcast_in_dim3A_31 = vector.broadcast %broadcast_in_dim3A_30 : f32 to vector<1x256xf32>
    %broadcast_in_dim3A_32 = arith.constant 0.000000e+00 : f32
    %broadcast_in_dim3A_33 = vector.broadcast %broadcast_in_dim3A_32 : f32 to vector<1x256xf32>
    %get3A_34 = arith.constant 0 : index
    %get3A_35 = arith.constant 0 : index
    %get3A_36 = vector.load %arg8[%get3A_34, %get3A_35] : memref<512x256xf32, #tpu.memory_space<vmem>>, vector<512x256xf32>
    %scan3A = arith.constant 1073741824 : i32
    %scan3A_37 = arith.constant 0x7F800000 : f32
    %scan3A_38 = arith.constant 0 : i32
    %scan3A_39 = arith.constant 16 : i32
    %scan3A_40 = arith.addi %scan3A_38, %scan3A_39 : i32
    %scan3A_41 = arith.constant 1 : i32
    %scan3A_42:5 = scf.for %scan3A_80 = %scan3A_38 to %scan3A_40 step %scan3A_41 iter_args(%scan3A_81 = %add3A_24, %scan3A_82 = %broadcast_in_dim3A_27, %scan3A_83 = %broadcast_in_dim3A_29, %scan3A_84 = %broadcast_in_dim3A_31, %scan3A_85 = %broadcast_in_dim3A_33) -> (vector<256x256xf32>, vector<256x256xf32>, vector<256x256xf32>, vector<1x256xf32>, vector<1x256xf32>)  : i32 {
      %reduce_min3A = arith.constant dense<0x7F800000> : vector<256xf32>
      %reduce_min3A_86 = vector.multi_reduction <minimumf>, %scan3A_81, %reduce_min3A [1] : vector<256x256xf32> to vector<256xf32>
      %broadcast_in_dim3A_87 = vector.shape_cast %reduce_min3A_86 : vector<256xf32> to vector<256x1xf32>
      %le3A = vector.broadcast %broadcast_in_dim3A_87 : vector<256x1xf32> to vector<256x256xf32>
      %le3A_88 = arith.cmpf ole, %scan3A_81, %le3A : vector<256x256xf32>
      %broadcast_in_dim3A_89 = vector.broadcast %scan3A : i32 to vector<256x256xi32>
      %select_n3A = arith.select %le3A_88, %iota3A, %broadcast_in_dim3A_89 : vector<256x256xi1>, vector<256x256xi32>
      %reduce_min3A_90 = arith.constant dense<2147483647> : vector<256xi32>
      %reduce_min3A_91 = vector.multi_reduction <minsi>, %select_n3A, %reduce_min3A_90 [1] : vector<256x256xi32> to vector<256xi32>
      %broadcast_in_dim3A_92 = vector.shape_cast %reduce_min3A_91 : vector<256xi32> to vector<256x1xi32>
      %eq3A_93 = vector.broadcast %broadcast_in_dim3A_92 : vector<256x1xi32> to vector<256x256xi32>
      %eq3A_94 = arith.cmpi eq, %iota3A, %eq3A_93 : vector<256x256xi32>
      %convert_element_type3A_95 = arith.extui %eq3A_94 : vector<256x256xi1> to vector<256x256xi32>
      %convert_element_type3A_96 = arith.sitofp %convert_element_type3A_95 : vector<256x256xi32> to vector<256x256xf32>
      %convert_element_type3A_97 = arith.truncf %convert_element_type3A_96 : vector<256x256xf32> to vector<256x256xbf16>
      %get3A_98 = arith.constant 0 : index
      %get3A_99 = arith.constant 0 : index
      %get3A_100 = arith.constant 0 : index
      %get3A_101 = vector.load %arg5[%get3A_98, %get3A_99, %get3A_100] : memref<1x256x256xbf16, #tpu.memory_space<vmem>>, vector<1x256x256xbf16>
      %get3A_102 = vector.shape_cast %get3A_101 : vector<1x256x256xbf16> to vector<256x256xbf16>
      %dot_general3A_103 = arith.constant dense<0.000000e+00> : vector<256x256xf32>
      %dot_general3A_104 = tpu.matmul %convert_element_type3A_97, %get3A_102, %dot_general3A_103 {dimension_numbers = #tpu.dot_dimension_numbers<[1], [0], [0], [1], [0, 0, 1, 1], [], []>, transpose_lhs_hint = false} : vector<256x256xbf16>, vector<256x256xbf16>, vector<256x256xf32> -> vector<256x256xf32>
      %get3A_105 = arith.constant 0 : index
      %get3A_106 = arith.constant 0 : index
      %get3A_107 = arith.constant 0 : index
      %get3A_108 = vector.load %arg6[%get3A_105, %get3A_106, %get3A_107] : memref<1x256x256xbf16, #tpu.memory_space<vmem>>, vector<1x256x256xbf16>
      %get3A_109 = vector.shape_cast %get3A_108 : vector<1x256x256xbf16> to vector<256x256xbf16>
      %dot_general3A_110 = arith.constant dense<0.000000e+00> : vector<256x256xf32>
      %dot_general3A_111 = tpu.matmul %convert_element_type3A_97, %get3A_109, %dot_general3A_110 {dimension_numbers = #tpu.dot_dimension_numbers<[1], [0], [0], [1], [0, 0, 1, 1], [], []>, transpose_lhs_hint = false} : vector<256x256xbf16>, vector<256x256xbf16>, vector<256x256xf32> -> vector<256x256xf32>
      %get3A_112 = arith.constant 0 : index
      %get3A_113 = arith.constant 0 : index
      %get3A_114 = arith.constant 0 : index
      %get3A_115 = vector.load %arg7[%get3A_112, %get3A_113, %get3A_114] : memref<1x256x256xbf16, #tpu.memory_space<vmem>>, vector<1x256x256xbf16>
      %get3A_116 = vector.shape_cast %get3A_115 : vector<1x256x256xbf16> to vector<256x256xbf16>
      %dot_general3A_117 = arith.constant dense<0.000000e+00> : vector<256x256xf32>
      %dot_general3A_118 = tpu.matmul %convert_element_type3A_97, %get3A_116, %dot_general3A_117 {dimension_numbers = #tpu.dot_dimension_numbers<[1], [0], [0], [1], [0, 0, 1, 1], [], []>, transpose_lhs_hint = false} : vector<256x256xbf16>, vector<256x256xbf16>, vector<256x256xf32> -> vector<256x256xf32>
      %add3A_119 = arith.addf %dot_general3A_104, %dot_general3A_111 : vector<256x256xf32>
      %add3A_120 = arith.addf %add3A_119, %dot_general3A_118 : vector<256x256xf32>
      %sub3A_121 = arith.subf %add3A_120, %get3A_13 : vector<256x256xf32>
      %concatenate3A = tpu.concatenate %sub3A_121, %get3A_13 in 1 : vector<256x256xf32>, vector<256x256xf32> -> vector<256x512xf32>
      %dot_general3A_122 = arith.constant dense<0.000000e+00> : vector<256x256xf32>
      %dot_general3A_123 = tpu.matmul %concatenate3A, %get3A_36, %dot_general3A_122 {dimension_numbers = #tpu.dot_dimension_numbers<[1], [0], [0], [1], [0, 0, 1, 1], [], []>, transpose_lhs_hint = false} : vector<256x512xf32>, vector<512x256xf32>, vector<256x256xf32> -> vector<256x256xf32>
      %max3A = arith.maximumf %scan3A_82, %dot_general3A_123 : vector<256x256xf32>
      %min3A = arith.minimumf %scan3A_83, %dot_general3A_123 : vector<256x256xf32>
      %reduce_sum3A_124 = arith.constant dense<0.000000e+00> : vector<256xf32>
      %reduce_sum3A_125 = vector.multi_reduction <add>, %dot_general3A_123, %reduce_sum3A_124 [0] : vector<256x256xf32> to vector<256xf32>
      %broadcast_in_dim3A_126 = vector.shape_cast %reduce_sum3A_125 : vector<256xf32> to vector<1x256xf32>
      %add3A_127 = arith.addf %scan3A_84, %broadcast_in_dim3A_126 : vector<1x256xf32>
      %mul3A_128 = arith.mulf %dot_general3A_123, %dot_general3A_123 : vector<256x256xf32>
      %reduce_sum3A_129 = arith.constant dense<0.000000e+00> : vector<256xf32>
      %reduce_sum3A_130 = vector.multi_reduction <add>, %mul3A_128, %reduce_sum3A_129 [0] : vector<256x256xf32> to vector<256xf32>
      %broadcast_in_dim3A_131 = vector.shape_cast %reduce_sum3A_130 : vector<256xf32> to vector<1x256xf32>
      %add3A_132 = arith.addf %scan3A_85, %broadcast_in_dim3A_131 : vector<1x256xf32>
      %broadcast_in_dim3A_133 = vector.broadcast %scan3A_37 : f32 to vector<256x256xf32>
      %select_n3A_134 = arith.select %eq3A_94, %broadcast_in_dim3A_133, %scan3A_81 : vector<256x256xi1>, vector<256x256xf32>
      scf.yield %select_n3A_134, %max3A, %min3A, %add3A_127, %add3A_132 : vector<256x256xf32>, vector<256x256xf32>, vector<256x256xf32>, vector<1x256xf32>, vector<1x256xf32>
    }
    %swap3A = arith.constant 0 : index
    %swap3A_43 = arith.constant 0 : index
    %swap3A_44 = arith.constant 0 : index
    %swap3A_45 = vector.load %arg9[%swap3A, %swap3A_43, %swap3A_44] : memref<1x256x256xf32, #tpu.memory_space<vmem>>, vector<1x256x256xf32>
    %swap3A_46 = vector.shape_cast %swap3A_45 : vector<1x256x256xf32> to vector<256x256xf32>
    %swap3A_47 = vector.shape_cast %scan3A_42#1 : vector<256x256xf32> to vector<1x256x256xf32>
    tpu.vector_store %arg9[%swap3A, %swap3A_43, %swap3A_44], %swap3A_47 {strides = array<i32>} : memref<1x256x256xf32, #tpu.memory_space<vmem>>, vector<1x256x256xf32>,
    %swap3A_48 = arith.constant 0 : index
    %swap3A_49 = arith.constant 0 : index
    %swap3A_50 = arith.constant 0 : index
    %swap3A_51 = vector.load %arg10[%swap3A_48, %swap3A_49, %swap3A_50] : memref<1x256x256xf32, #tpu.memory_space<vmem>>, vector<1x256x256xf32>
    %swap3A_52 = vector.shape_cast %swap3A_51 : vector<1x256x256xf32> to vector<256x256xf32>
    %swap3A_53 = vector.shape_cast %scan3A_42#2 : vector<256x256xf32> to vector<1x256x256xf32>
    tpu.vector_store %arg10[%swap3A_48, %swap3A_49, %swap3A_50], %swap3A_53 {strides = array<i32>} : memref<1x256x256xf32, #tpu.memory_space<vmem>>, vector<1x256x256xf32>,
    %eq3A = arith.constant 0 : i32
    %eq3A_54 = arith.cmpi eq, %arg1, %eq3A : i32
    %convert_element_type3A = arith.extui %eq3A_54 : i1 to i32
    %cond3A = arith.constant 0 : i32
    %cond3A_55 = arith.cmpi ne, %convert_element_type3A, %cond3A : i32
    scf.if %cond3A_55 {
      %broadcast_in_dim3A_80 = arith.constant 0.000000e+00 : f32
      %broadcast_in_dim3A_81 = vector.broadcast %broadcast_in_dim3A_80 : f32 to vector<1x8x256xf32>
      %swap3A_82 = arith.constant 0 : index
      %swap3A_83 = arith.constant 0 : index
      %swap3A_84 = arith.constant 0 : index
      %swap3A_85 = vector.load %arg11[%swap3A_82, %swap3A_83, %swap3A_84] : memref<1x8x256xf32, #tpu.memory_space<vmem>>, vector<1x8x256xf32>
      tpu.vector_store %arg11[%swap3A_82, %swap3A_83, %swap3A_84], %broadcast_in_dim3A_81 {strides = array<i32>} : memref<1x8x256xf32, #tpu.memory_space<vmem>>, vector<1x8x256xf32>,
    } else {
    }
    %get3A_56 = arith.constant 0 : index
    %get3A_57 = arith.constant 0 : index
    %get3A_58 = arith.constant 0 : index
    %get3A_59 = vector.load %arg11[%get3A_56, %get3A_57, %get3A_58] : memref<1x8x256xf32, #tpu.memory_space<vmem>>, vector<1x1x256xf32>
    %get3A_60 = vector.shape_cast %get3A_59 : vector<1x1x256xf32> to vector<1x256xf32>
    %add3A_61 = arith.addf %get3A_60, %scan3A_42#3 : vector<1x256xf32>
    %swap3A_62 = arith.constant 0 : index
    %swap3A_63 = arith.constant 0 : index
    %swap3A_64 = arith.constant 0 : index
    %swap3A_65 = vector.load %arg11[%swap3A_62, %swap3A_63, %swap3A_64] : memref<1x8x256xf32, #tpu.memory_space<vmem>>, vector<1x1x256xf32>
    %swap3A_66 = vector.shape_cast %swap3A_65 : vector<1x1x256xf32> to vector<1x256xf32>
    %swap3A_67 = vector.shape_cast %add3A_61 : vector<1x256xf32> to vector<1x1x256xf32>
    tpu.vector_store %arg11[%swap3A_62, %swap3A_63, %swap3A_64], %swap3A_67 {strides = array<i32>} : memref<1x8x256xf32, #tpu.memory_space<vmem>>, vector<1x1x256xf32>,
    %get3A_68 = arith.constant 0 : index
    %get3A_69 = arith.constant 1 : index
    %get3A_70 = arith.constant 0 : index
    %get3A_71 = vector.load %arg11[%get3A_68, %get3A_69, %get3A_70] : memref<1x8x256xf32, #tpu.memory_space<vmem>>, vector<1x1x256xf32>
    %get3A_72 = vector.shape_cast %get3A_71 : vector<1x1x256xf32> to vector<1x256xf32>
    %add3A_73 = arith.addf %get3A_72, %scan3A_42#4 : vector<1x256xf32>
    %swap3A_74 = arith.constant 0 : index
    %swap3A_75 = arith.constant 1 : index
    %swap3A_76 = arith.constant 0 : index
    %swap3A_77 = vector.load %arg11[%swap3A_74, %swap3A_75, %swap3A_76] : memref<1x8x256xf32, #tpu.memory_space<vmem>>, vector<1x1x256xf32>
    %swap3A_78 = vector.shape_cast %swap3A_77 : vector<1x1x256xf32> to vector<1x256xf32>
    %swap3A_79 = vector.shape_cast %add3A_73 : vector<1x256xf32> to vector<1x1x256xf32>
    tpu.vector_store %arg11[%swap3A_74, %swap3A_75, %swap3A_76], %swap3A_79 {strides = array<i32>} : memref<1x8x256xf32, #tpu.memory_space<vmem>>, vector<1x1x256xf32>,
    return
  }
  func.func @transform_0(%arg0: i32, %arg1: i32) -> (i32, i32, i32) {
    %c0_i32 = arith.constant 0 : i32
    %c0_i32_0 = arith.constant 0 : i32
    return %arg0, %arg1, %c0_i32 : i32, i32, i32
  }
  func.func @transform_1(%arg0: i32, %arg1: i32) -> (i32, i32, i32) {
    %c0_i32 = arith.constant 0 : i32
    %c0_i32_0 = arith.constant 0 : i32
    %c0_i32_1 = arith.constant 0 : i32
    return %arg0, %c0_i32, %c0_i32_0 : i32, i32, i32
  }
  func.func @transform_2(%arg0: i32, %arg1: i32) -> (i32, i32, i32) {
    %c0_i32 = arith.constant 0 : i32
    %c0_i32_0 = arith.constant 0 : i32
    return %arg0, %arg1, %c0_i32 : i32, i32, i32
  }
  func.func @transform_3(%arg0: i32, %arg1: i32) -> (i32, i32, i32) {
    %c0_i32 = arith.constant 0 : i32
    %c0_i32_0 = arith.constant 0 : i32
    %c0_i32_1 = arith.constant 0 : i32
    return %arg0, %c0_i32, %c0_i32_0 : i32, i32, i32
  }
  func.func @transform_4(%arg0: i32, %arg1: i32) -> (i32, i32, i32) {
    %c0_i32 = arith.constant 0 : i32
    %c0_i32_0 = arith.constant 0 : i32
    %c0_i32_1 = arith.constant 0 : i32
    return %arg0, %c0_i32, %c0_i32_0 : i32, i32, i32
  }
  func.func @transform_5(%arg0: i32, %arg1: i32) -> (i32, i32, i32) {
    %c0_i32 = arith.constant 0 : i32
    %c0_i32_0 = arith.constant 0 : i32
    %c0_i32_1 = arith.constant 0 : i32
    return %arg0, %c0_i32, %c0_i32_0 : i32, i32, i32
  }
  func.func @transform_6(%arg0: i32, %arg1: i32) -> (i32, i32) {
    %c0_i32 = arith.constant 0 : i32
    %c0_i32_0 = arith.constant 0 : i32
    %c0_i32_1 = arith.constant 0 : i32
    return %c0_i32, %c0_i32_0 : i32, i32
  }
  func.func @transform_7(%arg0: i32, %arg1: i32) -> (i32, i32, i32) {
    %c0_i32 = arith.constant 0 : i32
    %c0_i32_0 = arith.constant 0 : i32
    return %arg0, %arg1, %c0_i32 : i32, i32, i32
  }
  func.func @transform_8(%arg0: i32, %arg1: i32) -> (i32, i32, i32) {
    %c0_i32 = arith.constant 0 : i32
    %c0_i32_0 = arith.constant 0 : i32
    return %arg0, %arg1, %c0_i32 : i32, i32, i32
  }
  func.func @transform_9(%arg0: i32, %arg1: i32) -> (i32, i32, i32) {
    %c0_i32 = arith.constant 0 : i32
    %c0_i32_0 = arith.constant 0 : i32
    %c0_i32_1 = arith.constant 0 : i32
    return %arg0, %c0_i32, %c0_i32_0 : i32, i32, i32
  }
}

module attributes {stable_mosaic.version = 14 : i64} {
  func.func @_fin_body(%arg0: i32, %arg1: memref<1x256x256xf32, #tpu.memory_space<vmem>>, %arg2: memref<1x256x256xf32, #tpu.memory_space<vmem>>, %arg3: memref<1x8x256xf32, #tpu.memory_space<vmem>>, %arg4: memref<1x256xf32, #tpu.memory_space<vmem>>, %arg5: memref<1x256xf32, #tpu.memory_space<vmem>>, %arg6: memref<1x256x256xf32, #tpu.memory_space<vmem>>) attributes {dimension_semantics = [#tpu.dimension_semantics<arbitrary>], iteration_bounds = array<i64: 4>, scalar_prefetch = 0 : i64, scratch_operands = 0 : i64, tpu.core_type = #tpu.core_type<tc>, window_params = [{transform_indices = @transform_0, window_bounds = array<i64: 1, 256, 256>}, {transform_indices = @transform_1, window_bounds = array<i64: 1, 256, 256>}, {transform_indices = @transform_2, window_bounds = array<i64: 1, 8, 256>}, {pipeline_mode = #tpu.pipeline_mode<synchronous>, transform_indices = @transform_3, window_bounds = array<i64: 1, 256>}, {pipeline_mode = #tpu.pipeline_mode<synchronous>, transform_indices = @transform_4, window_bounds = array<i64: 1, 256>}, {transform_indices = @transform_5, window_bounds = array<i64: 1, 256, 256>}]} {
    %get3A = arith.constant 0 : index
    %get3A_0 = arith.constant 0 : index
    %get3A_1 = arith.constant 0 : index
    %get3A_2 = vector.load %arg3[%get3A, %get3A_0, %get3A_1] : memref<1x8x256xf32, #tpu.memory_space<vmem>>, vector<1x1x256xf32>
    %get3A_3 = vector.shape_cast %get3A_2 : vector<1x1x256xf32> to vector<1x256xf32>
    %get3A_4 = arith.constant 0 : index
    %get3A_5 = arith.constant 1 : index
    %get3A_6 = arith.constant 0 : index
    %get3A_7 = vector.load %arg3[%get3A_4, %get3A_5, %get3A_6] : memref<1x8x256xf32, #tpu.memory_space<vmem>>, vector<1x1x256xf32>
    %get3A_8 = vector.shape_cast %get3A_7 : vector<1x1x256xf32> to vector<1x256xf32>
    %iota3A = tpu.iota {dimensions = array<i32: 0>} : vector<256x256xi32>
    %jit3A = arith.constant 64 : i32
    %div3A = vector.broadcast %jit3A : i32 to vector<256x256xi32>
    %div3A_9 = arith.divsi %iota3A, %div3A : vector<256x256xi32>
    %sign3A = arith.constant 0 : i32
    %sign3A_10 = vector.broadcast %sign3A : i32 to vector<256x256xi32>
    %sign3A_11 = arith.cmpi sgt, %iota3A, %sign3A_10 : vector<256x256xi32>
    %sign3A_12 = arith.extui %sign3A_11 : vector<256x256xi1> to vector<256x256xi32>
    %sign3A_13 = arith.constant 0 : i32
    %sign3A_14 = vector.broadcast %sign3A_13 : i32 to vector<256x256xi32>
    %sign3A_15 = arith.cmpi slt, %iota3A, %sign3A_14 : vector<256x256xi32>
    %sign3A_16 = arith.extui %sign3A_15 : vector<256x256xi1> to vector<256x256xi32>
    %sign3A_17 = arith.subi %sign3A_12, %sign3A_16 : vector<256x256xi32>
    %sign3A_18 = arith.constant 0 : i32
    %sign3A_19 = arith.cmpi sgt, %jit3A, %sign3A_18 : i32
    %sign3A_20 = arith.extui %sign3A_19 : i1 to i32
    %sign3A_21 = arith.constant 0 : i32
    %sign3A_22 = arith.cmpi slt, %jit3A, %sign3A_21 : i32
    %sign3A_23 = arith.extui %sign3A_22 : i1 to i32
    %sign3A_24 = arith.subi %sign3A_20, %sign3A_23 : i32
    %ne3A = vector.broadcast %sign3A_24 : i32 to vector<256x256xi32>
    %ne3A_25 = arith.cmpi ne, %sign3A_17, %ne3A : vector<256x256xi32>
    %rem3A = vector.broadcast %jit3A : i32 to vector<256x256xi32>
    %rem3A_26 = arith.remsi %iota3A, %rem3A : vector<256x256xi32>
    %ne3A_27 = arith.constant 0 : i32
    %ne3A_28 = vector.broadcast %ne3A_27 : i32 to vector<256x256xi32>
    %ne3A_29 = arith.cmpi ne, %rem3A_26, %ne3A_28 : vector<256x256xi32>
    %and3A = arith.andi %ne3A_25, %ne3A_29 : vector<256x256xi1>
    %sub3A = arith.constant 1 : i32
    %sub3A_30 = vector.broadcast %sub3A : i32 to vector<256x256xi32>
    %sub3A_31 = arith.subi %div3A_9, %sub3A_30 : vector<256x256xi32>
    %select_n3A = arith.select %and3A, %sub3A_31, %div3A_9 : vector<256x256xi1>, vector<256x256xi32>
    %iota3A_32 = tpu.iota {dimensions = array<i32: 1>} : vector<256x256xi32>
    %jit3A_33 = arith.constant 64 : i32
    %div3A_34 = vector.broadcast %jit3A_33 : i32 to vector<256x256xi32>
    %div3A_35 = arith.divsi %iota3A_32, %div3A_34 : vector<256x256xi32>
    %sign3A_36 = arith.constant 0 : i32
    %sign3A_37 = vector.broadcast %sign3A_36 : i32 to vector<256x256xi32>
    %sign3A_38 = arith.cmpi sgt, %iota3A_32, %sign3A_37 : vector<256x256xi32>
    %sign3A_39 = arith.extui %sign3A_38 : vector<256x256xi1> to vector<256x256xi32>
    %sign3A_40 = arith.constant 0 : i32
    %sign3A_41 = vector.broadcast %sign3A_40 : i32 to vector<256x256xi32>
    %sign3A_42 = arith.cmpi slt, %iota3A_32, %sign3A_41 : vector<256x256xi32>
    %sign3A_43 = arith.extui %sign3A_42 : vector<256x256xi1> to vector<256x256xi32>
    %sign3A_44 = arith.subi %sign3A_39, %sign3A_43 : vector<256x256xi32>
    %sign3A_45 = arith.constant 0 : i32
    %sign3A_46 = arith.cmpi sgt, %jit3A_33, %sign3A_45 : i32
    %sign3A_47 = arith.extui %sign3A_46 : i1 to i32
    %sign3A_48 = arith.constant 0 : i32
    %sign3A_49 = arith.cmpi slt, %jit3A_33, %sign3A_48 : i32
    %sign3A_50 = arith.extui %sign3A_49 : i1 to i32
    %sign3A_51 = arith.subi %sign3A_47, %sign3A_50 : i32
    %ne3A_52 = vector.broadcast %sign3A_51 : i32 to vector<256x256xi32>
    %ne3A_53 = arith.cmpi ne, %sign3A_44, %ne3A_52 : vector<256x256xi32>
    %rem3A_54 = vector.broadcast %jit3A_33 : i32 to vector<256x256xi32>
    %rem3A_55 = arith.remsi %iota3A_32, %rem3A_54 : vector<256x256xi32>
    %ne3A_56 = arith.constant 0 : i32
    %ne3A_57 = vector.broadcast %ne3A_56 : i32 to vector<256x256xi32>
    %ne3A_58 = arith.cmpi ne, %rem3A_55, %ne3A_57 : vector<256x256xi32>
    %and3A_59 = arith.andi %ne3A_53, %ne3A_58 : vector<256x256xi1>
    %sub3A_60 = arith.constant 1 : i32
    %sub3A_61 = vector.broadcast %sub3A_60 : i32 to vector<256x256xi32>
    %sub3A_62 = arith.subi %div3A_35, %sub3A_61 : vector<256x256xi32>
    %select_n3A_63 = arith.select %and3A_59, %sub3A_62, %div3A_35 : vector<256x256xi1>, vector<256x256xi32>
    %eq3A = arith.cmpi eq, %select_n3A, %select_n3A_63 : vector<256x256xi32>
    %convert_element_type3A = arith.extui %eq3A : vector<256x256xi1> to vector<256x256xi32>
    %convert_element_type3A_64 = arith.sitofp %convert_element_type3A : vector<256x256xi32> to vector<256x256xf32>
    %dot_general3A = arith.constant dense<0.000000e+00> : vector<1x256xf32>
    %dot_general3A_65 = tpu.matmul %get3A_3, %convert_element_type3A_64, %dot_general3A {dimension_numbers = #tpu.dot_dimension_numbers<[1], [0], [0], [1], [0, 0, 1, 1], [], []>, transpose_lhs_hint = false} : vector<1x256xf32>, vector<256x256xf32>, vector<1x256xf32> -> vector<1x256xf32>
    %div3A_66 = arith.constant 2.621440e+05 : f32
    %div3A_67 = vector.broadcast %div3A_66 : f32 to vector<1x256xf32>
    %div3A_68 = arith.divf %dot_general3A_65, %div3A_67 : vector<1x256xf32>
    %dot_general3A_69 = arith.constant dense<0.000000e+00> : vector<1x256xf32>
    %dot_general3A_70 = tpu.matmul %get3A_8, %convert_element_type3A_64, %dot_general3A_69 {dimension_numbers = #tpu.dot_dimension_numbers<[1], [0], [0], [1], [0, 0, 1, 1], [], []>, transpose_lhs_hint = false} : vector<1x256xf32>, vector<256x256xf32>, vector<1x256xf32> -> vector<1x256xf32>
    %div3A_71 = arith.constant 2.621440e+05 : f32
    %div3A_72 = vector.broadcast %div3A_71 : f32 to vector<1x256xf32>
    %div3A_73 = arith.divf %dot_general3A_70, %div3A_72 : vector<1x256xf32>
    %mul3A = arith.mulf %div3A_68, %div3A_68 : vector<1x256xf32>
    %sub3A_74 = arith.subf %div3A_73, %mul3A : vector<1x256xf32>
    %get3A_75 = arith.constant 0 : index
    %get3A_76 = arith.constant 0 : index
    %get3A_77 = vector.load %arg4[%get3A_75, %get3A_76] : memref<1x256xf32, #tpu.memory_space<vmem>>, vector<1x256xf32>
    %get3A_78 = arith.constant 0 : index
    %get3A_79 = arith.constant 0 : index
    %get3A_80 = vector.load %arg5[%get3A_78, %get3A_79] : memref<1x256xf32, #tpu.memory_space<vmem>>, vector<1x256xf32>
    %add3A = arith.constant 9.99999974E-6 : f32
    %add3A_81 = vector.broadcast %add3A : f32 to vector<1x256xf32>
    %add3A_82 = arith.addf %sub3A_74, %add3A_81 : vector<1x256xf32>
    %rsqrt3A = math.rsqrt %add3A_82 : vector<1x256xf32>
    %mul3A_83 = arith.mulf %get3A_77, %rsqrt3A : vector<1x256xf32>
    %mul3A_84 = arith.mulf %div3A_68, %mul3A_83 : vector<1x256xf32>
    %sub3A_85 = arith.subf %get3A_80, %mul3A_84 : vector<1x256xf32>
    %ge3A = arith.constant 0.000000e+00 : f32
    %ge3A_86 = vector.broadcast %ge3A : f32 to vector<1x256xf32>
    %ge3A_87 = arith.cmpf oge, %mul3A_83, %ge3A_86 : vector<1x256xf32>
    %get3A_88 = arith.constant 0 : index
    %get3A_89 = arith.constant 0 : index
    %get3A_90 = arith.constant 0 : index
    %get3A_91 = vector.load %arg1[%get3A_88, %get3A_89, %get3A_90] : memref<1x256x256xf32, #tpu.memory_space<vmem>>, vector<1x256x256xf32>
    %get3A_92 = vector.shape_cast %get3A_91 : vector<1x256x256xf32> to vector<256x256xf32>
    %get3A_93 = arith.constant 0 : index
    %get3A_94 = arith.constant 0 : index
    %get3A_95 = arith.constant 0 : index
    %get3A_96 = vector.load %arg2[%get3A_93, %get3A_94, %get3A_95] : memref<1x256x256xf32, #tpu.memory_space<vmem>>, vector<1x256x256xf32>
    %get3A_97 = vector.shape_cast %get3A_96 : vector<1x256x256xf32> to vector<256x256xf32>
    %broadcast_in_dim3A = vector.shape_cast %ge3A_87 : vector<1x256xi1> to vector<1x256xi1>
    %broadcast_in_dim3A_98 = vector.broadcast %broadcast_in_dim3A : vector<1x256xi1> to vector<256x256xi1>
    %select_n3A_99 = arith.select %broadcast_in_dim3A_98, %get3A_92, %get3A_97 : vector<256x256xi1>, vector<256x256xf32>
    %mul3A_100 = vector.broadcast %mul3A_83 : vector<1x256xf32> to vector<256x256xf32>
    %mul3A_101 = arith.mulf %select_n3A_99, %mul3A_100 : vector<256x256xf32>
    %add3A_102 = vector.broadcast %sub3A_85 : vector<1x256xf32> to vector<256x256xf32>
    %add3A_103 = arith.addf %mul3A_101, %add3A_102 : vector<256x256xf32>
    %ge3A_104 = arith.constant 0.000000e+00 : f32
    %ge3A_105 = vector.broadcast %ge3A_104 : f32 to vector<256x256xf32>
    %ge3A_106 = arith.cmpf oge, %add3A_103, %ge3A_105 : vector<256x256xf32>
    %mul3A_107 = arith.constant 2.000000e-01 : f32
    %mul3A_108 = vector.broadcast %mul3A_107 : f32 to vector<256x256xf32>
    %mul3A_109 = arith.mulf %mul3A_108, %add3A_103 : vector<256x256xf32>
    %select_n3A_110 = arith.select %ge3A_106, %add3A_103, %mul3A_109 : vector<256x256xi1>, vector<256x256xf32>
    %swap3A = arith.constant 0 : index
    %swap3A_111 = arith.constant 0 : index
    %swap3A_112 = arith.constant 0 : index
    %swap3A_113 = vector.load %arg6[%swap3A, %swap3A_111, %swap3A_112] : memref<1x256x256xf32, #tpu.memory_space<vmem>>, vector<1x256x256xf32>
    %swap3A_114 = vector.shape_cast %swap3A_113 : vector<1x256x256xf32> to vector<256x256xf32>
    %swap3A_115 = vector.shape_cast %select_n3A_110 : vector<256x256xf32> to vector<1x256x256xf32>
    tpu.vector_store %arg6[%swap3A, %swap3A_111, %swap3A_112], %swap3A_115 {strides = array<i32>} : memref<1x256x256xf32, #tpu.memory_space<vmem>>, vector<1x256x256xf32>,
    return
  }
  func.func @transform_0(%arg0: i32) -> (i32, i32, i32) {
    %c0_i32 = arith.constant 0 : i32
    %c0_i32_0 = arith.constant 0 : i32
    %c0_i32_1 = arith.constant 0 : i32
    return %arg0, %c0_i32, %c0_i32_0 : i32, i32, i32
  }
  func.func @transform_1(%arg0: i32) -> (i32, i32, i32) {
    %c0_i32 = arith.constant 0 : i32
    %c0_i32_0 = arith.constant 0 : i32
    %c0_i32_1 = arith.constant 0 : i32
    return %arg0, %c0_i32, %c0_i32_0 : i32, i32, i32
  }
  func.func @transform_2(%arg0: i32) -> (i32, i32, i32) {
    %c0_i32 = arith.constant 0 : i32
    %c0_i32_0 = arith.constant 0 : i32
    %c0_i32_1 = arith.constant 0 : i32
    return %arg0, %c0_i32, %c0_i32_0 : i32, i32, i32
  }
  func.func @transform_3(%arg0: i32) -> (i32, i32) {
    %c0_i32 = arith.constant 0 : i32
    %c0_i32_0 = arith.constant 0 : i32
    %c0_i32_1 = arith.constant 0 : i32
    return %c0_i32, %c0_i32_0 : i32, i32
  }
  func.func @transform_4(%arg0: i32) -> (i32, i32) {
    %c0_i32 = arith.constant 0 : i32
    %c0_i32_0 = arith.constant 0 : i32
    %c0_i32_1 = arith.constant 0 : i32
    return %c0_i32, %c0_i32_0 : i32, i32
  }
  func.func @transform_5(%arg0: i32) -> (i32, i32, i32) {
    %c0_i32 = arith.constant 0 : i32
    %c0_i32_0 = arith.constant 0 : i32
    %c0_i32_1 = arith.constant 0 : i32
    return %arg0, %c0_i32, %c0_i32_0 : i32, i32, i32
  }
}

</mosaic_0001>

<sc_bundles>
// kernel: kernel.22.cloned.1.call-start
scs
__scs_entry_jumppad:
0x0: {  	(pc) =	sbr.rel $0x88, $3  }
0x1: {  	(tag) =	ssettag $0x0;
	lr =	simm.s32 $0x1  }
0x2: {  	[smem:$0x3F8C] =	sst lr;
	_ =	strace $0xD0000000  }
0x3: {  	_ = 	snop  }
0x4: {  	_ = 	snop  }
0x5: {  	_ = 	snop  }
0x6: {  	_ = 	snop  }
0x7: {  	_ = 	snop  }
__scs_overlays_trampoline_lowered:
0x8: {  	[smem:$0x3F9B] =	sst s0  }
0x9: {  	[smem:$0x3F9C] =	sst s1  }
0xa: {  	[smem:$0x3F9D] =	sst s2  }
0xb: {  	[smem:$0x3F9E] =	sst s3  }
0xc: {  	[smem:$0x3F9F] =	sst s4  }
0xd: {  	[smem:$0x3FA0] =	sst s5  }
0xe: {  	[smem:$0x3FA1] =	sst s6  }
0xf: {  	[smem:$0x3FA2] =	sst s7  }
0x10: {  	[smem:$0x3FA3] =	sst s8  }
0x11: {  	[smem:$0x3FA4] =	sst s9;
	s0 =	simm.s32 @!p0 $0x0  }
0x12: {  	s1 =	sld [smem:$0x3F8A];
	s0 =	simm.s32 @p0 $0x1  }
0x13: {  	[smem:$0x3FA5] =	sst s0;
	s0 =	simm.s32 @!p1 $0x0  }
0x14: {  	s2 =	sld [smem:$0x3F89];
	s0 =	simm.s32 @p1 $0x1  }
0x15: {  	[smem:$0x3FA6] =	sst s0;
	s0 =	simm.s32 @!p2 $0x0  }
0x16: {  	s3 =	sld [smem:$0x3FDB];
	s0 =	simm.s32 @p2 $0x1  }
0x17: {  	s4 =	simm.s32 $0x1BF5;
	[smem:$0x3FA8] =	sst s0  }
0x18: {  	s0 =	sld [smem:$0x3F8B];
	_ =	swait.ge [sflag:s4], $0x0  }
0x19: {  	s7 =	sld [smem:$0x3F8C]  }
0x1a: {  	s8 =	sadd.s32 $0xFFFFE003, lr  }
0x1b: {  	s9 =	sadd.s32 $0xFFFFFEF7, lr;
	s5 =	simm.s32 $0xFFFFFFFF;
	p2 =	slt.u32 s8, $0xFFFFF086  }
0x1c: {  	p1 =	slt.u32 s9, $0xF7A;
	s5 =	simm.s32 @!p2 $0x0  }
0x1d: {  	s5 =	simm.s32 @p1 $0x1;
	p0 =	seq.s32 s7, s2  }
0x1e: {  	s7 =	smul.u32 @!p0 $0xF7A, s2;
	p2 =	seq.s32 @!p0 s5, $0x0  }
0x1f: {  	s9 =	smul.u32 $0xF7A, s1;
	s8 =	simm.s32 @!p0 $0x1BF5;
	p2 =	por !p2, p0  }
0x20: {  	[sflag:s8] =	ssyncset.s32 @!p0 $0xFFFFF086;
	s6 =	sadd.s32 @!p0 s3, s7;
	s7 =	simm.s32 @!p0 $0x108  }
0x21: {  	s3 =	sadd.s32 s3, s9;
	s6 =	sadd.s32 @!p0 $0x88, s6;
	s7 =	simm.s32 @p2 $0x1082  }
0x22: {  	[simem:s7], [sflag:s8] =	dma.local @!p0 [hbm:s6], $0xF7A  }
0x23: {  	s9 =	sor.u32 $0xD0000000, s2;
	s6 =	simm.s32 $0x108;
	_ =	swait.ge @!p0 [sflag:s8], $0x0  }
0x24: {  	s3 =	sadd.s32 $0x88, s3;
	s6 =	simm.s32 @!p1 $0x1082;
	[sflag:s4] =	ssyncset.s32 $0xFFFFF086  }
0x25: {  	[simem:s6], [sflag:s4] =	dma.local [hbm:s3], $0xF7A  }
0x26: {  	[smem:$0x3F8C] =	sst s1;
	(tag) =	ssettag s2;
	_ =	strace s9  }
0x27: {  	s1 =	sld [smem:$0x3F9C]  }
0x28: {  	s2 =	sld [smem:$0x3F9D]  }
0x29: {  	s4 =	sld [smem:$0x3F9F]  }
0x2a: {  	p0 =	seq.s32 s5, $0x0;
	s5 =	sld [smem:$0x3FA0]  }
0x2b: {  	s6 =	sld [smem:$0x3FA1]  }
0x2c: {  	s7 =	sld [smem:$0x3FA2]  }
0x2d: {  	s3 =	simm.s32 $0x108;
	s8 =	sld [smem:$0x3FA3]  }
0x2e: {  	s3 =	simm.s32 @!p0 $0x1082;
	s9 =	sld [smem:$0x3FA4]  }
0x2f: {  	lr =	sadd.s32 s0, s3;
	s0 =	sld [smem:$0x3F9B]  }
0x30: {  	s3 =	sld [smem:$0x3F9E]  }
0x31: {  	[smem:$0x3FA7] =	sst s10  }
0x32: {  	s10 =	sld [smem:$0x3FA5];
	_ =	sdelay $0x3  }
0x33: {  	p0 =	seq.s32 s10, $0x1;
	s10 =	sld [smem:$0x3FA7];
	_ =	sdelay $0x3  }
0x34: {  	[smem:$0x3FA7] =	sst s10  }
0x35: {  	s10 =	sld [smem:$0x3FA6];
	_ =	sdelay $0x3  }
0x36: {  	p1 =	seq.s32 s10, $0x1;
	s10 =	sld [smem:$0x3FA7];
	_ =	sdelay $0x3  }
0x37: {  	[smem:$0x3FA7] =	sst s10  }
0x38: {  	s10 =	sld [smem:$0x3FA8]  }
0x39: {  	_ = 	snop;
	(pc) =	sbr.ind lr, $3  }
0x3a: {  	_ = 	snop  }
0x3b: {  	_ = 	snop  }
0x3c: {  	p2 =	seq.s32 s10, $0x1;
	s10 =	sld [smem:$0x3FA7]  }
0x3d: {  	_ =	shalt  }
0x3e: {  	_ =	shalt  }
0x3f: {  	_ =	shalt  }
0x40: {  	_ =	shalt  }
0x41: {  	_ =	shalt  }
0x42: {  	_ =	shalt  }
0x43: {  	_ =	shalt  }
0x44: {  	_ =	shalt  }
0x45: {  	_ =	shalt  }
0x46: {  	_ =	shalt  }
0x47: {  	_ =	shalt  }
0x48: {  	_ =	shalt  }
0x49: {  	_ =	shalt  }
0x4a: {  	_ =	shalt  }
0x4b: {  	_ =	shalt  }
0x4c: {  	_ =	shalt  }
0x4d: {  	_ =	shalt  }
0x4e: {  	_ =	shalt  }
0x4f: {  	_ =	shalt  }
0x50: {  	_ =	shalt  }
0x51: {  	_ =	shalt  }
0x52: {  	_ =	shalt  }
0x53: {  	_ =	shalt  }
0x54: {  	_ =	shalt  }
0x55: {  	_ =	shalt  }
0x56: {  	_ =	shalt  }
0x57: {  	_ =	shalt  }
0x58: {  	_ =	shalt  }
0x59: {  	_ =	shalt  }
0x5a: {  	_ =	shalt  }
0x5b: {  	_ =	shalt  }
0x5c: {  	_ =	shalt  }
0x5d: {  	_ =	shalt  }
0x5e: {  	_ =	shalt  }
0x5f: {  	_ =	shalt  }
0x60: {  	_ =	shalt  }
0x61: {  	_ =	shalt  }
0x62: {  	_ =	shalt  }
0x63: {  	_ =	shalt  }
0x64: {  	_ =	shalt  }
0x65: {  	_ =	shalt  }
0x66: {  	_ =	shalt  }
0x67: {  	_ =	shalt  }
0x68: {  	_ =	shalt  }
0x69: {  	_ =	shalt  }
0x6a: {  	_ =	shalt  }
0x6b: {  	_ =	shalt  }
0x6c: {  	_ =	shalt  }
0x6d: {  	_ =	shalt  }
0x6e: {  	_ =	shalt  }
0x6f: {  	_ =	shalt  }
0x70: {  	_ =	shalt  }
0x71: {  	_ =	shalt  }
0x72: {  	_ =	shalt  }
0x73: {  	_ =	shalt  }
0x74: {  	_ =	shalt  }
0x75: {  	_ =	shalt  }
0x76: {  	_ =	shalt  }
0x77: {  	_ =	shalt  }
0x78: {  	_ =	shalt  }
0x79: {  	_ =	shalt  }
0x7a: {  	_ =	shalt  }
0x7b: {  	_ =	shalt  }
0x7c: {  	_ =	shalt  }
0x7d: {  	_ =	shalt  }
0x7e: {  	_ =	shalt  }
0x7f: {  	_ =	shalt  }
0x80: {  	_ =	shalt  }
0x81: {  	_ =	shalt  }
0x82: {  	_ =	shalt  }
0x83: {  	_ =	shalt  }
0x84: {  	_ =	shalt  }
0x85: {  	_ =	shalt  }
0x86: {  	_ =	shalt  }
0x87: {  	_ =	shalt  }
.Lfunc_end0:
.L_simem_size_0:
called_computation_lowered:
.L_overlay_start_0:
0x88: {  	s2 =	sld [smem:$0x3FD9]  }
0x89: {  	s3 =	sld [smem:$0x3FFE];
	_ =	sdelay $0x1  }
0x8a: {  	s1 =	srdreg.scid  }
0x8b: {  	s0 =	sand.u32 $0x1, s1  }
0x8c: {  	s14 =	sshll.u32 s0, $0xA;
	s2 =	sadd.s32 s3, s2  }
0x8d: {  	s2 =	sadd.s32 s2, s14  }
0x8e: {  	[smem:$0x3FB3] =	sst s2  }
0x8f: {  	_ = 	snop  }
0x90: {  	s2 =	sld [smem:$0x3FD0];
	_ =	sdelay $0x2  }
0x91: {  	s15 =	simm.s32 $0xA;
	s4 =	simm.s32 $0x10  }
0x92: {  	[smem:s4], [sflag:s15] =	dma.local [hbm:s2], $0x1  }
0x93: {  	_ =	swait.eq [sflag:s15], $0x1  }
0x94: {  	[sflag:s15] =	ssyncset.done $0x0  }
0x95: {  	[sflag:s15] =	ssyncadd.s32 $0xFFFFFFFF  }
0x96: {  	s16 =	sld [smem:$0x11];
	(tm) =	ssettm $0x1  }
0x97: {  	s17 =	sld [smem:$0x3FFB];
	_ =	sdelay $0x3  }
0x98: {  	_ =	strace s17  }
0x99: {  	s3 =	sld [smem:$0x3FFC];
	_ =	sdelay $0x3  }
0x9a: {  	_ =	strace s3  }
0x9b: {  	s3 =	sld [smem:$0x3FFD];
	_ =	sdelay $0x3  }
0x9c: {  	_ =	strace s3  }
0x9d: {  	_ =	strace $0x8FFFFFFF  }
0x9e: {  	s18 =	sld [smem:$0x3FDB];
	_ =	sdelay $0x1  }
0x9f: {  	s19 =	simm.s32 $_scs_section_size  }
0xa0: {  	s5 =	simm.s32 $_size__tile_overlayer_lowered;
	s6 =	simm.s32 $_tile_overlayer_lowered  }
0xa1: {  	s22 =	simm.s32 $0x1BFF;
	s21 =	sshll.u32 s6, $0x1;
	s3 =	sadd.s32 s19, s18  }
0xa2: {  	s7 =	simm.s32 $0x0;
	s20 =	sshll.u32 s5, $0x1;
	s5 =	sadd.s32 s21, s3  }
0xa3: {  	[timem:s7], [sflag:s22] =	dma.local [hbm:s5], s20  }
0xa4: {  	_ =	swait.ge [sflag:s22], s20  }
0xa5: {  	s4 =	ssub.s32 $0x0, s20;
	[sflag:s22] =	ssyncset.done $0x0  }
0xa6: {  	[sflag:s22] =	ssyncadd.s32 s4;
	_ =	sdelay $0x1  }
0xa7: {  	s23 =	simm.s32 $0x1B8B  }
0xa8: {  	_ =	swait.ge [sflag:s23], $0x1  }
0xa9: {  	[sflag:s23] =	ssyncset.done $0x0  }
0xaa: {  	s25 =	simm.s32 $0x1B8E;
	s24 =	sld [smem:$0x3FFE];
	[sflag:s23] =	ssyncadd.s32 $0xFFFFFFFF  }
0xab: {  	s26 =	simm.s32 $execute0_lowered;
	[smem:$0x3FD2] =	sst s25  }
0xac: {  	s5 =	sshll.u32 s26, $0x1;
	_ =	strace $0x80000046;
	[dreg:$0x1] =	wrdreg $0xFFFFFFFF  }
0xad: {  	s28 =	simm.s32 $_size_execute0_lowered;
	s3 =	sadd.s32 s3, s5;
	[dreg:$0x0] =	wrdreg $0x0  }
0xae: {  	s5 =	sshll.u32 s28, $0x1;
	[dreg:$0x2] =	wrdreg s3  }
0xaf: {  	[dreg:$0x3] =	wrdreg s5  }
0xb0: {  	[dreg:$0x4] =	wrdreg $0xC0  }
0xb1: {  	_ =	task [dreg:s7], $0x5FFFF  }
0xb2: {  	[dreg:$0x1] =	wrdreg $0xFFFFFFFF  }
0xb3: {  	[dreg:$0x0] =	wrdreg $0x60  }
0xb4: {  	[dreg:$0x2] =	wrdreg s16  }
0xb5: {  	[dreg:$0x3] =	wrdreg s24  }
0xb6: {  	[dreg:$0x4] =	wrdreg $0x9  }
0xb7: {  	_ =	task.clear_ibuf [dreg:s7], $0x5FFFF;
	_ =	strace $0x90000046  }
0xb8: {  	s29 =	simm.s32 $0x9;
	_ =	strace $0x80000048  }
0xb9: {  	_ =	swait.ge [sflag:s29], $0x1  }
0xba: {  	[sflag:s29] =	ssyncadd.s32 $0xFFFFFFFF  }
0xbb: {  	_ =	strace $0x90000048  }
0xbc: {  	_ =	sfence  }
0xbd: {  	s30 =	sld [smem:$0x0];
	_ =	sdelay $0x2  }
0xbe: {  	s31 =	sshll.u32 s1, $0xD;
	s1 =	sshrl.u32 s1, $0x2  }
0xbf: {  	s3 =	sand.u32 $0x4000, s31;
	s1 =	sadd.s32 s1, s30  }
0xc0: {  	s0 =	sor.u32 s3, s0;
	s1 =	sshll.u32 s1, $0x11  }
0xc1: {  	s0 =	sor.u32 s1, s0  }
0xc2: {  	s0 =	sadd.s32 $0x8F2B, s0  }
0xc3: {  	[sflag:s0] =	ssyncadd.remote.s32 $0x1  }
0xc4: {  	_ =	sfence.sel $0xFFFF  }
0xc5: {  	[dreg:$0x0] =	wrdreg $0xFFFFFFFF;
	(pc) =	sbr.abs _section_cstart, $3  }
0xc6: {  	[dreg:$0x1] =	wrdreg $0xFFFFFFFF  }
0xc7: {  	_ =	task.clear_ibuf [dreg:s7], $0x2FFFF;
	_ =	strace $0x9FFFFFFF  }
0xc8: {  	(tm) =	ssettm $0x7FFFFFFF  }
0xc9: {  	_ =	shalt  }
tec
execute0_lowered:
.L_overlay_start_1:
0x0: {  	(tag) =	ssettag $0x1  }
0x1: {  	s0 =	srdreg.scid  }
0x2: {  	s1 =	stileid.u32;
	s0 =	sand.u32 $0x1, s0  }
0x3: {  	s2 =	rddreg [dreg:$0x0];
	s1 =	sshll.u32 s1, $0xE;
	s3 =	sshll.u32 s0, $0xD  }
0x4: {  	s4 =	rddreg [dreg:$0x1];
	s1 =	sor.u32 s3, s1;
	s3 =	simm.s32 $0x0  }
0x5: {  	s11 =	simm.s32 $0x100;
	[smem:$0x7FF] =	sst s3  }
0x6: {  	s12 =	simm.s32 $0x180;
	_ =	strace $0x80000047;
	[dreg:$0x6] =	wrdreg s11  }
0x7: {  	s13 =	simm.s32 $0x200;
	[dreg:$0x7] =	wrdreg s12  }
0x8: {  	s14 =	simm.s32 $0x280;
	[dreg:$0x8] =	wrdreg s13  }
0x9: {  	s15 =	simm.s32 $0x300;
	[dreg:$0x9] =	wrdreg s14  }
0xa: {  	s16 =	simm.s32 $0x380;
	[dreg:$0xa] =	wrdreg s15  }
0xb: {  	s17 =	simm.s32 $0x400;
	[dreg:$0xb] =	wrdreg s16  }
0xc: {  	s18 =	simm.s32 $0x480;
	[dreg:$0xc] =	wrdreg s17  }
0xd: {  	s19 =	simm.s32 $0x500;
	[dreg:$0xd] =	wrdreg s18  }
0xe: {  	s20 =	simm.s32 $0x580;
	[dreg:$0xe] =	wrdreg s19  }
0xf: {  	s21 =	simm.s32 $0x600;
	[dreg:$0xf] =	wrdreg s20  }
0x10: {  	s22 =	simm.s32 $0x680;
	[dreg:$0x10] =	wrdreg s21  }
0x11: {  	s23 =	simm.s32 $0x700;
	[dreg:$0x11] =	wrdreg s22  }
0x12: {  	s24 =	simm.s32 $0x780;
	[dreg:$0x12] =	wrdreg s23  }
0x13: {  	s25 =	simm.s32 $0x800;
	[dreg:$0x13] =	wrdreg s24  }
0x14: {  	s26 =	simm.s32 $0x880;
	[dreg:$0x14] =	wrdreg s25  }
0x15: {  	s29 =	simm.s32 $0x900;
	[dreg:$0x15] =	wrdreg s26  }
0x16: {  	s6 =	simm.s32 $0xA80;
	s7 =	simm.s32 $0xB00;
	[dreg:$0x16] =	wrdreg s29  }
0x17: {  	s8 =	simm.s32 $0xB80;
	s5 =	sshrl.u32 s1, $0x3;
	[dreg:$0x19] =	wrdreg s6  }
0x18: {  	s1 =	sshll.u32 s1, $0x1;
	s5 =	sadd.s32 s5, s4;
	[dreg:$0x1a] =	wrdreg s7  }
0x19: {  	s1 =	sadd.s32 s1, s4;
	s4 =	simm.s32 $0x980;
	[dreg:$0x1b] =	wrdreg s8  }
0x1a: {  	s11 =	simm.s32 $0xD00;
	[dreg:$0x17] =	wrdreg s4  }
0x1b: {  	s12 =	simm.s32 $0xD80;
	[dreg:$0x1e] =	wrdreg s11  }
0x1c: {  	s13 =	simm.s32 $0xE00;
	[dreg:$0x1f] =	wrdreg s12  }
0x1d: {  	s14 =	simm.s32 $0xE80;
	[smem:$0x7DA] =	sst s13  }
0x1e: {  	s15 =	simm.s32 $0xF00;
	[smem:$0x7DB] =	sst s14  }
0x1f: {  	s16 =	simm.s32 $0xF80;
	[smem:$0x7DC] =	sst s15  }
0x20: {  	s17 =	simm.s32 $0x1000;
	[smem:$0x7DD] =	sst s16  }
0x21: {  	s18 =	simm.s32 $0x1080;
	[smem:$0x7DE] =	sst s17  }
0x22: {  	s19 =	simm.s32 $0x1100;
	[smem:$0x7DF] =	sst s18  }
0x23: {  	s20 =	simm.s32 $0x1180;
	[smem:$0x7E0] =	sst s19  }
0x24: {  	s21 =	simm.s32 $0x1200;
	[smem:$0x7E1] =	sst s20  }
0x25: {  	s22 =	simm.s32 $0x1280;
	[smem:$0x7E2] =	sst s21  }
0x26: {  	s23 =	simm.s32 $0x1300;
	[smem:$0x7E3] =	sst s22  }
0x27: {  	s24 =	simm.s32 $0x1380;
	[smem:$0x7E4] =	sst s23  }
0x28: {  	s25 =	simm.s32 $0x1400;
	[smem:$0x7E5] =	sst s24  }
0x29: {  	s26 =	simm.s32 $0x1480;
	[smem:$0x7E6] =	sst s25  }
0x2a: {  	s6 =	simm.s32 $0x1580;
	[smem:$0x7E7] =	sst s26  }
0x2b: {  	s7 =	simm.s32 $0x1600;
	[smem:$0x7E9] =	sst s6  }
0x2c: {  	s8 =	simm.s32 $0x1680;
	[smem:$0x7EA] =	sst s7  }
0x2d: {  	s9 =	sadd.s32 $0x40000, s5;
	[smem:$0x7EB] =	sst s8  }
0x2e: {  	s10 =	sadd.s32 $0x48000, s1;
	[dreg:$0x3] =	wrdreg s9  }
0x2f: {  	s1 =	sadd.s32 $0x4A000, s1;
	[dreg:$0x4] =	wrdreg s10  }
0x30: {  	s5 =	simm.s32 $0xA00;
	[dreg:$0x5] =	wrdreg s1  }
0x31: {  	s11 =	simm.s32 $0x1800;
	[dreg:$0x18] =	wrdreg s5  }
0x32: {  	s12 =	simm.s32 $0x1880;
	[smem:$0x7EE] =	sst s11  }
0x33: {  	s13 =	simm.s32 $0x1900;
	[smem:$0x7EF] =	sst s12  }
0x34: {  	s30 =	simm.s32 $0xB000;
	s15 =	simm.s32 $0x1980;
	[smem:$0x7F0] =	sst s13  }
0x35: {  	p0 =	por $0x0, $0x0;
	s16 =	simm.s32 $0x1A00;
	[smem:$0x7F1] =	sst s15  }
0x36: {  	s31 =	simm.s32 $0xF800;
	s17 =	simm.s32 $0x1A80;
	[smem:$0x7F2] =	sst s16  }
0x37: {  	s0 =	ssub.s32 $0x2, s0;
	s18 =	simm.s32 $0x1B00;
	[smem:$0x7F3] =	sst s17  }
0x38: {  	s29 =	sshrl.u32 s0, $0x1;
	s19 =	simm.s32 $0x1B80;
	[smem:$0x7F4] =	sst s18  }
0x39: {  	s0 =	ssub.s32 s0, s29;
	s20 =	simm.s32 $0x1C00;
	[smem:$0x7F5] =	sst s19  }
0x3a: {  	s4 =	simm.s32 $0x2;
	s21 =	simm.s32 $0x1C80;
	[smem:$0x7F6] =	sst s20  }
0x3b: {  	s6 =	simm.s32 $0x80;
	s22 =	simm.s32 $0x1D00;
	[smem:$0x7F7] =	sst s21  }
0x3c: {  	s14 =	simm.s32 $0x2800;
	s23 =	simm.s32 $0x1D80;
	[smem:$0x7F8] =	sst s22  }
0x3d: {  	s8 =	simm.s32 $0x8800;
	s24 =	simm.s32 $0x1E00;
	[smem:$0x7F9] =	sst s23  }
0x3e: {  	s25 =	simm.s32 $0x1E80;
	s26 =	simm.s32 $0x1F00;
	[smem:$0x7FA] =	sst s24  }
0x3f: {  	s29 =	simm.s32 $0x1F80;
	s9 =	simm.s32 $0xC00;
	[smem:$0x7FB] =	sst s25  }
0x40: {  	s10 =	simm.s32 $0xC80;
	s5 =	simm.s32 $0x1500;
	[smem:$0x7FC] =	sst s26  }
0x41: {  	s1 =	smax.u32 s0, $0x1;
	s16 =	simm.s32 $0x7800;
	[smem:$0x7FD] =	sst s29  }
0x42: {  	s13 =	simm.s32 $0x9800;
	[dreg:$0x1c] =	wrdreg s9;
	p1 =	sne.s32 s1, $0x1  }
.Ltmp0:
0x43: {  	s24 =	simm.s32 $0xA800;
	[dreg:$0x1d] =	wrdreg s10;
	(pc) =	sbr.rel @!p1 .LBB2_5-.Ltmp0, $4  }
0x44: {  	s11 =	simm.s32 $0xE000;
	s12 =	simm.s32 $0x1;
	[smem:$0x7E8] =	sst s5  }
0x45: {  	s9 =	simm.s32 $0x1700;
	s5 =	simm.s32 $0x2000;
	s15 =	rddreg [dreg:$0x3]  }
0x46: {  	s10 =	simm.s32 $0x1780;
	s28 =	sadd.s32 $0xFFFFFFFF, s1;
	[smem:$0x7EC] =	sst s9  }
0x47: {  	[smem:$0x7ED] =	sst s10;
	s10 =	simm.s32 $0x9000;
	s9 =	simm.s32 $0xE800  }
0x48: {  	[tilespmem:s3], [sflag:$0x2] =	stream.linear.gather [hbm4b:s15+s3], $0x2000, $0x38;
	[tilespmem:$0x12000] =	vst v63  }
0x49: {  	_ =	swait.ge [sflag:s4], $0x2000  }
0x4a: {  	[sflag:s4] =	ssyncset.done $0x0  }
0x4b: {  	[sflag:s4] =	ssyncadd.s32 $0xFFFFE000  }
0x4c: {  	[tilespmem:s5], [sflag:$0x1] =	stream.indirect.gather [hbm4b:s2+s6], $0x10, s3, s6, $0xb8;
	[tilespmem:$0x12000] =	vst v63  }
0x4d: {  	s26 =	rddreg [dreg:$0x6]  }
0x4e: {  	[tilespmem:s14], [sflag:$0x1] =	stream.indirect.gather [hbm4b:s2+s6], $0x10, s6, s6, $0xb8;
	[tilespmem:$0x12000] =	vst v63  }
0x4f: {  	s7 =	simm.s32 $0x3000;
	s29 =	rddreg [dreg:$0x7]  }
0x50: {  	[tilespmem:s7], [sflag:$0x1] =	stream.indirect.gather [hbm4b:s2+s6], $0x10, s26, s6, $0xb8;
	[tilespmem:$0x12000] =	vst v63  }
0x51: {  	s25 =	simm.s32 $0x3800;
	s0 =	rddreg [dreg:$0x8]  }
0x52: {  	[tilespmem:s25], [sflag:$0x1] =	stream.indirect.gather [hbm4b:s2+s6], $0x10, s29, s6, $0xb8;
	[tilespmem:$0x12000] =	vst v63  }
0x53: {  	s1 =	rddreg [dreg:$0x9];
	s26 =	simm.s32 $0x4000  }
0x54: {  	[tilespmem:s26], [sflag:$0x1] =	stream.indirect.gather [hbm4b:s2+s6], $0x10, s0, s6, $0xb8;
	[tilespmem:$0x12000] =	vst v63  }
0x55: {  	s18 =	rddreg [dreg:$0xc];
	s29 =	simm.s32 $0x4800  }
0x56: {  	[tilespmem:s29], [sflag:$0x1] =	stream.indirect.gather [hbm4b:s2+s6], $0x10, s1, s6, $0xb8;
	[tilespmem:$0x12000] =	vst v63  }
0x57: {  	s3 =	rddreg [dreg:$0xa];
	s1 =	simm.s32 $0x5000  }
0x58: {  	[tilespmem:s1], [sflag:$0x1] =	stream.indirect.gather [hbm4b:s2+s6], $0x10, s3, s6, $0xb8;
	[tilespmem:$0x12000] =	vst v63  }
0x59: {  	s17 =	simm.s32 $0x5800;
	s5 =	rddreg [dreg:$0xb]  }
0x5a: {  	[tilespmem:s17], [sflag:$0x1] =	stream.indirect.gather [hbm4b:s2+s6], $0x10, s5, s6, $0xb8;
	[tilespmem:$0x12000] =	vst v63  }
0x5b: {  	s19 =	rddreg [dreg:$0xd];
	s3 =	simm.s32 $0x6000  }
0x5c: {  	[tilespmem:s3], [sflag:$0x1] =	stream.indirect.gather [hbm4b:s2+s6], $0x10, s18, s6, $0xb8;
	[tilespmem:$0x12000] =	vst v63  }
0x5d: {  	s23 =	rddreg [dreg:$0xe];
	s0 =	simm.s32 $0x6800  }
0x5e: {  	[tilespmem:s0], [sflag:$0x1] =	stream.indirect.gather [hbm4b:s2+s6], $0x10, s19, s6, $0xb8;
	[tilespmem:$0x12000] =	vst v63  }
0x5f: {  	s15 =	rddreg [dreg:$0x10];
	s18 =	simm.s32 $0x7000  }
0x60: {  	[tilespmem:s18], [sflag:$0x1] =	stream.indirect.gather [hbm4b:s2+s6], $0x10, s23, s6, $0xb8;
	[tilespmem:$0x12000] =	vst v63  }
0x61: {  	s19 =	rddreg [dreg:$0xf]  }
0x62: {  	[tilespmem:s16], [sflag:$0x1] =	stream.indirect.gather [hbm4b:s2+s6], $0x10, s19, s6, $0xb8;
	[tilespmem:$0x12000] =	vst v63  }
0x63: {  	s14 =	rddreg [dreg:$0x15];
	s19 =	simm.s32 $0x8000  }
0x64: {  	[tilespmem:s19], [sflag:$0x1] =	stream.indirect.gather [hbm4b:s2+s6], $0x10, s15, s6, $0xb8;
	[tilespmem:$0x12000] =	vst v63  }
0x65: {  	s23 =	rddreg [dreg:$0x11]  }
0x66: {  	[tilespmem:s8], [sflag:$0x1] =	stream.indirect.gather [hbm4b:s2+s6], $0x10, s23, s6, $0xb8;
	[tilespmem:$0x12000] =	vst v63  }
0x67: {  	s15 =	rddreg [dreg:$0x12]  }
0x68: {  	[tilespmem:s10], [sflag:$0x1] =	stream.indirect.gather [hbm4b:s2+s6], $0x10, s15, s6, $0xb8;
	[tilespmem:$0x12000] =	vst v63  }
0x69: {  	s23 =	rddreg [dreg:$0x13]  }
0x6a: {  	[tilespmem:s13], [sflag:$0x1] =	stream.indirect.gather [hbm4b:s2+s6], $0x10, s23, s6, $0xb8;
	[tilespmem:$0x12000] =	vst v63  }
0x6b: {  	s15 =	rddreg [dreg:$0x14];
	s23 =	simm.s32 $0xA000  }
0x6c: {  	[tilespmem:s23], [sflag:$0x1] =	stream.indirect.gather [hbm4b:s2+s6], $0x10, s15, s6, $0xb8;
	[tilespmem:$0x12000] =	vst v63  }
0x6d: {  	s15 =	rddreg [dreg:$0x16]  }
0x6e: {  	[tilespmem:s24], [sflag:$0x1] =	stream.indirect.gather [hbm4b:s2+s6], $0x10, s14, s6, $0xb8;
	[tilespmem:$0x12000] =	vst v63  }
0x6f: {  	s23 =	rddreg [dreg:$0x17]  }
0x70: {  	[tilespmem:s30], [sflag:$0x1] =	stream.indirect.gather [hbm4b:s2+s6], $0x10, s15, s6, $0xb8;
	[tilespmem:$0x12000] =	vst v63  }
0x71: {  	s22 =	simm.s32 $0xB800;
	s24 =	rddreg [dreg:$0x18]  }
0x72: {  	[tilespmem:s22], [sflag:$0x1] =	stream.indirect.gather [hbm4b:s2+s6], $0x10, s23, s6, $0xb8;
	[tilespmem:$0x12000] =	vst v63  }
0x73: {  	s21 =	simm.s32 $0xC000;
	s30 =	rddreg [dreg:$0x19]  }
0x74: {  	[tilespmem:s21], [sflag:$0x1] =	stream.indirect.gather [hbm4b:s2+s6], $0x10, s24, s6, $0xb8;
	[tilespmem:$0x12000] =	vst v63  }
0x75: {  	s20 =	simm.s32 $0xC800;
	s22 =	rddreg [dreg:$0x1a]  }
0x76: {  	[tilespmem:s20], [sflag:$0x1] =	stream.indirect.gather [hbm4b:s2+s6], $0x10, s30, s6, $0xb8;
	[tilespmem:$0x12000] =	vst v63  }
0x77: {  	s23 =	rddreg [dreg:$0x1b];
	s24 =	simm.s32 $0xD000  }
0x78: {  	[tilespmem:s24], [sflag:$0x1] =	stream.indirect.gather [hbm4b:s2+s6], $0x10, s22, s6, $0xb8;
	[tilespmem:$0x12000] =	vst v63  }
0x79: {  	s21 =	simm.s32 $0xD800;
	s30 =	rddreg [dreg:$0x1c]  }
0x7a: {  	[tilespmem:s21], [sflag:$0x1] =	stream.indirect.gather [hbm4b:s2+s6], $0x10, s23, s6, $0xb8;
	[tilespmem:$0x12000] =	vst v63  }
0x7b: {  	s22 =	rddreg [dreg:$0x1d]  }
0x7c: {  	[tilespmem:s11], [sflag:$0x1] =	stream.indirect.gather [hbm4b:s2+s6], $0x10, s30, s6, $0xb8;
	[tilespmem:$0x12000] =	vst v63  }
0x7d: {  	s24 =	rddreg [dreg:$0x1f]  }
0x7e: {  	[tilespmem:s9], [sflag:$0x1] =	stream.indirect.gather [hbm4b:s2+s6], $0x10, s22, s6, $0xb8;
	[tilespmem:$0x12000] =	vst v63  }
0x7f: {  	s23 =	rddreg [dreg:$0x1e];
	s30 =	simm.s32 $0xF000  }
0x80: {  	[tilespmem:s30], [sflag:$0x1] =	stream.indirect.gather [hbm4b:s2+s6], $0x10, s23, s6, $0xb8;
	[tilespmem:$0x12000] =	vst v63  }
0x81: {  	s21 =	sld [smem:$0x7DA]  }
0x82: {  	[tilespmem:s31], [sflag:$0x1] =	stream.indirect.gather [hbm4b:s2+s6], $0x10, s24, s6, $0xb8;
	[tilespmem:$0x12000] =	vst v63  }
0x83: {  	s20 =	simm.s32 $0x10000;
	s22 =	sld [smem:$0x7DB]  }
0x84: {  	[tilespmem:s20], [sflag:$0x1] =	stream.indirect.gather [hbm4b:s2+s6], $0x10, s21, s6, $0xb8;
	[tilespmem:$0x12000] =	vst v63  }
0x85: {  	s23 =	sld [smem:$0x7DC];
	s21 =	simm.s32 $0x10800  }
0x86: {  	[tilespmem:s21], [sflag:$0x1] =	stream.indirect.gather [hbm4b:s2+s6], $0x10, s22, s6, $0xb8;
	[tilespmem:$0x12000] =	vst v63  }
0x87: {  	s30 =	sld [smem:$0x7DD];
	s22 =	simm.s32 $0x11000  }
0x88: {  	[tilespmem:s22], [sflag:$0x1] =	stream.indirect.gather [hbm4b:s2+s6], $0x10, s23, s6, $0xb8;
	[tilespmem:$0x12000] =	vst v63  }
0x89: {  	s23 =	simm.s32 $0x11800  }
0x8a: {  	[tilespmem:s23], [sflag:$0x1] =	stream.indirect.gather [hbm4b:s2+s6], $0x10, s30, s6, $0xb8;
	[tilespmem:$0x12000] =	vst v63  }
0x8b: {  	_ =	swait.ge [sflag:s12], $0x10000  }
0x8c: {  	s5 =	simm.s32 $0x0;
	[sflag:s12] =	ssyncset.done $0x0  }
0x8d: {  	s30 =	simm.s32 $0x2000;
	s15 =	rddreg [dreg:$0x4];
	[sflag:s12] =	ssyncadd.s32 $0xFFFF0000  }
0x8e: {  	[hbm4b:s15+s5] =	stream.linear.scatter [tilespmem:s30], [sflag:$0x2], $0x10000, $0x38;
	[tilespmem:$0x12000] =	vst v63  }
0x8f: {  	_ =	swait.ge [sflag:s4], $0x10000  }
0x90: {  	s30 =	sld [smem:$0x7DE]  }
0x91: {  	[sflag:s4] =	ssyncset.done $0x0  }
0x92: {  	s5 =	simm.s32 $0x2000;
	s15 =	sld [smem:$0x7DF];
	[sflag:s4] =	ssyncadd.s32 $0xFFFF0000  }
0x93: {  	[tilespmem:s5], [sflag:$0x1] =	stream.indirect.gather [hbm4b:s2+s6], $0x10, s30, s6, $0xb8;
	[tilespmem:$0x12000] =	vst v63  }
0x94: {  	s14 =	sld [smem:$0x7E0];
	s30 =	simm.s32 $0x2800  }
0x95: {  	[tilespmem:s30], [sflag:$0x1] =	stream.indirect.gather [hbm4b:s2+s6], $0x10, s15, s6, $0xb8;
	[tilespmem:$0x12000] =	vst v63  }
0x96: {  	s30 =	sld [smem:$0x7E1]  }
0x97: {  	[tilespmem:s7], [sflag:$0x1] =	stream.indirect.gather [hbm4b:s2+s6], $0x10, s14, s6, $0xb8;
	[tilespmem:$0x12000] =	vst v63  }
0x98: {  	s7 =	sld [smem:$0x7E2]  }
0x99: {  	[tilespmem:s25], [sflag:$0x1] =	stream.indirect.gather [hbm4b:s2+s6], $0x10, s30, s6, $0xb8;
	[tilespmem:$0x12000] =	vst v63  }
0x9a: {  	s25 =	sld [smem:$0x7E3]  }
0x9b: {  	[tilespmem:s26], [sflag:$0x1] =	stream.indirect.gather [hbm4b:s2+s6], $0x10, s7, s6, $0xb8;
	[tilespmem:$0x12000] =	vst v63  }
0x9c: {  	s30 =	sld [smem:$0x7E4]  }
0x9d: {  	[tilespmem:s29], [sflag:$0x1] =	stream.indirect.gather [hbm4b:s2+s6], $0x10, s25, s6, $0xb8;
	[tilespmem:$0x12000] =	vst v63  }
0x9e: {  	s7 =	sld [smem:$0x7E5]  }
0x9f: {  	[tilespmem:s1], [sflag:$0x1] =	stream.indirect.gather [hbm4b:s2+s6], $0x10, s30, s6, $0xb8;
	[tilespmem:$0x12000] =	vst v63  }
0xa0: {  	s25 =	sld [smem:$0x7E6]  }
0xa1: {  	[tilespmem:s17], [sflag:$0x1] =	stream.indirect.gather [hbm4b:s2+s6], $0x10, s7, s6, $0xb8;
	[tilespmem:$0x12000] =	vst v63  }
0xa2: {  	s26 =	sld [smem:$0x7E7]  }
0xa3: {  	[tilespmem:s3], [sflag:$0x1] =	stream.indirect.gather [hbm4b:s2+s6], $0x10, s25, s6, $0xb8;
	[tilespmem:$0x12000] =	vst v63  }
0xa4: {  	s29 =	sld [smem:$0x7E8]  }
0xa5: {  	[tilespmem:s0], [sflag:$0x1] =	stream.indirect.gather [hbm4b:s2+s6], $0x10, s26, s6, $0xb8;
	[tilespmem:$0x12000] =	vst v63  }
0xa6: {  	s30 =	sld [smem:$0x7E9]  }
0xa7: {  	[tilespmem:s18], [sflag:$0x1] =	stream.indirect.gather [hbm4b:s2+s6], $0x10, s29, s6, $0xb8;
	[tilespmem:$0x12000] =	vst v63  }
0xa8: {  	s0 =	sld [smem:$0x7EA]  }
0xa9: {  	[tilespmem:s16], [sflag:$0x1] =	stream.indirect.gather [hbm4b:s2+s6], $0x10, s30, s6, $0xb8;
	[tilespmem:$0x12000] =	vst v63  }
0xaa: {  	s1 =	sld [smem:$0x7EB]  }
0xab: {  	[tilespmem:s19], [sflag:$0x1] =	stream.indirect.gather [hbm4b:s2+s6], $0x10, s0, s6, $0xb8;
	[tilespmem:$0x12000] =	vst v63  }
0xac: {  	s7 =	sld [smem:$0x7EC]  }
0xad: {  	[tilespmem:s8], [sflag:$0x1] =	stream.indirect.gather [hbm4b:s2+s6], $0x10, s1, s6, $0xb8;
	[tilespmem:$0x12000] =	vst v63  }
0xae: {  	s8 =	sld [smem:$0x7ED]  }
0xaf: {  	[tilespmem:s10], [sflag:$0x1] =	stream.indirect.gather [hbm4b:s2+s6], $0x10, s7, s6, $0xb8;
	[tilespmem:$0x12000] =	vst v63  }
0xb0: {  	s10 =	sld [smem:$0x7EE]  }
0xb1: {  	[tilespmem:s13], [sflag:$0x1] =	stream.indirect.gather [hbm4b:s2+s6], $0x10, s8, s6, $0xb8;
	[tilespmem:$0x12000] =	vst v63  }
0xb2: {  	s24 =	simm.s32 $0xA000;
	s16 =	sld [smem:$0x7EF]  }
0xb3: {  	[tilespmem:s24], [sflag:$0x1] =	stream.indirect.gather [hbm4b:s2+s6], $0x10, s10, s6, $0xb8;
	[tilespmem:$0x12000] =	vst v63  }
0xb4: {  	s17 =	sld [smem:$0x7F0];
	s18 =	simm.s32 $0xA800  }
0xb5: {  	[tilespmem:s18], [sflag:$0x1] =	stream.indirect.gather [hbm4b:s2+s6], $0x10, s16, s6, $0xb8;
	[tilespmem:$0x12000] =	vst v63  }
0xb6: {  	s19 =	sld [smem:$0x7F1];
	s24 =	simm.s32 $0xB000  }
0xb7: {  	[tilespmem:s24], [sflag:$0x1] =	stream.indirect.gather [hbm4b:s2+s6], $0x10, s17, s6, $0xb8;
	[tilespmem:$0x12000] =	vst v63  }
0xb8: {  	s25 =	sld [smem:$0x7F2];
	s26 =	simm.s32 $0xB800  }
0xb9: {  	[tilespmem:s26], [sflag:$0x1] =	stream.indirect.gather [hbm4b:s2+s6], $0x10, s19, s6, $0xb8;
	[tilespmem:$0x12000] =	vst v63  }
0xba: {  	s29 =	sld [smem:$0x7F3];
	s30 =	simm.s32 $0xC000  }
0xbb: {  	[tilespmem:s30], [sflag:$0x1] =	stream.indirect.gather [hbm4b:s2+s6], $0x10, s25, s6, $0xb8;
	[tilespmem:$0x12000] =	vst v63  }
0xbc: {  	s1 =	sld [smem:$0x7F4];
	s7 =	simm.s32 $0xC800  }
0xbd: {  	[tilespmem:s7], [sflag:$0x1] =	stream.indirect.gather [hbm4b:s2+s6], $0x10, s29, s6, $0xb8;
	[tilespmem:$0x12000] =	vst v63  }
0xbe: {  	s8 =	sld [smem:$0x7F5];
	s10 =	simm.s32 $0xD000  }
0xbf: {  	[tilespmem:s10], [sflag:$0x1] =	stream.indirect.gather [hbm4b:s2+s6], $0x10, s1, s6, $0xb8;
	[tilespmem:$0x12000] =	vst v63  }
0xc0: {  	s13 =	sld [smem:$0x7F6];
	s16 =	simm.s32 $0xD800  }
0xc1: {  	[tilespmem:s16], [sflag:$0x1] =	stream.indirect.gather [hbm4b:s2+s6], $0x10, s8, s6, $0xb8;
	[tilespmem:$0x12000] =	vst v63  }
0xc2: {  	s17 =	sld [smem:$0x7F7]  }
0xc3: {  	[tilespmem:s11], [sflag:$0x1] =	stream.indirect.gather [hbm4b:s2+s6], $0x10, s13, s6, $0xb8;
	[tilespmem:$0x12000] =	vst v63  }
0xc4: {  	s18 =	sld [smem:$0x7F8]  }
0xc5: {  	[tilespmem:s9], [sflag:$0x1] =	stream.indirect.gather [hbm4b:s2+s6], $0x10, s17, s6, $0xb8;
	[tilespmem:$0x12000] =	vst v63  }
0xc6: {  	s24 =	simm.s32 $0xF000;
	s19 =	sld [smem:$0x7F9]  }
0xc7: {  	[tilespmem:s24], [sflag:$0x1] =	stream.indirect.gather [hbm4b:s2+s6], $0x10, s18, s6, $0xb8;
	[tilespmem:$0x12000] =	vst v63  }
0xc8: {  	s25 =	sld [smem:$0x7FA]  }
0xc9: {  	[tilespmem:s31], [sflag:$0x1] =	stream.indirect.gather [hbm4b:s2+s6], $0x10, s19, s6, $0xb8;
	[tilespmem:$0x12000] =	vst v63  }
0xca: {  	s26 =	sld [smem:$0x7FB]  }
0xcb: {  	[tilespmem:s20], [sflag:$0x1] =	stream.indirect.gather [hbm4b:s2+s6], $0x10, s25, s6, $0xb8;
	[tilespmem:$0x12000] =	vst v63  }
0xcc: {  	s29 =	sld [smem:$0x7FC]  }
0xcd: {  	[tilespmem:s21], [sflag:$0x1] =	stream.indirect.gather [hbm4b:s2+s6], $0x10, s26, s6, $0xb8;
	[tilespmem:$0x12000] =	vst v63  }
0xce: {  	s30 =	sld [smem:$0x7FD]  }
0xcf: {  	[tilespmem:s22], [sflag:$0x1] =	stream.indirect.gather [hbm4b:s2+s6], $0x10, s29, s6, $0xb8;
	[tilespmem:$0x12000] =	vst v63  }
0xd0: {  	_ = 	snop  }
0xd1: {  	[tilespmem:s23], [sflag:$0x1] =	stream.indirect.gather [hbm4b:s2+s6], $0x10, s30, s6, $0xb8;
	[tilespmem:$0x12000] =	vst v63  }
0xd2: {  	p1 =	sne.s32 s28, $0x1;
	_ =	swait.ge [sflag:s12], $0x10000  }
.Ltmp1:
0xd3: {  	[sflag:s12] =	ssyncset.done $0x0;
	(pc) =	sbr.rel @!p1 .LBB2_6-.Ltmp1, $4  }
0xd4: {  	s3 =	simm.s32 $0x0;
	s31 =	rddreg [dreg:$0x5];
	[sflag:s12] =	ssyncadd.s32 $0xFFFF0000  }
0xd5: {  	[hbm4b:s31+s3] =	stream.linear.scatter [tilespmem:s5], [sflag:$0x2], $0x10000, $0x38;
	[tilespmem:$0x12000] =	vst v63  }
0xd6: {  	p0 =	por $0x1, $0x1;
	_ =	swait.ge [sflag:s4], $0x10000  }
0xd7: {  	s14 =	sadd.s32 $0xFFFFFFFF, s28;
	s15 =	rddreg [dreg:$0x3];
	[sflag:s4] =	ssyncset.done $0x0  }
0xd8: {  	s19 =	simm.s32 $0x2800;
	s7 =	simm.s32 $0x3000  }
0xd9: {  	s25 =	simm.s32 $0x3800;
	s26 =	simm.s32 $0x4000;
	s29 =	simm.s32 $0x4800  }
0xda: {  	s1 =	simm.s32 $0x5000;
	s17 =	simm.s32 $0x5800;
	s9 =	simm.s32 $0x7000  }
0xdb: {  	s8 =	simm.s32 $0x8000;
	s31 =	simm.s32 $0x9800;
	s21 =	simm.s32 $0xA000  }
0xdc: {  	s23 =	simm.s32 $0xA800;
	s24 =	simm.s32 $0xB000;
	s30 =	simm.s32 $0xC000  }
0xdd: {  	s28 =	simm.s32 $0xC800;
	s22 =	simm.s32 $0xD000;
	s20 =	simm.s32 $0xD800  }
0xde: {  	s11 =	simm.s32 $0x10800;
	s13 =	simm.s32 $0x11000;
	s18 =	simm.s32 $0x11800  }
.LBB2_3:
0xdf: {  	[sflag:s4] =	ssyncadd.s32 $0xFFFF0000  }
0xe0: {  	[tilespmem:s3], [sflag:$0x2] =	stream.linear.gather [hbm4b:s15+s3], $0x2000, $0x38;
	[tilespmem:$0x12000] =	vst v63  }
0xe1: {  	_ =	swait.ge [sflag:s4], $0x2000  }
0xe2: {  	[sflag:s4] =	ssyncset.done $0x0  }
0xe3: {  	[sflag:s4] =	ssyncadd.s32 $0xFFFFE000  }
0xe4: {  	[tilespmem:s5], [sflag:$0x1] =	stream.indirect.gather [hbm4b:s2+s6], $0x10, s3, s6, $0xb8;
	[tilespmem:$0x12000] =	vst v63  }
0xe5: {  	s16 =	rddreg [dreg:$0x7]  }
0xe6: {  	[tilespmem:s19], [sflag:$0x1] =	stream.indirect.gather [hbm4b:s2+s6], $0x10, s6, s6, $0xb8;
	[tilespmem:$0x12000] =	vst v63  }
0xe7: {  	s5 =	rddreg [dreg:$0x6]  }
0xe8: {  	[tilespmem:s7], [sflag:$0x1] =	stream.indirect.gather [hbm4b:s2+s6], $0x10, s5, s6, $0xb8;
	[tilespmem:$0x12000] =	vst v63  }
0xe9: {  	s10 =	rddreg [dreg:$0x8]  }
0xea: {  	[tilespmem:s25], [sflag:$0x1] =	stream.indirect.gather [hbm4b:s2+s6], $0x10, s16, s6, $0xb8;
	[tilespmem:$0x12000] =	vst v63  }
0xeb: {  	s12 =	rddreg [dreg:$0x9]  }
0xec: {  	[tilespmem:s26], [sflag:$0x1] =	stream.indirect.gather [hbm4b:s2+s6], $0x10, s10, s6, $0xb8;
	[tilespmem:$0x12000] =	vst v63  }
0xed: {  	s0 =	rddreg [dreg:$0xa]  }
0xee: {  	[tilespmem:s29], [sflag:$0x1] =	stream.indirect.gather [hbm4b:s2+s6], $0x10, s12, s6, $0xb8;
	[tilespmem:$0x12000] =	vst v63  }
0xef: {  	s15 =	rddreg [dreg:$0x12]  }
0xf0: {  	[tilespmem:s1], [sflag:$0x1] =	stream.indirect.gather [hbm4b:s2+s6], $0x10, s0, s6, $0xb8;
	[tilespmem:$0x12000] =	vst v63  }
0xf1: {  	s3 =	rddreg [dreg:$0xb]  }
0xf2: {  	[tilespmem:s17], [sflag:$0x1] =	stream.indirect.gather [hbm4b:s2+s6], $0x10, s3, s6, $0xb8;
	[tilespmem:$0x12000] =	vst v63  }
0xf3: {  	s4 =	rddreg [dreg:$0xc];
	s3 =	simm.s32 $0x6000  }
0xf4: {  	[tilespmem:s3], [sflag:$0x1] =	stream.indirect.gather [hbm4b:s2+s6], $0x10, s4, s6, $0xb8;
	[tilespmem:$0x12000] =	vst v63  }
0xf5: {  	s10 =	rddreg [dreg:$0xd];
	s0 =	simm.s32 $0x6800  }
0xf6: {  	[tilespmem:s0], [sflag:$0x1] =	stream.indirect.gather [hbm4b:s2+s6], $0x10, s10, s6, $0xb8;
	[tilespmem:$0x12000] =	vst v63  }
0xf7: {  	s12 =	rddreg [dreg:$0xe]  }
0xf8: {  	[tilespmem:s9], [sflag:$0x1] =	stream.indirect.gather [hbm4b:s2+s6], $0x10, s12, s6, $0xb8;
	[tilespmem:$0x12000] =	vst v63  }
0xf9: {  	s4 =	rddreg [dreg:$0xf];
	s12 =	simm.s32 $0x7800  }
0xfa: {  	[tilespmem:s12], [sflag:$0x1] =	stream.indirect.gather [hbm4b:s2+s6], $0x10, s4, s6, $0xb8;
	[tilespmem:$0x12000] =	vst v63  }
0xfb: {  	s10 =	rddreg [dreg:$0x10]  }
0xfc: {  	[tilespmem:s8], [sflag:$0x1] =	stream.indirect.gather [hbm4b:s2+s6], $0x10, s10, s6, $0xb8;
	[tilespmem:$0x12000] =	vst v63  }
0xfd: {  	s4 =	rddreg [dreg:$0x11];
	s10 =	simm.s32 $0x8800  }
0xfe: {  	[tilespmem:s10], [sflag:$0x1] =	stream.indirect.gather [hbm4b:s2+s6], $0x10, s4, s6, $0xb8;
	[tilespmem:$0x12000] =	vst v63  }
0xff: {  	s16 =	rddreg [dreg:$0x13];
	s12 =	simm.s32 $0x9000  }
0x100: {  	[tilespmem:s12], [sflag:$0x1] =	stream.indirect.gather [hbm4b:s2+s6], $0x10, s15, s6, $0xb8;
	[tilespmem:$0x12000] =	vst v63  }
0x101: {  	s10 =	rddreg [dreg:$0x14]  }
0x102: {  	[tilespmem:s31], [sflag:$0x1] =	stream.indirect.gather [hbm4b:s2+s6], $0x10, s16, s6, $0xb8;
	[tilespmem:$0x12000] =	vst v63  }
0x103: {  	s4 =	rddreg [dreg:$0x16]  }
0x104: {  	[tilespmem:s21], [sflag:$0x1] =	stream.indirect.gather [hbm4b:s2+s6], $0x10, s10, s6, $0xb8;
	[tilespmem:$0x12000] =	vst v63  }
0x105: {  	s12 =	rddreg [dreg:$0x15]  }
0x106: {  	[tilespmem:s23], [sflag:$0x1] =	stream.indirect.gather [hbm4b:s2+s6], $0x10, s12, s6, $0xb8;
	[tilespmem:$0x12000] =	vst v63  }
0x107: {  	s15 =	rddreg [dreg:$0x18]  }
0x108: {  	[tilespmem:s24], [sflag:$0x1] =	stream.indirect.gather [hbm4b:s2+s6], $0x10, s4, s6, $0xb8;
	[tilespmem:$0x12000] =	vst v63  }
0x109: {  	s10 =	rddreg [dreg:$0x17];
	s12 =	simm.s32 $0xB800  }
0x10a: {  	[tilespmem:s12], [sflag:$0x1] =	stream.indirect.gather [hbm4b:s2+s6], $0x10, s10, s6, $0xb8;
	[tilespmem:$0x12000] =	vst v63  }
0x10b: {  	s16 =	rddreg [dreg:$0x1d]  }
0x10c: {  	[tilespmem:s30], [sflag:$0x1] =	stream.indirect.gather [hbm4b:s2+s6], $0x10, s15, s6, $0xb8;
	[tilespmem:$0x12000] =	vst v63  }
0x10d: {  	s10 =	rddreg [dreg:$0x19]  }
0x10e: {  	[tilespmem:s28], [sflag:$0x1] =	stream.indirect.gather [hbm4b:s2+s6], $0x10, s10, s6, $0xb8;
	[tilespmem:$0x12000] =	vst v63  }
0x10f: {  	s15 =	rddreg [dreg:$0x1a]  }
0x110: {  	[tilespmem:s22], [sflag:$0x1] =	stream.indirect.gather [hbm4b:s2+s6], $0x10, s15, s6, $0xb8;
	[tilespmem:$0x12000] =	vst v63  }
0x111: {  	s10 =	rddreg [dreg:$0x1b]  }
0x112: {  	[tilespmem:s20], [sflag:$0x1] =	stream.indirect.gather [hbm4b:s2+s6], $0x10, s10, s6, $0xb8;
	[tilespmem:$0x12000] =	vst v63  }
0x113: {  	s15 =	rddreg [dreg:$0x1c];
	s10 =	simm.s32 $0xE000  }
0x114: {  	[tilespmem:s10], [sflag:$0x1] =	stream.indirect.gather [hbm4b:s2+s6], $0x10, s15, s6, $0xb8;
	[tilespmem:$0x12000] =	vst v63  }
0x115: {  	s15 =	rddreg [dreg:$0x1e];
	s10 =	simm.s32 $0xE800  }
0x116: {  	[tilespmem:s10], [sflag:$0x1] =	stream.indirect.gather [hbm4b:s2+s6], $0x10, s16, s6, $0xb8;
	[tilespmem:$0x12000] =	vst v63  }
0x117: {  	s16 =	rddreg [dreg:$0x1f];
	s10 =	simm.s32 $0xF000  }
0x118: {  	[tilespmem:s10], [sflag:$0x1] =	stream.indirect.gather [hbm4b:s2+s6], $0x10, s15, s6, $0xb8;
	[tilespmem:$0x12000] =	vst v63  }
0x119: {  	s15 =	sld [smem:$0x7DA];
	s10 =	simm.s32 $0xF800  }
0x11a: {  	[tilespmem:s10], [sflag:$0x1] =	stream.indirect.gather [hbm4b:s2+s6], $0x10, s16, s6, $0xb8;
	[tilespmem:$0x12000] =	vst v63  }
0x11b: {  	s16 =	sld [smem:$0x7DB];
	s10 =	simm.s32 $0x10000  }
0x11c: {  	[tilespmem:s10], [sflag:$0x1] =	stream.indirect.gather [hbm4b:s2+s6], $0x10, s15, s6, $0xb8;
	[tilespmem:$0x12000] =	vst v63  }
0x11d: {  	s15 =	sld [smem:$0x7DC]  }
0x11e: {  	[tilespmem:s11], [sflag:$0x1] =	stream.indirect.gather [hbm4b:s2+s6], $0x10, s16, s6, $0xb8;
	[tilespmem:$0x12000] =	vst v63  }
0x11f: {  	s16 =	sld [smem:$0x7DD]  }
0x120: {  	[tilespmem:s13], [sflag:$0x1] =	stream.indirect.gather [hbm4b:s2+s6], $0x10, s15, s6, $0xb8;
	[tilespmem:$0x12000] =	vst v63  }
0x121: {  	s4 =	simm.s32 $0x1  }
0x122: {  	[tilespmem:s18], [sflag:$0x1] =	stream.indirect.gather [hbm4b:s2+s6], $0x10, s16, s6, $0xb8;
	[tilespmem:$0x12000] =	vst v63  }
0x123: {  	_ =	swait.ge [sflag:s4], $0x10000  }
0x124: {  	s5 =	simm.s32 $0x2000;
	s16 =	simm.s32 $0x0;
	[sflag:s4] =	ssyncset.done $0x0  }
0x125: {  	s15 =	rddreg [dreg:$0x4];
	[sflag:s4] =	ssyncadd.s32 $0xFFFF0000;
	s4 =	simm.s32 $0x2  }
0x126: {  	[hbm4b:s15+s16] =	stream.linear.scatter [tilespmem:s5], [sflag:$0x2], $0x10000, $0x38;
	[tilespmem:$0x12000] =	vst v63  }
0x127: {  	_ =	swait.ge [sflag:s4], $0x10000  }
0x128: {  	s15 =	sld [smem:$0x7DE]  }
0x129: {  	[sflag:s4] =	ssyncset.done $0x0  }
0x12a: {  	s5 =	simm.s32 $0x2000;
	s16 =	sld [smem:$0x7DF];
	[sflag:s4] =	ssyncadd.s32 $0xFFFF0000  }
0x12b: {  	[tilespmem:s5], [sflag:$0x1] =	stream.indirect.gather [hbm4b:s2+s6], $0x10, s15, s6, $0xb8;
	[tilespmem:$0x12000] =	vst v63  }
0x12c: {  	s15 =	sld [smem:$0x7E0]  }
0x12d: {  	[tilespmem:s19], [sflag:$0x1] =	stream.indirect.gather [hbm4b:s2+s6], $0x10, s16, s6, $0xb8;
	[tilespmem:$0x12000] =	vst v63  }
0x12e: {  	s16 =	sld [smem:$0x7E1]  }
0x12f: {  	[tilespmem:s7], [sflag:$0x1] =	stream.indirect.gather [hbm4b:s2+s6], $0x10, s15, s6, $0xb8;
	[tilespmem:$0x12000] =	vst v63  }
0x130: {  	s15 =	sld [smem:$0x7E2]  }
0x131: {  	[tilespmem:s25], [sflag:$0x1] =	stream.indirect.gather [hbm4b:s2+s6], $0x10, s16, s6, $0xb8;
	[tilespmem:$0x12000] =	vst v63  }
0x132: {  	s16 =	sld [smem:$0x7E3]  }
0x133: {  	[tilespmem:s26], [sflag:$0x1] =	stream.indirect.gather [hbm4b:s2+s6], $0x10, s15, s6, $0xb8;
	[tilespmem:$0x12000] =	vst v63  }
0x134: {  	s15 =	sld [smem:$0x7E4]  }
0x135: {  	[tilespmem:s29], [sflag:$0x1] =	stream.indirect.gather [hbm4b:s2+s6], $0x10, s16, s6, $0xb8;
	[tilespmem:$0x12000] =	vst v63  }
0x136: {  	s16 =	sld [smem:$0x7E5]  }
0x137: {  	[tilespmem:s1], [sflag:$0x1] =	stream.indirect.gather [hbm4b:s2+s6], $0x10, s15, s6, $0xb8;
	[tilespmem:$0x12000] =	vst v63  }
0x138: {  	s15 =	sld [smem:$0x7E6]  }
0x139: {  	[tilespmem:s17], [sflag:$0x1] =	stream.indirect.gather [hbm4b:s2+s6], $0x10, s16, s6, $0xb8;
	[tilespmem:$0x12000] =	vst v63  }
0x13a: {  	s16 =	sld [smem:$0x7E7]  }
0x13b: {  	[tilespmem:s3], [sflag:$0x1] =	stream.indirect.gather [hbm4b:s2+s6], $0x10, s15, s6, $0xb8;
	[tilespmem:$0x12000] =	vst v63  }
0x13c: {  	s15 =	sld [smem:$0x7E8]  }
0x13d: {  	[tilespmem:s0], [sflag:$0x1] =	stream.indirect.gather [hbm4b:s2+s6], $0x10, s16, s6, $0xb8;
	[tilespmem:$0x12000] =	vst v63  }
0x13e: {  	s16 =	sld [smem:$0x7E9]  }
0x13f: {  	[tilespmem:s9], [sflag:$0x1] =	stream.indirect.gather [hbm4b:s2+s6], $0x10, s15, s6, $0xb8;
	[tilespmem:$0x12000] =	vst v63  }
0x140: {  	s0 =	simm.s32 $0x7800;
	s15 =	sld [smem:$0x7EA]  }
0x141: {  	[tilespmem:s0], [sflag:$0x1] =	stream.indirect.gather [hbm4b:s2+s6], $0x10, s16, s6, $0xb8;
	[tilespmem:$0x12000] =	vst v63  }
0x142: {  	s16 =	sld [smem:$0x7EB]  }
0x143: {  	[tilespmem:s8], [sflag:$0x1] =	stream.indirect.gather [hbm4b:s2+s6], $0x10, s15, s6, $0xb8;
	[tilespmem:$0x12000] =	vst v63  }
0x144: {  	s0 =	simm.s32 $0x8800;
	s15 =	sld [smem:$0x7EC]  }
0x145: {  	[tilespmem:s0], [sflag:$0x1] =	stream.indirect.gather [hbm4b:s2+s6], $0x10, s16, s6, $0xb8;
	[tilespmem:$0x12000] =	vst v63  }
0x146: {  	s16 =	sld [smem:$0x7ED];
	s0 =	simm.s32 $0x9000  }
0x147: {  	[tilespmem:s0], [sflag:$0x1] =	stream.indirect.gather [hbm4b:s2+s6], $0x10, s15, s6, $0xb8;
	[tilespmem:$0x12000] =	vst v63  }
0x148: {  	s15 =	sld [smem:$0x7EE]  }
0x149: {  	[tilespmem:s31], [sflag:$0x1] =	stream.indirect.gather [hbm4b:s2+s6], $0x10, s16, s6, $0xb8;
	[tilespmem:$0x12000] =	vst v63  }
0x14a: {  	s0 =	sld [smem:$0x7EF]  }
0x14b: {  	[tilespmem:s21], [sflag:$0x1] =	stream.indirect.gather [hbm4b:s2+s6], $0x10, s15, s6, $0xb8;
	[tilespmem:$0x12000] =	vst v63  }
0x14c: {  	s15 =	sld [smem:$0x7F0]  }
0x14d: {  	[tilespmem:s23], [sflag:$0x1] =	stream.indirect.gather [hbm4b:s2+s6], $0x10, s0, s6, $0xb8;
	[tilespmem:$0x12000] =	vst v63  }
0x14e: {  	s0 =	sld [smem:$0x7F1]  }
0x14f: {  	[tilespmem:s24], [sflag:$0x1] =	stream.indirect.gather [hbm4b:s2+s6], $0x10, s15, s6, $0xb8;
	[tilespmem:$0x12000] =	vst v63  }
0x150: {  	s15 =	sld [smem:$0x7F2]  }
0x151: {  	[tilespmem:s12], [sflag:$0x1] =	stream.indirect.gather [hbm4b:s2+s6], $0x10, s0, s6, $0xb8;
	[tilespmem:$0x12000] =	vst v63  }
0x152: {  	s0 =	sld [smem:$0x7F3]  }
0x153: {  	[tilespmem:s30], [sflag:$0x1] =	stream.indirect.gather [hbm4b:s2+s6], $0x10, s15, s6, $0xb8;
	[tilespmem:$0x12000] =	vst v63  }
0x154: {  	s15 =	sld [smem:$0x7F4]  }
0x155: {  	[tilespmem:s28], [sflag:$0x1] =	stream.indirect.gather [hbm4b:s2+s6], $0x10, s0, s6, $0xb8;
	[tilespmem:$0x12000] =	vst v63  }
0x156: {  	s0 =	sld [smem:$0x7F5]  }
0x157: {  	[tilespmem:s22], [sflag:$0x1] =	stream.indirect.gather [hbm4b:s2+s6], $0x10, s15, s6, $0xb8;
	[tilespmem:$0x12000] =	vst v63  }
0x158: {  	s15 =	sld [smem:$0x7F6]  }
0x159: {  	[tilespmem:s20], [sflag:$0x1] =	stream.indirect.gather [hbm4b:s2+s6], $0x10, s0, s6, $0xb8;
	[tilespmem:$0x12000] =	vst v63  }
0x15a: {  	s16 =	sld [smem:$0x7F7];
	s0 =	simm.s32 $0xE000  }
0x15b: {  	[tilespmem:s0], [sflag:$0x1] =	stream.indirect.gather [hbm4b:s2+s6], $0x10, s15, s6, $0xb8;
	[tilespmem:$0x12000] =	vst v63  }
0x15c: {  	s15 =	sld [smem:$0x7F8];
	s0 =	simm.s32 $0xE800  }
0x15d: {  	[tilespmem:s0], [sflag:$0x1] =	stream.indirect.gather [hbm4b:s2+s6], $0x10, s16, s6, $0xb8;
	[tilespmem:$0x12000] =	vst v63  }
0x15e: {  	s16 =	sld [smem:$0x7F9];
	s0 =	simm.s32 $0xF000  }
0x15f: {  	[tilespmem:s0], [sflag:$0x1] =	stream.indirect.gather [hbm4b:s2+s6], $0x10, s15, s6, $0xb8;
	[tilespmem:$0x12000] =	vst v63  }
0x160: {  	s15 =	sld [smem:$0x7FA];
	s0 =	simm.s32 $0xF800  }
0x161: {  	[tilespmem:s0], [sflag:$0x1] =	stream.indirect.gather [hbm4b:s2+s6], $0x10, s16, s6, $0xb8;
	[tilespmem:$0x12000] =	vst v63  }
0x162: {  	s16 =	sld [smem:$0x7FB]  }
0x163: {  	[tilespmem:s10], [sflag:$0x1] =	stream.indirect.gather [hbm4b:s2+s6], $0x10, s15, s6, $0xb8;
	[tilespmem:$0x12000] =	vst v63  }
0x164: {  	s0 =	sld [smem:$0x7FC]  }
0x165: {  	[tilespmem:s11], [sflag:$0x1] =	stream.indirect.gather [hbm4b:s2+s6], $0x10, s16, s6, $0xb8;
	[tilespmem:$0x12000] =	vst v63  }
0x166: {  	s10 =	sld [smem:$0x7FD]  }
0x167: {  	[tilespmem:s13], [sflag:$0x1] =	stream.indirect.gather [hbm4b:s2+s6], $0x10, s0, s6, $0xb8;
	[tilespmem:$0x12000] =	vst v63  }
0x168: {  	s12 =	simm.s32 $0x1  }
0x169: {  	[tilespmem:s18], [sflag:$0x1] =	stream.indirect.gather [hbm4b:s2+s6], $0x10, s10, s6, $0xb8;
	[tilespmem:$0x12000] =	vst v63  }
0x16a: {  	p1 =	sne.s32 s14, $0x1;
	_ =	swait.ge [sflag:s12], $0x10000  }
.Ltmp2:
0x16b: {  	[sflag:s12] =	ssyncset.done $0x0;
	(pc) =	sbr.rel @p1 .LBB2_3-.Ltmp2, $4  }
0x16c: {  	s3 =	simm.s32 $0x0;
	s16 =	rddreg [dreg:$0x5];
	[sflag:s12] =	ssyncadd.s32 $0xFFFF0000  }
0x16d: {  	[hbm4b:s16+s3] =	stream.linear.scatter [tilespmem:s5], [sflag:$0x2], $0x10000, $0x38;
	[tilespmem:$0x12000] =	vst v63  }
0x16e: {  	_ =	swait.ge [sflag:s4], $0x10000  }
0x16f: {  	s14 =	sadd.s32 $0xFFFFFFFF, s14;
	s15 =	rddreg [dreg:$0x3];
	[sflag:s4] =	ssyncset.done $0x0  }
0x170: {  	s16 =	simm.s32 $0x7800  }
0x171: {  	s31 =	simm.s32 $0xF800;
	s8 =	simm.s32 $0x8800;
	s9 =	simm.s32 $0xE800  }
0x172: {  	s10 =	simm.s32 $0x9000;
	s11 =	simm.s32 $0xE000;
	s13 =	simm.s32 $0x9800  }
.LBB2_5:
0x173: {  	[sflag:s4] =	ssyncadd.s32 @p0 $0xFFFF0000  }
0x174: {  	[tilespmem:s3], [sflag:$0x2] =	stream.linear.gather [hbm4b:s15+s3], $0x2000, $0x38;
	[tilespmem:$0x12000] =	vst v63  }
0x175: {  	_ =	swait.ge [sflag:s4], $0x2000  }
0x176: {  	[sflag:s4] =	ssyncset.done $0x0  }
0x177: {  	[sflag:s4] =	ssyncadd.s32 $0xFFFFE000  }
0x178: {  	[tilespmem:s5], [sflag:$0x1] =	stream.indirect.gather [hbm4b:s2+s6], $0x10, s3, s6, $0xb8;
	[tilespmem:$0x12000] =	vst v63  }
0x179: {  	s17 =	simm.s32 $0x2800;
	s14 =	rddreg [dreg:$0x6]  }
0x17a: {  	[tilespmem:s17], [sflag:$0x1] =	stream.indirect.gather [hbm4b:s2+s6], $0x10, s6, s6, $0xb8;
	[tilespmem:$0x12000] =	vst v63  }
0x17b: {  	s18 =	simm.s32 $0x3000;
	s23 =	rddreg [dreg:$0x7]  }
0x17c: {  	[tilespmem:s18], [sflag:$0x1] =	stream.indirect.gather [hbm4b:s2+s6], $0x10, s14, s6, $0xb8;
	[tilespmem:$0x12000] =	vst v63  }
0x17d: {  	s19 =	simm.s32 $0x3800;
	s24 =	rddreg [dreg:$0x8]  }
0x17e: {  	[tilespmem:s19], [sflag:$0x1] =	stream.indirect.gather [hbm4b:s2+s6], $0x10, s23, s6, $0xb8;
	[tilespmem:$0x12000] =	vst v63  }
0x17f: {  	s20 =	simm.s32 $0x4000;
	s25 =	rddreg [dreg:$0x9]  }
0x180: {  	[tilespmem:s20], [sflag:$0x1] =	stream.indirect.gather [hbm4b:s2+s6], $0x10, s24, s6, $0xb8;
	[tilespmem:$0x12000] =	vst v63  }
0x181: {  	s21 =	simm.s32 $0x4800;
	s26 =	rddreg [dreg:$0xa]  }
0x182: {  	[tilespmem:s21], [sflag:$0x1] =	stream.indirect.gather [hbm4b:s2+s6], $0x10, s25, s6, $0xb8;
	[tilespmem:$0x12000] =	vst v63  }
0x183: {  	s22 =	simm.s32 $0x5000;
	s28 =	rddreg [dreg:$0xb]  }
0x184: {  	[tilespmem:s22], [sflag:$0x1] =	stream.indirect.gather [hbm4b:s2+s6], $0x10, s26, s6, $0xb8;
	[tilespmem:$0x12000] =	vst v63  }
0x185: {  	s29 =	rddreg [dreg:$0xc];
	s23 =	simm.s32 $0x5800  }
0x186: {  	[tilespmem:s23], [sflag:$0x1] =	stream.indirect.gather [hbm4b:s2+s6], $0x10, s28, s6, $0xb8;
	[tilespmem:$0x12000] =	vst v63  }
0x187: {  	s30 =	rddreg [dreg:$0xd];
	s24 =	simm.s32 $0x6000  }
0x188: {  	[tilespmem:s24], [sflag:$0x1] =	stream.indirect.gather [hbm4b:s2+s6], $0x10, s29, s6, $0xb8;
	[tilespmem:$0x12000] =	vst v63  }
0x189: {  	s0 =	rddreg [dreg:$0xe];
	s28 =	simm.s32 $0x6800  }
0x18a: {  	[tilespmem:s28], [sflag:$0x1] =	stream.indirect.gather [hbm4b:s2+s6], $0x10, s30, s6, $0xb8;
	[tilespmem:$0x12000] =	vst v63  }
0x18b: {  	s1 =	rddreg [dreg:$0xf];
	s30 =	simm.s32 $0x7000  }
0x18c: {  	[tilespmem:s30], [sflag:$0x1] =	stream.indirect.gather [hbm4b:s2+s6], $0x10, s0, s6, $0xb8;
	[tilespmem:$0x12000] =	vst v63  }
0x18d: {  	s7 =	rddreg [dreg:$0x10]  }
0x18e: {  	[tilespmem:s16], [sflag:$0x1] =	stream.indirect.gather [hbm4b:s2+s6], $0x10, s1, s6, $0xb8;
	[tilespmem:$0x12000] =	vst v63  }
0x18f: {  	s25 =	rddreg [dreg:$0x12];
	s0 =	simm.s32 $0x8000  }
0x190: {  	[tilespmem:s0], [sflag:$0x1] =	stream.indirect.gather [hbm4b:s2+s6], $0x10, s7, s6, $0xb8;
	[tilespmem:$0x12000] =	vst v63  }
0x191: {  	s16 =	rddreg [dreg:$0x11]  }
0x192: {  	[tilespmem:s8], [sflag:$0x1] =	stream.indirect.gather [hbm4b:s2+s6], $0x10, s16, s6, $0xb8;
	[tilespmem:$0x12000] =	vst v63  }
0x193: {  	s26 =	rddreg [dreg:$0x13]  }
0x194: {  	[tilespmem:s10], [sflag:$0x1] =	stream.indirect.gather [hbm4b:s2+s6], $0x10, s25, s6, $0xb8;
	[tilespmem:$0x12000] =	vst v63  }
0x195: {  	s29 =	rddreg [dreg:$0x14]  }
0x196: {  	[tilespmem:s13], [sflag:$0x1] =	stream.indirect.gather [hbm4b:s2+s6], $0x10, s26, s6, $0xb8;
	[tilespmem:$0x12000] =	vst v63  }
0x197: {  	s1 =	simm.s32 $0xA000;
	s7 =	rddreg [dreg:$0x15]  }
0x198: {  	[tilespmem:s1], [sflag:$0x1] =	stream.indirect.gather [hbm4b:s2+s6], $0x10, s29, s6, $0xb8;
	[tilespmem:$0x12000] =	vst v63  }
0x199: {  	s16 =	rddreg [dreg:$0x16];
	s25 =	simm.s32 $0xA800  }
0x19a: {  	[tilespmem:s25], [sflag:$0x1] =	stream.indirect.gather [hbm4b:s2+s6], $0x10, s7, s6, $0xb8;
	[tilespmem:$0x12000] =	vst v63  }
0x19b: {  	s26 =	rddreg [dreg:$0x17];
	s29 =	simm.s32 $0xB000  }
0x19c: {  	[tilespmem:s29], [sflag:$0x1] =	stream.indirect.gather [hbm4b:s2+s6], $0x10, s16, s6, $0xb8;
	[tilespmem:$0x12000] =	vst v63  }
0x19d: {  	s1 =	rddreg [dreg:$0x18];
	s7 =	simm.s32 $0xB800  }
0x19e: {  	[tilespmem:s7], [sflag:$0x1] =	stream.indirect.gather [hbm4b:s2+s6], $0x10, s26, s6, $0xb8;
	[tilespmem:$0x12000] =	vst v63  }
0x19f: {  	s25 =	simm.s32 $0xC000;
	s16 =	rddreg [dreg:$0x19]  }
0x1a0: {  	[tilespmem:s25], [sflag:$0x1] =	stream.indirect.gather [hbm4b:s2+s6], $0x10, s1, s6, $0xb8;
	[tilespmem:$0x12000] =	vst v63  }
0x1a1: {  	s29 =	simm.s32 $0xC800;
	s26 =	rddreg [dreg:$0x1a]  }
0x1a2: {  	[tilespmem:s29], [sflag:$0x1] =	stream.indirect.gather [hbm4b:s2+s6], $0x10, s16, s6, $0xb8;
	[tilespmem:$0x12000] =	vst v63  }
0x1a3: {  	s25 =	simm.s32 $0xD000;
	s1 =	rddreg [dreg:$0x1d]  }
0x1a4: {  	[tilespmem:s25], [sflag:$0x1] =	stream.indirect.gather [hbm4b:s2+s6], $0x10, s26, s6, $0xb8;
	[tilespmem:$0x12000] =	vst v63  }
0x1a5: {  	s16 =	rddreg [dreg:$0x1b];
	s29 =	simm.s32 $0xD800  }
0x1a6: {  	[tilespmem:s29], [sflag:$0x1] =	stream.indirect.gather [hbm4b:s2+s6], $0x10, s16, s6, $0xb8;
	[tilespmem:$0x12000] =	vst v63  }
0x1a7: {  	s26 =	rddreg [dreg:$0x1c]  }
0x1a8: {  	[tilespmem:s11], [sflag:$0x1] =	stream.indirect.gather [hbm4b:s2+s6], $0x10, s26, s6, $0xb8;
	[tilespmem:$0x12000] =	vst v63  }
0x1a9: {  	s25 =	rddreg [dreg:$0x1f]  }
0x1aa: {  	[tilespmem:s9], [sflag:$0x1] =	stream.indirect.gather [hbm4b:s2+s6], $0x10, s1, s6, $0xb8;
	[tilespmem:$0x12000] =	vst v63  }
0x1ab: {  	s16 =	rddreg [dreg:$0x1e];
	s26 =	simm.s32 $0xF000  }
0x1ac: {  	[tilespmem:s26], [sflag:$0x1] =	stream.indirect.gather [hbm4b:s2+s6], $0x10, s16, s6, $0xb8;
	[tilespmem:$0x12000] =	vst v63  }
0x1ad: {  	s29 =	sld [smem:$0x7DA]  }
0x1ae: {  	[tilespmem:s31], [sflag:$0x1] =	stream.indirect.gather [hbm4b:s2+s6], $0x10, s25, s6, $0xb8;
	[tilespmem:$0x12000] =	vst v63  }
0x1af: {  	s16 =	simm.s32 $0x10000;
	s25 =	sld [smem:$0x7DB]  }
0x1b0: {  	[tilespmem:s16], [sflag:$0x1] =	stream.indirect.gather [hbm4b:s2+s6], $0x10, s29, s6, $0xb8;
	[tilespmem:$0x12000] =	vst v63  }
0x1b1: {  	s26 =	sld [smem:$0x7DC];
	s29 =	simm.s32 $0x10800  }
0x1b2: {  	[tilespmem:s29], [sflag:$0x1] =	stream.indirect.gather [hbm4b:s2+s6], $0x10, s25, s6, $0xb8;
	[tilespmem:$0x12000] =	vst v63  }
0x1b3: {  	s15 =	sld [smem:$0x7DD];
	s25 =	simm.s32 $0x11000  }
0x1b4: {  	[tilespmem:s25], [sflag:$0x1] =	stream.indirect.gather [hbm4b:s2+s6], $0x10, s26, s6, $0xb8;
	[tilespmem:$0x12000] =	vst v63  }
0x1b5: {  	s26 =	simm.s32 $0x11800  }
0x1b6: {  	[tilespmem:s26], [sflag:$0x1] =	stream.indirect.gather [hbm4b:s2+s6], $0x10, s15, s6, $0xb8;
	[tilespmem:$0x12000] =	vst v63  }
0x1b7: {  	_ =	swait.ge [sflag:s12], $0x10000  }
0x1b8: {  	[sflag:s12] =	ssyncset.done $0x0  }
0x1b9: {  	s15 =	rddreg [dreg:$0x4];
	[sflag:s12] =	ssyncadd.s32 $0xFFFF0000  }
0x1ba: {  	[hbm4b:s15+s3] =	stream.linear.scatter [tilespmem:s5], [sflag:$0x2], $0x10000, $0x38;
	[tilespmem:$0x12000] =	vst v63  }
0x1bb: {  	_ =	swait.ge [sflag:s4], $0x10000  }
0x1bc: {  	s14 =	sld [smem:$0x7DE]  }
0x1bd: {  	[sflag:s4] =	ssyncset.done $0x0  }
0x1be: {  	s15 =	sld [smem:$0x7DF];
	[sflag:s4] =	ssyncadd.s32 $0xFFFF0000  }
0x1bf: {  	[tilespmem:s5], [sflag:$0x1] =	stream.indirect.gather [hbm4b:s2+s6], $0x10, s14, s6, $0xb8;
	[tilespmem:$0x12000] =	vst v63  }
0x1c0: {  	s14 =	sld [smem:$0x7E0]  }
0x1c1: {  	[tilespmem:s17], [sflag:$0x1] =	stream.indirect.gather [hbm4b:s2+s6], $0x10, s15, s6, $0xb8;
	[tilespmem:$0x12000] =	vst v63  }
0x1c2: {  	s15 =	sld [smem:$0x7E1]  }
0x1c3: {  	[tilespmem:s18], [sflag:$0x1] =	stream.indirect.gather [hbm4b:s2+s6], $0x10, s14, s6, $0xb8;
	[tilespmem:$0x12000] =	vst v63  }
0x1c4: {  	s17 =	sld [smem:$0x7E2]  }
0x1c5: {  	[tilespmem:s19], [sflag:$0x1] =	stream.indirect.gather [hbm4b:s2+s6], $0x10, s15, s6, $0xb8;
	[tilespmem:$0x12000] =	vst v63  }
0x1c6: {  	s18 =	sld [smem:$0x7E3]  }
0x1c7: {  	[tilespmem:s20], [sflag:$0x1] =	stream.indirect.gather [hbm4b:s2+s6], $0x10, s17, s6, $0xb8;
	[tilespmem:$0x12000] =	vst v63  }
0x1c8: {  	s19 =	sld [smem:$0x7E4]  }
0x1c9: {  	[tilespmem:s21], [sflag:$0x1] =	stream.indirect.gather [hbm4b:s2+s6], $0x10, s18, s6, $0xb8;
	[tilespmem:$0x12000] =	vst v63  }
0x1ca: {  	s20 =	sld [smem:$0x7E5]  }
0x1cb: {  	[tilespmem:s22], [sflag:$0x1] =	stream.indirect.gather [hbm4b:s2+s6], $0x10, s19, s6, $0xb8;
	[tilespmem:$0x12000] =	vst v63  }
0x1cc: {  	s21 =	sld [smem:$0x7E6]  }
0x1cd: {  	[tilespmem:s23], [sflag:$0x1] =	stream.indirect.gather [hbm4b:s2+s6], $0x10, s20, s6, $0xb8;
	[tilespmem:$0x12000] =	vst v63  }
0x1ce: {  	s22 =	sld [smem:$0x7E7]  }
0x1cf: {  	[tilespmem:s24], [sflag:$0x1] =	stream.indirect.gather [hbm4b:s2+s6], $0x10, s21, s6, $0xb8;
	[tilespmem:$0x12000] =	vst v63  }
0x1d0: {  	s23 =	sld [smem:$0x7E8]  }
0x1d1: {  	[tilespmem:s28], [sflag:$0x1] =	stream.indirect.gather [hbm4b:s2+s6], $0x10, s22, s6, $0xb8;
	[tilespmem:$0x12000] =	vst v63  }
0x1d2: {  	s24 =	sld [smem:$0x7E9]  }
0x1d3: {  	[tilespmem:s30], [sflag:$0x1] =	stream.indirect.gather [hbm4b:s2+s6], $0x10, s23, s6, $0xb8;
	[tilespmem:$0x12000] =	vst v63  }
0x1d4: {  	s1 =	simm.s32 $0x7800;
	s28 =	sld [smem:$0x7EA]  }
0x1d5: {  	[tilespmem:s1], [sflag:$0x1] =	stream.indirect.gather [hbm4b:s2+s6], $0x10, s24, s6, $0xb8;
	[tilespmem:$0x12000] =	vst v63  }
0x1d6: {  	s30 =	sld [smem:$0x7EB]  }
0x1d7: {  	[tilespmem:s0], [sflag:$0x1] =	stream.indirect.gather [hbm4b:s2+s6], $0x10, s28, s6, $0xb8;
	[tilespmem:$0x12000] =	vst v63  }
0x1d8: {  	s1 =	sld [smem:$0x7EC]  }
0x1d9: {  	[tilespmem:s8], [sflag:$0x1] =	stream.indirect.gather [hbm4b:s2+s6], $0x10, s30, s6, $0xb8;
	[tilespmem:$0x12000] =	vst v63  }
0x1da: {  	s17 =	sld [smem:$0x7ED]  }
0x1db: {  	[tilespmem:s10], [sflag:$0x1] =	stream.indirect.gather [hbm4b:s2+s6], $0x10, s1, s6, $0xb8;
	[tilespmem:$0x12000] =	vst v63  }
0x1dc: {  	s18 =	sld [smem:$0x7EE]  }
0x1dd: {  	[tilespmem:s13], [sflag:$0x1] =	stream.indirect.gather [hbm4b:s2+s6], $0x10, s17, s6, $0xb8;
	[tilespmem:$0x12000] =	vst v63  }
0x1de: {  	s19 =	sld [smem:$0x7EF];
	s20 =	simm.s32 $0xA000  }
0x1df: {  	[tilespmem:s20], [sflag:$0x1] =	stream.indirect.gather [hbm4b:s2+s6], $0x10, s18, s6, $0xb8;
	[tilespmem:$0x12000] =	vst v63  }
0x1e0: {  	s21 =	sld [smem:$0x7F0];
	s22 =	simm.s32 $0xA800  }
0x1e1: {  	[tilespmem:s22], [sflag:$0x1] =	stream.indirect.gather [hbm4b:s2+s6], $0x10, s19, s6, $0xb8;
	[tilespmem:$0x12000] =	vst v63  }
0x1e2: {  	s23 =	sld [smem:$0x7F1];
	s24 =	simm.s32 $0xB000  }
0x1e3: {  	[tilespmem:s24], [sflag:$0x1] =	stream.indirect.gather [hbm4b:s2+s6], $0x10, s21, s6, $0xb8;
	[tilespmem:$0x12000] =	vst v63  }
0x1e4: {  	s28 =	sld [smem:$0x7F2]  }
0x1e5: {  	[tilespmem:s7], [sflag:$0x1] =	stream.indirect.gather [hbm4b:s2+s6], $0x10, s23, s6, $0xb8;
	[tilespmem:$0x12000] =	vst v63  }
0x1e6: {  	s30 =	sld [smem:$0x7F3];
	s7 =	simm.s32 $0xC000  }
0x1e7: {  	[tilespmem:s7], [sflag:$0x1] =	stream.indirect.gather [hbm4b:s2+s6], $0x10, s28, s6, $0xb8;
	[tilespmem:$0x12000] =	vst v63  }
0x1e8: {  	s10 =	sld [smem:$0x7F4];
	s13 =	simm.s32 $0xC800  }
0x1e9: {  	[tilespmem:s13], [sflag:$0x1] =	stream.indirect.gather [hbm4b:s2+s6], $0x10, s30, s6, $0xb8;
	[tilespmem:$0x12000] =	vst v63  }
0x1ea: {  	s14 =	sld [smem:$0x7F5];
	s15 =	simm.s32 $0xD000  }
0x1eb: {  	[tilespmem:s15], [sflag:$0x1] =	stream.indirect.gather [hbm4b:s2+s6], $0x10, s10, s6, $0xb8;
	[tilespmem:$0x12000] =	vst v63  }
0x1ec: {  	s17 =	sld [smem:$0x7F6];
	s18 =	simm.s32 $0xD800  }
0x1ed: {  	[tilespmem:s18], [sflag:$0x1] =	stream.indirect.gather [hbm4b:s2+s6], $0x10, s14, s6, $0xb8;
	[tilespmem:$0x12000] =	vst v63  }
0x1ee: {  	s19 =	sld [smem:$0x7F7]  }
0x1ef: {  	[tilespmem:s11], [sflag:$0x1] =	stream.indirect.gather [hbm4b:s2+s6], $0x10, s17, s6, $0xb8;
	[tilespmem:$0x12000] =	vst v63  }
0x1f0: {  	s20 =	sld [smem:$0x7F8]  }
0x1f1: {  	[tilespmem:s9], [sflag:$0x1] =	stream.indirect.gather [hbm4b:s2+s6], $0x10, s19, s6, $0xb8;
	[tilespmem:$0x12000] =	vst v63  }
0x1f2: {  	s22 =	simm.s32 $0xF000;
	s21 =	sld [smem:$0x7F9]  }
0x1f3: {  	[tilespmem:s22], [sflag:$0x1] =	stream.indirect.gather [hbm4b:s2+s6], $0x10, s20, s6, $0xb8;
	[tilespmem:$0x12000] =	vst v63  }
0x1f4: {  	s23 =	sld [smem:$0x7FA]  }
0x1f5: {  	[tilespmem:s31], [sflag:$0x1] =	stream.indirect.gather [hbm4b:s2+s6], $0x10, s21, s6, $0xb8;
	[tilespmem:$0x12000] =	vst v63  }
0x1f6: {  	s24 =	sld [smem:$0x7FB]  }
0x1f7: {  	[tilespmem:s16], [sflag:$0x1] =	stream.indirect.gather [hbm4b:s2+s6], $0x10, s23, s6, $0xb8;
	[tilespmem:$0x12000] =	vst v63  }
0x1f8: {  	s28 =	sld [smem:$0x7FC]  }
0x1f9: {  	[tilespmem:s29], [sflag:$0x1] =	stream.indirect.gather [hbm4b:s2+s6], $0x10, s24, s6, $0xb8;
	[tilespmem:$0x12000] =	vst v63  }
0x1fa: {  	s29 =	sld [smem:$0x7FD]  }
0x1fb: {  	[tilespmem:s25], [sflag:$0x1] =	stream.indirect.gather [hbm4b:s2+s6], $0x10, s28, s6, $0xb8;
	[tilespmem:$0x12000] =	vst v63  }
0x1fc: {  	_ = 	snop  }
0x1fd: {  	[tilespmem:s26], [sflag:$0x1] =	stream.indirect.gather [hbm4b:s2+s6], $0x10, s29, s6, $0xb8;
	[tilespmem:$0x12000] =	vst v63  }
0x1fe: {  	_ =	swait.ge [sflag:s12], $0x10000  }
0x1ff: {  	[sflag:s12] =	ssyncset.done $0x0  }
0x200: {  	s30 =	rddreg [dreg:$0x5];
	[sflag:s12] =	ssyncadd.s32 $0xFFFF0000  }
0x201: {  	[hbm4b:s30+s3] =	stream.linear.scatter [tilespmem:s5], [sflag:$0x2], $0x10000, $0x38;
	[tilespmem:$0x12000] =	vst v63  }
0x202: {  	_ =	swait.ge [sflag:s4], $0x10000  }
0x203: {  	[sflag:s4] =	ssyncset.done $0x0  }
0x204: {  	[sflag:s4] =	ssyncadd.s32 $0xFFFF0000  }
0x205: {  	_ =	sfence.sel $0x180000  }
0x206: {  	[bflag:$0x0] =	sbarrier.arrive $0xFFFF  }
0x207: {  	_ =	strace $0x90000047  }
0x208: {  	s31 =	stileid.u32;
	[bflag:$0x2] =	sbarrier.arrive $0xFFFF  }
0x209: {  	p0 =	sne.s32 s31, $0x0;
	s0 =	rddreg [dreg:$0x2]  }
0x20a: {  	s0 =	sadd.s32 @!p0 $0x100000, s0  }
0x20b: {  	[sflag:s0] =	ssyncadd.tile.s32 @!p0 $0x1;
	_ =	shalt  }
.LBB2_6:
.Ltmp3:
0x20c: {  	(pc) =	sbr.rel .LBB2_5-.Ltmp3, $4  }
0x20d: {  	_ = 	snop  }
0x20e: {  	s16 =	simm.s32 $0x7800  }
0x20f: {  	s31 =	simm.s32 $0xF800;
	s8 =	simm.s32 $0x8800;
	s9 =	simm.s32 $0xE800  }
0x210: {  	s10 =	simm.s32 $0x9000;
	s11 =	simm.s32 $0xE000;
	s13 =	simm.s32 $0x9800  }
.Lfunc_end2:
_tile_overlayer_lowered:
.L_overlay_start_2:
0x211: {  	(tag) =	ssettag $0x2  }
0x212: {  	s0 =	rddreg [dreg:$0x0];
	s2 =	stileid.u32  }
0x213: {  	s1 =	rddreg [dreg:$0x1];
	p0 =	sne.s32 s2, $0x0  }
0x214: {  	s3 =	rddreg [dreg:$0x2];
	[bflag:$0x3] =	sbarrier.arrive $0xFFFF;
	s2 =	simm.s32 @!p0 $0x1C02  }
0x215: {  	[timem:s3], [sflag:s2] =	dma.local @!p0 [hbm:s0], s1  }
0x216: {  	s0 =	simm.s32 @!p0 $0x2  }
0x217: {  	_ =	swait.ge @!p0 [sflag:s0], s1  }
0x218: {  	s1 =	ssub.s32 @!p0 $0x0, s1;
	[sflag:s0] =	ssyncset.done @!p0 $0x0  }
0x219: {  	[sflag:s0] =	ssyncadd.s32 @!p0 s1  }
0x21a: {  	[bflag:$0x3] =	sbarrier.arrive $0xFFFF  }
0x21b: {  	_ =	shalt  }

// kernel: kernel.25.cloned.1.call-start
scs
__scs_entry_jumppad:
0x0: {  	(pc) =	sbr.rel $0x88, $3  }
0x1: {  	(tag) =	ssettag $0x0;
	lr =	simm.s32 $0x1  }
0x2: {  	[smem:$0x3F8C] =	sst lr;
	_ =	strace $0xD0000000  }
0x3: {  	_ = 	snop  }
0x4: {  	_ = 	snop  }
0x5: {  	_ = 	snop  }
0x6: {  	_ = 	snop  }
0x7: {  	_ = 	snop  }
__scs_overlays_trampoline_lowered:
0x8: {  	[smem:$0x3F9B] =	sst s0  }
0x9: {  	[smem:$0x3F9C] =	sst s1  }
0xa: {  	[smem:$0x3F9D] =	sst s2  }
0xb: {  	[smem:$0x3F9E] =	sst s3  }
0xc: {  	[smem:$0x3F9F] =	sst s4  }
0xd: {  	[smem:$0x3FA0] =	sst s5  }
0xe: {  	[smem:$0x3FA1] =	sst s6  }
0xf: {  	[smem:$0x3FA2] =	sst s7  }
0x10: {  	[smem:$0x3FA3] =	sst s8  }
0x11: {  	[smem:$0x3FA4] =	sst s9;
	s0 =	simm.s32 @!p0 $0x0  }
0x12: {  	s1 =	sld [smem:$0x3F8A];
	s0 =	simm.s32 @p0 $0x1  }
0x13: {  	[smem:$0x3FA5] =	sst s0;
	s0 =	simm.s32 @!p1 $0x0  }
0x14: {  	s2 =	sld [smem:$0x3F89];
	s0 =	simm.s32 @p1 $0x1  }
0x15: {  	[smem:$0x3FA6] =	sst s0;
	s0 =	simm.s32 @!p2 $0x0  }
0x16: {  	s3 =	sld [smem:$0x3FDB];
	s0 =	simm.s32 @p2 $0x1  }
0x17: {  	s4 =	simm.s32 $0x1BF5;
	[smem:$0x3FA8] =	sst s0  }
0x18: {  	s0 =	sld [smem:$0x3F8B];
	_ =	swait.ge [sflag:s4], $0x0  }
0x19: {  	s7 =	sld [smem:$0x3F8C]  }
0x1a: {  	s8 =	sadd.s32 $0xFFFFE003, lr  }
0x1b: {  	s9 =	sadd.s32 $0xFFFFFEF7, lr;
	s5 =	simm.s32 $0xFFFFFFFF;
	p2 =	slt.u32 s8, $0xFFFFF086  }
0x1c: {  	p1 =	slt.u32 s9, $0xF7A;
	s5 =	simm.s32 @!p2 $0x0  }
0x1d: {  	s5 =	simm.s32 @p1 $0x1;
	p0 =	seq.s32 s7, s2  }
0x1e: {  	s7 =	smul.u32 @!p0 $0xF7A, s2;
	p2 =	seq.s32 @!p0 s5, $0x0  }
0x1f: {  	s9 =	smul.u32 $0xF7A, s1;
	s8 =	simm.s32 @!p0 $0x1BF5;
	p2 =	por !p2, p0  }
0x20: {  	[sflag:s8] =	ssyncset.s32 @!p0 $0xFFFFF086;
	s6 =	sadd.s32 @!p0 s3, s7;
	s7 =	simm.s32 @!p0 $0x108  }
0x21: {  	s3 =	sadd.s32 s3, s9;
	s6 =	sadd.s32 @!p0 $0x88, s6;
	s7 =	simm.s32 @p2 $0x1082  }
0x22: {  	[simem:s7], [sflag:s8] =	dma.local @!p0 [hbm:s6], $0xF7A  }
0x23: {  	s9 =	sor.u32 $0xD0000000, s2;
	s6 =	simm.s32 $0x108;
	_ =	swait.ge @!p0 [sflag:s8], $0x0  }
0x24: {  	s3 =	sadd.s32 $0x88, s3;
	s6 =	simm.s32 @!p1 $0x1082;
	[sflag:s4] =	ssyncset.s32 $0xFFFFF086  }
0x25: {  	[simem:s6], [sflag:s4] =	dma.local [hbm:s3], $0xF7A  }
0x26: {  	[smem:$0x3F8C] =	sst s1;
	(tag) =	ssettag s2;
	_ =	strace s9  }
0x27: {  	s1 =	sld [smem:$0x3F9C]  }
0x28: {  	s2 =	sld [smem:$0x3F9D]  }
0x29: {  	s4 =	sld [smem:$0x3F9F]  }
0x2a: {  	p0 =	seq.s32 s5, $0x0;
	s5 =	sld [smem:$0x3FA0]  }
0x2b: {  	s6 =	sld [smem:$0x3FA1]  }
0x2c: {  	s7 =	sld [smem:$0x3FA2]  }
0x2d: {  	s3 =	simm.s32 $0x108;
	s8 =	sld [smem:$0x3FA3]  }
0x2e: {  	s3 =	simm.s32 @!p0 $0x1082;
	s9 =	sld [smem:$0x3FA4]  }
0x2f: {  	lr =	sadd.s32 s0, s3;
	s0 =	sld [smem:$0x3F9B]  }
0x30: {  	s3 =	sld [smem:$0x3F9E]  }
0x31: {  	[smem:$0x3FA7] =	sst s10  }
0x32: {  	s10 =	sld [smem:$0x3FA5];
	_ =	sdelay $0x3  }
0x33: {  	p0 =	seq.s32 s10, $0x1;
	s10 =	sld [smem:$0x3FA7];
	_ =	sdelay $0x3  }
0x34: {  	[smem:$0x3FA7] =	sst s10  }
0x35: {  	s10 =	sld [smem:$0x3FA6];
	_ =	sdelay $0x3  }
0x36: {  	p1 =	seq.s32 s10, $0x1;
	s10 =	sld [smem:$0x3FA7];
	_ =	sdelay $0x3  }
0x37: {  	[smem:$0x3FA7] =	sst s10  }
0x38: {  	s10 =	sld [smem:$0x3FA8]  }
0x39: {  	_ = 	snop;
	(pc) =	sbr.ind lr, $3  }
0x3a: {  	_ = 	snop  }
0x3b: {  	_ = 	snop  }
0x3c: {  	p2 =	seq.s32 s10, $0x1;
	s10 =	sld [smem:$0x3FA7]  }
0x3d: {  	_ =	shalt  }
0x3e: {  	_ =	shalt  }
0x3f: {  	_ =	shalt  }
0x40: {  	_ =	shalt  }
0x41: {  	_ =	shalt  }
0x42: {  	_ =	shalt  }
0x43: {  	_ =	shalt  }
0x44: {  	_ =	shalt  }
0x45: {  	_ =	shalt  }
0x46: {  	_ =	shalt  }
0x47: {  	_ =	shalt  }
0x48: {  	_ =	shalt  }
0x49: {  	_ =	shalt  }
0x4a: {  	_ =	shalt  }
0x4b: {  	_ =	shalt  }
0x4c: {  	_ =	shalt  }
0x4d: {  	_ =	shalt  }
0x4e: {  	_ =	shalt  }
0x4f: {  	_ =	shalt  }
0x50: {  	_ =	shalt  }
0x51: {  	_ =	shalt  }
0x52: {  	_ =	shalt  }
0x53: {  	_ =	shalt  }
0x54: {  	_ =	shalt  }
0x55: {  	_ =	shalt  }
0x56: {  	_ =	shalt  }
0x57: {  	_ =	shalt  }
0x58: {  	_ =	shalt  }
0x59: {  	_ =	shalt  }
0x5a: {  	_ =	shalt  }
0x5b: {  	_ =	shalt  }
0x5c: {  	_ =	shalt  }
0x5d: {  	_ =	shalt  }
0x5e: {  	_ =	shalt  }
0x5f: {  	_ =	shalt  }
0x60: {  	_ =	shalt  }
0x61: {  	_ =	shalt  }
0x62: {  	_ =	shalt  }
0x63: {  	_ =	shalt  }
0x64: {  	_ =	shalt  }
0x65: {  	_ =	shalt  }
0x66: {  	_ =	shalt  }
0x67: {  	_ =	shalt  }
0x68: {  	_ =	shalt  }
0x69: {  	_ =	shalt  }
0x6a: {  	_ =	shalt  }
0x6b: {  	_ =	shalt  }
0x6c: {  	_ =	shalt  }
0x6d: {  	_ =	shalt  }
0x6e: {  	_ =	shalt  }
0x6f: {  	_ =	shalt  }
0x70: {  	_ =	shalt  }
0x71: {  	_ =	shalt  }
0x72: {  	_ =	shalt  }
0x73: {  	_ =	shalt  }
0x74: {  	_ =	shalt  }
0x75: {  	_ =	shalt  }
0x76: {  	_ =	shalt  }
0x77: {  	_ =	shalt  }
0x78: {  	_ =	shalt  }
0x79: {  	_ =	shalt  }
0x7a: {  	_ =	shalt  }
0x7b: {  	_ =	shalt  }
0x7c: {  	_ =	shalt  }
0x7d: {  	_ =	shalt  }
0x7e: {  	_ =	shalt  }
0x7f: {  	_ =	shalt  }
0x80: {  	_ =	shalt  }
0x81: {  	_ =	shalt  }
0x82: {  	_ =	shalt  }
0x83: {  	_ =	shalt  }
0x84: {  	_ =	shalt  }
0x85: {  	_ =	shalt  }
0x86: {  	_ =	shalt  }
0x87: {  	_ =	shalt  }
.Lfunc_end0:
.L_simem_size_0:
called_computation.1_lowered:
.L_overlay_start_0:
0x88: {  	s2 =	sld [smem:$0x3FD9]  }
0x89: {  	s3 =	sld [smem:$0x3FFE];
	_ =	sdelay $0x1  }
0x8a: {  	s1 =	srdreg.scid  }
0x8b: {  	s0 =	sand.u32 $0x1, s1  }
0x8c: {  	s14 =	sshll.u32 s0, $0xA;
	s2 =	sadd.s32 s3, s2  }
0x8d: {  	s2 =	sadd.s32 s2, s14  }
0x8e: {  	[smem:$0x3FB3] =	sst s2  }
0x8f: {  	_ = 	snop  }
0x90: {  	s2 =	sld [smem:$0x3FD0];
	_ =	sdelay $0x2  }
0x91: {  	s15 =	simm.s32 $0xA;
	s4 =	simm.s32 $0x10  }
0x92: {  	[smem:s4], [sflag:s15] =	dma.local [hbm:s2], $0x1  }
0x93: {  	_ =	swait.eq [sflag:s15], $0x1  }
0x94: {  	[sflag:s15] =	ssyncset.done $0x0  }
0x95: {  	[sflag:s15] =	ssyncadd.s32 $0xFFFFFFFF  }
0x96: {  	s16 =	sld [smem:$0x11];
	(tm) =	ssettm $0x1  }
0x97: {  	s17 =	sld [smem:$0x3FFB];
	_ =	sdelay $0x3  }
0x98: {  	_ =	strace s17  }
0x99: {  	s3 =	sld [smem:$0x3FFC];
	_ =	sdelay $0x3  }
0x9a: {  	_ =	strace s3  }
0x9b: {  	s3 =	sld [smem:$0x3FFD];
	_ =	sdelay $0x3  }
0x9c: {  	_ =	strace s3  }
0x9d: {  	_ =	strace $0x8FFFFFFF  }
0x9e: {  	s18 =	sld [smem:$0x3FDB];
	_ =	sdelay $0x1  }
0x9f: {  	s19 =	simm.s32 $_scs_section_size  }
0xa0: {  	s5 =	simm.s32 $_size__tile_overlayer_lowered;
	s6 =	simm.s32 $_tile_overlayer_lowered  }
0xa1: {  	s22 =	simm.s32 $0x1BFF;
	s21 =	sshll.u32 s6, $0x1;
	s3 =	sadd.s32 s19, s18  }
0xa2: {  	s7 =	simm.s32 $0x0;
	s20 =	sshll.u32 s5, $0x1;
	s5 =	sadd.s32 s21, s3  }
0xa3: {  	[timem:s7], [sflag:s22] =	dma.local [hbm:s5], s20  }
0xa4: {  	_ =	swait.ge [sflag:s22], s20  }
0xa5: {  	s4 =	ssub.s32 $0x0, s20;
	[sflag:s22] =	ssyncset.done $0x0  }
0xa6: {  	[sflag:s22] =	ssyncadd.s32 s4;
	_ =	sdelay $0x1  }
0xa7: {  	s23 =	simm.s32 $0x1B8B  }
0xa8: {  	_ =	swait.ge [sflag:s23], $0x1  }
0xa9: {  	[sflag:s23] =	ssyncset.done $0x0  }
0xaa: {  	s25 =	simm.s32 $0x1B8E;
	s24 =	sld [smem:$0x3FFE];
	[sflag:s23] =	ssyncadd.s32 $0xFFFFFFFF  }
0xab: {  	s26 =	simm.s32 $execute0_lowered;
	[smem:$0x3FD2] =	sst s25  }
0xac: {  	s5 =	sshll.u32 s26, $0x1;
	_ =	strace $0x80000049;
	[dreg:$0x1] =	wrdreg $0xFFFFFFFF  }
0xad: {  	s28 =	simm.s32 $_size_execute0_lowered;
	s3 =	sadd.s32 s3, s5;
	[dreg:$0x0] =	wrdreg $0x0  }
0xae: {  	s5 =	sshll.u32 s28, $0x1;
	[dreg:$0x2] =	wrdreg s3  }
0xaf: {  	[dreg:$0x3] =	wrdreg s5  }
0xb0: {  	[dreg:$0x4] =	wrdreg $0xC0  }
0xb1: {  	_ =	task [dreg:s7], $0x5FFFF  }
0xb2: {  	[dreg:$0x1] =	wrdreg $0xFFFFFFFF  }
0xb3: {  	[dreg:$0x0] =	wrdreg $0x60  }
0xb4: {  	[dreg:$0x2] =	wrdreg s24  }
0xb5: {  	[dreg:$0x3] =	wrdreg s16  }
0xb6: {  	[dreg:$0x4] =	wrdreg $0x9  }
0xb7: {  	_ =	task.clear_ibuf [dreg:s7], $0x5FFFF;
	_ =	strace $0x90000049  }
0xb8: {  	s29 =	simm.s32 $0x9;
	_ =	strace $0x8000004B  }
0xb9: {  	_ =	swait.ge [sflag:s29], $0x1  }
0xba: {  	[sflag:s29] =	ssyncadd.s32 $0xFFFFFFFF  }
0xbb: {  	_ =	strace $0x9000004B  }
0xbc: {  	_ =	sfence  }
0xbd: {  	s30 =	sld [smem:$0x0];
	_ =	sdelay $0x2  }
0xbe: {  	s31 =	sshll.u32 s1, $0xD;
	s1 =	sshrl.u32 s1, $0x2  }
0xbf: {  	s3 =	sand.u32 $0x4000, s31;
	s1 =	sadd.s32 s1, s30  }
0xc0: {  	s0 =	sor.u32 s3, s0;
	s1 =	sshll.u32 s1, $0x11  }
0xc1: {  	s0 =	sor.u32 s1, s0  }
0xc2: {  	s0 =	sadd.s32 $0x8F2B, s0  }
0xc3: {  	[sflag:s0] =	ssyncadd.remote.s32 $0x1  }
0xc4: {  	_ =	sfence.sel $0xFFFF  }
0xc5: {  	[dreg:$0x0] =	wrdreg $0xFFFFFFFF;
	(pc) =	sbr.abs _section_cstart, $3  }
0xc6: {  	[dreg:$0x1] =	wrdreg $0xFFFFFFFF  }
0xc7: {  	_ =	task.clear_ibuf [dreg:s7], $0x2FFFF;
	_ =	strace $0x9FFFFFFF  }
0xc8: {  	(tm) =	ssettm $0x7FFFFFFF  }
0xc9: {  	_ =	shalt  }
tec
execute0_lowered:
.L_overlay_start_1:
0x0: {  	(tag) =	ssettag $0x1  }
0x1: {  	s1 =	srdreg.scid;
	s2 =	rddreg [dreg:$0x0]  }
0x2: {  	s0 =	stileid.u32;
	s4 =	rddreg [dreg:$0x1];
	s3 =	simm.s32 $0x0  }
0x3: {  	s21 =	simm.s32 $0x1800;
	s22 =	simm.s32 $0x100;
	s24 =	simm.s32 $0x2800  }
0x4: {  	s25 =	simm.s32 $0x180;
	s26 =	simm.s32 $0x3800;
	s7 =	simm.s32 $0x200  }
0x5: {  	s10 =	simm.s32 $0x300;
	s11 =	simm.s32 $0x6800;
	s12 =	simm.s32 $0x380  }
0x6: {  	s13 =	simm.s32 $0x7800;
	s14 =	simm.s32 $0x400;
	s15 =	simm.s32 $0x8800  }
0x7: {  	s16 =	simm.s32 $0x480;
	s17 =	simm.s32 $0x9800;
	s18 =	simm.s32 $0x500  }
0x8: {  	s19 =	simm.s32 $0xA800;
	p0 =	por $0x0, $0x0;
	[smem:$0x7FF] =	sst s3  }
0x9: {  	s28 =	simm.s32 $0x700;
	_ =	strace $0x8000004A;
	[dreg:$0x5] =	wrdreg s21  }
0xa: {  	s29 =	simm.s32 $0xE800;
	s30 =	simm.s32 $0x780;
	[dreg:$0x6] =	wrdreg s22  }
0xb: {  	s31 =	simm.s32 $0xF800;
	s1 =	sand.u32 $0x1, s1;
	[dreg:$0x7] =	wrdreg s24  }
0xc: {  	s6 =	sshll.u32 s1, $0xB;
	s1 =	ssub.s32 $0x2, s1;
	[dreg:$0x8] =	wrdreg s25  }
0xd: {  	s5 =	sshll.u32 s0, $0xC;
	[dreg:$0x9] =	wrdreg s26;
	s23 =	sshrl.u32 s1, $0x1  }
0xe: {  	[dreg:$0xa] =	wrdreg s7;
	s21 =	simm.s32 $0xB800;
	s1 =	ssub.s32 s1, s23  }
0xf: {  	s22 =	simm.s32 $0x600;
	s24 =	simm.s32 $0x680;
	s1 =	smax.u32 s1, $0x1  }
0x10: {  	s26 =	simm.s32 $0xD800;
	s5 =	sor.u32 s6, s5;
	p1 =	sne.s32 s1, $0x1  }
.Ltmp0:
0x11: {  	s6 =	sshll.u32 s5, $0x2;
	s5 =	sshrl.u32 s5, $0x3;
	(pc) =	sbr.rel @!p1 .LBB2_3-.Ltmp0, $4  }
0x12: {  	s25 =	simm.s32 $0x1;
	s23 =	simm.s32 $0xC800;
	s4 =	sadd.s32 s4, s5  }
0x13: {  	s6 =	sadd.s32 s6, s2;
	s5 =	simm.s32 $0x800;
	[dreg:$0x3] =	wrdreg s4  }
0x14: {  	s20 =	sadd.s32 $0x10000, s6;
	s4 =	simm.s32 $0x2;
	s6 =	simm.s32 $0x80  }
0x15: {  	s7 =	sadd.s32 $0xFFFFFFFF, s1;
	[dreg:$0x4] =	wrdreg s20;
	s20 =	simm.s32 $0x580  }
0x16: {  	s0 =	rddreg [dreg:$0x3]  }
0x17: {  	[tilespmem:s3], [sflag:$0x2] =	stream.linear.gather [hbm4b:s0+s3], $0x800, $0x38;
	[tilespmem:$0x10800] =	vst v63  }
0x18: {  	_ =	swait.ge [sflag:s4], $0x800  }
0x19: {  	s9 =	rddreg [dreg:$0x6]  }
0x1a: {  	s1 =	rddreg [dreg:$0x5]  }
0x1b: {  	s0 =	rddreg [dreg:$0x7]  }
0x1c: {  	[sflag:s4] =	ssyncset.done $0x0;
	[dreg:$0xb] =	wrdreg s9  }
0x1d: {  	[sflag:s4] =	ssyncadd.s32 $0xFFFFF800;
	s9 =	rddreg [dreg:$0x9]  }
0x1e: {  	[tilespmem:s5], [sflag:$0x1] =	stream.indirect.gather [hbm4b:s2+s6], $0x20, s3, s6, $0xb8;
	[tilespmem:$0x10800] =	vst v63  }
0x1f: {  	[dreg:$0xc] =	wrdreg s9  }
0x20: {  	s9 =	rddreg [dreg:$0xb]  }
0x21: {  	[tilespmem:s1], [sflag:$0x1] =	stream.indirect.gather [hbm4b:s2+s6], $0x20, s6, s6, $0xb8;
	[tilespmem:$0x10800] =	vst v63  }
0x22: {  	s1 =	rddreg [dreg:$0x8]  }
0x23: {  	[tilespmem:s0], [sflag:$0x1] =	stream.indirect.gather [hbm4b:s2+s6], $0x20, s9, s6, $0xb8;
	[tilespmem:$0x10800] =	vst v63  }
0x24: {  	s9 =	rddreg [dreg:$0xc]  }
0x25: {  	[tilespmem:s9], [sflag:$0x1] =	stream.indirect.gather [hbm4b:s2+s6], $0x20, s1, s6, $0xb8;
	[tilespmem:$0x10800] =	vst v63  }
0x26: {  	s8 =	simm.s32 $0x4800;
	s0 =	rddreg [dreg:$0xa]  }
0x27: {  	[tilespmem:s8], [sflag:$0x1] =	stream.indirect.gather [hbm4b:s2+s6], $0x20, s0, s6, $0xb8;
	[tilespmem:$0x10800] =	vst v63  }
0x28: {  	s1 =	simm.s32 $0x280;
	s8 =	simm.s32 $0x5800  }
0x29: {  	[tilespmem:s8], [sflag:$0x1] =	stream.indirect.gather [hbm4b:s2+s6], $0x20, s1, s6, $0xb8;
	[tilespmem:$0x10800] =	vst v63  }
0x2a: {  	_ = 	snop  }
0x2b: {  	[tilespmem:s11], [sflag:$0x1] =	stream.indirect.gather [hbm4b:s2+s6], $0x20, s10, s6, $0xb8;
	[tilespmem:$0x10800] =	vst v63  }
0x2c: {  	_ = 	snop  }
0x2d: {  	[tilespmem:s13], [sflag:$0x1] =	stream.indirect.gather [hbm4b:s2+s6], $0x20, s12, s6, $0xb8;
	[tilespmem:$0x10800] =	vst v63  }
0x2e: {  	_ = 	snop  }
0x2f: {  	[tilespmem:s15], [sflag:$0x1] =	stream.indirect.gather [hbm4b:s2+s6], $0x20, s14, s6, $0xb8;
	[tilespmem:$0x10800] =	vst v63  }
0x30: {  	_ = 	snop  }
0x31: {  	[tilespmem:s17], [sflag:$0x1] =	stream.indirect.gather [hbm4b:s2+s6], $0x20, s16, s6, $0xb8;
	[tilespmem:$0x10800] =	vst v63  }
0x32: {  	_ = 	snop  }
0x33: {  	[tilespmem:s19], [sflag:$0x1] =	stream.indirect.gather [hbm4b:s2+s6], $0x20, s18, s6, $0xb8;
	[tilespmem:$0x10800] =	vst v63  }
0x34: {  	_ = 	snop  }
0x35: {  	[tilespmem:s21], [sflag:$0x1] =	stream.indirect.gather [hbm4b:s2+s6], $0x20, s20, s6, $0xb8;
	[tilespmem:$0x10800] =	vst v63  }
0x36: {  	_ = 	snop  }
0x37: {  	[tilespmem:s23], [sflag:$0x1] =	stream.indirect.gather [hbm4b:s2+s6], $0x20, s22, s6, $0xb8;
	[tilespmem:$0x10800] =	vst v63  }
0x38: {  	_ = 	snop  }
0x39: {  	[tilespmem:s26], [sflag:$0x1] =	stream.indirect.gather [hbm4b:s2+s6], $0x20, s24, s6, $0xb8;
	[tilespmem:$0x10800] =	vst v63  }
0x3a: {  	_ = 	snop  }
0x3b: {  	[tilespmem:s29], [sflag:$0x1] =	stream.indirect.gather [hbm4b:s2+s6], $0x20, s28, s6, $0xb8;
	[tilespmem:$0x10800] =	vst v63  }
0x3c: {  	p1 =	sne.s32 s7, $0x1  }
0x3d: {  	[tilespmem:s31], [sflag:$0x1] =	stream.indirect.gather [hbm4b:s2+s6], $0x20, s30, s6, $0xb8;
	[tilespmem:$0x10800] =	vst v63  }
.Ltmp1:
0x3e: {  	_ = 	snop;
	(pc) =	sbr.rel @!p1 .LBB2_3-.Ltmp1, $4  }
0x3f: {  	_ =	swait.ge [sflag:s25], $0x10000  }
0x40: {  	p0 =	por $0x1, $0x1;
	[sflag:s25] =	ssyncset.done $0x0  }
0x41: {  	s1 =	sadd.s32 $0xFFFFFFFF, s7;
	s9 =	rddreg [dreg:$0x4];
	[sflag:s25] =	ssyncadd.s32 $0xFFFF0000  }
0x42: {  	[hbm4b:s9+s3] =	stream.linear.scatter [tilespmem:s5], [sflag:$0x2], $0x10000, $0x38;
	[tilespmem:$0x10800] =	vst v63  }
.LBB2_2:
0x43: {  	_ =	swait.ge [sflag:s4], $0x10000  }
0x44: {  	[sflag:s4] =	ssyncset.done $0x0  }
0x45: {  	s0 =	rddreg [dreg:$0x3];
	[sflag:s4] =	ssyncadd.s32 $0xFFFF0000  }
0x46: {  	[tilespmem:s3], [sflag:$0x2] =	stream.linear.gather [hbm4b:s0+s3], $0x800, $0x38;
	[tilespmem:$0x10800] =	vst v63  }
0x47: {  	_ =	swait.ge [sflag:s4], $0x800  }
0x48: {  	s0 =	rddreg [dreg:$0x6];
	[sflag:s4] =	ssyncset.done $0x0  }
0x49: {  	s7 =	rddreg [dreg:$0x5];
	[sflag:s4] =	ssyncadd.s32 $0xFFFFF800  }
0x4a: {  	[tilespmem:s5], [sflag:$0x1] =	stream.indirect.gather [hbm4b:s2+s6], $0x20, s3, s6, $0xb8;
	[tilespmem:$0x10800] =	vst v63  }
0x4b: {  	s8 =	rddreg [dreg:$0x7]  }
0x4c: {  	[tilespmem:s7], [sflag:$0x1] =	stream.indirect.gather [hbm4b:s2+s6], $0x20, s6, s6, $0xb8;
	[tilespmem:$0x10800] =	vst v63  }
0x4d: {  	s9 =	rddreg [dreg:$0x9]  }
0x4e: {  	[tilespmem:s8], [sflag:$0x1] =	stream.indirect.gather [hbm4b:s2+s6], $0x20, s0, s6, $0xb8;
	[tilespmem:$0x10800] =	vst v63  }
0x4f: {  	s7 =	rddreg [dreg:$0x8]  }
0x50: {  	[tilespmem:s9], [sflag:$0x1] =	stream.indirect.gather [hbm4b:s2+s6], $0x20, s7, s6, $0xb8;
	[tilespmem:$0x10800] =	vst v63  }
0x51: {  	s0 =	rddreg [dreg:$0xa];
	s7 =	simm.s32 $0x4800  }
0x52: {  	[tilespmem:s7], [sflag:$0x1] =	stream.indirect.gather [hbm4b:s2+s6], $0x20, s0, s6, $0xb8;
	[tilespmem:$0x10800] =	vst v63  }
0x53: {  	s8 =	simm.s32 $0x280;
	s9 =	simm.s32 $0x5800  }
0x54: {  	[tilespmem:s9], [sflag:$0x1] =	stream.indirect.gather [hbm4b:s2+s6], $0x20, s8, s6, $0xb8;
	[tilespmem:$0x10800] =	vst v63  }
0x55: {  	_ = 	snop  }
0x56: {  	[tilespmem:s11], [sflag:$0x1] =	stream.indirect.gather [hbm4b:s2+s6], $0x20, s10, s6, $0xb8;
	[tilespmem:$0x10800] =	vst v63  }
0x57: {  	_ = 	snop  }
0x58: {  	[tilespmem:s13], [sflag:$0x1] =	stream.indirect.gather [hbm4b:s2+s6], $0x20, s12, s6, $0xb8;
	[tilespmem:$0x10800] =	vst v63  }
0x59: {  	_ = 	snop  }
0x5a: {  	[tilespmem:s15], [sflag:$0x1] =	stream.indirect.gather [hbm4b:s2+s6], $0x20, s14, s6, $0xb8;
	[tilespmem:$0x10800] =	vst v63  }
0x5b: {  	_ = 	snop  }
0x5c: {  	[tilespmem:s17], [sflag:$0x1] =	stream.indirect.gather [hbm4b:s2+s6], $0x20, s16, s6, $0xb8;
	[tilespmem:$0x10800] =	vst v63  }
0x5d: {  	_ = 	snop  }
0x5e: {  	[tilespmem:s19], [sflag:$0x1] =	stream.indirect.gather [hbm4b:s2+s6], $0x20, s18, s6, $0xb8;
	[tilespmem:$0x10800] =	vst v63  }
0x5f: {  	_ = 	snop  }
0x60: {  	[tilespmem:s21], [sflag:$0x1] =	stream.indirect.gather [hbm4b:s2+s6], $0x20, s20, s6, $0xb8;
	[tilespmem:$0x10800] =	vst v63  }
0x61: {  	_ = 	snop  }
0x62: {  	[tilespmem:s23], [sflag:$0x1] =	stream.indirect.gather [hbm4b:s2+s6], $0x20, s22, s6, $0xb8;
	[tilespmem:$0x10800] =	vst v63  }
0x63: {  	_ = 	snop  }
0x64: {  	[tilespmem:s26], [sflag:$0x1] =	stream.indirect.gather [hbm4b:s2+s6], $0x20, s24, s6, $0xb8;
	[tilespmem:$0x10800] =	vst v63  }
0x65: {  	_ = 	snop  }
0x66: {  	[tilespmem:s29], [sflag:$0x1] =	stream.indirect.gather [hbm4b:s2+s6], $0x20, s28, s6, $0xb8;
	[tilespmem:$0x10800] =	vst v63  }
0x67: {  	p1 =	sne.s32 s1, $0x1  }
0x68: {  	[tilespmem:s31], [sflag:$0x1] =	stream.indirect.gather [hbm4b:s2+s6], $0x20, s30, s6, $0xb8;
	[tilespmem:$0x10800] =	vst v63  }
.Ltmp2:
0x69: {  	_ = 	snop;
	(pc) =	sbr.rel @p1 .LBB2_2-.Ltmp2, $4  }
0x6a: {  	_ =	swait.ge [sflag:s25], $0x10000  }
0x6b: {  	[sflag:s25] =	ssyncset.done $0x0  }
0x6c: {  	s1 =	sadd.s32 $0xFFFFFFFF, s1;
	s9 =	rddreg [dreg:$0x4];
	[sflag:s25] =	ssyncadd.s32 $0xFFFF0000  }
0x6d: {  	[hbm4b:s9+s3] =	stream.linear.scatter [tilespmem:s5], [sflag:$0x2], $0x10000, $0x38;
	[tilespmem:$0x10800] =	vst v63  }
.LBB2_3:
0x6e: {  	_ =	swait.ge @p0 [sflag:s4], $0x10000  }
0x6f: {  	[sflag:s4] =	ssyncset.done @p0 $0x0  }
0x70: {  	s0 =	rddreg [dreg:$0x3];
	[sflag:s4] =	ssyncadd.s32 @p0 $0xFFFF0000  }
0x71: {  	[tilespmem:s3], [sflag:$0x2] =	stream.linear.gather [hbm4b:s0+s3], $0x800, $0x38;
	[tilespmem:$0x10800] =	vst v63  }
0x72: {  	_ =	swait.ge [sflag:s4], $0x800  }
0x73: {  	[sflag:s4] =	ssyncset.done $0x0;
	s9 =	rddreg [dreg:$0x5]  }
0x74: {  	s0 =	rddreg [dreg:$0x6];
	[sflag:s4] =	ssyncadd.s32 $0xFFFFF800  }
0x75: {  	[tilespmem:s5], [sflag:$0x1] =	stream.indirect.gather [hbm4b:s2+s6], $0x20, s3, s6, $0xb8;
	[tilespmem:$0x10800] =	vst v63  }
0x76: {  	s1 =	rddreg [dreg:$0x7]  }
0x77: {  	[tilespmem:s9], [sflag:$0x1] =	stream.indirect.gather [hbm4b:s2+s6], $0x20, s6, s6, $0xb8;
	[tilespmem:$0x10800] =	vst v63  }
0x78: {  	s7 =	rddreg [dreg:$0x9]  }
0x79: {  	[tilespmem:s1], [sflag:$0x1] =	stream.indirect.gather [hbm4b:s2+s6], $0x20, s0, s6, $0xb8;
	[tilespmem:$0x10800] =	vst v63  }
0x7a: {  	s8 =	rddreg [dreg:$0x8]  }
0x7b: {  	[tilespmem:s7], [sflag:$0x1] =	stream.indirect.gather [hbm4b:s2+s6], $0x20, s8, s6, $0xb8;
	[tilespmem:$0x10800] =	vst v63  }
0x7c: {  	s9 =	simm.s32 $0x4800;
	s1 =	rddreg [dreg:$0xa]  }
0x7d: {  	[tilespmem:s9], [sflag:$0x1] =	stream.indirect.gather [hbm4b:s2+s6], $0x20, s1, s6, $0xb8;
	[tilespmem:$0x10800] =	vst v63  }
0x7e: {  	s8 =	simm.s32 $0x5800;
	s9 =	simm.s32 $0x280  }
0x7f: {  	[tilespmem:s8], [sflag:$0x1] =	stream.indirect.gather [hbm4b:s2+s6], $0x20, s9, s6, $0xb8;
	[tilespmem:$0x10800] =	vst v63  }
0x80: {  	_ = 	snop  }
0x81: {  	[tilespmem:s11], [sflag:$0x1] =	stream.indirect.gather [hbm4b:s2+s6], $0x20, s10, s6, $0xb8;
	[tilespmem:$0x10800] =	vst v63  }
0x82: {  	_ = 	snop  }
0x83: {  	[tilespmem:s13], [sflag:$0x1] =	stream.indirect.gather [hbm4b:s2+s6], $0x20, s12, s6, $0xb8;
	[tilespmem:$0x10800] =	vst v63  }
0x84: {  	_ = 	snop  }
0x85: {  	[tilespmem:s15], [sflag:$0x1] =	stream.indirect.gather [hbm4b:s2+s6], $0x20, s14, s6, $0xb8;
	[tilespmem:$0x10800] =	vst v63  }
0x86: {  	_ = 	snop  }
0x87: {  	[tilespmem:s17], [sflag:$0x1] =	stream.indirect.gather [hbm4b:s2+s6], $0x20, s16, s6, $0xb8;
	[tilespmem:$0x10800] =	vst v63  }
0x88: {  	_ = 	snop  }
0x89: {  	[tilespmem:s19], [sflag:$0x1] =	stream.indirect.gather [hbm4b:s2+s6], $0x20, s18, s6, $0xb8;
	[tilespmem:$0x10800] =	vst v63  }
0x8a: {  	_ = 	snop  }
0x8b: {  	[tilespmem:s21], [sflag:$0x1] =	stream.indirect.gather [hbm4b:s2+s6], $0x20, s20, s6, $0xb8;
	[tilespmem:$0x10800] =	vst v63  }
0x8c: {  	_ = 	snop  }
0x8d: {  	[tilespmem:s23], [sflag:$0x1] =	stream.indirect.gather [hbm4b:s2+s6], $0x20, s22, s6, $0xb8;
	[tilespmem:$0x10800] =	vst v63  }
0x8e: {  	_ = 	snop  }
0x8f: {  	[tilespmem:s26], [sflag:$0x1] =	stream.indirect.gather [hbm4b:s2+s6], $0x20, s24, s6, $0xb8;
	[tilespmem:$0x10800] =	vst v63  }
0x90: {  	_ = 	snop  }
0x91: {  	[tilespmem:s29], [sflag:$0x1] =	stream.indirect.gather [hbm4b:s2+s6], $0x20, s28, s6, $0xb8;
	[tilespmem:$0x10800] =	vst v63  }
0x92: {  	_ = 	snop  }
0x93: {  	[tilespmem:s31], [sflag:$0x1] =	stream.indirect.gather [hbm4b:s2+s6], $0x20, s30, s6, $0xb8;
	[tilespmem:$0x10800] =	vst v63  }
0x94: {  	_ =	swait.ge [sflag:s25], $0x10000  }
0x95: {  	[sflag:s25] =	ssyncset.done $0x0  }
0x96: {  	s30 =	rddreg [dreg:$0x4];
	[sflag:s25] =	ssyncadd.s32 $0xFFFF0000  }
0x97: {  	[hbm4b:s30+s3] =	stream.linear.scatter [tilespmem:s5], [sflag:$0x2], $0x10000, $0x38;
	[tilespmem:$0x10800] =	vst v63  }
0x98: {  	_ =	swait.ge [sflag:s4], $0x10000  }
0x99: {  	[sflag:s4] =	ssyncset.done $0x0  }
0x9a: {  	[sflag:s4] =	ssyncadd.s32 $0xFFFF0000  }
0x9b: {  	_ =	sfence.sel $0x180000  }
0x9c: {  	[bflag:$0x0] =	sbarrier.arrive $0xFFFF  }
0x9d: {  	_ =	strace $0x9000004A  }
0x9e: {  	s31 =	stileid.u32;
	[bflag:$0x2] =	sbarrier.arrive $0xFFFF  }
0x9f: {  	p0 =	sne.s32 s31, $0x0;
	s0 =	rddreg [dreg:$0x2]  }
0xa0: {  	s0 =	sadd.s32 @!p0 $0x100000, s0  }
0xa1: {  	[sflag:s0] =	ssyncadd.tile.s32 @!p0 $0x1;
	_ =	shalt  }
.Lfunc_end2:
_tile_overlayer_lowered:
.L_overlay_start_2:
0xa2: {  	(tag) =	ssettag $0x2  }
0xa3: {  	s0 =	rddreg [dreg:$0x0];
	s2 =	stileid.u32  }
0xa4: {  	s1 =	rddreg [dreg:$0x1];
	p0 =	sne.s32 s2, $0x0  }
0xa5: {  	s3 =	rddreg [dreg:$0x2];
	[bflag:$0x3] =	sbarrier.arrive $0xFFFF;
	s2 =	simm.s32 @!p0 $0x1C02  }
0xa6: {  	[timem:s3], [sflag:s2] =	dma.local @!p0 [hbm:s0], s1  }
0xa7: {  	s0 =	simm.s32 @!p0 $0x2  }
0xa8: {  	_ =	swait.ge @!p0 [sflag:s0], s1  }
0xa9: {  	s1 =	ssub.s32 @!p0 $0x0, s1;
	[sflag:s0] =	ssyncset.done @!p0 $0x0  }
0xaa: {  	[sflag:s0] =	ssyncadd.s32 @!p0 s1  }
0xab: {  	[bflag:$0x3] =	sbarrier.arrive $0xFFFF  }
0xac: {  	_ =	shalt  }

</sc_bundles>
